<compile_context>
chip_gen: v7x
topology: tpu7x:2x2x1
jax: 0.10.2.dev20260603
libtpu: 0.0.44.dev20260713+nightly
codegen_flags: <defaults>
</compile_context>

<pallas_src>
import functools

import jax
import jax.numpy as jnp
from jax import lax
from jax.experimental import pallas as pl
from jax.experimental.pallas import tpu as pltpu
from jax.experimental.pallas import tpu_sc as plsc

_NC = 2
_NS = 16
_NW = _NC * _NS
_CH = 128


def _sc_mesh():
    return plsc.VectorSubcoreMesh(core_axis_name="c", subcore_axis_name="s")


def _sc_degree(dstp, n_chunks, NP):
    RPS = NP // _NS

    def body(dst_ref, out_ref, dst_v, ones_v, zero_v, tmp_v, acc, *_):
        c = lax.axis_index("c")
        s = lax.axis_index("s")
        wid = c * _NS + s
        pltpu.sync_copy(dst_ref.at[wid], dst_v)
        for g in range(_CH // 16):
            ones_v[pl.ds(g * 16, 16)] = jnp.ones((16,), jnp.float32)
            zero_v[pl.ds(g * 16, 16)] = jnp.zeros((16,), jnp.float32)
        row0 = s * RPS
        off = 0
        while off < RPS:
            k = min(_CH, RPS - off)
            pltpu.sync_copy(zero_v.at[pl.ds(0, k)], acc.at[pl.ds(row0 + off, k)])
            off += k
        plsc.subcore_barrier()

        @pl.loop(0, n_chunks)
        def _(j):
            pltpu.sync_copy(ones_v, acc.at[dst_v.at[j]], add=True)

        plsc.subcore_barrier()
        off = 0
        while off < RPS:
            k = min(_CH, RPS - off)
            pltpu.sync_copy(acc.at[pl.ds(row0 + off, k)], tmp_v.at[pl.ds(0, k)])
            pltpu.sync_copy(tmp_v.at[pl.ds(0, k)],
                            out_ref.at[c].at[pl.ds(row0 + off, k)])
            off += k

    return pl.kernel(
        body,
        out_type=jax.ShapeDtypeStruct((_NC, NP), jnp.float32),
        mesh=_sc_mesh(),
        scratch_types=[
            pltpu.VMEM((n_chunks, _CH), jnp.int32),
            pltpu.VMEM((_CH,), jnp.float32),
            pltpu.VMEM((_CH,), jnp.float32),
            pltpu.VMEM((_CH,), jnp.float32),
            pltpu.VMEM_SHARED((NP,), jnp.float32),
        ],
    )(dstp)


def _sc_scatter(table, srcp, dstp, n0, n1, NP, D):
    RPS = NP // _NS

    def body(tab_ref, src_ref, dst_ref, out_ref, src_v, dst_v, gbuf, acc,
             sem0, sem1):
        c = lax.axis_index("c")
        s = lax.axis_index("s")
        wid = c * _NS + s
        nc = n0 if n0 == n1 else jnp.where(c == 0, n0, n1)
        pltpu.sync_copy(src_ref.at[wid], src_v)
        pltpu.sync_copy(dst_ref.at[wid], dst_v)

        @pl.loop(0, _CH)
        def _(r):
            for g in range(D // 16):
                gbuf[0, r, pl.ds(g * 16, 16)] = jnp.zeros((16,), jnp.float32)

        row0 = s * RPS
        off = 0
        while off < RPS:
            k = min(_CH, RPS - off)
            pltpu.sync_copy(gbuf.at[0].at[pl.ds(0, k)],
                            acc.at[pl.ds(row0 + off, k)])
            off += k
        plsc.subcore_barrier()

        pltpu.async_copy(tab_ref.at[src_v.at[0]], gbuf.at[0], sem0)
        pltpu.async_copy(tab_ref.at[src_v.at[1]], gbuf.at[1], sem1)

        @pl.loop(0, nc, step=2)
        def _(j):
            pltpu.make_async_copy(tab_ref.at[src_v.at[j]], gbuf.at[0],
                                  sem0).wait()
            pltpu.sync_copy(gbuf.at[0], acc.at[dst_v.at[j]], add=True)

            @pl.when(j + 2 < nc)
            def _():
                pltpu.async_copy(tab_ref.at[src_v.at[j + 2]], gbuf.at[0], sem0)

            pltpu.make_async_copy(tab_ref.at[src_v.at[j + 1]], gbuf.at[1],
                                  sem1).wait()
            pltpu.sync_copy(gbuf.at[1], acc.at[dst_v.at[j + 1]], add=True)

            @pl.when(j + 3 < nc)
            def _():
                pltpu.async_copy(tab_ref.at[src_v.at[j + 3]], gbuf.at[1], sem1)

        plsc.subcore_barrier()
        off = 0
        while off < RPS:
            k = min(_CH, RPS - off)
            pltpu.sync_copy(acc.at[pl.ds(row0 + off, k)],
                            gbuf.at[0].at[pl.ds(0, k)])
            pltpu.sync_copy(gbuf.at[0].at[pl.ds(0, k)],
                            out_ref.at[c].at[pl.ds(row0 + off, k)])
            off += k

    return pl.kernel(
        body,
        out_type=jax.ShapeDtypeStruct((_NC, NP, D), jnp.float32),
        mesh=_sc_mesh(),
        scratch_types=[
            pltpu.VMEM((n0, _CH), jnp.int32),
            pltpu.VMEM((n0, _CH), jnp.int32),
            pltpu.VMEM((2, _CH, D), jnp.float32),
            pltpu.VMEM_SHARED((NP, D), jnp.float32),
            pltpu.SemaphoreType.DMA,
            pltpu.SemaphoreType.DMA,
        ],
    )(table, srcp, dstp)


def _tc_layer1(x, W1, degs, BR):
    N, DIN = x.shape
    H = W1.shape[1]
    NPdim = degs.shape[1]

    def body(x_ref, w_ref, deg_ref, x1p_ref, dinv_ref):
        deg = deg_ref[0] + deg_ref[1] + 1.0
        dinv = lax.rsqrt(jnp.maximum(deg, 1.0))
        h = jnp.dot(x_ref[...], w_ref[...], preferred_element_type=jnp.float32)
        x1p_ref[...] = h * dinv
        dinv_ref[...] = dinv

    return pl.pallas_call(
        body,
        grid=(N // BR,),
        in_specs=[
            pl.BlockSpec((BR, DIN), lambda i: (i, 0)),
            pl.BlockSpec((DIN, H), lambda i: (0, 0)),
            pl.BlockSpec((_NC, BR, 1), lambda i: (0, i, 0)),
        ],
        out_specs=[
            pl.BlockSpec((BR, H), lambda i: (i, 0)),
            pl.BlockSpec((BR, 1), lambda i: (i, 0)),
        ],
        out_shape=[
            jax.ShapeDtypeStruct((N, H), jnp.float32),
            jax.ShapeDtypeStruct((N, 1), jnp.float32),
        ],
    )(x, W1, degs)


def _tc_layer2(acc, x1p, dinv, b1, BR):
    N, H = x1p.shape

    def body(acc_ref, x1p_ref, dinv_ref, b1_ref, out_ref):
        p = (acc_ref[0] + acc_ref[1] + x1p_ref[...]) * dinv_ref[...]
        hrelu = jnp.maximum(p + b1_ref[...], 0.0)
        out_ref[...] = hrelu * dinv_ref[...]

    return pl.pallas_call(
        body,
        grid=(N // BR,),
        in_specs=[
            pl.BlockSpec((_NC, BR, H), lambda i: (0, i, 0)),
            pl.BlockSpec((BR, H), lambda i: (i, 0)),
            pl.BlockSpec((BR, 1), lambda i: (i, 0)),
            pl.BlockSpec((1, H), lambda i: (0, 0)),
        ],
        out_specs=pl.BlockSpec((BR, H), lambda i: (i, 0)),
        out_shape=jax.ShapeDtypeStruct((N, H), jnp.float32),
    )(acc, x1p, dinv, b1)


def _tc_layer3(acc, hp, dinv, W2, b2, BR):
    N, H = hp.shape
    C = W2.shape[1]

    def body(acc_ref, hp_ref, dinv_ref, w2_ref, b2_ref, out_ref):
        pre = (acc_ref[0] + acc_ref[1] + hp_ref[...]) * dinv_ref[...]
        logits = jnp.dot(pre, w2_ref[...], preferred_element_type=jnp.float32)
        logits = logits + b2_ref[...]
        m = jnp.max(logits, axis=1, keepdims=True)
        e = logits - m
        out_ref[...] = e - jnp.log(jnp.sum(jnp.exp(e), axis=1, keepdims=True))

    return pl.pallas_call(
        body,
        grid=(N // BR,),
        in_specs=[
            pl.BlockSpec((_NC, BR, H), lambda i: (0, i, 0)),
            pl.BlockSpec((BR, H), lambda i: (i, 0)),
            pl.BlockSpec((BR, 1), lambda i: (i, 0)),
            pl.BlockSpec((H, C), lambda i: (0, 0)),
            pl.BlockSpec((1, C), lambda i: (0, 0)),
        ],
        out_specs=pl.BlockSpec((BR, C), lambda i: (i, 0)),
        out_shape=jax.ShapeDtypeStruct((N, C), jnp.float32),
    )(acc, hp, dinv, W2, b2)


def kernel(x, edge_index, W1, b1, W2, b2):
    N, DIN = x.shape
    E = edge_index.shape[1]
    H = W1.shape[1]
    C = W2.shape[1]

    n0, n1 = 40, 40
    assert _NS * (n0 + n1) * _CH >= E
    RPS = -(-(N // _NS + 1) // _CH) * _CH
    NP = RPS * _NS

    def pad_vals(k, trash):
        if trash:
            return N + jnp.arange(k, dtype=jnp.int32) % (NP - N)
        return jnp.zeros((k,), jnp.int32)

    def slots(arr, trash):
        e0 = min(_NS * n0 * _CH, E)
        part0 = arr[:e0]
        if _NS * n0 * _CH - e0:
            part0 = jnp.concatenate(
                [part0, pad_vals(_NS * n0 * _CH - e0, trash)])
        part0 = part0.reshape(_NS, n0, _CH)
        rest = arr[e0:]
        p1 = _NS * n1 * _CH - (E - e0)
        if p1:
            rest = jnp.concatenate([rest, pad_vals(p1, trash)])
        part1 = rest.reshape(_NS, n1, _CH)
        if n0 > n1:
            pad_blk = pad_vals(_NS * (n0 - n1) * _CH, trash).reshape(
                _NS, n0 - n1, _CH)
            part1 = jnp.concatenate([part1, pad_blk], axis=1)
        return jnp.concatenate([part0, part1], axis=0)

    srcp = slots(edge_index[0], False)
    dstp = slots(edge_index[1], True)

    BR = 1000
    deg = _sc_degree(dstp, n0, NP)
    x1p, dinv = _tc_layer1(x, W1, deg.reshape(_NC, NP, 1), BR)
    acc1 = _sc_scatter(x1p, srcp, dstp, n0, n1, NP, H)
    hp = _tc_layer2(acc1, x1p, dinv, b1.reshape(1, H), BR)
    acc2 = _sc_scatter(hp, srcp, dstp, n0, n1, NP, H)
    return _tc_layer3(acc2, hp, dinv, W2, b2.reshape(1, C), BR)

# --- scband reference (transcript-rebuilt; emitter-appended) ---
"""Pipeline reference for scband-gcn-39848706573721 (READ-ONLY COPY).

The authoritative reference and input builder live on the scoring server;
editing this copy changes nothing except your own understanding.
"""

import jax, jax.numpy as jnp
import numpy as np

N = 10000
E = 160000
D_IN = 256
H = 128
C = 32


def setup_inputs(seed: int = 0) -> dict:
    key = jax.random.key(seed)
    k1, k2, k3, k4 = jax.random.split(key, 4)
    x = jax.random.normal(k1, (N, D_IN), dtype=jnp.float32)
    edge_index = jax.random.randint(k2, (2, E), 0, N, dtype=jnp.int32)
    W1 = jax.random.normal(k3, (D_IN, H), dtype=jnp.float32) * (1.0 / np.sqrt(D_IN))
    b1 = jnp.zeros((H,), dtype=jnp.float32)
    W2 = jax.random.normal(k4, (H, C), dtype=jnp.float32) * (1.0 / np.sqrt(H))
    b2 = jnp.zeros((C,), dtype=jnp.float32)
    return {"x": x, "edge_index": edge_index, "W1": W1, "b1": b1, "W2": W2, "b2": b2}


def _gcn_conv(x, edge_index, W, b):
    # GCNConv: add self-loops, symmetric normalization D^-1/2 A_hat D^-1/2, then X W + b
    self_idx = jnp.arange(N, dtype=edge_index.dtype)
    src = jnp.concatenate([edge_index[0], self_idx])
    dst = jnp.concatenate([edge_index[1], self_idx])
    deg = jax.ops.segment_sum(jnp.ones_like(dst, dtype=x.dtype), dst, num_segments=N)
    dinv = jax.lax.rsqrt(jnp.maximum(deg, 1.0))
    norm = dinv[src] * dinv[dst]
    h = x @ W
    msg = h[src] * norm[:, None]
    out = jax.ops.segment_sum(msg, dst, num_segments=N)
    return out + b


def reference(x, edge_index, W1, b1, W2, b2):
    h = _gcn_conv(x, edge_index, W1, b1)
    h = jax.nn.relu(h)
    # F.dropout(training=self.training): identity in eval mode
    out = _gcn_conv(h, edge_index, W2, b2)
    return jax.nn.log_softmax(out, axis=1)

if __name__ == "__main__":
    import jax
    _d = setup_inputs()
    print(jax.jit(kernel)(*tuple(_d.values())))

</pallas_src>

<mosaic_0001>
#map = affine_map<(d0, d1) -> (0, 0, 0)>
#map1 = affine_map<(d0, d1) -> (0, 0)>
module attributes {stable_mosaic.version = 14 : i64} {
  func.func @body(%arg0: i32, %arg1: i32, %arg2: memref<32x40x128xi32, #tpu.memory_space<hbm>>, %arg3: memref<2x10240xf32, #tpu.memory_space<hbm>>, %arg4: memref<40x128xi32, #tpu.memory_space<vmem>>, %arg5: memref<128xf32, #tpu.memory_space<vmem>>, %arg6: memref<128xf32, #tpu.memory_space<vmem>>, %arg7: memref<128xf32, #tpu.memory_space<vmem>>, %arg8: memref<10240xf32, #tpu.memory_space<vmem_shared>>) attributes {dimension_semantics = [#tpu.dimension_semantics<core_parallel>, #tpu.dimension_semantics<subcore_parallel>], iteration_bounds = array<i64: 2, 16>, scalar_prefetch = 0 : i64, scratch_operands = 5 : i64, tpu.core_type = #tpu.core_type<sc_vector_subcore>, window_params = [{transform_indices = #map}, {transform_indices = #map1}]} {
    %mul3A = arith.constant 16 : i32
    %mul3A_0 = arith.muli %arg0, %mul3A : i32
    %add3A = arith.addi %mul3A_0, %arg1 : i32
    "tpu.region"() ({
      %run_scoped3A = tpu.sem_alloc : memref<!tpu.dma_semaphore, #tpu.memory_space<semaphore_mem>>
      %dma_start3A = arith.constant 0 : i32
      %dma_start3A_132 = arith.constant 0 : i32
      %dma_start3A_133 = tpu.memref_slice %arg2[%add3A, %dma_start3A, %dma_start3A_132] : memref<32x40x128xi32, #tpu.memory_space<hbm>> -> memref<1x40x128xi32, #tpu.memory_space<hbm>>
      %dma_start3A_134 = tpu.memref_squeeze %dma_start3A_133 : memref<1x40x128xi32, #tpu.memory_space<hbm>> -> memref<40x128xi32, #tpu.memory_space<hbm>>
      %dma_start3A_135 = arith.constant 0 : i32
      %dma_start3A_136 = arith.constant 0 : i32
      %dma_start3A_137 = tpu.memref_slice %arg2[%add3A, %dma_start3A_135, %dma_start3A_136] : memref<32x40x128xi32, #tpu.memory_space<hbm>> -> memref<1x40x128xi32, #tpu.memory_space<hbm>>
      %dma_start3A_138 = tpu.memref_squeeze %dma_start3A_137 : memref<1x40x128xi32, #tpu.memory_space<hbm>> -> memref<40x128xi32, #tpu.memory_space<hbm>>
      tpu.enqueue_dma source(%dma_start3A_138 : memref<40x128xi32, #tpu.memory_space<hbm>>) target(%arg4 : memref<40x128xi32, #tpu.memory_space<vmem>>) target_semaphore(%run_scoped3A : memref<!tpu.dma_semaphore, #tpu.memory_space<semaphore_mem>>)
      %dma_wait3A = arith.constant 0 : i32
      %dma_wait3A_139 = arith.constant 0 : i32
      %dma_wait3A_140 = tpu.memref_slice %arg2[%add3A, %dma_wait3A, %dma_wait3A_139] : memref<32x40x128xi32, #tpu.memory_space<hbm>> -> memref<1x40x128xi32, #tpu.memory_space<hbm>>
      %dma_wait3A_141 = tpu.memref_squeeze %dma_wait3A_140 : memref<1x40x128xi32, #tpu.memory_space<hbm>> -> memref<40x128xi32, #tpu.memory_space<hbm>>
      %dma_wait3A_142 = arith.constant 0 : i32
      %dma_wait3A_143 = arith.constant 0 : i32
      %dma_wait3A_144 = tpu.memref_slice %arg2[%add3A, %dma_wait3A_142, %dma_wait3A_143] : memref<32x40x128xi32, #tpu.memory_space<hbm>> -> memref<1x40x128xi32, #tpu.memory_space<hbm>>
      %dma_wait3A_145 = tpu.memref_squeeze %dma_wait3A_144 : memref<1x40x128xi32, #tpu.memory_space<hbm>> -> memref<40x128xi32, #tpu.memory_space<hbm>>
      tpu.wait_dma2 semaphore(%run_scoped3A : memref<!tpu.dma_semaphore, #tpu.memory_space<semaphore_mem>>) src(%dma_wait3A_145 : memref<40x128xi32, #tpu.memory_space<hbm>>) dst(%arg4 : memref<40x128xi32, #tpu.memory_space<vmem>>)
      tpu.yield
    }) : () -> ()
    %broadcast_in_dim3A = arith.constant 1.000000e+00 : f32
    %broadcast_in_dim3A_1 = vector.broadcast %broadcast_in_dim3A : f32 to vector<16xf32>
    %swap3A = arith.constant 0 : index
    %swap3A_2 = tpu.vector_load %arg5[%swap3A] {strides = array<i32>} : memref<128xf32, #tpu.memory_space<vmem>>, vector<16xf32>,
    %swap3A_3 = vector.shape_cast %swap3A_2 : vector<16xf32> to vector<16xf32>
    %swap3A_4 = vector.shape_cast %broadcast_in_dim3A_1 : vector<16xf32> to vector<16xf32>
    tpu.vector_store %arg5[%swap3A], %swap3A_4 {strides = array<i32>} : memref<128xf32, #tpu.memory_space<vmem>>, vector<16xf32>,
    %broadcast_in_dim3A_5 = arith.constant 0.000000e+00 : f32
    %broadcast_in_dim3A_6 = vector.broadcast %broadcast_in_dim3A_5 : f32 to vector<16xf32>
    %swap3A_7 = arith.constant 0 : index
    %swap3A_8 = tpu.vector_load %arg6[%swap3A_7] {strides = array<i32>} : memref<128xf32, #tpu.memory_space<vmem>>, vector<16xf32>,
    %swap3A_9 = vector.shape_cast %swap3A_8 : vector<16xf32> to vector<16xf32>
    %swap3A_10 = vector.shape_cast %broadcast_in_dim3A_6 : vector<16xf32> to vector<16xf32>
    tpu.vector_store %arg6[%swap3A_7], %swap3A_10 {strides = array<i32>} : memref<128xf32, #tpu.memory_space<vmem>>, vector<16xf32>,
    %broadcast_in_dim3A_11 = arith.constant 1.000000e+00 : f32
    %broadcast_in_dim3A_12 = vector.broadcast %broadcast_in_dim3A_11 : f32 to vector<16xf32>
    %swap3A_13 = arith.constant 16 : index
    %swap3A_14 = tpu.vector_load %arg5[%swap3A_13] {strides = array<i32>} : memref<128xf32, #tpu.memory_space<vmem>>, vector<16xf32>,
    %swap3A_15 = vector.shape_cast %swap3A_14 : vector<16xf32> to vector<16xf32>
    %swap3A_16 = vector.shape_cast %broadcast_in_dim3A_12 : vector<16xf32> to vector<16xf32>
    tpu.vector_store %arg5[%swap3A_13], %swap3A_16 {strides = array<i32>} : memref<128xf32, #tpu.memory_space<vmem>>, vector<16xf32>,
    %broadcast_in_dim3A_17 = arith.constant 0.000000e+00 : f32
    %broadcast_in_dim3A_18 = vector.broadcast %broadcast_in_dim3A_17 : f32 to vector<16xf32>
    %swap3A_19 = arith.constant 16 : index
    %swap3A_20 = tpu.vector_load %arg6[%swap3A_19] {strides = array<i32>} : memref<128xf32, #tpu.memory_space<vmem>>, vector<16xf32>,
    %swap3A_21 = vector.shape_cast %swap3A_20 : vector<16xf32> to vector<16xf32>
    %swap3A_22 = vector.shape_cast %broadcast_in_dim3A_18 : vector<16xf32> to vector<16xf32>
    tpu.vector_store %arg6[%swap3A_19], %swap3A_22 {strides = array<i32>} : memref<128xf32, #tpu.memory_space<vmem>>, vector<16xf32>,
    %broadcast_in_dim3A_23 = arith.constant 1.000000e+00 : f32
    %broadcast_in_dim3A_24 = vector.broadcast %broadcast_in_dim3A_23 : f32 to vector<16xf32>
    %swap3A_25 = arith.constant 32 : index
    %swap3A_26 = tpu.vector_load %arg5[%swap3A_25] {strides = array<i32>} : memref<128xf32, #tpu.memory_space<vmem>>, vector<16xf32>,
    %swap3A_27 = vector.shape_cast %swap3A_26 : vector<16xf32> to vector<16xf32>
    %swap3A_28 = vector.shape_cast %broadcast_in_dim3A_24 : vector<16xf32> to vector<16xf32>
    tpu.vector_store %arg5[%swap3A_25], %swap3A_28 {strides = array<i32>} : memref<128xf32, #tpu.memory_space<vmem>>, vector<16xf32>,
    %broadcast_in_dim3A_29 = arith.constant 0.000000e+00 : f32
    %broadcast_in_dim3A_30 = vector.broadcast %broadcast_in_dim3A_29 : f32 to vector<16xf32>
    %swap3A_31 = arith.constant 32 : index
    %swap3A_32 = tpu.vector_load %arg6[%swap3A_31] {strides = array<i32>} : memref<128xf32, #tpu.memory_space<vmem>>, vector<16xf32>,
    %swap3A_33 = vector.shape_cast %swap3A_32 : vector<16xf32> to vector<16xf32>
    %swap3A_34 = vector.shape_cast %broadcast_in_dim3A_30 : vector<16xf32> to vector<16xf32>
    tpu.vector_store %arg6[%swap3A_31], %swap3A_34 {strides = array<i32>} : memref<128xf32, #tpu.memory_space<vmem>>, vector<16xf32>,
    %broadcast_in_dim3A_35 = arith.constant 1.000000e+00 : f32
    %broadcast_in_dim3A_36 = vector.broadcast %broadcast_in_dim3A_35 : f32 to vector<16xf32>
    %swap3A_37 = arith.constant 48 : index
    %swap3A_38 = tpu.vector_load %arg5[%swap3A_37] {strides = array<i32>} : memref<128xf32, #tpu.memory_space<vmem>>, vector<16xf32>,
    %swap3A_39 = vector.shape_cast %swap3A_38 : vector<16xf32> to vector<16xf32>
    %swap3A_40 = vector.shape_cast %broadcast_in_dim3A_36 : vector<16xf32> to vector<16xf32>
    tpu.vector_store %arg5[%swap3A_37], %swap3A_40 {strides = array<i32>} : memref<128xf32, #tpu.memory_space<vmem>>, vector<16xf32>,
    %broadcast_in_dim3A_41 = arith.constant 0.000000e+00 : f32
    %broadcast_in_dim3A_42 = vector.broadcast %broadcast_in_dim3A_41 : f32 to vector<16xf32>
    %swap3A_43 = arith.constant 48 : index
    %swap3A_44 = tpu.vector_load %arg6[%swap3A_43] {strides = array<i32>} : memref<128xf32, #tpu.memory_space<vmem>>, vector<16xf32>,
    %swap3A_45 = vector.shape_cast %swap3A_44 : vector<16xf32> to vector<16xf32>
    %swap3A_46 = vector.shape_cast %broadcast_in_dim3A_42 : vector<16xf32> to vector<16xf32>
    tpu.vector_store %arg6[%swap3A_43], %swap3A_46 {strides = array<i32>} : memref<128xf32, #tpu.memory_space<vmem>>, vector<16xf32>,
    %broadcast_in_dim3A_47 = arith.constant 1.000000e+00 : f32
    %broadcast_in_dim3A_48 = vector.broadcast %broadcast_in_dim3A_47 : f32 to vector<16xf32>
    %swap3A_49 = arith.constant 64 : index
    %swap3A_50 = tpu.vector_load %arg5[%swap3A_49] {strides = array<i32>} : memref<128xf32, #tpu.memory_space<vmem>>, vector<16xf32>,
    %swap3A_51 = vector.shape_cast %swap3A_50 : vector<16xf32> to vector<16xf32>
    %swap3A_52 = vector.shape_cast %broadcast_in_dim3A_48 : vector<16xf32> to vector<16xf32>
    tpu.vector_store %arg5[%swap3A_49], %swap3A_52 {strides = array<i32>} : memref<128xf32, #tpu.memory_space<vmem>>, vector<16xf32>,
    %broadcast_in_dim3A_53 = arith.constant 0.000000e+00 : f32
    %broadcast_in_dim3A_54 = vector.broadcast %broadcast_in_dim3A_53 : f32 to vector<16xf32>
    %swap3A_55 = arith.constant 64 : index
    %swap3A_56 = tpu.vector_load %arg6[%swap3A_55] {strides = array<i32>} : memref<128xf32, #tpu.memory_space<vmem>>, vector<16xf32>,
    %swap3A_57 = vector.shape_cast %swap3A_56 : vector<16xf32> to vector<16xf32>
    %swap3A_58 = vector.shape_cast %broadcast_in_dim3A_54 : vector<16xf32> to vector<16xf32>
    tpu.vector_store %arg6[%swap3A_55], %swap3A_58 {strides = array<i32>} : memref<128xf32, #tpu.memory_space<vmem>>, vector<16xf32>,
    %broadcast_in_dim3A_59 = arith.constant 1.000000e+00 : f32
    %broadcast_in_dim3A_60 = vector.broadcast %broadcast_in_dim3A_59 : f32 to vector<16xf32>
    %swap3A_61 = arith.constant 80 : index
    %swap3A_62 = tpu.vector_load %arg5[%swap3A_61] {strides = array<i32>} : memref<128xf32, #tpu.memory_space<vmem>>, vector<16xf32>,
    %swap3A_63 = vector.shape_cast %swap3A_62 : vector<16xf32> to vector<16xf32>
    %swap3A_64 = vector.shape_cast %broadcast_in_dim3A_60 : vector<16xf32> to vector<16xf32>
    tpu.vector_store %arg5[%swap3A_61], %swap3A_64 {strides = array<i32>} : memref<128xf32, #tpu.memory_space<vmem>>, vector<16xf32>,
    %broadcast_in_dim3A_65 = arith.constant 0.000000e+00 : f32
    %broadcast_in_dim3A_66 = vector.broadcast %broadcast_in_dim3A_65 : f32 to vector<16xf32>
    %swap3A_67 = arith.constant 80 : index
    %swap3A_68 = tpu.vector_load %arg6[%swap3A_67] {strides = array<i32>} : memref<128xf32, #tpu.memory_space<vmem>>, vector<16xf32>,
    %swap3A_69 = vector.shape_cast %swap3A_68 : vector<16xf32> to vector<16xf32>
    %swap3A_70 = vector.shape_cast %broadcast_in_dim3A_66 : vector<16xf32> to vector<16xf32>
    tpu.vector_store %arg6[%swap3A_67], %swap3A_70 {strides = array<i32>} : memref<128xf32, #tpu.memory_space<vmem>>, vector<16xf32>,
    %broadcast_in_dim3A_71 = arith.constant 1.000000e+00 : f32
    %broadcast_in_dim3A_72 = vector.broadcast %broadcast_in_dim3A_71 : f32 to vector<16xf32>
    %swap3A_73 = arith.constant 96 : index
    %swap3A_74 = tpu.vector_load %arg5[%swap3A_73] {strides = array<i32>} : memref<128xf32, #tpu.memory_space<vmem>>, vector<16xf32>,
    %swap3A_75 = vector.shape_cast %swap3A_74 : vector<16xf32> to vector<16xf32>
    %swap3A_76 = vector.shape_cast %broadcast_in_dim3A_72 : vector<16xf32> to vector<16xf32>
    tpu.vector_store %arg5[%swap3A_73], %swap3A_76 {strides = array<i32>} : memref<128xf32, #tpu.memory_space<vmem>>, vector<16xf32>,
    %broadcast_in_dim3A_77 = arith.constant 0.000000e+00 : f32
    %broadcast_in_dim3A_78 = vector.broadcast %broadcast_in_dim3A_77 : f32 to vector<16xf32>
    %swap3A_79 = arith.constant 96 : index
    %swap3A_80 = tpu.vector_load %arg6[%swap3A_79] {strides = array<i32>} : memref<128xf32, #tpu.memory_space<vmem>>, vector<16xf32>,
    %swap3A_81 = vector.shape_cast %swap3A_80 : vector<16xf32> to vector<16xf32>
    %swap3A_82 = vector.shape_cast %broadcast_in_dim3A_78 : vector<16xf32> to vector<16xf32>
    tpu.vector_store %arg6[%swap3A_79], %swap3A_82 {strides = array<i32>} : memref<128xf32, #tpu.memory_space<vmem>>, vector<16xf32>,
    %broadcast_in_dim3A_83 = arith.constant 1.000000e+00 : f32
    %broadcast_in_dim3A_84 = vector.broadcast %broadcast_in_dim3A_83 : f32 to vector<16xf32>
    %swap3A_85 = arith.constant 112 : index
    %swap3A_86 = tpu.vector_load %arg5[%swap3A_85] {strides = array<i32>} : memref<128xf32, #tpu.memory_space<vmem>>, vector<16xf32>,
    %swap3A_87 = vector.shape_cast %swap3A_86 : vector<16xf32> to vector<16xf32>
    %swap3A_88 = vector.shape_cast %broadcast_in_dim3A_84 : vector<16xf32> to vector<16xf32>
    tpu.vector_store %arg5[%swap3A_85], %swap3A_88 {strides = array<i32>} : memref<128xf32, #tpu.memory_space<vmem>>, vector<16xf32>,
    %broadcast_in_dim3A_89 = arith.constant 0.000000e+00 : f32
    %broadcast_in_dim3A_90 = vector.broadcast %broadcast_in_dim3A_89 : f32 to vector<16xf32>
    %swap3A_91 = arith.constant 112 : index
    %swap3A_92 = tpu.vector_load %arg6[%swap3A_91] {strides = array<i32>} : memref<128xf32, #tpu.memory_space<vmem>>, vector<16xf32>,
    %swap3A_93 = vector.shape_cast %swap3A_92 : vector<16xf32> to vector<16xf32>
    %swap3A_94 = vector.shape_cast %broadcast_in_dim3A_90 : vector<16xf32> to vector<16xf32>
    tpu.vector_store %arg6[%swap3A_91], %swap3A_94 {strides = array<i32>} : memref<128xf32, #tpu.memory_space<vmem>>, vector<16xf32>,
    %mul3A_95 = arith.constant 640 : i32
    %mul3A_96 = arith.muli %arg1, %mul3A_95 : i32
    %add3A_97 = arith.constant 0 : i32
    %add3A_98 = arith.addi %mul3A_96, %add3A_97 : i32
    "tpu.region"() ({
      %run_scoped3A = tpu.sem_alloc : memref<!tpu.dma_semaphore, #tpu.memory_space<semaphore_mem>>
      %dma_start3A = arith.constant 0 : i32
      %dma_start3A_132 = tpu.memref_slice %arg6[%dma_start3A] : memref<128xf32, #tpu.memory_space<vmem>> -> memref<128xf32, #tpu.memory_space<vmem>>
      %dma_start3A_133 = tpu.memref_slice %arg8[%add3A_98] : memref<10240xf32, #tpu.memory_space<vmem_shared>> -> memref<128xf32, #tpu.memory_space<vmem_shared>>
      %dma_start3A_134 = tpu.memref_slice %arg8[%add3A_98] : memref<10240xf32, #tpu.memory_space<vmem_shared>> -> memref<128xf32, #tpu.memory_space<vmem_shared>>
      %dma_start3A_135 = arith.constant 0 : i32
      %dma_start3A_136 = tpu.memref_slice %arg6[%dma_start3A_135] : memref<128xf32, #tpu.memory_space<vmem>> -> memref<128xf32, #tpu.memory_space<vmem>>
      tpu.enqueue_dma source(%dma_start3A_136 : memref<128xf32, #tpu.memory_space<vmem>>) target(%dma_start3A_134 : memref<128xf32, #tpu.memory_space<vmem_shared>>) target_semaphore(%run_scoped3A : memref<!tpu.dma_semaphore, #tpu.memory_space<semaphore_mem>>)
      %dma_wait3A = arith.constant 0 : i32
      %dma_wait3A_137 = tpu.memref_slice %arg6[%dma_wait3A] : memref<128xf32, #tpu.memory_space<vmem>> -> memref<128xf32, #tpu.memory_space<vmem>>
      %dma_wait3A_138 = tpu.memref_slice %arg8[%add3A_98] : memref<10240xf32, #tpu.memory_space<vmem_shared>> -> memref<128xf32, #tpu.memory_space<vmem_shared>>
      %dma_wait3A_139 = tpu.memref_slice %arg8[%add3A_98] : memref<10240xf32, #tpu.memory_space<vmem_shared>> -> memref<128xf32, #tpu.memory_space<vmem_shared>>
      %dma_wait3A_140 = arith.constant 0 : i32
      %dma_wait3A_141 = tpu.memref_slice %arg6[%dma_wait3A_140] : memref<128xf32, #tpu.memory_space<vmem>> -> memref<128xf32, #tpu.memory_space<vmem>>
      tpu.wait_dma2 semaphore(%run_scoped3A : memref<!tpu.dma_semaphore, #tpu.memory_space<semaphore_mem>>) src(%dma_wait3A_141 : memref<128xf32, #tpu.memory_space<vmem>>) dst(%dma_wait3A_139 : memref<128xf32, #tpu.memory_space<vmem_shared>>)
      tpu.yield
    }) : () -> ()
    %add3A_99 = arith.constant 128 : i32
    %add3A_100 = arith.addi %mul3A_96, %add3A_99 : i32
    "tpu.region"() ({
      %run_scoped3A = tpu.sem_alloc : memref<!tpu.dma_semaphore, #tpu.memory_space<semaphore_mem>>
      %dma_start3A = arith.constant 0 : i32
      %dma_start3A_132 = tpu.memref_slice %arg6[%dma_start3A] : memref<128xf32, #tpu.memory_space<vmem>> -> memref<128xf32, #tpu.memory_space<vmem>>
      %dma_start3A_133 = tpu.memref_slice %arg8[%add3A_100] : memref<10240xf32, #tpu.memory_space<vmem_shared>> -> memref<128xf32, #tpu.memory_space<vmem_shared>>
      %dma_start3A_134 = tpu.memref_slice %arg8[%add3A_100] : memref<10240xf32, #tpu.memory_space<vmem_shared>> -> memref<128xf32, #tpu.memory_space<vmem_shared>>
      %dma_start3A_135 = arith.constant 0 : i32
      %dma_start3A_136 = tpu.memref_slice %arg6[%dma_start3A_135] : memref<128xf32, #tpu.memory_space<vmem>> -> memref<128xf32, #tpu.memory_space<vmem>>
      tpu.enqueue_dma source(%dma_start3A_136 : memref<128xf32, #tpu.memory_space<vmem>>) target(%dma_start3A_134 : memref<128xf32, #tpu.memory_space<vmem_shared>>) target_semaphore(%run_scoped3A : memref<!tpu.dma_semaphore, #tpu.memory_space<semaphore_mem>>)
      %dma_wait3A = arith.constant 0 : i32
      %dma_wait3A_137 = tpu.memref_slice %arg6[%dma_wait3A] : memref<128xf32, #tpu.memory_space<vmem>> -> memref<128xf32, #tpu.memory_space<vmem>>
      %dma_wait3A_138 = tpu.memref_slice %arg8[%add3A_100] : memref<10240xf32, #tpu.memory_space<vmem_shared>> -> memref<128xf32, #tpu.memory_space<vmem_shared>>
      %dma_wait3A_139 = tpu.memref_slice %arg8[%add3A_100] : memref<10240xf32, #tpu.memory_space<vmem_shared>> -> memref<128xf32, #tpu.memory_space<vmem_shared>>
      %dma_wait3A_140 = arith.constant 0 : i32
      %dma_wait3A_141 = tpu.memref_slice %arg6[%dma_wait3A_140] : memref<128xf32, #tpu.memory_space<vmem>> -> memref<128xf32, #tpu.memory_space<vmem>>
      tpu.wait_dma2 semaphore(%run_scoped3A : memref<!tpu.dma_semaphore, #tpu.memory_space<semaphore_mem>>) src(%dma_wait3A_141 : memref<128xf32, #tpu.memory_space<vmem>>) dst(%dma_wait3A_139 : memref<128xf32, #tpu.memory_space<vmem_shared>>)
      tpu.yield
    }) : () -> ()
    %add3A_101 = arith.constant 256 : i32
    %add3A_102 = arith.addi %mul3A_96, %add3A_101 : i32
    "tpu.region"() ({
      %run_scoped3A = tpu.sem_alloc : memref<!tpu.dma_semaphore, #tpu.memory_space<semaphore_mem>>
      %dma_start3A = arith.constant 0 : i32
      %dma_start3A_132 = tpu.memref_slice %arg6[%dma_start3A] : memref<128xf32, #tpu.memory_space<vmem>> -> memref<128xf32, #tpu.memory_space<vmem>>
      %dma_start3A_133 = tpu.memref_slice %arg8[%add3A_102] : memref<10240xf32, #tpu.memory_space<vmem_shared>> -> memref<128xf32, #tpu.memory_space<vmem_shared>>
      %dma_start3A_134 = tpu.memref_slice %arg8[%add3A_102] : memref<10240xf32, #tpu.memory_space<vmem_shared>> -> memref<128xf32, #tpu.memory_space<vmem_shared>>
      %dma_start3A_135 = arith.constant 0 : i32
      %dma_start3A_136 = tpu.memref_slice %arg6[%dma_start3A_135] : memref<128xf32, #tpu.memory_space<vmem>> -> memref<128xf32, #tpu.memory_space<vmem>>
      tpu.enqueue_dma source(%dma_start3A_136 : memref<128xf32, #tpu.memory_space<vmem>>) target(%dma_start3A_134 : memref<128xf32, #tpu.memory_space<vmem_shared>>) target_semaphore(%run_scoped3A : memref<!tpu.dma_semaphore, #tpu.memory_space<semaphore_mem>>)
      %dma_wait3A = arith.constant 0 : i32
      %dma_wait3A_137 = tpu.memref_slice %arg6[%dma_wait3A] : memref<128xf32, #tpu.memory_space<vmem>> -> memref<128xf32, #tpu.memory_space<vmem>>
      %dma_wait3A_138 = tpu.memref_slice %arg8[%add3A_102] : memref<10240xf32, #tpu.memory_space<vmem_shared>> -> memref<128xf32, #tpu.memory_space<vmem_shared>>
      %dma_wait3A_139 = tpu.memref_slice %arg8[%add3A_102] : memref<10240xf32, #tpu.memory_space<vmem_shared>> -> memref<128xf32, #tpu.memory_space<vmem_shared>>
      %dma_wait3A_140 = arith.constant 0 : i32
      %dma_wait3A_141 = tpu.memref_slice %arg6[%dma_wait3A_140] : memref<128xf32, #tpu.memory_space<vmem>> -> memref<128xf32, #tpu.memory_space<vmem>>
      tpu.wait_dma2 semaphore(%run_scoped3A : memref<!tpu.dma_semaphore, #tpu.memory_space<semaphore_mem>>) src(%dma_wait3A_141 : memref<128xf32, #tpu.memory_space<vmem>>) dst(%dma_wait3A_139 : memref<128xf32, #tpu.memory_space<vmem_shared>>)
      tpu.yield
    }) : () -> ()
    %add3A_103 = arith.constant 384 : i32
    %add3A_104 = arith.addi %mul3A_96, %add3A_103 : i32
    "tpu.region"() ({
      %run_scoped3A = tpu.sem_alloc : memref<!tpu.dma_semaphore, #tpu.memory_space<semaphore_mem>>
      %dma_start3A = arith.constant 0 : i32
      %dma_start3A_132 = tpu.memref_slice %arg6[%dma_start3A] : memref<128xf32, #tpu.memory_space<vmem>> -> memref<128xf32, #tpu.memory_space<vmem>>
      %dma_start3A_133 = tpu.memref_slice %arg8[%add3A_104] : memref<10240xf32, #tpu.memory_space<vmem_shared>> -> memref<128xf32, #tpu.memory_space<vmem_shared>>
      %dma_start3A_134 = tpu.memref_slice %arg8[%add3A_104] : memref<10240xf32, #tpu.memory_space<vmem_shared>> -> memref<128xf32, #tpu.memory_space<vmem_shared>>
      %dma_start3A_135 = arith.constant 0 : i32
      %dma_start3A_136 = tpu.memref_slice %arg6[%dma_start3A_135] : memref<128xf32, #tpu.memory_space<vmem>> -> memref<128xf32, #tpu.memory_space<vmem>>
      tpu.enqueue_dma source(%dma_start3A_136 : memref<128xf32, #tpu.memory_space<vmem>>) target(%dma_start3A_134 : memref<128xf32, #tpu.memory_space<vmem_shared>>) target_semaphore(%run_scoped3A : memref<!tpu.dma_semaphore, #tpu.memory_space<semaphore_mem>>)
      %dma_wait3A = arith.constant 0 : i32
      %dma_wait3A_137 = tpu.memref_slice %arg6[%dma_wait3A] : memref<128xf32, #tpu.memory_space<vmem>> -> memref<128xf32, #tpu.memory_space<vmem>>
      %dma_wait3A_138 = tpu.memref_slice %arg8[%add3A_104] : memref<10240xf32, #tpu.memory_space<vmem_shared>> -> memref<128xf32, #tpu.memory_space<vmem_shared>>
      %dma_wait3A_139 = tpu.memref_slice %arg8[%add3A_104] : memref<10240xf32, #tpu.memory_space<vmem_shared>> -> memref<128xf32, #tpu.memory_space<vmem_shared>>
      %dma_wait3A_140 = arith.constant 0 : i32
      %dma_wait3A_141 = tpu.memref_slice %arg6[%dma_wait3A_140] : memref<128xf32, #tpu.memory_space<vmem>> -> memref<128xf32, #tpu.memory_space<vmem>>
      tpu.wait_dma2 semaphore(%run_scoped3A : memref<!tpu.dma_semaphore, #tpu.memory_space<semaphore_mem>>) src(%dma_wait3A_141 : memref<128xf32, #tpu.memory_space<vmem>>) dst(%dma_wait3A_139 : memref<128xf32, #tpu.memory_space<vmem_shared>>)
      tpu.yield
    }) : () -> ()
    %add3A_105 = arith.constant 512 : i32
    %add3A_106 = arith.addi %mul3A_96, %add3A_105 : i32
    "tpu.region"() ({
      %run_scoped3A = tpu.sem_alloc : memref<!tpu.dma_semaphore, #tpu.memory_space<semaphore_mem>>
      %dma_start3A = arith.constant 0 : i32
      %dma_start3A_132 = tpu.memref_slice %arg6[%dma_start3A] : memref<128xf32, #tpu.memory_space<vmem>> -> memref<128xf32, #tpu.memory_space<vmem>>
      %dma_start3A_133 = tpu.memref_slice %arg8[%add3A_106] : memref<10240xf32, #tpu.memory_space<vmem_shared>> -> memref<128xf32, #tpu.memory_space<vmem_shared>>
      %dma_start3A_134 = tpu.memref_slice %arg8[%add3A_106] : memref<10240xf32, #tpu.memory_space<vmem_shared>> -> memref<128xf32, #tpu.memory_space<vmem_shared>>
      %dma_start3A_135 = arith.constant 0 : i32
      %dma_start3A_136 = tpu.memref_slice %arg6[%dma_start3A_135] : memref<128xf32, #tpu.memory_space<vmem>> -> memref<128xf32, #tpu.memory_space<vmem>>
      tpu.enqueue_dma source(%dma_start3A_136 : memref<128xf32, #tpu.memory_space<vmem>>) target(%dma_start3A_134 : memref<128xf32, #tpu.memory_space<vmem_shared>>) target_semaphore(%run_scoped3A : memref<!tpu.dma_semaphore, #tpu.memory_space<semaphore_mem>>)
      %dma_wait3A = arith.constant 0 : i32
      %dma_wait3A_137 = tpu.memref_slice %arg6[%dma_wait3A] : memref<128xf32, #tpu.memory_space<vmem>> -> memref<128xf32, #tpu.memory_space<vmem>>
      %dma_wait3A_138 = tpu.memref_slice %arg8[%add3A_106] : memref<10240xf32, #tpu.memory_space<vmem_shared>> -> memref<128xf32, #tpu.memory_space<vmem_shared>>
      %dma_wait3A_139 = tpu.memref_slice %arg8[%add3A_106] : memref<10240xf32, #tpu.memory_space<vmem_shared>> -> memref<128xf32, #tpu.memory_space<vmem_shared>>
      %dma_wait3A_140 = arith.constant 0 : i32
      %dma_wait3A_141 = tpu.memref_slice %arg6[%dma_wait3A_140] : memref<128xf32, #tpu.memory_space<vmem>> -> memref<128xf32, #tpu.memory_space<vmem>>
      tpu.wait_dma2 semaphore(%run_scoped3A : memref<!tpu.dma_semaphore, #tpu.memory_space<semaphore_mem>>) src(%dma_wait3A_141 : memref<128xf32, #tpu.memory_space<vmem>>) dst(%dma_wait3A_139 : memref<128xf32, #tpu.memory_space<vmem_shared>>)
      tpu.yield
    }) : () -> ()
    %barrier3A = arith.constant 0 : index
    tpu.barrier barrier_id(%barrier3A)
    %scan3A = arith.constant 0 : i32
    %scan3A_107 = arith.constant 40 : i32
    %scan3A_108 = arith.addi %scan3A, %scan3A_107 : i32
    %scan3A_109 = arith.constant 1 : i32
    scf.for %scan3A_132 = %scan3A to %scan3A_108 step %scan3A_109  : i32 {
      %mul3A_133 = arith.constant 1 : i32
      %mul3A_134 = arith.muli %scan3A_132, %mul3A_133 : i32
      %add3A_135 = arith.constant 0 : i32
      %add3A_136 = arith.addi %add3A_135, %mul3A_134 : i32
      "tpu.region"() ({
        %run_scoped3A = tpu.sem_alloc : memref<!tpu.dma_semaphore, #tpu.memory_space<semaphore_mem>>
        %dma_start3A = arith.constant 0 : i32
        %dma_start3A_137 = tpu.memref_slice %arg4[%add3A_136, %dma_start3A] : memref<40x128xi32, #tpu.memory_space<vmem>> -> memref<1x128xi32, #tpu.memory_space<vmem>>
        %dma_start3A_138 = tpu.memref_squeeze %dma_start3A_137 : memref<1x128xi32, #tpu.memory_space<vmem>> -> memref<128xi32, #tpu.memory_space<vmem>>
        %dma_start3A_139 = arith.constant 0 : i32
        %dma_start3A_140 = tpu.memref_slice %arg8[%dma_start3A_139] : memref<10240xf32, #tpu.memory_space<vmem_shared>> -> memref<10240xf32, #tpu.memory_space<vmem_shared>>
        tpu.enqueue_indirect_dma source(%arg5 : memref<128xf32, #tpu.memory_space<vmem>>) target(%dma_start3A_140 : memref<10240xf32, #tpu.memory_space<vmem_shared>>) offsets(%dma_start3A_138 : memref<128xi32, #tpu.memory_space<vmem>>) semaphore(%run_scoped3A : memref<!tpu.dma_semaphore, #tpu.memory_space<semaphore_mem>>) {add = true}
        %dma_wait3A = arith.constant 0 : i32
        %dma_wait3A_141 = tpu.memref_slice %arg4[%add3A_136, %dma_wait3A] : memref<40x128xi32, #tpu.memory_space<vmem>> -> memref<1x128xi32, #tpu.memory_space<vmem>>
        %dma_wait3A_142 = tpu.memref_squeeze %dma_wait3A_141 : memref<1x128xi32, #tpu.memory_space<vmem>> -> memref<128xi32, #tpu.memory_space<vmem>>
        %dma_wait3A_143 = arith.constant 0 : i32
        %dma_wait3A_144 = tpu.memref_slice %arg8[%dma_wait3A_143] : memref<10240xf32, #tpu.memory_space<vmem_shared>> -> memref<10240xf32, #tpu.memory_space<vmem_shared>>
        tpu.wait_indirect_dma semaphore(%run_scoped3A : memref<!tpu.dma_semaphore, #tpu.memory_space<semaphore_mem>>) src(%arg5 : memref<128xf32, #tpu.memory_space<vmem>>) dst(%dma_wait3A_144 : memref<10240xf32, #tpu.memory_space<vmem_shared>>)
        tpu.yield
      }) : () -> ()
    }
    %scan3A_110 = arith.constant 40 : i32
    %barrier3A_111 = arith.constant 0 : index
    tpu.barrier barrier_id(%barrier3A_111)
    %add3A_112 = arith.constant 0 : i32
    %add3A_113 = arith.addi %mul3A_96, %add3A_112 : i32
    "tpu.region"() ({
      %run_scoped3A = tpu.sem_alloc : memref<!tpu.dma_semaphore, #tpu.memory_space<semaphore_mem>>
      %dma_start3A = arith.constant 0 : i32
      %dma_start3A_132 = tpu.memref_slice %arg7[%dma_start3A] : memref<128xf32, #tpu.memory_space<vmem>> -> memref<128xf32, #tpu.memory_space<vmem>>
      %dma_start3A_133 = tpu.memref_slice %arg8[%add3A_113] : memref<10240xf32, #tpu.memory_space<vmem_shared>> -> memref<128xf32, #tpu.memory_space<vmem_shared>>
      %dma_start3A_134 = arith.constant 0 : i32
      %dma_start3A_135 = tpu.memref_slice %arg7[%dma_start3A_134] : memref<128xf32, #tpu.memory_space<vmem>> -> memref<128xf32, #tpu.memory_space<vmem>>
      %dma_start3A_136 = tpu.memref_slice %arg8[%add3A_113] : memref<10240xf32, #tpu.memory_space<vmem_shared>> -> memref<128xf32, #tpu.memory_space<vmem_shared>>
      tpu.enqueue_dma source(%dma_start3A_136 : memref<128xf32, #tpu.memory_space<vmem_shared>>) target(%dma_start3A_135 : memref<128xf32, #tpu.memory_space<vmem>>) target_semaphore(%run_scoped3A : memref<!tpu.dma_semaphore, #tpu.memory_space<semaphore_mem>>)
      %dma_wait3A = arith.constant 0 : i32
      %dma_wait3A_137 = tpu.memref_slice %arg7[%dma_wait3A] : memref<128xf32, #tpu.memory_space<vmem>> -> memref<128xf32, #tpu.memory_space<vmem>>
      %dma_wait3A_138 = tpu.memref_slice %arg8[%add3A_113] : memref<10240xf32, #tpu.memory_space<vmem_shared>> -> memref<128xf32, #tpu.memory_space<vmem_shared>>
      %dma_wait3A_139 = arith.constant 0 : i32
      %dma_wait3A_140 = tpu.memref_slice %arg7[%dma_wait3A_139] : memref<128xf32, #tpu.memory_space<vmem>> -> memref<128xf32, #tpu.memory_space<vmem>>
      %dma_wait3A_141 = tpu.memref_slice %arg8[%add3A_113] : memref<10240xf32, #tpu.memory_space<vmem_shared>> -> memref<128xf32, #tpu.memory_space<vmem_shared>>
      tpu.wait_dma2 semaphore(%run_scoped3A : memref<!tpu.dma_semaphore, #tpu.memory_space<semaphore_mem>>) src(%dma_wait3A_141 : memref<128xf32, #tpu.memory_space<vmem_shared>>) dst(%dma_wait3A_140 : memref<128xf32, #tpu.memory_space<vmem>>)
      tpu.yield
    }) : () -> ()
    %add3A_114 = arith.constant 0 : i32
    %add3A_115 = arith.addi %mul3A_96, %add3A_114 : i32
    "tpu.region"() ({
      %run_scoped3A = tpu.sem_alloc : memref<!tpu.dma_semaphore, #tpu.memory_space<semaphore_mem>>
      %dma_start3A = arith.constant 0 : i32
      %dma_start3A_132 = tpu.memref_slice %arg7[%dma_start3A] : memref<128xf32, #tpu.memory_space<vmem>> -> memref<128xf32, #tpu.memory_space<vmem>>
      %dma_start3A_133 = arith.constant 0 : i32
      %dma_start3A_134 = tpu.memref_slice %arg3[%arg0, %dma_start3A_133] : memref<2x10240xf32, #tpu.memory_space<hbm>> -> memref<1x10240xf32, #tpu.memory_space<hbm>>
      %dma_start3A_135 = tpu.memref_squeeze %dma_start3A_134 : memref<1x10240xf32, #tpu.memory_space<hbm>> -> memref<10240xf32, #tpu.memory_space<hbm>>
      %dma_start3A_136 = tpu.memref_slice %dma_start3A_135[%add3A_115] : memref<10240xf32, #tpu.memory_space<hbm>> -> memref<128xf32, #tpu.memory_space<hbm>>
      %dma_start3A_137 = arith.constant 0 : i32
      %dma_start3A_138 = tpu.memref_slice %arg3[%arg0, %dma_start3A_137] : memref<2x10240xf32, #tpu.memory_space<hbm>> -> memref<1x10240xf32, #tpu.memory_space<hbm>>
      %dma_start3A_139 = tpu.memref_squeeze %dma_start3A_138 : memref<1x10240xf32, #tpu.memory_space<hbm>> -> memref<10240xf32, #tpu.memory_space<hbm>>
      %dma_start3A_140 = tpu.memref_slice %dma_start3A_139[%add3A_115] : memref<10240xf32, #tpu.memory_space<hbm>> -> memref<128xf32, #tpu.memory_space<hbm>>
      %dma_start3A_141 = arith.constant 0 : i32
      %dma_start3A_142 = tpu.memref_slice %arg7[%dma_start3A_141] : memref<128xf32, #tpu.memory_space<vmem>> -> memref<128xf32, #tpu.memory_space<vmem>>
      tpu.enqueue_dma source(%dma_start3A_142 : memref<128xf32, #tpu.memory_space<vmem>>) target(%dma_start3A_140 : memref<128xf32, #tpu.memory_space<hbm>>) target_semaphore(%run_scoped3A : memref<!tpu.dma_semaphore, #tpu.memory_space<semaphore_mem>>)
      %dma_wait3A = arith.constant 0 : i32
      %dma_wait3A_143 = tpu.memref_slice %arg7[%dma_wait3A] : memref<128xf32, #tpu.memory_space<vmem>> -> memref<128xf32, #tpu.memory_space<vmem>>
      %dma_wait3A_144 = arith.constant 0 : i32
      %dma_wait3A_145 = tpu.memref_slice %arg3[%arg0, %dma_wait3A_144] : memref<2x10240xf32, #tpu.memory_space<hbm>> -> memref<1x10240xf32, #tpu.memory_space<hbm>>
      %dma_wait3A_146 = tpu.memref_squeeze %dma_wait3A_145 : memref<1x10240xf32, #tpu.memory_space<hbm>> -> memref<10240xf32, #tpu.memory_space<hbm>>
      %dma_wait3A_147 = tpu.memref_slice %dma_wait3A_146[%add3A_115] : memref<10240xf32, #tpu.memory_space<hbm>> -> memref<128xf32, #tpu.memory_space<hbm>>
      %dma_wait3A_148 = arith.constant 0 : i32
      %dma_wait3A_149 = tpu.memref_slice %arg3[%arg0, %dma_wait3A_148] : memref<2x10240xf32, #tpu.memory_space<hbm>> -> memref<1x10240xf32, #tpu.memory_space<hbm>>
      %dma_wait3A_150 = tpu.memref_squeeze %dma_wait3A_149 : memref<1x10240xf32, #tpu.memory_space<hbm>> -> memref<10240xf32, #tpu.memory_space<hbm>>
      %dma_wait3A_151 = tpu.memref_slice %dma_wait3A_150[%add3A_115] : memref<10240xf32, #tpu.memory_space<hbm>> -> memref<128xf32, #tpu.memory_space<hbm>>
      %dma_wait3A_152 = arith.constant 0 : i32
      %dma_wait3A_153 = tpu.memref_slice %arg7[%dma_wait3A_152] : memref<128xf32, #tpu.memory_space<vmem>> -> memref<128xf32, #tpu.memory_space<vmem>>
      tpu.wait_dma2 semaphore(%run_scoped3A : memref<!tpu.dma_semaphore, #tpu.memory_space<semaphore_mem>>) src(%dma_wait3A_153 : memref<128xf32, #tpu.memory_space<vmem>>) dst(%dma_wait3A_151 : memref<128xf32, #tpu.memory_space<hbm>>)
      tpu.yield
    }) : () -> ()
    %add3A_116 = arith.constant 128 : i32
    %add3A_117 = arith.addi %mul3A_96, %add3A_116 : i32
    "tpu.region"() ({
      %run_scoped3A = tpu.sem_alloc : memref<!tpu.dma_semaphore, #tpu.memory_space<semaphore_mem>>
      %dma_start3A = arith.constant 0 : i32
      %dma_start3A_132 = tpu.memref_slice %arg7[%dma_start3A] : memref<128xf32, #tpu.memory_space<vmem>> -> memref<128xf32, #tpu.memory_space<vmem>>
      %dma_start3A_133 = tpu.memref_slice %arg8[%add3A_117] : memref<10240xf32, #tpu.memory_space<vmem_shared>> -> memref<128xf32, #tpu.memory_space<vmem_shared>>
      %dma_start3A_134 = arith.constant 0 : i32
      %dma_start3A_135 = tpu.memref_slice %arg7[%dma_start3A_134] : memref<128xf32, #tpu.memory_space<vmem>> -> memref<128xf32, #tpu.memory_space<vmem>>
      %dma_start3A_136 = tpu.memref_slice %arg8[%add3A_117] : memref<10240xf32, #tpu.memory_space<vmem_shared>> -> memref<128xf32, #tpu.memory_space<vmem_shared>>
      tpu.enqueue_dma source(%dma_start3A_136 : memref<128xf32, #tpu.memory_space<vmem_shared>>) target(%dma_start3A_135 : memref<128xf32, #tpu.memory_space<vmem>>) target_semaphore(%run_scoped3A : memref<!tpu.dma_semaphore, #tpu.memory_space<semaphore_mem>>)
      %dma_wait3A = arith.constant 0 : i32
      %dma_wait3A_137 = tpu.memref_slice %arg7[%dma_wait3A] : memref<128xf32, #tpu.memory_space<vmem>> -> memref<128xf32, #tpu.memory_space<vmem>>
      %dma_wait3A_138 = tpu.memref_slice %arg8[%add3A_117] : memref<10240xf32, #tpu.memory_space<vmem_shared>> -> memref<128xf32, #tpu.memory_space<vmem_shared>>
      %dma_wait3A_139 = arith.constant 0 : i32
      %dma_wait3A_140 = tpu.memref_slice %arg7[%dma_wait3A_139] : memref<128xf32, #tpu.memory_space<vmem>> -> memref<128xf32, #tpu.memory_space<vmem>>
      %dma_wait3A_141 = tpu.memref_slice %arg8[%add3A_117] : memref<10240xf32, #tpu.memory_space<vmem_shared>> -> memref<128xf32, #tpu.memory_space<vmem_shared>>
      tpu.wait_dma2 semaphore(%run_scoped3A : memref<!tpu.dma_semaphore, #tpu.memory_space<semaphore_mem>>) src(%dma_wait3A_141 : memref<128xf32, #tpu.memory_space<vmem_shared>>) dst(%dma_wait3A_140 : memref<128xf32, #tpu.memory_space<vmem>>)
      tpu.yield
    }) : () -> ()
    %add3A_118 = arith.constant 128 : i32
    %add3A_119 = arith.addi %mul3A_96, %add3A_118 : i32
    "tpu.region"() ({
      %run_scoped3A = tpu.sem_alloc : memref<!tpu.dma_semaphore, #tpu.memory_space<semaphore_mem>>
      %dma_start3A = arith.constant 0 : i32
      %dma_start3A_132 = tpu.memref_slice %arg7[%dma_start3A] : memref<128xf32, #tpu.memory_space<vmem>> -> memref<128xf32, #tpu.memory_space<vmem>>
      %dma_start3A_133 = arith.constant 0 : i32
      %dma_start3A_134 = tpu.memref_slice %arg3[%arg0, %dma_start3A_133] : memref<2x10240xf32, #tpu.memory_space<hbm>> -> memref<1x10240xf32, #tpu.memory_space<hbm>>
      %dma_start3A_135 = tpu.memref_squeeze %dma_start3A_134 : memref<1x10240xf32, #tpu.memory_space<hbm>> -> memref<10240xf32, #tpu.memory_space<hbm>>
      %dma_start3A_136 = tpu.memref_slice %dma_start3A_135[%add3A_119] : memref<10240xf32, #tpu.memory_space<hbm>> -> memref<128xf32, #tpu.memory_space<hbm>>
      %dma_start3A_137 = arith.constant 0 : i32
      %dma_start3A_138 = tpu.memref_slice %arg3[%arg0, %dma_start3A_137] : memref<2x10240xf32, #tpu.memory_space<hbm>> -> memref<1x10240xf32, #tpu.memory_space<hbm>>
      %dma_start3A_139 = tpu.memref_squeeze %dma_start3A_138 : memref<1x10240xf32, #tpu.memory_space<hbm>> -> memref<10240xf32, #tpu.memory_space<hbm>>
      %dma_start3A_140 = tpu.memref_slice %dma_start3A_139[%add3A_119] : memref<10240xf32, #tpu.memory_space<hbm>> -> memref<128xf32, #tpu.memory_space<hbm>>
      %dma_start3A_141 = arith.constant 0 : i32
      %dma_start3A_142 = tpu.memref_slice %arg7[%dma_start3A_141] : memref<128xf32, #tpu.memory_space<vmem>> -> memref<128xf32, #tpu.memory_space<vmem>>
      tpu.enqueue_dma source(%dma_start3A_142 : memref<128xf32, #tpu.memory_space<vmem>>) target(%dma_start3A_140 : memref<128xf32, #tpu.memory_space<hbm>>) target_semaphore(%run_scoped3A : memref<!tpu.dma_semaphore, #tpu.memory_space<semaphore_mem>>)
      %dma_wait3A = arith.constant 0 : i32
      %dma_wait3A_143 = tpu.memref_slice %arg7[%dma_wait3A] : memref<128xf32, #tpu.memory_space<vmem>> -> memref<128xf32, #tpu.memory_space<vmem>>
      %dma_wait3A_144 = arith.constant 0 : i32
      %dma_wait3A_145 = tpu.memref_slice %arg3[%arg0, %dma_wait3A_144] : memref<2x10240xf32, #tpu.memory_space<hbm>> -> memref<1x10240xf32, #tpu.memory_space<hbm>>
      %dma_wait3A_146 = tpu.memref_squeeze %dma_wait3A_145 : memref<1x10240xf32, #tpu.memory_space<hbm>> -> memref<10240xf32, #tpu.memory_space<hbm>>
      %dma_wait3A_147 = tpu.memref_slice %dma_wait3A_146[%add3A_119] : memref<10240xf32, #tpu.memory_space<hbm>> -> memref<128xf32, #tpu.memory_space<hbm>>
      %dma_wait3A_148 = arith.constant 0 : i32
      %dma_wait3A_149 = tpu.memref_slice %arg3[%arg0, %dma_wait3A_148] : memref<2x10240xf32, #tpu.memory_space<hbm>> -> memref<1x10240xf32, #tpu.memory_space<hbm>>
      %dma_wait3A_150 = tpu.memref_squeeze %dma_wait3A_149 : memref<1x10240xf32, #tpu.memory_space<hbm>> -> memref<10240xf32, #tpu.memory_space<hbm>>
      %dma_wait3A_151 = tpu.memref_slice %dma_wait3A_150[%add3A_119] : memref<10240xf32, #tpu.memory_space<hbm>> -> memref<128xf32, #tpu.memory_space<hbm>>
      %dma_wait3A_152 = arith.constant 0 : i32
      %dma_wait3A_153 = tpu.memref_slice %arg7[%dma_wait3A_152] : memref<128xf32, #tpu.memory_space<vmem>> -> memref<128xf32, #tpu.memory_space<vmem>>
      tpu.wait_dma2 semaphore(%run_scoped3A : memref<!tpu.dma_semaphore, #tpu.memory_space<semaphore_mem>>) src(%dma_wait3A_153 : memref<128xf32, #tpu.memory_space<vmem>>) dst(%dma_wait3A_151 : memref<128xf32, #tpu.memory_space<hbm>>)
      tpu.yield
    }) : () -> ()
    %add3A_120 = arith.constant 256 : i32
    %add3A_121 = arith.addi %mul3A_96, %add3A_120 : i32
    "tpu.region"() ({
      %run_scoped3A = tpu.sem_alloc : memref<!tpu.dma_semaphore, #tpu.memory_space<semaphore_mem>>
      %dma_start3A = arith.constant 0 : i32
      %dma_start3A_132 = tpu.memref_slice %arg7[%dma_start3A] : memref<128xf32, #tpu.memory_space<vmem>> -> memref<128xf32, #tpu.memory_space<vmem>>
      %dma_start3A_133 = tpu.memref_slice %arg8[%add3A_121] : memref<10240xf32, #tpu.memory_space<vmem_shared>> -> memref<128xf32, #tpu.memory_space<vmem_shared>>
      %dma_start3A_134 = arith.constant 0 : i32
      %dma_start3A_135 = tpu.memref_slice %arg7[%dma_start3A_134] : memref<128xf32, #tpu.memory_space<vmem>> -> memref<128xf32, #tpu.memory_space<vmem>>
      %dma_start3A_136 = tpu.memref_slice %arg8[%add3A_121] : memref<10240xf32, #tpu.memory_space<vmem_shared>> -> memref<128xf32, #tpu.memory_space<vmem_shared>>
      tpu.enqueue_dma source(%dma_start3A_136 : memref<128xf32, #tpu.memory_space<vmem_shared>>) target(%dma_start3A_135 : memref<128xf32, #tpu.memory_space<vmem>>) target_semaphore(%run_scoped3A : memref<!tpu.dma_semaphore, #tpu.memory_space<semaphore_mem>>)
      %dma_wait3A = arith.constant 0 : i32
      %dma_wait3A_137 = tpu.memref_slice %arg7[%dma_wait3A] : memref<128xf32, #tpu.memory_space<vmem>> -> memref<128xf32, #tpu.memory_space<vmem>>
      %dma_wait3A_138 = tpu.memref_slice %arg8[%add3A_121] : memref<10240xf32, #tpu.memory_space<vmem_shared>> -> memref<128xf32, #tpu.memory_space<vmem_shared>>
      %dma_wait3A_139 = arith.constant 0 : i32
      %dma_wait3A_140 = tpu.memref_slice %arg7[%dma_wait3A_139] : memref<128xf32, #tpu.memory_space<vmem>> -> memref<128xf32, #tpu.memory_space<vmem>>
      %dma_wait3A_141 = tpu.memref_slice %arg8[%add3A_121] : memref<10240xf32, #tpu.memory_space<vmem_shared>> -> memref<128xf32, #tpu.memory_space<vmem_shared>>
      tpu.wait_dma2 semaphore(%run_scoped3A : memref<!tpu.dma_semaphore, #tpu.memory_space<semaphore_mem>>) src(%dma_wait3A_141 : memref<128xf32, #tpu.memory_space<vmem_shared>>) dst(%dma_wait3A_140 : memref<128xf32, #tpu.memory_space<vmem>>)
      tpu.yield
    }) : () -> ()
    %add3A_122 = arith.constant 256 : i32
    %add3A_123 = arith.addi %mul3A_96, %add3A_122 : i32
    "tpu.region"() ({
      %run_scoped3A = tpu.sem_alloc : memref<!tpu.dma_semaphore, #tpu.memory_space<semaphore_mem>>
      %dma_start3A = arith.constant 0 : i32
      %dma_start3A_132 = tpu.memref_slice %arg7[%dma_start3A] : memref<128xf32, #tpu.memory_space<vmem>> -> memref<128xf32, #tpu.memory_space<vmem>>
      %dma_start3A_133 = arith.constant 0 : i32
      %dma_start3A_134 = tpu.memref_slice %arg3[%arg0, %dma_start3A_133] : memref<2x10240xf32, #tpu.memory_space<hbm>> -> memref<1x10240xf32, #tpu.memory_space<hbm>>
      %dma_start3A_135 = tpu.memref_squeeze %dma_start3A_134 : memref<1x10240xf32, #tpu.memory_space<hbm>> -> memref<10240xf32, #tpu.memory_space<hbm>>
      %dma_start3A_136 = tpu.memref_slice %dma_start3A_135[%add3A_123] : memref<10240xf32, #tpu.memory_space<hbm>> -> memref<128xf32, #tpu.memory_space<hbm>>
      %dma_start3A_137 = arith.constant 0 : i32
      %dma_start3A_138 = tpu.memref_slice %arg3[%arg0, %dma_start3A_137] : memref<2x10240xf32, #tpu.memory_space<hbm>> -> memref<1x10240xf32, #tpu.memory_space<hbm>>
      %dma_start3A_139 = tpu.memref_squeeze %dma_start3A_138 : memref<1x10240xf32, #tpu.memory_space<hbm>> -> memref<10240xf32, #tpu.memory_space<hbm>>
      %dma_start3A_140 = tpu.memref_slice %dma_start3A_139[%add3A_123] : memref<10240xf32, #tpu.memory_space<hbm>> -> memref<128xf32, #tpu.memory_space<hbm>>
      %dma_start3A_141 = arith.constant 0 : i32
      %dma_start3A_142 = tpu.memref_slice %arg7[%dma_start3A_141] : memref<128xf32, #tpu.memory_space<vmem>> -> memref<128xf32, #tpu.memory_space<vmem>>
      tpu.enqueue_dma source(%dma_start3A_142 : memref<128xf32, #tpu.memory_space<vmem>>) target(%dma_start3A_140 : memref<128xf32, #tpu.memory_space<hbm>>) target_semaphore(%run_scoped3A : memref<!tpu.dma_semaphore, #tpu.memory_space<semaphore_mem>>)
      %dma_wait3A = arith.constant 0 : i32
      %dma_wait3A_143 = tpu.memref_slice %arg7[%dma_wait3A] : memref<128xf32, #tpu.memory_space<vmem>> -> memref<128xf32, #tpu.memory_space<vmem>>
      %dma_wait3A_144 = arith.constant 0 : i32
      %dma_wait3A_145 = tpu.memref_slice %arg3[%arg0, %dma_wait3A_144] : memref<2x10240xf32, #tpu.memory_space<hbm>> -> memref<1x10240xf32, #tpu.memory_space<hbm>>
      %dma_wait3A_146 = tpu.memref_squeeze %dma_wait3A_145 : memref<1x10240xf32, #tpu.memory_space<hbm>> -> memref<10240xf32, #tpu.memory_space<hbm>>
      %dma_wait3A_147 = tpu.memref_slice %dma_wait3A_146[%add3A_123] : memref<10240xf32, #tpu.memory_space<hbm>> -> memref<128xf32, #tpu.memory_space<hbm>>
      %dma_wait3A_148 = arith.constant 0 : i32
      %dma_wait3A_149 = tpu.memref_slice %arg3[%arg0, %dma_wait3A_148] : memref<2x10240xf32, #tpu.memory_space<hbm>> -> memref<1x10240xf32, #tpu.memory_space<hbm>>
      %dma_wait3A_150 = tpu.memref_squeeze %dma_wait3A_149 : memref<1x10240xf32, #tpu.memory_space<hbm>> -> memref<10240xf32, #tpu.memory_space<hbm>>
      %dma_wait3A_151 = tpu.memref_slice %dma_wait3A_150[%add3A_123] : memref<10240xf32, #tpu.memory_space<hbm>> -> memref<128xf32, #tpu.memory_space<hbm>>
      %dma_wait3A_152 = arith.constant 0 : i32
      %dma_wait3A_153 = tpu.memref_slice %arg7[%dma_wait3A_152] : memref<128xf32, #tpu.memory_space<vmem>> -> memref<128xf32, #tpu.memory_space<vmem>>
      tpu.wait_dma2 semaphore(%run_scoped3A : memref<!tpu.dma_semaphore, #tpu.memory_space<semaphore_mem>>) src(%dma_wait3A_153 : memref<128xf32, #tpu.memory_space<vmem>>) dst(%dma_wait3A_151 : memref<128xf32, #tpu.memory_space<hbm>>)
      tpu.yield
    }) : () -> ()
    %add3A_124 = arith.constant 384 : i32
    %add3A_125 = arith.addi %mul3A_96, %add3A_124 : i32
    "tpu.region"() ({
      %run_scoped3A = tpu.sem_alloc : memref<!tpu.dma_semaphore, #tpu.memory_space<semaphore_mem>>
      %dma_start3A = arith.constant 0 : i32
      %dma_start3A_132 = tpu.memref_slice %arg7[%dma_start3A] : memref<128xf32, #tpu.memory_space<vmem>> -> memref<128xf32, #tpu.memory_space<vmem>>
      %dma_start3A_133 = tpu.memref_slice %arg8[%add3A_125] : memref<10240xf32, #tpu.memory_space<vmem_shared>> -> memref<128xf32, #tpu.memory_space<vmem_shared>>
      %dma_start3A_134 = arith.constant 0 : i32
      %dma_start3A_135 = tpu.memref_slice %arg7[%dma_start3A_134] : memref<128xf32, #tpu.memory_space<vmem>> -> memref<128xf32, #tpu.memory_space<vmem>>
      %dma_start3A_136 = tpu.memref_slice %arg8[%add3A_125] : memref<10240xf32, #tpu.memory_space<vmem_shared>> -> memref<128xf32, #tpu.memory_space<vmem_shared>>
      tpu.enqueue_dma source(%dma_start3A_136 : memref<128xf32, #tpu.memory_space<vmem_shared>>) target(%dma_start3A_135 : memref<128xf32, #tpu.memory_space<vmem>>) target_semaphore(%run_scoped3A : memref<!tpu.dma_semaphore, #tpu.memory_space<semaphore_mem>>)
      %dma_wait3A = arith.constant 0 : i32
      %dma_wait3A_137 = tpu.memref_slice %arg7[%dma_wait3A] : memref<128xf32, #tpu.memory_space<vmem>> -> memref<128xf32, #tpu.memory_space<vmem>>
      %dma_wait3A_138 = tpu.memref_slice %arg8[%add3A_125] : memref<10240xf32, #tpu.memory_space<vmem_shared>> -> memref<128xf32, #tpu.memory_space<vmem_shared>>
      %dma_wait3A_139 = arith.constant 0 : i32
      %dma_wait3A_140 = tpu.memref_slice %arg7[%dma_wait3A_139] : memref<128xf32, #tpu.memory_space<vmem>> -> memref<128xf32, #tpu.memory_space<vmem>>
      %dma_wait3A_141 = tpu.memref_slice %arg8[%add3A_125] : memref<10240xf32, #tpu.memory_space<vmem_shared>> -> memref<128xf32, #tpu.memory_space<vmem_shared>>
      tpu.wait_dma2 semaphore(%run_scoped3A : memref<!tpu.dma_semaphore, #tpu.memory_space<semaphore_mem>>) src(%dma_wait3A_141 : memref<128xf32, #tpu.memory_space<vmem_shared>>) dst(%dma_wait3A_140 : memref<128xf32, #tpu.memory_space<vmem>>)
      tpu.yield
    }) : () -> ()
    %add3A_126 = arith.constant 384 : i32
    %add3A_127 = arith.addi %mul3A_96, %add3A_126 : i32
    "tpu.region"() ({
      %run_scoped3A = tpu.sem_alloc : memref<!tpu.dma_semaphore, #tpu.memory_space<semaphore_mem>>
      %dma_start3A = arith.constant 0 : i32
      %dma_start3A_132 = tpu.memref_slice %arg7[%dma_start3A] : memref<128xf32, #tpu.memory_space<vmem>> -> memref<128xf32, #tpu.memory_space<vmem>>
      %dma_start3A_133 = arith.constant 0 : i32
      %dma_start3A_134 = tpu.memref_slice %arg3[%arg0, %dma_start3A_133] : memref<2x10240xf32, #tpu.memory_space<hbm>> -> memref<1x10240xf32, #tpu.memory_space<hbm>>
      %dma_start3A_135 = tpu.memref_squeeze %dma_start3A_134 : memref<1x10240xf32, #tpu.memory_space<hbm>> -> memref<10240xf32, #tpu.memory_space<hbm>>
      %dma_start3A_136 = tpu.memref_slice %dma_start3A_135[%add3A_127] : memref<10240xf32, #tpu.memory_space<hbm>> -> memref<128xf32, #tpu.memory_space<hbm>>
      %dma_start3A_137 = arith.constant 0 : i32
      %dma_start3A_138 = tpu.memref_slice %arg3[%arg0, %dma_start3A_137] : memref<2x10240xf32, #tpu.memory_space<hbm>> -> memref<1x10240xf32, #tpu.memory_space<hbm>>
      %dma_start3A_139 = tpu.memref_squeeze %dma_start3A_138 : memref<1x10240xf32, #tpu.memory_space<hbm>> -> memref<10240xf32, #tpu.memory_space<hbm>>
      %dma_start3A_140 = tpu.memref_slice %dma_start3A_139[%add3A_127] : memref<10240xf32, #tpu.memory_space<hbm>> -> memref<128xf32, #tpu.memory_space<hbm>>
      %dma_start3A_141 = arith.constant 0 : i32
      %dma_start3A_142 = tpu.memref_slice %arg7[%dma_start3A_141] : memref<128xf32, #tpu.memory_space<vmem>> -> memref<128xf32, #tpu.memory_space<vmem>>
      tpu.enqueue_dma source(%dma_start3A_142 : memref<128xf32, #tpu.memory_space<vmem>>) target(%dma_start3A_140 : memref<128xf32, #tpu.memory_space<hbm>>) target_semaphore(%run_scoped3A : memref<!tpu.dma_semaphore, #tpu.memory_space<semaphore_mem>>)
      %dma_wait3A = arith.constant 0 : i32
      %dma_wait3A_143 = tpu.memref_slice %arg7[%dma_wait3A] : memref<128xf32, #tpu.memory_space<vmem>> -> memref<128xf32, #tpu.memory_space<vmem>>
      %dma_wait3A_144 = arith.constant 0 : i32
      %dma_wait3A_145 = tpu.memref_slice %arg3[%arg0, %dma_wait3A_144] : memref<2x10240xf32, #tpu.memory_space<hbm>> -> memref<1x10240xf32, #tpu.memory_space<hbm>>
      %dma_wait3A_146 = tpu.memref_squeeze %dma_wait3A_145 : memref<1x10240xf32, #tpu.memory_space<hbm>> -> memref<10240xf32, #tpu.memory_space<hbm>>
      %dma_wait3A_147 = tpu.memref_slice %dma_wait3A_146[%add3A_127] : memref<10240xf32, #tpu.memory_space<hbm>> -> memref<128xf32, #tpu.memory_space<hbm>>
      %dma_wait3A_148 = arith.constant 0 : i32
      %dma_wait3A_149 = tpu.memref_slice %arg3[%arg0, %dma_wait3A_148] : memref<2x10240xf32, #tpu.memory_space<hbm>> -> memref<1x10240xf32, #tpu.memory_space<hbm>>
      %dma_wait3A_150 = tpu.memref_squeeze %dma_wait3A_149 : memref<1x10240xf32, #tpu.memory_space<hbm>> -> memref<10240xf32, #tpu.memory_space<hbm>>
      %dma_wait3A_151 = tpu.memref_slice %dma_wait3A_150[%add3A_127] : memref<10240xf32, #tpu.memory_space<hbm>> -> memref<128xf32, #tpu.memory_space<hbm>>
      %dma_wait3A_152 = arith.constant 0 : i32
      %dma_wait3A_153 = tpu.memref_slice %arg7[%dma_wait3A_152] : memref<128xf32, #tpu.memory_space<vmem>> -> memref<128xf32, #tpu.memory_space<vmem>>
      tpu.wait_dma2 semaphore(%run_scoped3A : memref<!tpu.dma_semaphore, #tpu.memory_space<semaphore_mem>>) src(%dma_wait3A_153 : memref<128xf32, #tpu.memory_space<vmem>>) dst(%dma_wait3A_151 : memref<128xf32, #tpu.memory_space<hbm>>)
      tpu.yield
    }) : () -> ()
    %add3A_128 = arith.constant 512 : i32
    %add3A_129 = arith.addi %mul3A_96, %add3A_128 : i32
    "tpu.region"() ({
      %run_scoped3A = tpu.sem_alloc : memref<!tpu.dma_semaphore, #tpu.memory_space<semaphore_mem>>
      %dma_start3A = arith.constant 0 : i32
      %dma_start3A_132 = tpu.memref_slice %arg7[%dma_start3A] : memref<128xf32, #tpu.memory_space<vmem>> -> memref<128xf32, #tpu.memory_space<vmem>>
      %dma_start3A_133 = tpu.memref_slice %arg8[%add3A_129] : memref<10240xf32, #tpu.memory_space<vmem_shared>> -> memref<128xf32, #tpu.memory_space<vmem_shared>>
      %dma_start3A_134 = arith.constant 0 : i32
      %dma_start3A_135 = tpu.memref_slice %arg7[%dma_start3A_134] : memref<128xf32, #tpu.memory_space<vmem>> -> memref<128xf32, #tpu.memory_space<vmem>>
      %dma_start3A_136 = tpu.memref_slice %arg8[%add3A_129] : memref<10240xf32, #tpu.memory_space<vmem_shared>> -> memref<128xf32, #tpu.memory_space<vmem_shared>>
      tpu.enqueue_dma source(%dma_start3A_136 : memref<128xf32, #tpu.memory_space<vmem_shared>>) target(%dma_start3A_135 : memref<128xf32, #tpu.memory_space<vmem>>) target_semaphore(%run_scoped3A : memref<!tpu.dma_semaphore, #tpu.memory_space<semaphore_mem>>)
      %dma_wait3A = arith.constant 0 : i32
      %dma_wait3A_137 = tpu.memref_slice %arg7[%dma_wait3A] : memref<128xf32, #tpu.memory_space<vmem>> -> memref<128xf32, #tpu.memory_space<vmem>>
      %dma_wait3A_138 = tpu.memref_slice %arg8[%add3A_129] : memref<10240xf32, #tpu.memory_space<vmem_shared>> -> memref<128xf32, #tpu.memory_space<vmem_shared>>
      %dma_wait3A_139 = arith.constant 0 : i32
      %dma_wait3A_140 = tpu.memref_slice %arg7[%dma_wait3A_139] : memref<128xf32, #tpu.memory_space<vmem>> -> memref<128xf32, #tpu.memory_space<vmem>>
      %dma_wait3A_141 = tpu.memref_slice %arg8[%add3A_129] : memref<10240xf32, #tpu.memory_space<vmem_shared>> -> memref<128xf32, #tpu.memory_space<vmem_shared>>
      tpu.wait_dma2 semaphore(%run_scoped3A : memref<!tpu.dma_semaphore, #tpu.memory_space<semaphore_mem>>) src(%dma_wait3A_141 : memref<128xf32, #tpu.memory_space<vmem_shared>>) dst(%dma_wait3A_140 : memref<128xf32, #tpu.memory_space<vmem>>)
      tpu.yield
    }) : () -> ()
    %add3A_130 = arith.constant 512 : i32
    %add3A_131 = arith.addi %mul3A_96, %add3A_130 : i32
    "tpu.region"() ({
      %run_scoped3A = tpu.sem_alloc : memref<!tpu.dma_semaphore, #tpu.memory_space<semaphore_mem>>
      %dma_start3A = arith.constant 0 : i32
      %dma_start3A_132 = tpu.memref_slice %arg7[%dma_start3A] : memref<128xf32, #tpu.memory_space<vmem>> -> memref<128xf32, #tpu.memory_space<vmem>>
      %dma_start3A_133 = arith.constant 0 : i32
      %dma_start3A_134 = tpu.memref_slice %arg3[%arg0, %dma_start3A_133] : memref<2x10240xf32, #tpu.memory_space<hbm>> -> memref<1x10240xf32, #tpu.memory_space<hbm>>
      %dma_start3A_135 = tpu.memref_squeeze %dma_start3A_134 : memref<1x10240xf32, #tpu.memory_space<hbm>> -> memref<10240xf32, #tpu.memory_space<hbm>>
      %dma_start3A_136 = tpu.memref_slice %dma_start3A_135[%add3A_131] : memref<10240xf32, #tpu.memory_space<hbm>> -> memref<128xf32, #tpu.memory_space<hbm>>
      %dma_start3A_137 = arith.constant 0 : i32
      %dma_start3A_138 = tpu.memref_slice %arg3[%arg0, %dma_start3A_137] : memref<2x10240xf32, #tpu.memory_space<hbm>> -> memref<1x10240xf32, #tpu.memory_space<hbm>>
      %dma_start3A_139 = tpu.memref_squeeze %dma_start3A_138 : memref<1x10240xf32, #tpu.memory_space<hbm>> -> memref<10240xf32, #tpu.memory_space<hbm>>
      %dma_start3A_140 = tpu.memref_slice %dma_start3A_139[%add3A_131] : memref<10240xf32, #tpu.memory_space<hbm>> -> memref<128xf32, #tpu.memory_space<hbm>>
      %dma_start3A_141 = arith.constant 0 : i32
      %dma_start3A_142 = tpu.memref_slice %arg7[%dma_start3A_141] : memref<128xf32, #tpu.memory_space<vmem>> -> memref<128xf32, #tpu.memory_space<vmem>>
      tpu.enqueue_dma source(%dma_start3A_142 : memref<128xf32, #tpu.memory_space<vmem>>) target(%dma_start3A_140 : memref<128xf32, #tpu.memory_space<hbm>>) target_semaphore(%run_scoped3A : memref<!tpu.dma_semaphore, #tpu.memory_space<semaphore_mem>>)
      %dma_wait3A = arith.constant 0 : i32
      %dma_wait3A_143 = tpu.memref_slice %arg7[%dma_wait3A] : memref<128xf32, #tpu.memory_space<vmem>> -> memref<128xf32, #tpu.memory_space<vmem>>
      %dma_wait3A_144 = arith.constant 0 : i32
      %dma_wait3A_145 = tpu.memref_slice %arg3[%arg0, %dma_wait3A_144] : memref<2x10240xf32, #tpu.memory_space<hbm>> -> memref<1x10240xf32, #tpu.memory_space<hbm>>
      %dma_wait3A_146 = tpu.memref_squeeze %dma_wait3A_145 : memref<1x10240xf32, #tpu.memory_space<hbm>> -> memref<10240xf32, #tpu.memory_space<hbm>>
      %dma_wait3A_147 = tpu.memref_slice %dma_wait3A_146[%add3A_131] : memref<10240xf32, #tpu.memory_space<hbm>> -> memref<128xf32, #tpu.memory_space<hbm>>
      %dma_wait3A_148 = arith.constant 0 : i32
      %dma_wait3A_149 = tpu.memref_slice %arg3[%arg0, %dma_wait3A_148] : memref<2x10240xf32, #tpu.memory_space<hbm>> -> memref<1x10240xf32, #tpu.memory_space<hbm>>
      %dma_wait3A_150 = tpu.memref_squeeze %dma_wait3A_149 : memref<1x10240xf32, #tpu.memory_space<hbm>> -> memref<10240xf32, #tpu.memory_space<hbm>>
      %dma_wait3A_151 = tpu.memref_slice %dma_wait3A_150[%add3A_131] : memref<10240xf32, #tpu.memory_space<hbm>> -> memref<128xf32, #tpu.memory_space<hbm>>
      %dma_wait3A_152 = arith.constant 0 : i32
      %dma_wait3A_153 = tpu.memref_slice %arg7[%dma_wait3A_152] : memref<128xf32, #tpu.memory_space<vmem>> -> memref<128xf32, #tpu.memory_space<vmem>>
      tpu.wait_dma2 semaphore(%run_scoped3A : memref<!tpu.dma_semaphore, #tpu.memory_space<semaphore_mem>>) src(%dma_wait3A_153 : memref<128xf32, #tpu.memory_space<vmem>>) dst(%dma_wait3A_151 : memref<128xf32, #tpu.memory_space<hbm>>)
      tpu.yield
    }) : () -> ()
    return
  }
}

#map = affine_map<(d0, d1) -> (0, 0)>
#map1 = affine_map<(d0, d1) -> (0, 0, 0)>
module attributes {stable_mosaic.version = 14 : i64} {
  func.func @body(%arg0: i32, %arg1: i32, %arg2: memref<10000x128xf32, #tpu.memory_space<hbm>>, %arg3: memref<32x40x128xi32, #tpu.memory_space<hbm>>, %arg4: memref<32x40x128xi32, #tpu.memory_space<hbm>>, %arg5: memref<2x10240x128xf32, #tpu.memory_space<hbm>>, %arg6: memref<40x128xi32, #tpu.memory_space<vmem>>, %arg7: memref<40x128xi32, #tpu.memory_space<vmem>>, %arg8: memref<2x128x128xf32, #tpu.memory_space<vmem>>, %arg9: memref<10240x128xf32, #tpu.memory_space<vmem_shared>>, %arg10: memref<!tpu.dma_semaphore, #tpu.memory_space<semaphore_mem>>, %arg11: memref<!tpu.dma_semaphore, #tpu.memory_space<semaphore_mem>>) attributes {dimension_semantics = [#tpu.dimension_semantics<core_parallel>, #tpu.dimension_semantics<subcore_parallel>], iteration_bounds = array<i64: 2, 16>, scalar_prefetch = 0 : i64, scratch_operands = 6 : i64, tpu.core_type = #tpu.core_type<sc_vector_subcore>, window_params = [{transform_indices = #map}, {transform_indices = #map1}, {transform_indices = #map1}, {transform_indices = #map1}]} {
    %mul3A = arith.constant 16 : i32
    %mul3A_0 = arith.muli %arg0, %mul3A : i32
    %add3A = arith.addi %mul3A_0, %arg1 : i32
    "tpu.region"() ({
      %run_scoped3A_80 = tpu.sem_alloc : memref<!tpu.dma_semaphore, #tpu.memory_space<semaphore_mem>>
      %dma_start3A_81 = arith.constant 0 : i32
      %dma_start3A_82 = arith.constant 0 : i32
      %dma_start3A_83 = tpu.memref_slice %arg3[%add3A, %dma_start3A_81, %dma_start3A_82] : memref<32x40x128xi32, #tpu.memory_space<hbm>> -> memref<1x40x128xi32, #tpu.memory_space<hbm>>
      %dma_start3A_84 = tpu.memref_squeeze %dma_start3A_83 : memref<1x40x128xi32, #tpu.memory_space<hbm>> -> memref<40x128xi32, #tpu.memory_space<hbm>>
      %dma_start3A_85 = arith.constant 0 : i32
      %dma_start3A_86 = arith.constant 0 : i32
      %dma_start3A_87 = tpu.memref_slice %arg3[%add3A, %dma_start3A_85, %dma_start3A_86] : memref<32x40x128xi32, #tpu.memory_space<hbm>> -> memref<1x40x128xi32, #tpu.memory_space<hbm>>
      %dma_start3A_88 = tpu.memref_squeeze %dma_start3A_87 : memref<1x40x128xi32, #tpu.memory_space<hbm>> -> memref<40x128xi32, #tpu.memory_space<hbm>>
      tpu.enqueue_dma source(%dma_start3A_88 : memref<40x128xi32, #tpu.memory_space<hbm>>) target(%arg6 : memref<40x128xi32, #tpu.memory_space<vmem>>) target_semaphore(%run_scoped3A_80 : memref<!tpu.dma_semaphore, #tpu.memory_space<semaphore_mem>>)
      %dma_wait3A = arith.constant 0 : i32
      %dma_wait3A_89 = arith.constant 0 : i32
      %dma_wait3A_90 = tpu.memref_slice %arg3[%add3A, %dma_wait3A, %dma_wait3A_89] : memref<32x40x128xi32, #tpu.memory_space<hbm>> -> memref<1x40x128xi32, #tpu.memory_space<hbm>>
      %dma_wait3A_91 = tpu.memref_squeeze %dma_wait3A_90 : memref<1x40x128xi32, #tpu.memory_space<hbm>> -> memref<40x128xi32, #tpu.memory_space<hbm>>
      %dma_wait3A_92 = arith.constant 0 : i32
      %dma_wait3A_93 = arith.constant 0 : i32
      %dma_wait3A_94 = tpu.memref_slice %arg3[%add3A, %dma_wait3A_92, %dma_wait3A_93] : memref<32x40x128xi32, #tpu.memory_space<hbm>> -> memref<1x40x128xi32, #tpu.memory_space<hbm>>
      %dma_wait3A_95 = tpu.memref_squeeze %dma_wait3A_94 : memref<1x40x128xi32, #tpu.memory_space<hbm>> -> memref<40x128xi32, #tpu.memory_space<hbm>>
      tpu.wait_dma2 semaphore(%run_scoped3A_80 : memref<!tpu.dma_semaphore, #tpu.memory_space<semaphore_mem>>) src(%dma_wait3A_95 : memref<40x128xi32, #tpu.memory_space<hbm>>) dst(%arg6 : memref<40x128xi32, #tpu.memory_space<vmem>>)
      tpu.yield
    }) : () -> ()
    "tpu.region"() ({
      %run_scoped3A_80 = tpu.sem_alloc : memref<!tpu.dma_semaphore, #tpu.memory_space<semaphore_mem>>
      %dma_start3A_81 = arith.constant 0 : i32
      %dma_start3A_82 = arith.constant 0 : i32
      %dma_start3A_83 = tpu.memref_slice %arg4[%add3A, %dma_start3A_81, %dma_start3A_82] : memref<32x40x128xi32, #tpu.memory_space<hbm>> -> memref<1x40x128xi32, #tpu.memory_space<hbm>>
      %dma_start3A_84 = tpu.memref_squeeze %dma_start3A_83 : memref<1x40x128xi32, #tpu.memory_space<hbm>> -> memref<40x128xi32, #tpu.memory_space<hbm>>
      %dma_start3A_85 = arith.constant 0 : i32
      %dma_start3A_86 = arith.constant 0 : i32
      %dma_start3A_87 = tpu.memref_slice %arg4[%add3A, %dma_start3A_85, %dma_start3A_86] : memref<32x40x128xi32, #tpu.memory_space<hbm>> -> memref<1x40x128xi32, #tpu.memory_space<hbm>>
      %dma_start3A_88 = tpu.memref_squeeze %dma_start3A_87 : memref<1x40x128xi32, #tpu.memory_space<hbm>> -> memref<40x128xi32, #tpu.memory_space<hbm>>
      tpu.enqueue_dma source(%dma_start3A_88 : memref<40x128xi32, #tpu.memory_space<hbm>>) target(%arg7 : memref<40x128xi32, #tpu.memory_space<vmem>>) target_semaphore(%run_scoped3A_80 : memref<!tpu.dma_semaphore, #tpu.memory_space<semaphore_mem>>)
      %dma_wait3A = arith.constant 0 : i32
      %dma_wait3A_89 = arith.constant 0 : i32
      %dma_wait3A_90 = tpu.memref_slice %arg4[%add3A, %dma_wait3A, %dma_wait3A_89] : memref<32x40x128xi32, #tpu.memory_space<hbm>> -> memref<1x40x128xi32, #tpu.memory_space<hbm>>
      %dma_wait3A_91 = tpu.memref_squeeze %dma_wait3A_90 : memref<1x40x128xi32, #tpu.memory_space<hbm>> -> memref<40x128xi32, #tpu.memory_space<hbm>>
      %dma_wait3A_92 = arith.constant 0 : i32
      %dma_wait3A_93 = arith.constant 0 : i32
      %dma_wait3A_94 = tpu.memref_slice %arg4[%add3A, %dma_wait3A_92, %dma_wait3A_93] : memref<32x40x128xi32, #tpu.memory_space<hbm>> -> memref<1x40x128xi32, #tpu.memory_space<hbm>>
      %dma_wait3A_95 = tpu.memref_squeeze %dma_wait3A_94 : memref<1x40x128xi32, #tpu.memory_space<hbm>> -> memref<40x128xi32, #tpu.memory_space<hbm>>
      tpu.wait_dma2 semaphore(%run_scoped3A_80 : memref<!tpu.dma_semaphore, #tpu.memory_space<semaphore_mem>>) src(%dma_wait3A_95 : memref<40x128xi32, #tpu.memory_space<hbm>>) dst(%arg7 : memref<40x128xi32, #tpu.memory_space<vmem>>)
      tpu.yield
    }) : () -> ()
    %scan3A = arith.constant 0 : i32
    %scan3A_1 = arith.constant 128 : i32
    %scan3A_2 = arith.addi %scan3A, %scan3A_1 : i32
    %scan3A_3 = arith.constant 1 : i32
    scf.for %scan3A_80 = %scan3A to %scan3A_2 step %scan3A_3  : i32 {
      %mul3A_81 = arith.constant 1 : i32
      %mul3A_82 = arith.muli %scan3A_80, %mul3A_81 : i32
      %add3A_83 = arith.constant 0 : i32
      %add3A_84 = arith.addi %add3A_83, %mul3A_82 : i32
      %broadcast_in_dim3A = arith.constant 0.000000e+00 : f32
      %broadcast_in_dim3A_85 = vector.broadcast %broadcast_in_dim3A : f32 to vector<16xf32>
      %swap3A = arith.constant 0 : i32
      %swap3A_86 = arith.index_cast %swap3A : i32 to index
      %swap3A_87 = arith.index_cast %add3A_84 : i32 to index
      %swap3A_88 = arith.constant 0 : index
      %swap3A_89 = tpu.vector_load %arg8[%swap3A_86, %swap3A_87, %swap3A_88] {strides = array<i32>} : memref<2x128x128xf32, #tpu.memory_space<vmem>>, vector<1x1x16xf32>,
      %swap3A_90 = vector.shape_cast %swap3A_89 : vector<1x1x16xf32> to vector<16xf32>
      %swap3A_91 = vector.shape_cast %broadcast_in_dim3A_85 : vector<16xf32> to vector<1x1x16xf32>
      tpu.vector_store %arg8[%swap3A_86, %swap3A_87, %swap3A_88], %swap3A_91 {strides = array<i32>} : memref<2x128x128xf32, #tpu.memory_space<vmem>>, vector<1x1x16xf32>,
      %broadcast_in_dim3A_92 = arith.constant 0.000000e+00 : f32
      %broadcast_in_dim3A_93 = vector.broadcast %broadcast_in_dim3A_92 : f32 to vector<16xf32>
      %swap3A_94 = arith.constant 0 : i32
      %swap3A_95 = arith.index_cast %swap3A_94 : i32 to index
      %swap3A_96 = arith.index_cast %add3A_84 : i32 to index
      %swap3A_97 = arith.constant 16 : index
      %swap3A_98 = tpu.vector_load %arg8[%swap3A_95, %swap3A_96, %swap3A_97] {strides = array<i32>} : memref<2x128x128xf32, #tpu.memory_space<vmem>>, vector<1x1x16xf32>,
      %swap3A_99 = vector.shape_cast %swap3A_98 : vector<1x1x16xf32> to vector<16xf32>
      %swap3A_100 = vector.shape_cast %broadcast_in_dim3A_93 : vector<16xf32> to vector<1x1x16xf32>
      tpu.vector_store %arg8[%swap3A_95, %swap3A_96, %swap3A_97], %swap3A_100 {strides = array<i32>} : memref<2x128x128xf32, #tpu.memory_space<vmem>>, vector<1x1x16xf32>,
      %broadcast_in_dim3A_101 = arith.constant 0.000000e+00 : f32
      %broadcast_in_dim3A_102 = vector.broadcast %broadcast_in_dim3A_101 : f32 to vector<16xf32>
      %swap3A_103 = arith.constant 0 : i32
      %swap3A_104 = arith.index_cast %swap3A_103 : i32 to index
      %swap3A_105 = arith.index_cast %add3A_84 : i32 to index
      %swap3A_106 = arith.constant 32 : index
      %swap3A_107 = tpu.vector_load %arg8[%swap3A_104, %swap3A_105, %swap3A_106] {strides = array<i32>} : memref<2x128x128xf32, #tpu.memory_space<vmem>>, vector<1x1x16xf32>,
      %swap3A_108 = vector.shape_cast %swap3A_107 : vector<1x1x16xf32> to vector<16xf32>
      %swap3A_109 = vector.shape_cast %broadcast_in_dim3A_102 : vector<16xf32> to vector<1x1x16xf32>
      tpu.vector_store %arg8[%swap3A_104, %swap3A_105, %swap3A_106], %swap3A_109 {strides = array<i32>} : memref<2x128x128xf32, #tpu.memory_space<vmem>>, vector<1x1x16xf32>,
      %broadcast_in_dim3A_110 = arith.constant 0.000000e+00 : f32
      %broadcast_in_dim3A_111 = vector.broadcast %broadcast_in_dim3A_110 : f32 to vector<16xf32>
      %swap3A_112 = arith.constant 0 : i32
      %swap3A_113 = arith.index_cast %swap3A_112 : i32 to index
      %swap3A_114 = arith.index_cast %add3A_84 : i32 to index
      %swap3A_115 = arith.constant 48 : index
      %swap3A_116 = tpu.vector_load %arg8[%swap3A_113, %swap3A_114, %swap3A_115] {strides = array<i32>} : memref<2x128x128xf32, #tpu.memory_space<vmem>>, vector<1x1x16xf32>,
      %swap3A_117 = vector.shape_cast %swap3A_116 : vector<1x1x16xf32> to vector<16xf32>
      %swap3A_118 = vector.shape_cast %broadcast_in_dim3A_111 : vector<16xf32> to vector<1x1x16xf32>
      tpu.vector_store %arg8[%swap3A_113, %swap3A_114, %swap3A_115], %swap3A_118 {strides = array<i32>} : memref<2x128x128xf32, #tpu.memory_space<vmem>>, vector<1x1x16xf32>,
      %broadcast_in_dim3A_119 = arith.constant 0.000000e+00 : f32
      %broadcast_in_dim3A_120 = vector.broadcast %broadcast_in_dim3A_119 : f32 to vector<16xf32>
      %swap3A_121 = arith.constant 0 : i32
      %swap3A_122 = arith.index_cast %swap3A_121 : i32 to index
      %swap3A_123 = arith.index_cast %add3A_84 : i32 to index
      %swap3A_124 = arith.constant 64 : index
      %swap3A_125 = tpu.vector_load %arg8[%swap3A_122, %swap3A_123, %swap3A_124] {strides = array<i32>} : memref<2x128x128xf32, #tpu.memory_space<vmem>>, vector<1x1x16xf32>,
      %swap3A_126 = vector.shape_cast %swap3A_125 : vector<1x1x16xf32> to vector<16xf32>
      %swap3A_127 = vector.shape_cast %broadcast_in_dim3A_120 : vector<16xf32> to vector<1x1x16xf32>
      tpu.vector_store %arg8[%swap3A_122, %swap3A_123, %swap3A_124], %swap3A_127 {strides = array<i32>} : memref<2x128x128xf32, #tpu.memory_space<vmem>>, vector<1x1x16xf32>,
      %broadcast_in_dim3A_128 = arith.constant 0.000000e+00 : f32
      %broadcast_in_dim3A_129 = vector.broadcast %broadcast_in_dim3A_128 : f32 to vector<16xf32>
      %swap3A_130 = arith.constant 0 : i32
      %swap3A_131 = arith.index_cast %swap3A_130 : i32 to index
      %swap3A_132 = arith.index_cast %add3A_84 : i32 to index
      %swap3A_133 = arith.constant 80 : index
      %swap3A_134 = tpu.vector_load %arg8[%swap3A_131, %swap3A_132, %swap3A_133] {strides = array<i32>} : memref<2x128x128xf32, #tpu.memory_space<vmem>>, vector<1x1x16xf32>,
      %swap3A_135 = vector.shape_cast %swap3A_134 : vector<1x1x16xf32> to vector<16xf32>
      %swap3A_136 = vector.shape_cast %broadcast_in_dim3A_129 : vector<16xf32> to vector<1x1x16xf32>
      tpu.vector_store %arg8[%swap3A_131, %swap3A_132, %swap3A_133], %swap3A_136 {strides = array<i32>} : memref<2x128x128xf32, #tpu.memory_space<vmem>>, vector<1x1x16xf32>,
      %broadcast_in_dim3A_137 = arith.constant 0.000000e+00 : f32
      %broadcast_in_dim3A_138 = vector.broadcast %broadcast_in_dim3A_137 : f32 to vector<16xf32>
      %swap3A_139 = arith.constant 0 : i32
      %swap3A_140 = arith.index_cast %swap3A_139 : i32 to index
      %swap3A_141 = arith.index_cast %add3A_84 : i32 to index
      %swap3A_142 = arith.constant 96 : index
      %swap3A_143 = tpu.vector_load %arg8[%swap3A_140, %swap3A_141, %swap3A_142] {strides = array<i32>} : memref<2x128x128xf32, #tpu.memory_space<vmem>>, vector<1x1x16xf32>,
      %swap3A_144 = vector.shape_cast %swap3A_143 : vector<1x1x16xf32> to vector<16xf32>
      %swap3A_145 = vector.shape_cast %broadcast_in_dim3A_138 : vector<16xf32> to vector<1x1x16xf32>
      tpu.vector_store %arg8[%swap3A_140, %swap3A_141, %swap3A_142], %swap3A_145 {strides = array<i32>} : memref<2x128x128xf32, #tpu.memory_space<vmem>>, vector<1x1x16xf32>,
      %broadcast_in_dim3A_146 = arith.constant 0.000000e+00 : f32
      %broadcast_in_dim3A_147 = vector.broadcast %broadcast_in_dim3A_146 : f32 to vector<16xf32>
      %swap3A_148 = arith.constant 0 : i32
      %swap3A_149 = arith.index_cast %swap3A_148 : i32 to index
      %swap3A_150 = arith.index_cast %add3A_84 : i32 to index
      %swap3A_151 = arith.constant 112 : index
      %swap3A_152 = tpu.vector_load %arg8[%swap3A_149, %swap3A_150, %swap3A_151] {strides = array<i32>} : memref<2x128x128xf32, #tpu.memory_space<vmem>>, vector<1x1x16xf32>,
      %swap3A_153 = vector.shape_cast %swap3A_152 : vector<1x1x16xf32> to vector<16xf32>
      %swap3A_154 = vector.shape_cast %broadcast_in_dim3A_147 : vector<16xf32> to vector<1x1x16xf32>
      tpu.vector_store %arg8[%swap3A_149, %swap3A_150, %swap3A_151], %swap3A_154 {strides = array<i32>} : memref<2x128x128xf32, #tpu.memory_space<vmem>>, vector<1x1x16xf32>,
    }
    %scan3A_4 = arith.constant 128 : i32
    %mul3A_5 = arith.constant 640 : i32
    %mul3A_6 = arith.muli %arg1, %mul3A_5 : i32
    %add3A_7 = arith.constant 0 : i32
    %add3A_8 = arith.addi %mul3A_6, %add3A_7 : i32
    %run_scoped3A = arith.constant 0 : i32
    "tpu.region"() ({
      %run_scoped3A_80 = tpu.sem_alloc : memref<!tpu.dma_semaphore, #tpu.memory_space<semaphore_mem>>
      %dma_start3A_81 = arith.constant 0 : i32
      %dma_start3A_82 = arith.constant 0 : i32
      %dma_start3A_83 = tpu.memref_slice %arg8[%run_scoped3A, %dma_start3A_81, %dma_start3A_82] : memref<2x128x128xf32, #tpu.memory_space<vmem>> -> memref<1x128x128xf32, #tpu.memory_space<vmem>>
      %dma_start3A_84 = tpu.memref_squeeze %dma_start3A_83 : memref<1x128x128xf32, #tpu.memory_space<vmem>> -> memref<128x128xf32, #tpu.memory_space<vmem>>
      %dma_start3A_85 = arith.constant 0 : i32
      %dma_start3A_86 = arith.constant 0 : i32
      %dma_start3A_87 = tpu.memref_slice %dma_start3A_84[%dma_start3A_85, %dma_start3A_86] : memref<128x128xf32, #tpu.memory_space<vmem>> -> memref<128x128xf32, #tpu.memory_space<vmem>>
      %dma_start3A_88 = arith.constant 0 : i32
      %dma_start3A_89 = tpu.memref_slice %arg9[%add3A_8, %dma_start3A_88] : memref<10240x128xf32, #tpu.memory_space<vmem_shared>> -> memref<128x128xf32, #tpu.memory_space<vmem_shared>>
      %dma_start3A_90 = arith.constant 0 : i32
      %dma_start3A_91 = tpu.memref_slice %arg9[%add3A_8, %dma_start3A_90] : memref<10240x128xf32, #tpu.memory_space<vmem_shared>> -> memref<128x128xf32, #tpu.memory_space<vmem_shared>>
      %dma_start3A_92 = arith.constant 0 : i32
      %dma_start3A_93 = arith.constant 0 : i32
      %dma_start3A_94 = tpu.memref_slice %arg8[%run_scoped3A, %dma_start3A_92, %dma_start3A_93] : memref<2x128x128xf32, #tpu.memory_space<vmem>> -> memref<1x128x128xf32, #tpu.memory_space<vmem>>
      %dma_start3A_95 = tpu.memref_squeeze %dma_start3A_94 : memref<1x128x128xf32, #tpu.memory_space<vmem>> -> memref<128x128xf32, #tpu.memory_space<vmem>>
      %dma_start3A_96 = arith.constant 0 : i32
      %dma_start3A_97 = arith.constant 0 : i32
      %dma_start3A_98 = tpu.memref_slice %dma_start3A_95[%dma_start3A_96, %dma_start3A_97] : memref<128x128xf32, #tpu.memory_space<vmem>> -> memref<128x128xf32, #tpu.memory_space<vmem>>
      tpu.enqueue_dma source(%dma_start3A_98 : memref<128x128xf32, #tpu.memory_space<vmem>>) target(%dma_start3A_91 : memref<128x128xf32, #tpu.memory_space<vmem_shared>>) target_semaphore(%run_scoped3A_80 : memref<!tpu.dma_semaphore, #tpu.memory_space<semaphore_mem>>)
      %dma_wait3A = arith.constant 0 : i32
      %dma_wait3A_99 = arith.constant 0 : i32
      %dma_wait3A_100 = tpu.memref_slice %arg8[%run_scoped3A, %dma_wait3A, %dma_wait3A_99] : memref<2x128x128xf32, #tpu.memory_space<vmem>> -> memref<1x128x128xf32, #tpu.memory_space<vmem>>
      %dma_wait3A_101 = tpu.memref_squeeze %dma_wait3A_100 : memref<1x128x128xf32, #tpu.memory_space<vmem>> -> memref<128x128xf32, #tpu.memory_space<vmem>>
      %dma_wait3A_102 = arith.constant 0 : i32
      %dma_wait3A_103 = arith.constant 0 : i32
      %dma_wait3A_104 = tpu.memref_slice %dma_wait3A_101[%dma_wait3A_102, %dma_wait3A_103] : memref<128x128xf32, #tpu.memory_space<vmem>> -> memref<128x128xf32, #tpu.memory_space<vmem>>
      %dma_wait3A_105 = arith.constant 0 : i32
      %dma_wait3A_106 = tpu.memref_slice %arg9[%add3A_8, %dma_wait3A_105] : memref<10240x128xf32, #tpu.memory_space<vmem_shared>> -> memref<128x128xf32, #tpu.memory_space<vmem_shared>>
      %dma_wait3A_107 = arith.constant 0 : i32
      %dma_wait3A_108 = tpu.memref_slice %arg9[%add3A_8, %dma_wait3A_107] : memref<10240x128xf32, #tpu.memory_space<vmem_shared>> -> memref<128x128xf32, #tpu.memory_space<vmem_shared>>
      %dma_wait3A_109 = arith.constant 0 : i32
      %dma_wait3A_110 = arith.constant 0 : i32
      %dma_wait3A_111 = tpu.memref_slice %arg8[%run_scoped3A, %dma_wait3A_109, %dma_wait3A_110] : memref<2x128x128xf32, #tpu.memory_space<vmem>> -> memref<1x128x128xf32, #tpu.memory_space<vmem>>
      %dma_wait3A_112 = tpu.memref_squeeze %dma_wait3A_111 : memref<1x128x128xf32, #tpu.memory_space<vmem>> -> memref<128x128xf32, #tpu.memory_space<vmem>>
      %dma_wait3A_113 = arith.constant 0 : i32
      %dma_wait3A_114 = arith.constant 0 : i32
      %dma_wait3A_115 = tpu.memref_slice %dma_wait3A_112[%dma_wait3A_113, %dma_wait3A_114] : memref<128x128xf32, #tpu.memory_space<vmem>> -> memref<128x128xf32, #tpu.memory_space<vmem>>
      tpu.wait_dma2 semaphore(%run_scoped3A_80 : memref<!tpu.dma_semaphore, #tpu.memory_space<semaphore_mem>>) src(%dma_wait3A_115 : memref<128x128xf32, #tpu.memory_space<vmem>>) dst(%dma_wait3A_108 : memref<128x128xf32, #tpu.memory_space<vmem_shared>>)
      tpu.yield
    }) : () -> ()
    %add3A_9 = arith.constant 128 : i32
    %add3A_10 = arith.addi %mul3A_6, %add3A_9 : i32
    %run_scoped3A_11 = arith.constant 0 : i32
    "tpu.region"() ({
      %run_scoped3A_80 = tpu.sem_alloc : memref<!tpu.dma_semaphore, #tpu.memory_space<semaphore_mem>>
      %dma_start3A_81 = arith.constant 0 : i32
      %dma_start3A_82 = arith.constant 0 : i32
      %dma_start3A_83 = tpu.memref_slice %arg8[%run_scoped3A_11, %dma_start3A_81, %dma_start3A_82] : memref<2x128x128xf32, #tpu.memory_space<vmem>> -> memref<1x128x128xf32, #tpu.memory_space<vmem>>
      %dma_start3A_84 = tpu.memref_squeeze %dma_start3A_83 : memref<1x128x128xf32, #tpu.memory_space<vmem>> -> memref<128x128xf32, #tpu.memory_space<vmem>>
      %dma_start3A_85 = arith.constant 0 : i32
      %dma_start3A_86 = arith.constant 0 : i32
      %dma_start3A_87 = tpu.memref_slice %dma_start3A_84[%dma_start3A_85, %dma_start3A_86] : memref<128x128xf32, #tpu.memory_space<vmem>> -> memref<128x128xf32, #tpu.memory_space<vmem>>
      %dma_start3A_88 = arith.constant 0 : i32
      %dma_start3A_89 = tpu.memref_slice %arg9[%add3A_10, %dma_start3A_88] : memref<10240x128xf32, #tpu.memory_space<vmem_shared>> -> memref<128x128xf32, #tpu.memory_space<vmem_shared>>
      %dma_start3A_90 = arith.constant 0 : i32
      %dma_start3A_91 = tpu.memref_slice %arg9[%add3A_10, %dma_start3A_90] : memref<10240x128xf32, #tpu.memory_space<vmem_shared>> -> memref<128x128xf32, #tpu.memory_space<vmem_shared>>
      %dma_start3A_92 = arith.constant 0 : i32
      %dma_start3A_93 = arith.constant 0 : i32
      %dma_start3A_94 = tpu.memref_slice %arg8[%run_scoped3A_11, %dma_start3A_92, %dma_start3A_93] : memref<2x128x128xf32, #tpu.memory_space<vmem>> -> memref<1x128x128xf32, #tpu.memory_space<vmem>>
      %dma_start3A_95 = tpu.memref_squeeze %dma_start3A_94 : memref<1x128x128xf32, #tpu.memory_space<vmem>> -> memref<128x128xf32, #tpu.memory_space<vmem>>
      %dma_start3A_96 = arith.constant 0 : i32
      %dma_start3A_97 = arith.constant 0 : i32
      %dma_start3A_98 = tpu.memref_slice %dma_start3A_95[%dma_start3A_96, %dma_start3A_97] : memref<128x128xf32, #tpu.memory_space<vmem>> -> memref<128x128xf32, #tpu.memory_space<vmem>>
      tpu.enqueue_dma source(%dma_start3A_98 : memref<128x128xf32, #tpu.memory_space<vmem>>) target(%dma_start3A_91 : memref<128x128xf32, #tpu.memory_space<vmem_shared>>) target_semaphore(%run_scoped3A_80 : memref<!tpu.dma_semaphore, #tpu.memory_space<semaphore_mem>>)
      %dma_wait3A = arith.constant 0 : i32
      %dma_wait3A_99 = arith.constant 0 : i32
      %dma_wait3A_100 = tpu.memref_slice %arg8[%run_scoped3A_11, %dma_wait3A, %dma_wait3A_99] : memref<2x128x128xf32, #tpu.memory_space<vmem>> -> memref<1x128x128xf32, #tpu.memory_space<vmem>>
      %dma_wait3A_101 = tpu.memref_squeeze %dma_wait3A_100 : memref<1x128x128xf32, #tpu.memory_space<vmem>> -> memref<128x128xf32, #tpu.memory_space<vmem>>
      %dma_wait3A_102 = arith.constant 0 : i32
      %dma_wait3A_103 = arith.constant 0 : i32
      %dma_wait3A_104 = tpu.memref_slice %dma_wait3A_101[%dma_wait3A_102, %dma_wait3A_103] : memref<128x128xf32, #tpu.memory_space<vmem>> -> memref<128x128xf32, #tpu.memory_space<vmem>>
      %dma_wait3A_105 = arith.constant 0 : i32
      %dma_wait3A_106 = tpu.memref_slice %arg9[%add3A_10, %dma_wait3A_105] : memref<10240x128xf32, #tpu.memory_space<vmem_shared>> -> memref<128x128xf32, #tpu.memory_space<vmem_shared>>
      %dma_wait3A_107 = arith.constant 0 : i32
      %dma_wait3A_108 = tpu.memref_slice %arg9[%add3A_10, %dma_wait3A_107] : memref<10240x128xf32, #tpu.memory_space<vmem_shared>> -> memref<128x128xf32, #tpu.memory_space<vmem_shared>>
      %dma_wait3A_109 = arith.constant 0 : i32
      %dma_wait3A_110 = arith.constant 0 : i32
      %dma_wait3A_111 = tpu.memref_slice %arg8[%run_scoped3A_11, %dma_wait3A_109, %dma_wait3A_110] : memref<2x128x128xf32, #tpu.memory_space<vmem>> -> memref<1x128x128xf32, #tpu.memory_space<vmem>>
      %dma_wait3A_112 = tpu.memref_squeeze %dma_wait3A_111 : memref<1x128x128xf32, #tpu.memory_space<vmem>> -> memref<128x128xf32, #tpu.memory_space<vmem>>
      %dma_wait3A_113 = arith.constant 0 : i32
      %dma_wait3A_114 = arith.constant 0 : i32
      %dma_wait3A_115 = tpu.memref_slice %dma_wait3A_112[%dma_wait3A_113, %dma_wait3A_114] : memref<128x128xf32, #tpu.memory_space<vmem>> -> memref<128x128xf32, #tpu.memory_space<vmem>>
      tpu.wait_dma2 semaphore(%run_scoped3A_80 : memref<!tpu.dma_semaphore, #tpu.memory_space<semaphore_mem>>) src(%dma_wait3A_115 : memref<128x128xf32, #tpu.memory_space<vmem>>) dst(%dma_wait3A_108 : memref<128x128xf32, #tpu.memory_space<vmem_shared>>)
      tpu.yield
    }) : () -> ()
    %add3A_12 = arith.constant 256 : i32
    %add3A_13 = arith.addi %mul3A_6, %add3A_12 : i32
    %run_scoped3A_14 = arith.constant 0 : i32
    "tpu.region"() ({
      %run_scoped3A_80 = tpu.sem_alloc : memref<!tpu.dma_semaphore, #tpu.memory_space<semaphore_mem>>
      %dma_start3A_81 = arith.constant 0 : i32
      %dma_start3A_82 = arith.constant 0 : i32
      %dma_start3A_83 = tpu.memref_slice %arg8[%run_scoped3A_14, %dma_start3A_81, %dma_start3A_82] : memref<2x128x128xf32, #tpu.memory_space<vmem>> -> memref<1x128x128xf32, #tpu.memory_space<vmem>>
      %dma_start3A_84 = tpu.memref_squeeze %dma_start3A_83 : memref<1x128x128xf32, #tpu.memory_space<vmem>> -> memref<128x128xf32, #tpu.memory_space<vmem>>
      %dma_start3A_85 = arith.constant 0 : i32
      %dma_start3A_86 = arith.constant 0 : i32
      %dma_start3A_87 = tpu.memref_slice %dma_start3A_84[%dma_start3A_85, %dma_start3A_86] : memref<128x128xf32, #tpu.memory_space<vmem>> -> memref<128x128xf32, #tpu.memory_space<vmem>>
      %dma_start3A_88 = arith.constant 0 : i32
      %dma_start3A_89 = tpu.memref_slice %arg9[%add3A_13, %dma_start3A_88] : memref<10240x128xf32, #tpu.memory_space<vmem_shared>> -> memref<128x128xf32, #tpu.memory_space<vmem_shared>>
      %dma_start3A_90 = arith.constant 0 : i32
      %dma_start3A_91 = tpu.memref_slice %arg9[%add3A_13, %dma_start3A_90] : memref<10240x128xf32, #tpu.memory_space<vmem_shared>> -> memref<128x128xf32, #tpu.memory_space<vmem_shared>>
      %dma_start3A_92 = arith.constant 0 : i32
      %dma_start3A_93 = arith.constant 0 : i32
      %dma_start3A_94 = tpu.memref_slice %arg8[%run_scoped3A_14, %dma_start3A_92, %dma_start3A_93] : memref<2x128x128xf32, #tpu.memory_space<vmem>> -> memref<1x128x128xf32, #tpu.memory_space<vmem>>
      %dma_start3A_95 = tpu.memref_squeeze %dma_start3A_94 : memref<1x128x128xf32, #tpu.memory_space<vmem>> -> memref<128x128xf32, #tpu.memory_space<vmem>>
      %dma_start3A_96 = arith.constant 0 : i32
      %dma_start3A_97 = arith.constant 0 : i32
      %dma_start3A_98 = tpu.memref_slice %dma_start3A_95[%dma_start3A_96, %dma_start3A_97] : memref<128x128xf32, #tpu.memory_space<vmem>> -> memref<128x128xf32, #tpu.memory_space<vmem>>
      tpu.enqueue_dma source(%dma_start3A_98 : memref<128x128xf32, #tpu.memory_space<vmem>>) target(%dma_start3A_91 : memref<128x128xf32, #tpu.memory_space<vmem_shared>>) target_semaphore(%run_scoped3A_80 : memref<!tpu.dma_semaphore, #tpu.memory_space<semaphore_mem>>)
      %dma_wait3A = arith.constant 0 : i32
      %dma_wait3A_99 = arith.constant 0 : i32
      %dma_wait3A_100 = tpu.memref_slice %arg8[%run_scoped3A_14, %dma_wait3A, %dma_wait3A_99] : memref<2x128x128xf32, #tpu.memory_space<vmem>> -> memref<1x128x128xf32, #tpu.memory_space<vmem>>
      %dma_wait3A_101 = tpu.memref_squeeze %dma_wait3A_100 : memref<1x128x128xf32, #tpu.memory_space<vmem>> -> memref<128x128xf32, #tpu.memory_space<vmem>>
      %dma_wait3A_102 = arith.constant 0 : i32
      %dma_wait3A_103 = arith.constant 0 : i32
      %dma_wait3A_104 = tpu.memref_slice %dma_wait3A_101[%dma_wait3A_102, %dma_wait3A_103] : memref<128x128xf32, #tpu.memory_space<vmem>> -> memref<128x128xf32, #tpu.memory_space<vmem>>
      %dma_wait3A_105 = arith.constant 0 : i32
      %dma_wait3A_106 = tpu.memref_slice %arg9[%add3A_13, %dma_wait3A_105] : memref<10240x128xf32, #tpu.memory_space<vmem_shared>> -> memref<128x128xf32, #tpu.memory_space<vmem_shared>>
      %dma_wait3A_107 = arith.constant 0 : i32
      %dma_wait3A_108 = tpu.memref_slice %arg9[%add3A_13, %dma_wait3A_107] : memref<10240x128xf32, #tpu.memory_space<vmem_shared>> -> memref<128x128xf32, #tpu.memory_space<vmem_shared>>
      %dma_wait3A_109 = arith.constant 0 : i32
      %dma_wait3A_110 = arith.constant 0 : i32
      %dma_wait3A_111 = tpu.memref_slice %arg8[%run_scoped3A_14, %dma_wait3A_109, %dma_wait3A_110] : memref<2x128x128xf32, #tpu.memory_space<vmem>> -> memref<1x128x128xf32, #tpu.memory_space<vmem>>
      %dma_wait3A_112 = tpu.memref_squeeze %dma_wait3A_111 : memref<1x128x128xf32, #tpu.memory_space<vmem>> -> memref<128x128xf32, #tpu.memory_space<vmem>>
      %dma_wait3A_113 = arith.constant 0 : i32
      %dma_wait3A_114 = arith.constant 0 : i32
      %dma_wait3A_115 = tpu.memref_slice %dma_wait3A_112[%dma_wait3A_113, %dma_wait3A_114] : memref<128x128xf32, #tpu.memory_space<vmem>> -> memref<128x128xf32, #tpu.memory_space<vmem>>
      tpu.wait_dma2 semaphore(%run_scoped3A_80 : memref<!tpu.dma_semaphore, #tpu.memory_space<semaphore_mem>>) src(%dma_wait3A_115 : memref<128x128xf32, #tpu.memory_space<vmem>>) dst(%dma_wait3A_108 : memref<128x128xf32, #tpu.memory_space<vmem_shared>>)
      tpu.yield
    }) : () -> ()
    %add3A_15 = arith.constant 384 : i32
    %add3A_16 = arith.addi %mul3A_6, %add3A_15 : i32
    %run_scoped3A_17 = arith.constant 0 : i32
    "tpu.region"() ({
      %run_scoped3A_80 = tpu.sem_alloc : memref<!tpu.dma_semaphore, #tpu.memory_space<semaphore_mem>>
      %dma_start3A_81 = arith.constant 0 : i32
      %dma_start3A_82 = arith.constant 0 : i32
      %dma_start3A_83 = tpu.memref_slice %arg8[%run_scoped3A_17, %dma_start3A_81, %dma_start3A_82] : memref<2x128x128xf32, #tpu.memory_space<vmem>> -> memref<1x128x128xf32, #tpu.memory_space<vmem>>
      %dma_start3A_84 = tpu.memref_squeeze %dma_start3A_83 : memref<1x128x128xf32, #tpu.memory_space<vmem>> -> memref<128x128xf32, #tpu.memory_space<vmem>>
      %dma_start3A_85 = arith.constant 0 : i32
      %dma_start3A_86 = arith.constant 0 : i32
      %dma_start3A_87 = tpu.memref_slice %dma_start3A_84[%dma_start3A_85, %dma_start3A_86] : memref<128x128xf32, #tpu.memory_space<vmem>> -> memref<128x128xf32, #tpu.memory_space<vmem>>
      %dma_start3A_88 = arith.constant 0 : i32
      %dma_start3A_89 = tpu.memref_slice %arg9[%add3A_16, %dma_start3A_88] : memref<10240x128xf32, #tpu.memory_space<vmem_shared>> -> memref<128x128xf32, #tpu.memory_space<vmem_shared>>
      %dma_start3A_90 = arith.constant 0 : i32
      %dma_start3A_91 = tpu.memref_slice %arg9[%add3A_16, %dma_start3A_90] : memref<10240x128xf32, #tpu.memory_space<vmem_shared>> -> memref<128x128xf32, #tpu.memory_space<vmem_shared>>
      %dma_start3A_92 = arith.constant 0 : i32
      %dma_start3A_93 = arith.constant 0 : i32
      %dma_start3A_94 = tpu.memref_slice %arg8[%run_scoped3A_17, %dma_start3A_92, %dma_start3A_93] : memref<2x128x128xf32, #tpu.memory_space<vmem>> -> memref<1x128x128xf32, #tpu.memory_space<vmem>>
      %dma_start3A_95 = tpu.memref_squeeze %dma_start3A_94 : memref<1x128x128xf32, #tpu.memory_space<vmem>> -> memref<128x128xf32, #tpu.memory_space<vmem>>
      %dma_start3A_96 = arith.constant 0 : i32
      %dma_start3A_97 = arith.constant 0 : i32
      %dma_start3A_98 = tpu.memref_slice %dma_start3A_95[%dma_start3A_96, %dma_start3A_97] : memref<128x128xf32, #tpu.memory_space<vmem>> -> memref<128x128xf32, #tpu.memory_space<vmem>>
      tpu.enqueue_dma source(%dma_start3A_98 : memref<128x128xf32, #tpu.memory_space<vmem>>) target(%dma_start3A_91 : memref<128x128xf32, #tpu.memory_space<vmem_shared>>) target_semaphore(%run_scoped3A_80 : memref<!tpu.dma_semaphore, #tpu.memory_space<semaphore_mem>>)
      %dma_wait3A = arith.constant 0 : i32
      %dma_wait3A_99 = arith.constant 0 : i32
      %dma_wait3A_100 = tpu.memref_slice %arg8[%run_scoped3A_17, %dma_wait3A, %dma_wait3A_99] : memref<2x128x128xf32, #tpu.memory_space<vmem>> -> memref<1x128x128xf32, #tpu.memory_space<vmem>>
      %dma_wait3A_101 = tpu.memref_squeeze %dma_wait3A_100 : memref<1x128x128xf32, #tpu.memory_space<vmem>> -> memref<128x128xf32, #tpu.memory_space<vmem>>
      %dma_wait3A_102 = arith.constant 0 : i32
      %dma_wait3A_103 = arith.constant 0 : i32
      %dma_wait3A_104 = tpu.memref_slice %dma_wait3A_101[%dma_wait3A_102, %dma_wait3A_103] : memref<128x128xf32, #tpu.memory_space<vmem>> -> memref<128x128xf32, #tpu.memory_space<vmem>>
      %dma_wait3A_105 = arith.constant 0 : i32
      %dma_wait3A_106 = tpu.memref_slice %arg9[%add3A_16, %dma_wait3A_105] : memref<10240x128xf32, #tpu.memory_space<vmem_shared>> -> memref<128x128xf32, #tpu.memory_space<vmem_shared>>
      %dma_wait3A_107 = arith.constant 0 : i32
      %dma_wait3A_108 = tpu.memref_slice %arg9[%add3A_16, %dma_wait3A_107] : memref<10240x128xf32, #tpu.memory_space<vmem_shared>> -> memref<128x128xf32, #tpu.memory_space<vmem_shared>>
      %dma_wait3A_109 = arith.constant 0 : i32
      %dma_wait3A_110 = arith.constant 0 : i32
      %dma_wait3A_111 = tpu.memref_slice %arg8[%run_scoped3A_17, %dma_wait3A_109, %dma_wait3A_110] : memref<2x128x128xf32, #tpu.memory_space<vmem>> -> memref<1x128x128xf32, #tpu.memory_space<vmem>>
      %dma_wait3A_112 = tpu.memref_squeeze %dma_wait3A_111 : memref<1x128x128xf32, #tpu.memory_space<vmem>> -> memref<128x128xf32, #tpu.memory_space<vmem>>
      %dma_wait3A_113 = arith.constant 0 : i32
      %dma_wait3A_114 = arith.constant 0 : i32
      %dma_wait3A_115 = tpu.memref_slice %dma_wait3A_112[%dma_wait3A_113, %dma_wait3A_114] : memref<128x128xf32, #tpu.memory_space<vmem>> -> memref<128x128xf32, #tpu.memory_space<vmem>>
      tpu.wait_dma2 semaphore(%run_scoped3A_80 : memref<!tpu.dma_semaphore, #tpu.memory_space<semaphore_mem>>) src(%dma_wait3A_115 : memref<128x128xf32, #tpu.memory_space<vmem>>) dst(%dma_wait3A_108 : memref<128x128xf32, #tpu.memory_space<vmem_shared>>)
      tpu.yield
    }) : () -> ()
    %add3A_18 = arith.constant 512 : i32
    %add3A_19 = arith.addi %mul3A_6, %add3A_18 : i32
    %run_scoped3A_20 = arith.constant 0 : i32
    "tpu.region"() ({
      %run_scoped3A_80 = tpu.sem_alloc : memref<!tpu.dma_semaphore, #tpu.memory_space<semaphore_mem>>
      %dma_start3A_81 = arith.constant 0 : i32
      %dma_start3A_82 = arith.constant 0 : i32
      %dma_start3A_83 = tpu.memref_slice %arg8[%run_scoped3A_20, %dma_start3A_81, %dma_start3A_82] : memref<2x128x128xf32, #tpu.memory_space<vmem>> -> memref<1x128x128xf32, #tpu.memory_space<vmem>>
      %dma_start3A_84 = tpu.memref_squeeze %dma_start3A_83 : memref<1x128x128xf32, #tpu.memory_space<vmem>> -> memref<128x128xf32, #tpu.memory_space<vmem>>
      %dma_start3A_85 = arith.constant 0 : i32
      %dma_start3A_86 = arith.constant 0 : i32
      %dma_start3A_87 = tpu.memref_slice %dma_start3A_84[%dma_start3A_85, %dma_start3A_86] : memref<128x128xf32, #tpu.memory_space<vmem>> -> memref<128x128xf32, #tpu.memory_space<vmem>>
      %dma_start3A_88 = arith.constant 0 : i32
      %dma_start3A_89 = tpu.memref_slice %arg9[%add3A_19, %dma_start3A_88] : memref<10240x128xf32, #tpu.memory_space<vmem_shared>> -> memref<128x128xf32, #tpu.memory_space<vmem_shared>>
      %dma_start3A_90 = arith.constant 0 : i32
      %dma_start3A_91 = tpu.memref_slice %arg9[%add3A_19, %dma_start3A_90] : memref<10240x128xf32, #tpu.memory_space<vmem_shared>> -> memref<128x128xf32, #tpu.memory_space<vmem_shared>>
      %dma_start3A_92 = arith.constant 0 : i32
      %dma_start3A_93 = arith.constant 0 : i32
      %dma_start3A_94 = tpu.memref_slice %arg8[%run_scoped3A_20, %dma_start3A_92, %dma_start3A_93] : memref<2x128x128xf32, #tpu.memory_space<vmem>> -> memref<1x128x128xf32, #tpu.memory_space<vmem>>
      %dma_start3A_95 = tpu.memref_squeeze %dma_start3A_94 : memref<1x128x128xf32, #tpu.memory_space<vmem>> -> memref<128x128xf32, #tpu.memory_space<vmem>>
      %dma_start3A_96 = arith.constant 0 : i32
      %dma_start3A_97 = arith.constant 0 : i32
      %dma_start3A_98 = tpu.memref_slice %dma_start3A_95[%dma_start3A_96, %dma_start3A_97] : memref<128x128xf32, #tpu.memory_space<vmem>> -> memref<128x128xf32, #tpu.memory_space<vmem>>
      tpu.enqueue_dma source(%dma_start3A_98 : memref<128x128xf32, #tpu.memory_space<vmem>>) target(%dma_start3A_91 : memref<128x128xf32, #tpu.memory_space<vmem_shared>>) target_semaphore(%run_scoped3A_80 : memref<!tpu.dma_semaphore, #tpu.memory_space<semaphore_mem>>)
      %dma_wait3A = arith.constant 0 : i32
      %dma_wait3A_99 = arith.constant 0 : i32
      %dma_wait3A_100 = tpu.memref_slice %arg8[%run_scoped3A_20, %dma_wait3A, %dma_wait3A_99] : memref<2x128x128xf32, #tpu.memory_space<vmem>> -> memref<1x128x128xf32, #tpu.memory_space<vmem>>
      %dma_wait3A_101 = tpu.memref_squeeze %dma_wait3A_100 : memref<1x128x128xf32, #tpu.memory_space<vmem>> -> memref<128x128xf32, #tpu.memory_space<vmem>>
      %dma_wait3A_102 = arith.constant 0 : i32
      %dma_wait3A_103 = arith.constant 0 : i32
      %dma_wait3A_104 = tpu.memref_slice %dma_wait3A_101[%dma_wait3A_102, %dma_wait3A_103] : memref<128x128xf32, #tpu.memory_space<vmem>> -> memref<128x128xf32, #tpu.memory_space<vmem>>
      %dma_wait3A_105 = arith.constant 0 : i32
      %dma_wait3A_106 = tpu.memref_slice %arg9[%add3A_19, %dma_wait3A_105] : memref<10240x128xf32, #tpu.memory_space<vmem_shared>> -> memref<128x128xf32, #tpu.memory_space<vmem_shared>>
      %dma_wait3A_107 = arith.constant 0 : i32
      %dma_wait3A_108 = tpu.memref_slice %arg9[%add3A_19, %dma_wait3A_107] : memref<10240x128xf32, #tpu.memory_space<vmem_shared>> -> memref<128x128xf32, #tpu.memory_space<vmem_shared>>
      %dma_wait3A_109 = arith.constant 0 : i32
      %dma_wait3A_110 = arith.constant 0 : i32
      %dma_wait3A_111 = tpu.memref_slice %arg8[%run_scoped3A_20, %dma_wait3A_109, %dma_wait3A_110] : memref<2x128x128xf32, #tpu.memory_space<vmem>> -> memref<1x128x128xf32, #tpu.memory_space<vmem>>
      %dma_wait3A_112 = tpu.memref_squeeze %dma_wait3A_111 : memref<1x128x128xf32, #tpu.memory_space<vmem>> -> memref<128x128xf32, #tpu.memory_space<vmem>>
      %dma_wait3A_113 = arith.constant 0 : i32
      %dma_wait3A_114 = arith.constant 0 : i32
      %dma_wait3A_115 = tpu.memref_slice %dma_wait3A_112[%dma_wait3A_113, %dma_wait3A_114] : memref<128x128xf32, #tpu.memory_space<vmem>> -> memref<128x128xf32, #tpu.memory_space<vmem>>
      tpu.wait_dma2 semaphore(%run_scoped3A_80 : memref<!tpu.dma_semaphore, #tpu.memory_space<semaphore_mem>>) src(%dma_wait3A_115 : memref<128x128xf32, #tpu.memory_space<vmem>>) dst(%dma_wait3A_108 : memref<128x128xf32, #tpu.memory_space<vmem_shared>>)
      tpu.yield
    }) : () -> ()
    %barrier3A = arith.constant 0 : index
    tpu.barrier barrier_id(%barrier3A)
    %dma_start3A = arith.constant 0 : i32
    %dma_start3A_21 = arith.constant 0 : i32
    %dma_start3A_22 = arith.constant 0 : i32
    %dma_start3A_23 = arith.constant 0 : i32
    %dma_start3A_24 = tpu.memref_slice %arg8[%dma_start3A_21, %dma_start3A_22, %dma_start3A_23] : memref<2x128x128xf32, #tpu.memory_space<vmem>> -> memref<1x128x128xf32, #tpu.memory_space<vmem>>
    %dma_start3A_25 = tpu.memref_squeeze %dma_start3A_24 : memref<1x128x128xf32, #tpu.memory_space<vmem>> -> memref<128x128xf32, #tpu.memory_space<vmem>>
    %dma_start3A_26 = arith.constant 0 : i32
    %dma_start3A_27 = tpu.memref_slice %arg6[%dma_start3A, %dma_start3A_26] : memref<40x128xi32, #tpu.memory_space<vmem>> -> memref<1x128xi32, #tpu.memory_space<vmem>>
    %dma_start3A_28 = tpu.memref_squeeze %dma_start3A_27 : memref<1x128xi32, #tpu.memory_space<vmem>> -> memref<128xi32, #tpu.memory_space<vmem>>
    %dma_start3A_29 = arith.constant 0 : i32
    %dma_start3A_30 = arith.constant 0 : i32
    %dma_start3A_31 = tpu.memref_slice %arg2[%dma_start3A_29, %dma_start3A_30] : memref<10000x128xf32, #tpu.memory_space<hbm>> -> memref<10000x128xf32, #tpu.memory_space<hbm>>
    tpu.enqueue_indirect_dma source(%dma_start3A_31 : memref<10000x128xf32, #tpu.memory_space<hbm>>) target(%dma_start3A_25 : memref<128x128xf32, #tpu.memory_space<vmem>>) offsets(%dma_start3A_28 : memref<128xi32, #tpu.memory_space<vmem>>) semaphore(%arg10 : memref<!tpu.dma_semaphore, #tpu.memory_space<semaphore_mem>>)
    %dma_start3A_32 = arith.constant 1 : i32
    %dma_start3A_33 = arith.constant 1 : i32
    %dma_start3A_34 = arith.constant 0 : i32
    %dma_start3A_35 = arith.constant 0 : i32
    %dma_start3A_36 = tpu.memref_slice %arg8[%dma_start3A_33, %dma_start3A_34, %dma_start3A_35] : memref<2x128x128xf32, #tpu.memory_space<vmem>> -> memref<1x128x128xf32, #tpu.memory_space<vmem>>
    %dma_start3A_37 = tpu.memref_squeeze %dma_start3A_36 : memref<1x128x128xf32, #tpu.memory_space<vmem>> -> memref<128x128xf32, #tpu.memory_space<vmem>>
    %dma_start3A_38 = arith.constant 0 : i32
    %dma_start3A_39 = tpu.memref_slice %arg6[%dma_start3A_32, %dma_start3A_38] : memref<40x128xi32, #tpu.memory_space<vmem>> -> memref<1x128xi32, #tpu.memory_space<vmem>>
    %dma_start3A_40 = tpu.memref_squeeze %dma_start3A_39 : memref<1x128xi32, #tpu.memory_space<vmem>> -> memref<128xi32, #tpu.memory_space<vmem>>
    %dma_start3A_41 = arith.constant 0 : i32
    %dma_start3A_42 = arith.constant 0 : i32
    %dma_start3A_43 = tpu.memref_slice %arg2[%dma_start3A_41, %dma_start3A_42] : memref<10000x128xf32, #tpu.memory_space<hbm>> -> memref<10000x128xf32, #tpu.memory_space<hbm>>
    tpu.enqueue_indirect_dma source(%dma_start3A_43 : memref<10000x128xf32, #tpu.memory_space<hbm>>) target(%dma_start3A_37 : memref<128x128xf32, #tpu.memory_space<vmem>>) offsets(%dma_start3A_40 : memref<128xi32, #tpu.memory_space<vmem>>) semaphore(%arg11 : memref<!tpu.dma_semaphore, #tpu.memory_space<semaphore_mem>>)
    %scan3A_44 = arith.constant 0 : i32
    %scan3A_45 = arith.constant 20 : i32
    %scan3A_46 = arith.addi %scan3A_44, %scan3A_45 : i32
    %scan3A_47 = arith.constant 1 : i32
    scf.for %scan3A_80 = %scan3A_44 to %scan3A_46 step %scan3A_47  : i32 {
      %mul3A_81 = arith.constant 2 : i32
      %mul3A_82 = arith.muli %scan3A_80, %mul3A_81 : i32
      %add3A_83 = arith.constant 0 : i32
      %add3A_84 = arith.addi %add3A_83, %mul3A_82 : i32
      %dma_wait3A = arith.constant 0 : i32
      %dma_wait3A_85 = arith.constant 0 : i32
      %dma_wait3A_86 = arith.constant 0 : i32
      %dma_wait3A_87 = tpu.memref_slice %arg8[%dma_wait3A, %dma_wait3A_85, %dma_wait3A_86] : memref<2x128x128xf32, #tpu.memory_space<vmem>> -> memref<1x128x128xf32, #tpu.memory_space<vmem>>
      %dma_wait3A_88 = tpu.memref_squeeze %dma_wait3A_87 : memref<1x128x128xf32, #tpu.memory_space<vmem>> -> memref<128x128xf32, #tpu.memory_space<vmem>>
      %dma_wait3A_89 = arith.constant 0 : i32
      %dma_wait3A_90 = tpu.memref_slice %arg6[%add3A_84, %dma_wait3A_89] : memref<40x128xi32, #tpu.memory_space<vmem>> -> memref<1x128xi32, #tpu.memory_space<vmem>>
      %dma_wait3A_91 = tpu.memref_squeeze %dma_wait3A_90 : memref<1x128xi32, #tpu.memory_space<vmem>> -> memref<128xi32, #tpu.memory_space<vmem>>
      %dma_wait3A_92 = arith.constant 0 : i32
      %dma_wait3A_93 = arith.constant 0 : i32
      %dma_wait3A_94 = tpu.memref_slice %arg2[%dma_wait3A_92, %dma_wait3A_93] : memref<10000x128xf32, #tpu.memory_space<hbm>> -> memref<10000x128xf32, #tpu.memory_space<hbm>>
      tpu.wait_indirect_dma semaphore(%arg10 : memref<!tpu.dma_semaphore, #tpu.memory_space<semaphore_mem>>) src(%dma_wait3A_94 : memref<10000x128xf32, #tpu.memory_space<hbm>>) dst(%dma_wait3A_88 : memref<128x128xf32, #tpu.memory_space<vmem>>)
      %run_scoped3A_95 = arith.constant 0 : i32
      "tpu.region"() ({
        %run_scoped3A_123 = tpu.sem_alloc : memref<!tpu.dma_semaphore, #tpu.memory_space<semaphore_mem>>
        %dma_start3A_124 = arith.constant 0 : i32
        %dma_start3A_125 = arith.constant 0 : i32
        %dma_start3A_126 = tpu.memref_slice %arg8[%run_scoped3A_95, %dma_start3A_124, %dma_start3A_125] : memref<2x128x128xf32, #tpu.memory_space<vmem>> -> memref<1x128x128xf32, #tpu.memory_space<vmem>>
        %dma_start3A_127 = tpu.memref_squeeze %dma_start3A_126 : memref<1x128x128xf32, #tpu.memory_space<vmem>> -> memref<128x128xf32, #tpu.memory_space<vmem>>
        %dma_start3A_128 = arith.constant 0 : i32
        %dma_start3A_129 = tpu.memref_slice %arg7[%add3A_84, %dma_start3A_128] : memref<40x128xi32, #tpu.memory_space<vmem>> -> memref<1x128xi32, #tpu.memory_space<vmem>>
        %dma_start3A_130 = tpu.memref_squeeze %dma_start3A_129 : memref<1x128xi32, #tpu.memory_space<vmem>> -> memref<128xi32, #tpu.memory_space<vmem>>
        %dma_start3A_131 = arith.constant 0 : i32
        %dma_start3A_132 = arith.constant 0 : i32
        %dma_start3A_133 = tpu.memref_slice %arg9[%dma_start3A_131, %dma_start3A_132] : memref<10240x128xf32, #tpu.memory_space<vmem_shared>> -> memref<10240x128xf32, #tpu.memory_space<vmem_shared>>
        tpu.enqueue_indirect_dma source(%dma_start3A_127 : memref<128x128xf32, #tpu.memory_space<vmem>>) target(%dma_start3A_133 : memref<10240x128xf32, #tpu.memory_space<vmem_shared>>) offsets(%dma_start3A_130 : memref<128xi32, #tpu.memory_space<vmem>>) semaphore(%run_scoped3A_123 : memref<!tpu.dma_semaphore, #tpu.memory_space<semaphore_mem>>) {add = true}
        %dma_wait3A_134 = arith.constant 0 : i32
        %dma_wait3A_135 = arith.constant 0 : i32
        %dma_wait3A_136 = tpu.memref_slice %arg8[%run_scoped3A_95, %dma_wait3A_134, %dma_wait3A_135] : memref<2x128x128xf32, #tpu.memory_space<vmem>> -> memref<1x128x128xf32, #tpu.memory_space<vmem>>
        %dma_wait3A_137 = tpu.memref_squeeze %dma_wait3A_136 : memref<1x128x128xf32, #tpu.memory_space<vmem>> -> memref<128x128xf32, #tpu.memory_space<vmem>>
        %dma_wait3A_138 = arith.constant 0 : i32
        %dma_wait3A_139 = tpu.memref_slice %arg7[%add3A_84, %dma_wait3A_138] : memref<40x128xi32, #tpu.memory_space<vmem>> -> memref<1x128xi32, #tpu.memory_space<vmem>>
        %dma_wait3A_140 = tpu.memref_squeeze %dma_wait3A_139 : memref<1x128xi32, #tpu.memory_space<vmem>> -> memref<128xi32, #tpu.memory_space<vmem>>
        %dma_wait3A_141 = arith.constant 0 : i32
        %dma_wait3A_142 = arith.constant 0 : i32
        %dma_wait3A_143 = tpu.memref_slice %arg9[%dma_wait3A_141, %dma_wait3A_142] : memref<10240x128xf32, #tpu.memory_space<vmem_shared>> -> memref<10240x128xf32, #tpu.memory_space<vmem_shared>>
        tpu.wait_indirect_dma semaphore(%run_scoped3A_123 : memref<!tpu.dma_semaphore, #tpu.memory_space<semaphore_mem>>) src(%dma_wait3A_137 : memref<128x128xf32, #tpu.memory_space<vmem>>) dst(%dma_wait3A_143 : memref<10240x128xf32, #tpu.memory_space<vmem_shared>>)
        tpu.yield
      }) : () -> ()
      %add3A_96 = arith.constant 2 : i32
      %add3A_97 = arith.addi %add3A_84, %add3A_96 : i32
      %lt3A = arith.constant 40 : i32
      %lt3A_98 = arith.cmpi slt, %add3A_97, %lt3A : i32
      %convert_element_type3A = arith.extui %lt3A_98 : i1 to i32
      %cond3A = arith.constant 0 : i32
      %cond3A_99 = arith.cmpi ne, %convert_element_type3A, %cond3A : i32
      scf.if %cond3A_99 {
        %add3A_123 = arith.constant 2 : i32
        %add3A_124 = arith.addi %add3A_84, %add3A_123 : i32
        %dma_start3A_125 = arith.constant 0 : i32
        %dma_start3A_126 = arith.constant 0 : i32
        %dma_start3A_127 = arith.constant 0 : i32
        %dma_start3A_128 = tpu.memref_slice %arg8[%dma_start3A_125, %dma_start3A_126, %dma_start3A_127] : memref<2x128x128xf32, #tpu.memory_space<vmem>> -> memref<1x128x128xf32, #tpu.memory_space<vmem>>
        %dma_start3A_129 = tpu.memref_squeeze %dma_start3A_128 : memref<1x128x128xf32, #tpu.memory_space<vmem>> -> memref<128x128xf32, #tpu.memory_space<vmem>>
        %dma_start3A_130 = arith.constant 0 : i32
        %dma_start3A_131 = tpu.memref_slice %arg6[%add3A_124, %dma_start3A_130] : memref<40x128xi32, #tpu.memory_space<vmem>> -> memref<1x128xi32, #tpu.memory_space<vmem>>
        %dma_start3A_132 = tpu.memref_squeeze %dma_start3A_131 : memref<1x128xi32, #tpu.memory_space<vmem>> -> memref<128xi32, #tpu.memory_space<vmem>>
        %dma_start3A_133 = arith.constant 0 : i32
        %dma_start3A_134 = arith.constant 0 : i32
        %dma_start3A_135 = tpu.memref_slice %arg2[%dma_start3A_133, %dma_start3A_134] : memref<10000x128xf32, #tpu.memory_space<hbm>> -> memref<10000x128xf32, #tpu.memory_space<hbm>>
        tpu.enqueue_indirect_dma source(%dma_start3A_135 : memref<10000x128xf32, #tpu.memory_space<hbm>>) target(%dma_start3A_129 : memref<128x128xf32, #tpu.memory_space<vmem>>) offsets(%dma_start3A_132 : memref<128xi32, #tpu.memory_space<vmem>>) semaphore(%arg10 : memref<!tpu.dma_semaphore, #tpu.memory_space<semaphore_mem>>)
      } else {
      }
      %add3A_100 = arith.constant 1 : i32
      %add3A_101 = arith.addi %add3A_84, %add3A_100 : i32
      %dma_wait3A_102 = arith.constant 1 : i32
      %dma_wait3A_103 = arith.constant 0 : i32
      %dma_wait3A_104 = arith.constant 0 : i32
      %dma_wait3A_105 = tpu.memref_slice %arg8[%dma_wait3A_102, %dma_wait3A_103, %dma_wait3A_104] : memref<2x128x128xf32, #tpu.memory_space<vmem>> -> memref<1x128x128xf32, #tpu.memory_space<vmem>>
      %dma_wait3A_106 = tpu.memref_squeeze %dma_wait3A_105 : memref<1x128x128xf32, #tpu.memory_space<vmem>> -> memref<128x128xf32, #tpu.memory_space<vmem>>
      %dma_wait3A_107 = arith.constant 0 : i32
      %dma_wait3A_108 = tpu.memref_slice %arg6[%add3A_101, %dma_wait3A_107] : memref<40x128xi32, #tpu.memory_space<vmem>> -> memref<1x128xi32, #tpu.memory_space<vmem>>
      %dma_wait3A_109 = tpu.memref_squeeze %dma_wait3A_108 : memref<1x128xi32, #tpu.memory_space<vmem>> -> memref<128xi32, #tpu.memory_space<vmem>>
      %dma_wait3A_110 = arith.constant 0 : i32
      %dma_wait3A_111 = arith.constant 0 : i32
      %dma_wait3A_112 = tpu.memref_slice %arg2[%dma_wait3A_110, %dma_wait3A_111] : memref<10000x128xf32, #tpu.memory_space<hbm>> -> memref<10000x128xf32, #tpu.memory_space<hbm>>
      tpu.wait_indirect_dma semaphore(%arg11 : memref<!tpu.dma_semaphore, #tpu.memory_space<semaphore_mem>>) src(%dma_wait3A_112 : memref<10000x128xf32, #tpu.memory_space<hbm>>) dst(%dma_wait3A_106 : memref<128x128xf32, #tpu.memory_space<vmem>>)
      %add3A_113 = arith.constant 1 : i32
      %add3A_114 = arith.addi %add3A_84, %add3A_113 : i32
      %run_scoped3A_115 = arith.constant 1 : i32
      "tpu.region"() ({
        %run_scoped3A_123 = tpu.sem_alloc : memref<!tpu.dma_semaphore, #tpu.memory_space<semaphore_mem>>
        %dma_start3A_124 = arith.constant 0 : i32
        %dma_start3A_125 = arith.constant 0 : i32
        %dma_start3A_126 = tpu.memref_slice %arg8[%run_scoped3A_115, %dma_start3A_124, %dma_start3A_125] : memref<2x128x128xf32, #tpu.memory_space<vmem>> -> memref<1x128x128xf32, #tpu.memory_space<vmem>>
        %dma_start3A_127 = tpu.memref_squeeze %dma_start3A_126 : memref<1x128x128xf32, #tpu.memory_space<vmem>> -> memref<128x128xf32, #tpu.memory_space<vmem>>
        %dma_start3A_128 = arith.constant 0 : i32
        %dma_start3A_129 = tpu.memref_slice %arg7[%add3A_114, %dma_start3A_128] : memref<40x128xi32, #tpu.memory_space<vmem>> -> memref<1x128xi32, #tpu.memory_space<vmem>>
        %dma_start3A_130 = tpu.memref_squeeze %dma_start3A_129 : memref<1x128xi32, #tpu.memory_space<vmem>> -> memref<128xi32, #tpu.memory_space<vmem>>
        %dma_start3A_131 = arith.constant 0 : i32
        %dma_start3A_132 = arith.constant 0 : i32
        %dma_start3A_133 = tpu.memref_slice %arg9[%dma_start3A_131, %dma_start3A_132] : memref<10240x128xf32, #tpu.memory_space<vmem_shared>> -> memref<10240x128xf32, #tpu.memory_space<vmem_shared>>
        tpu.enqueue_indirect_dma source(%dma_start3A_127 : memref<128x128xf32, #tpu.memory_space<vmem>>) target(%dma_start3A_133 : memref<10240x128xf32, #tpu.memory_space<vmem_shared>>) offsets(%dma_start3A_130 : memref<128xi32, #tpu.memory_space<vmem>>) semaphore(%run_scoped3A_123 : memref<!tpu.dma_semaphore, #tpu.memory_space<semaphore_mem>>) {add = true}
        %dma_wait3A_134 = arith.constant 0 : i32
        %dma_wait3A_135 = arith.constant 0 : i32
        %dma_wait3A_136 = tpu.memref_slice %arg8[%run_scoped3A_115, %dma_wait3A_134, %dma_wait3A_135] : memref<2x128x128xf32, #tpu.memory_space<vmem>> -> memref<1x128x128xf32, #tpu.memory_space<vmem>>
        %dma_wait3A_137 = tpu.memref_squeeze %dma_wait3A_136 : memref<1x128x128xf32, #tpu.memory_space<vmem>> -> memref<128x128xf32, #tpu.memory_space<vmem>>
        %dma_wait3A_138 = arith.constant 0 : i32
        %dma_wait3A_139 = tpu.memref_slice %arg7[%add3A_114, %dma_wait3A_138] : memref<40x128xi32, #tpu.memory_space<vmem>> -> memref<1x128xi32, #tpu.memory_space<vmem>>
        %dma_wait3A_140 = tpu.memref_squeeze %dma_wait3A_139 : memref<1x128xi32, #tpu.memory_space<vmem>> -> memref<128xi32, #tpu.memory_space<vmem>>
        %dma_wait3A_141 = arith.constant 0 : i32
        %dma_wait3A_142 = arith.constant 0 : i32
        %dma_wait3A_143 = tpu.memref_slice %arg9[%dma_wait3A_141, %dma_wait3A_142] : memref<10240x128xf32, #tpu.memory_space<vmem_shared>> -> memref<10240x128xf32, #tpu.memory_space<vmem_shared>>
        tpu.wait_indirect_dma semaphore(%run_scoped3A_123 : memref<!tpu.dma_semaphore, #tpu.memory_space<semaphore_mem>>) src(%dma_wait3A_137 : memref<128x128xf32, #tpu.memory_space<vmem>>) dst(%dma_wait3A_143 : memref<10240x128xf32, #tpu.memory_space<vmem_shared>>)
        tpu.yield
      }) : () -> ()
      %add3A_116 = arith.constant 3 : i32
      %add3A_117 = arith.addi %add3A_84, %add3A_116 : i32
      %lt3A_118 = arith.constant 40 : i32
      %lt3A_119 = arith.cmpi slt, %add3A_117, %lt3A_118 : i32
      %convert_element_type3A_120 = arith.extui %lt3A_119 : i1 to i32
      %cond3A_121 = arith.constant 0 : i32
      %cond3A_122 = arith.cmpi ne, %convert_element_type3A_120, %cond3A_121 : i32
      scf.if %cond3A_122 {
        %add3A_123 = arith.constant 3 : i32
        %add3A_124 = arith.addi %add3A_84, %add3A_123 : i32
        %dma_start3A_125 = arith.constant 1 : i32
        %dma_start3A_126 = arith.constant 0 : i32
        %dma_start3A_127 = arith.constant 0 : i32
        %dma_start3A_128 = tpu.memref_slice %arg8[%dma_start3A_125, %dma_start3A_126, %dma_start3A_127] : memref<2x128x128xf32, #tpu.memory_space<vmem>> -> memref<1x128x128xf32, #tpu.memory_space<vmem>>
        %dma_start3A_129 = tpu.memref_squeeze %dma_start3A_128 : memref<1x128x128xf32, #tpu.memory_space<vmem>> -> memref<128x128xf32, #tpu.memory_space<vmem>>
        %dma_start3A_130 = arith.constant 0 : i32
        %dma_start3A_131 = tpu.memref_slice %arg6[%add3A_124, %dma_start3A_130] : memref<40x128xi32, #tpu.memory_space<vmem>> -> memref<1x128xi32, #tpu.memory_space<vmem>>
        %dma_start3A_132 = tpu.memref_squeeze %dma_start3A_131 : memref<1x128xi32, #tpu.memory_space<vmem>> -> memref<128xi32, #tpu.memory_space<vmem>>
        %dma_start3A_133 = arith.constant 0 : i32
        %dma_start3A_134 = arith.constant 0 : i32
        %dma_start3A_135 = tpu.memref_slice %arg2[%dma_start3A_133, %dma_start3A_134] : memref<10000x128xf32, #tpu.memory_space<hbm>> -> memref<10000x128xf32, #tpu.memory_space<hbm>>
        tpu.enqueue_indirect_dma source(%dma_start3A_135 : memref<10000x128xf32, #tpu.memory_space<hbm>>) target(%dma_start3A_129 : memref<128x128xf32, #tpu.memory_space<vmem>>) offsets(%dma_start3A_132 : memref<128xi32, #tpu.memory_space<vmem>>) semaphore(%arg11 : memref<!tpu.dma_semaphore, #tpu.memory_space<semaphore_mem>>)
      } else {
      }
    }
    %scan3A_48 = arith.constant 20 : i32
    %barrier3A_49 = arith.constant 0 : index
    tpu.barrier barrier_id(%barrier3A_49)
    %add3A_50 = arith.constant 0 : i32
    %add3A_51 = arith.addi %mul3A_6, %add3A_50 : i32
    %run_scoped3A_52 = arith.constant 0 : i32
    "tpu.region"() ({
      %run_scoped3A_80 = tpu.sem_alloc : memref<!tpu.dma_semaphore, #tpu.memory_space<semaphore_mem>>
      %dma_start3A_81 = arith.constant 0 : i32
      %dma_start3A_82 = arith.constant 0 : i32
      %dma_start3A_83 = tpu.memref_slice %arg8[%run_scoped3A_52, %dma_start3A_81, %dma_start3A_82] : memref<2x128x128xf32, #tpu.memory_space<vmem>> -> memref<1x128x128xf32, #tpu.memory_space<vmem>>
      %dma_start3A_84 = tpu.memref_squeeze %dma_start3A_83 : memref<1x128x128xf32, #tpu.memory_space<vmem>> -> memref<128x128xf32, #tpu.memory_space<vmem>>
      %dma_start3A_85 = arith.constant 0 : i32
      %dma_start3A_86 = arith.constant 0 : i32
      %dma_start3A_87 = tpu.memref_slice %dma_start3A_84[%dma_start3A_85, %dma_start3A_86] : memref<128x128xf32, #tpu.memory_space<vmem>> -> memref<128x128xf32, #tpu.memory_space<vmem>>
      %dma_start3A_88 = arith.constant 0 : i32
      %dma_start3A_89 = tpu.memref_slice %arg9[%add3A_51, %dma_start3A_88] : memref<10240x128xf32, #tpu.memory_space<vmem_shared>> -> memref<128x128xf32, #tpu.memory_space<vmem_shared>>
      %dma_start3A_90 = arith.constant 0 : i32
      %dma_start3A_91 = arith.constant 0 : i32
      %dma_start3A_92 = tpu.memref_slice %arg8[%run_scoped3A_52, %dma_start3A_90, %dma_start3A_91] : memref<2x128x128xf32, #tpu.memory_space<vmem>> -> memref<1x128x128xf32, #tpu.memory_space<vmem>>
      %dma_start3A_93 = tpu.memref_squeeze %dma_start3A_92 : memref<1x128x128xf32, #tpu.memory_space<vmem>> -> memref<128x128xf32, #tpu.memory_space<vmem>>
      %dma_start3A_94 = arith.constant 0 : i32
      %dma_start3A_95 = arith.constant 0 : i32
      %dma_start3A_96 = tpu.memref_slice %dma_start3A_93[%dma_start3A_94, %dma_start3A_95] : memref<128x128xf32, #tpu.memory_space<vmem>> -> memref<128x128xf32, #tpu.memory_space<vmem>>
      %dma_start3A_97 = arith.constant 0 : i32
      %dma_start3A_98 = tpu.memref_slice %arg9[%add3A_51, %dma_start3A_97] : memref<10240x128xf32, #tpu.memory_space<vmem_shared>> -> memref<128x128xf32, #tpu.memory_space<vmem_shared>>
      tpu.enqueue_dma source(%dma_start3A_98 : memref<128x128xf32, #tpu.memory_space<vmem_shared>>) target(%dma_start3A_96 : memref<128x128xf32, #tpu.memory_space<vmem>>) target_semaphore(%run_scoped3A_80 : memref<!tpu.dma_semaphore, #tpu.memory_space<semaphore_mem>>)
      %dma_wait3A = arith.constant 0 : i32
      %dma_wait3A_99 = arith.constant 0 : i32
      %dma_wait3A_100 = tpu.memref_slice %arg8[%run_scoped3A_52, %dma_wait3A, %dma_wait3A_99] : memref<2x128x128xf32, #tpu.memory_space<vmem>> -> memref<1x128x128xf32, #tpu.memory_space<vmem>>
      %dma_wait3A_101 = tpu.memref_squeeze %dma_wait3A_100 : memref<1x128x128xf32, #tpu.memory_space<vmem>> -> memref<128x128xf32, #tpu.memory_space<vmem>>
      %dma_wait3A_102 = arith.constant 0 : i32
      %dma_wait3A_103 = arith.constant 0 : i32
      %dma_wait3A_104 = tpu.memref_slice %dma_wait3A_101[%dma_wait3A_102, %dma_wait3A_103] : memref<128x128xf32, #tpu.memory_space<vmem>> -> memref<128x128xf32, #tpu.memory_space<vmem>>
      %dma_wait3A_105 = arith.constant 0 : i32
      %dma_wait3A_106 = tpu.memref_slice %arg9[%add3A_51, %dma_wait3A_105] : memref<10240x128xf32, #tpu.memory_space<vmem_shared>> -> memref<128x128xf32, #tpu.memory_space<vmem_shared>>
      %dma_wait3A_107 = arith.constant 0 : i32
      %dma_wait3A_108 = arith.constant 0 : i32
      %dma_wait3A_109 = tpu.memref_slice %arg8[%run_scoped3A_52, %dma_wait3A_107, %dma_wait3A_108] : memref<2x128x128xf32, #tpu.memory_space<vmem>> -> memref<1x128x128xf32, #tpu.memory_space<vmem>>
      %dma_wait3A_110 = tpu.memref_squeeze %dma_wait3A_109 : memref<1x128x128xf32, #tpu.memory_space<vmem>> -> memref<128x128xf32, #tpu.memory_space<vmem>>
      %dma_wait3A_111 = arith.constant 0 : i32
      %dma_wait3A_112 = arith.constant 0 : i32
      %dma_wait3A_113 = tpu.memref_slice %dma_wait3A_110[%dma_wait3A_111, %dma_wait3A_112] : memref<128x128xf32, #tpu.memory_space<vmem>> -> memref<128x128xf32, #tpu.memory_space<vmem>>
      %dma_wait3A_114 = arith.constant 0 : i32
      %dma_wait3A_115 = tpu.memref_slice %arg9[%add3A_51, %dma_wait3A_114] : memref<10240x128xf32, #tpu.memory_space<vmem_shared>> -> memref<128x128xf32, #tpu.memory_space<vmem_shared>>
      tpu.wait_dma2 semaphore(%run_scoped3A_80 : memref<!tpu.dma_semaphore, #tpu.memory_space<semaphore_mem>>) src(%dma_wait3A_115 : memref<128x128xf32, #tpu.memory_space<vmem_shared>>) dst(%dma_wait3A_113 : memref<128x128xf32, #tpu.memory_space<vmem>>)
      tpu.yield
    }) : () -> ()
    %add3A_53 = arith.constant 0 : i32
    %add3A_54 = arith.addi %mul3A_6, %add3A_53 : i32
    %run_scoped3A_55 = arith.constant 0 : i32
    "tpu.region"() ({
      %run_scoped3A_80 = tpu.sem_alloc : memref<!tpu.dma_semaphore, #tpu.memory_space<semaphore_mem>>
      %dma_start3A_81 = arith.constant 0 : i32
      %dma_start3A_82 = arith.constant 0 : i32
      %dma_start3A_83 = tpu.memref_slice %arg8[%run_scoped3A_55, %dma_start3A_81, %dma_start3A_82] : memref<2x128x128xf32, #tpu.memory_space<vmem>> -> memref<1x128x128xf32, #tpu.memory_space<vmem>>
      %dma_start3A_84 = tpu.memref_squeeze %dma_start3A_83 : memref<1x128x128xf32, #tpu.memory_space<vmem>> -> memref<128x128xf32, #tpu.memory_space<vmem>>
      %dma_start3A_85 = arith.constant 0 : i32
      %dma_start3A_86 = arith.constant 0 : i32
      %dma_start3A_87 = tpu.memref_slice %dma_start3A_84[%dma_start3A_85, %dma_start3A_86] : memref<128x128xf32, #tpu.memory_space<vmem>> -> memref<128x128xf32, #tpu.memory_space<vmem>>
      %dma_start3A_88 = arith.constant 0 : i32
      %dma_start3A_89 = arith.constant 0 : i32
      %dma_start3A_90 = tpu.memref_slice %arg5[%arg0, %dma_start3A_88, %dma_start3A_89] : memref<2x10240x128xf32, #tpu.memory_space<hbm>> -> memref<1x10240x128xf32, #tpu.memory_space<hbm>>
      %dma_start3A_91 = tpu.memref_squeeze %dma_start3A_90 : memref<1x10240x128xf32, #tpu.memory_space<hbm>> -> memref<10240x128xf32, #tpu.memory_space<hbm>>
      %dma_start3A_92 = arith.constant 0 : i32
      %dma_start3A_93 = tpu.memref_slice %dma_start3A_91[%add3A_54, %dma_start3A_92] : memref<10240x128xf32, #tpu.memory_space<hbm>> -> memref<128x128xf32, #tpu.memory_space<hbm>>
      %dma_start3A_94 = arith.constant 0 : i32
      %dma_start3A_95 = arith.constant 0 : i32
      %dma_start3A_96 = tpu.memref_slice %arg5[%arg0, %dma_start3A_94, %dma_start3A_95] : memref<2x10240x128xf32, #tpu.memory_space<hbm>> -> memref<1x10240x128xf32, #tpu.memory_space<hbm>>
      %dma_start3A_97 = tpu.memref_squeeze %dma_start3A_96 : memref<1x10240x128xf32, #tpu.memory_space<hbm>> -> memref<10240x128xf32, #tpu.memory_space<hbm>>
      %dma_start3A_98 = arith.constant 0 : i32
      %dma_start3A_99 = tpu.memref_slice %dma_start3A_97[%add3A_54, %dma_start3A_98] : memref<10240x128xf32, #tpu.memory_space<hbm>> -> memref<128x128xf32, #tpu.memory_space<hbm>>
      %dma_start3A_100 = arith.constant 0 : i32
      %dma_start3A_101 = arith.constant 0 : i32
      %dma_start3A_102 = tpu.memref_slice %arg8[%run_scoped3A_55, %dma_start3A_100, %dma_start3A_101] : memref<2x128x128xf32, #tpu.memory_space<vmem>> -> memref<1x128x128xf32, #tpu.memory_space<vmem>>
      %dma_start3A_103 = tpu.memref_squeeze %dma_start3A_102 : memref<1x128x128xf32, #tpu.memory_space<vmem>> -> memref<128x128xf32, #tpu.memory_space<vmem>>
      %dma_start3A_104 = arith.constant 0 : i32
      %dma_start3A_105 = arith.constant 0 : i32
      %dma_start3A_106 = tpu.memref_slice %dma_start3A_103[%dma_start3A_104, %dma_start3A_105] : memref<128x128xf32, #tpu.memory_space<vmem>> -> memref<128x128xf32, #tpu.memory_space<vmem>>
      tpu.enqueue_dma source(%dma_start3A_106 : memref<128x128xf32, #tpu.memory_space<vmem>>) target(%dma_start3A_99 : memref<128x128xf32, #tpu.memory_space<hbm>>) target_semaphore(%run_scoped3A_80 : memref<!tpu.dma_semaphore, #tpu.memory_space<semaphore_mem>>)
      %dma_wait3A = arith.constant 0 : i32
      %dma_wait3A_107 = arith.constant 0 : i32
      %dma_wait3A_108 = tpu.memref_slice %arg8[%run_scoped3A_55, %dma_wait3A, %dma_wait3A_107] : memref<2x128x128xf32, #tpu.memory_space<vmem>> -> memref<1x128x128xf32, #tpu.memory_space<vmem>>
      %dma_wait3A_109 = tpu.memref_squeeze %dma_wait3A_108 : memref<1x128x128xf32, #tpu.memory_space<vmem>> -> memref<128x128xf32, #tpu.memory_space<vmem>>
      %dma_wait3A_110 = arith.constant 0 : i32
      %dma_wait3A_111 = arith.constant 0 : i32
      %dma_wait3A_112 = tpu.memref_slice %dma_wait3A_109[%dma_wait3A_110, %dma_wait3A_111] : memref<128x128xf32, #tpu.memory_space<vmem>> -> memref<128x128xf32, #tpu.memory_space<vmem>>
      %dma_wait3A_113 = arith.constant 0 : i32
      %dma_wait3A_114 = arith.constant 0 : i32
      %dma_wait3A_115 = tpu.memref_slice %arg5[%arg0, %dma_wait3A_113, %dma_wait3A_114] : memref<2x10240x128xf32, #tpu.memory_space<hbm>> -> memref<1x10240x128xf32, #tpu.memory_space<hbm>>
      %dma_wait3A_116 = tpu.memref_squeeze %dma_wait3A_115 : memref<1x10240x128xf32, #tpu.memory_space<hbm>> -> memref<10240x128xf32, #tpu.memory_space<hbm>>
      %dma_wait3A_117 = arith.constant 0 : i32
      %dma_wait3A_118 = tpu.memref_slice %dma_wait3A_116[%add3A_54, %dma_wait3A_117] : memref<10240x128xf32, #tpu.memory_space<hbm>> -> memref<128x128xf32, #tpu.memory_space<hbm>>
      %dma_wait3A_119 = arith.constant 0 : i32
      %dma_wait3A_120 = arith.constant 0 : i32
      %dma_wait3A_121 = tpu.memref_slice %arg5[%arg0, %dma_wait3A_119, %dma_wait3A_120] : memref<2x10240x128xf32, #tpu.memory_space<hbm>> -> memref<1x10240x128xf32, #tpu.memory_space<hbm>>
      %dma_wait3A_122 = tpu.memref_squeeze %dma_wait3A_121 : memref<1x10240x128xf32, #tpu.memory_space<hbm>> -> memref<10240x128xf32, #tpu.memory_space<hbm>>
      %dma_wait3A_123 = arith.constant 0 : i32
      %dma_wait3A_124 = tpu.memref_slice %dma_wait3A_122[%add3A_54, %dma_wait3A_123] : memref<10240x128xf32, #tpu.memory_space<hbm>> -> memref<128x128xf32, #tpu.memory_space<hbm>>
      %dma_wait3A_125 = arith.constant 0 : i32
      %dma_wait3A_126 = arith.constant 0 : i32
      %dma_wait3A_127 = tpu.memref_slice %arg8[%run_scoped3A_55, %dma_wait3A_125, %dma_wait3A_126] : memref<2x128x128xf32, #tpu.memory_space<vmem>> -> memref<1x128x128xf32, #tpu.memory_space<vmem>>
      %dma_wait3A_128 = tpu.memref_squeeze %dma_wait3A_127 : memref<1x128x128xf32, #tpu.memory_space<vmem>> -> memref<128x128xf32, #tpu.memory_space<vmem>>
      %dma_wait3A_129 = arith.constant 0 : i32
      %dma_wait3A_130 = arith.constant 0 : i32
      %dma_wait3A_131 = tpu.memref_slice %dma_wait3A_128[%dma_wait3A_129, %dma_wait3A_130] : memref<128x128xf32, #tpu.memory_space<vmem>> -> memref<128x128xf32, #tpu.memory_space<vmem>>
      tpu.wait_dma2 semaphore(%run_scoped3A_80 : memref<!tpu.dma_semaphore, #tpu.memory_space<semaphore_mem>>) src(%dma_wait3A_131 : memref<128x128xf32, #tpu.memory_space<vmem>>) dst(%dma_wait3A_124 : memref<128x128xf32, #tpu.memory_space<hbm>>)
      tpu.yield
    }) : () -> ()
    %add3A_56 = arith.constant 128 : i32
    %add3A_57 = arith.addi %mul3A_6, %add3A_56 : i32
    %run_scoped3A_58 = arith.constant 0 : i32
    "tpu.region"() ({
      %run_scoped3A_80 = tpu.sem_alloc : memref<!tpu.dma_semaphore, #tpu.memory_space<semaphore_mem>>
      %dma_start3A_81 = arith.constant 0 : i32
      %dma_start3A_82 = arith.constant 0 : i32
      %dma_start3A_83 = tpu.memref_slice %arg8[%run_scoped3A_58, %dma_start3A_81, %dma_start3A_82] : memref<2x128x128xf32, #tpu.memory_space<vmem>> -> memref<1x128x128xf32, #tpu.memory_space<vmem>>
      %dma_start3A_84 = tpu.memref_squeeze %dma_start3A_83 : memref<1x128x128xf32, #tpu.memory_space<vmem>> -> memref<128x128xf32, #tpu.memory_space<vmem>>
      %dma_start3A_85 = arith.constant 0 : i32
      %dma_start3A_86 = arith.constant 0 : i32
      %dma_start3A_87 = tpu.memref_slice %dma_start3A_84[%dma_start3A_85, %dma_start3A_86] : memref<128x128xf32, #tpu.memory_space<vmem>> -> memref<128x128xf32, #tpu.memory_space<vmem>>
      %dma_start3A_88 = arith.constant 0 : i32
      %dma_start3A_89 = tpu.memref_slice %arg9[%add3A_57, %dma_start3A_88] : memref<10240x128xf32, #tpu.memory_space<vmem_shared>> -> memref<128x128xf32, #tpu.memory_space<vmem_shared>>
      %dma_start3A_90 = arith.constant 0 : i32
      %dma_start3A_91 = arith.constant 0 : i32
      %dma_start3A_92 = tpu.memref_slice %arg8[%run_scoped3A_58, %dma_start3A_90, %dma_start3A_91] : memref<2x128x128xf32, #tpu.memory_space<vmem>> -> memref<1x128x128xf32, #tpu.memory_space<vmem>>
      %dma_start3A_93 = tpu.memref_squeeze %dma_start3A_92 : memref<1x128x128xf32, #tpu.memory_space<vmem>> -> memref<128x128xf32, #tpu.memory_space<vmem>>
      %dma_start3A_94 = arith.constant 0 : i32
      %dma_start3A_95 = arith.constant 0 : i32
      %dma_start3A_96 = tpu.memref_slice %dma_start3A_93[%dma_start3A_94, %dma_start3A_95] : memref<128x128xf32, #tpu.memory_space<vmem>> -> memref<128x128xf32, #tpu.memory_space<vmem>>
      %dma_start3A_97 = arith.constant 0 : i32
      %dma_start3A_98 = tpu.memref_slice %arg9[%add3A_57, %dma_start3A_97] : memref<10240x128xf32, #tpu.memory_space<vmem_shared>> -> memref<128x128xf32, #tpu.memory_space<vmem_shared>>
      tpu.enqueue_dma source(%dma_start3A_98 : memref<128x128xf32, #tpu.memory_space<vmem_shared>>) target(%dma_start3A_96 : memref<128x128xf32, #tpu.memory_space<vmem>>) target_semaphore(%run_scoped3A_80 : memref<!tpu.dma_semaphore, #tpu.memory_space<semaphore_mem>>)
      %dma_wait3A = arith.constant 0 : i32
      %dma_wait3A_99 = arith.constant 0 : i32
      %dma_wait3A_100 = tpu.memref_slice %arg8[%run_scoped3A_58, %dma_wait3A, %dma_wait3A_99] : memref<2x128x128xf32, #tpu.memory_space<vmem>> -> memref<1x128x128xf32, #tpu.memory_space<vmem>>
      %dma_wait3A_101 = tpu.memref_squeeze %dma_wait3A_100 : memref<1x128x128xf32, #tpu.memory_space<vmem>> -> memref<128x128xf32, #tpu.memory_space<vmem>>
      %dma_wait3A_102 = arith.constant 0 : i32
      %dma_wait3A_103 = arith.constant 0 : i32
      %dma_wait3A_104 = tpu.memref_slice %dma_wait3A_101[%dma_wait3A_102, %dma_wait3A_103] : memref<128x128xf32, #tpu.memory_space<vmem>> -> memref<128x128xf32, #tpu.memory_space<vmem>>
      %dma_wait3A_105 = arith.constant 0 : i32
      %dma_wait3A_106 = tpu.memref_slice %arg9[%add3A_57, %dma_wait3A_105] : memref<10240x128xf32, #tpu.memory_space<vmem_shared>> -> memref<128x128xf32, #tpu.memory_space<vmem_shared>>
      %dma_wait3A_107 = arith.constant 0 : i32
      %dma_wait3A_108 = arith.constant 0 : i32
      %dma_wait3A_109 = tpu.memref_slice %arg8[%run_scoped3A_58, %dma_wait3A_107, %dma_wait3A_108] : memref<2x128x128xf32, #tpu.memory_space<vmem>> -> memref<1x128x128xf32, #tpu.memory_space<vmem>>
      %dma_wait3A_110 = tpu.memref_squeeze %dma_wait3A_109 : memref<1x128x128xf32, #tpu.memory_space<vmem>> -> memref<128x128xf32, #tpu.memory_space<vmem>>
      %dma_wait3A_111 = arith.constant 0 : i32
      %dma_wait3A_112 = arith.constant 0 : i32
      %dma_wait3A_113 = tpu.memref_slice %dma_wait3A_110[%dma_wait3A_111, %dma_wait3A_112] : memref<128x128xf32, #tpu.memory_space<vmem>> -> memref<128x128xf32, #tpu.memory_space<vmem>>
      %dma_wait3A_114 = arith.constant 0 : i32
      %dma_wait3A_115 = tpu.memref_slice %arg9[%add3A_57, %dma_wait3A_114] : memref<10240x128xf32, #tpu.memory_space<vmem_shared>> -> memref<128x128xf32, #tpu.memory_space<vmem_shared>>
      tpu.wait_dma2 semaphore(%run_scoped3A_80 : memref<!tpu.dma_semaphore, #tpu.memory_space<semaphore_mem>>) src(%dma_wait3A_115 : memref<128x128xf32, #tpu.memory_space<vmem_shared>>) dst(%dma_wait3A_113 : memref<128x128xf32, #tpu.memory_space<vmem>>)
      tpu.yield
    }) : () -> ()
    %add3A_59 = arith.constant 128 : i32
    %add3A_60 = arith.addi %mul3A_6, %add3A_59 : i32
    %run_scoped3A_61 = arith.constant 0 : i32
    "tpu.region"() ({
      %run_scoped3A_80 = tpu.sem_alloc : memref<!tpu.dma_semaphore, #tpu.memory_space<semaphore_mem>>
      %dma_start3A_81 = arith.constant 0 : i32
      %dma_start3A_82 = arith.constant 0 : i32
      %dma_start3A_83 = tpu.memref_slice %arg8[%run_scoped3A_61, %dma_start3A_81, %dma_start3A_82] : memref<2x128x128xf32, #tpu.memory_space<vmem>> -> memref<1x128x128xf32, #tpu.memory_space<vmem>>
      %dma_start3A_84 = tpu.memref_squeeze %dma_start3A_83 : memref<1x128x128xf32, #tpu.memory_space<vmem>> -> memref<128x128xf32, #tpu.memory_space<vmem>>
      %dma_start3A_85 = arith.constant 0 : i32
      %dma_start3A_86 = arith.constant 0 : i32
      %dma_start3A_87 = tpu.memref_slice %dma_start3A_84[%dma_start3A_85, %dma_start3A_86] : memref<128x128xf32, #tpu.memory_space<vmem>> -> memref<128x128xf32, #tpu.memory_space<vmem>>
      %dma_start3A_88 = arith.constant 0 : i32
      %dma_start3A_89 = arith.constant 0 : i32
      %dma_start3A_90 = tpu.memref_slice %arg5[%arg0, %dma_start3A_88, %dma_start3A_89] : memref<2x10240x128xf32, #tpu.memory_space<hbm>> -> memref<1x10240x128xf32, #tpu.memory_space<hbm>>
      %dma_start3A_91 = tpu.memref_squeeze %dma_start3A_90 : memref<1x10240x128xf32, #tpu.memory_space<hbm>> -> memref<10240x128xf32, #tpu.memory_space<hbm>>
      %dma_start3A_92 = arith.constant 0 : i32
      %dma_start3A_93 = tpu.memref_slice %dma_start3A_91[%add3A_60, %dma_start3A_92] : memref<10240x128xf32, #tpu.memory_space<hbm>> -> memref<128x128xf32, #tpu.memory_space<hbm>>
      %dma_start3A_94 = arith.constant 0 : i32
      %dma_start3A_95 = arith.constant 0 : i32
      %dma_start3A_96 = tpu.memref_slice %arg5[%arg0, %dma_start3A_94, %dma_start3A_95] : memref<2x10240x128xf32, #tpu.memory_space<hbm>> -> memref<1x10240x128xf32, #tpu.memory_space<hbm>>
      %dma_start3A_97 = tpu.memref_squeeze %dma_start3A_96 : memref<1x10240x128xf32, #tpu.memory_space<hbm>> -> memref<10240x128xf32, #tpu.memory_space<hbm>>
      %dma_start3A_98 = arith.constant 0 : i32
      %dma_start3A_99 = tpu.memref_slice %dma_start3A_97[%add3A_60, %dma_start3A_98] : memref<10240x128xf32, #tpu.memory_space<hbm>> -> memref<128x128xf32, #tpu.memory_space<hbm>>
      %dma_start3A_100 = arith.constant 0 : i32
      %dma_start3A_101 = arith.constant 0 : i32
      %dma_start3A_102 = tpu.memref_slice %arg8[%run_scoped3A_61, %dma_start3A_100, %dma_start3A_101] : memref<2x128x128xf32, #tpu.memory_space<vmem>> -> memref<1x128x128xf32, #tpu.memory_space<vmem>>
      %dma_start3A_103 = tpu.memref_squeeze %dma_start3A_102 : memref<1x128x128xf32, #tpu.memory_space<vmem>> -> memref<128x128xf32, #tpu.memory_space<vmem>>
      %dma_start3A_104 = arith.constant 0 : i32
      %dma_start3A_105 = arith.constant 0 : i32
      %dma_start3A_106 = tpu.memref_slice %dma_start3A_103[%dma_start3A_104, %dma_start3A_105] : memref<128x128xf32, #tpu.memory_space<vmem>> -> memref<128x128xf32, #tpu.memory_space<vmem>>
      tpu.enqueue_dma source(%dma_start3A_106 : memref<128x128xf32, #tpu.memory_space<vmem>>) target(%dma_start3A_99 : memref<128x128xf32, #tpu.memory_space<hbm>>) target_semaphore(%run_scoped3A_80 : memref<!tpu.dma_semaphore, #tpu.memory_space<semaphore_mem>>)
      %dma_wait3A = arith.constant 0 : i32
      %dma_wait3A_107 = arith.constant 0 : i32
      %dma_wait3A_108 = tpu.memref_slice %arg8[%run_scoped3A_61, %dma_wait3A, %dma_wait3A_107] : memref<2x128x128xf32, #tpu.memory_space<vmem>> -> memref<1x128x128xf32, #tpu.memory_space<vmem>>
      %dma_wait3A_109 = tpu.memref_squeeze %dma_wait3A_108 : memref<1x128x128xf32, #tpu.memory_space<vmem>> -> memref<128x128xf32, #tpu.memory_space<vmem>>
      %dma_wait3A_110 = arith.constant 0 : i32
      %dma_wait3A_111 = arith.constant 0 : i32
      %dma_wait3A_112 = tpu.memref_slice %dma_wait3A_109[%dma_wait3A_110, %dma_wait3A_111] : memref<128x128xf32, #tpu.memory_space<vmem>> -> memref<128x128xf32, #tpu.memory_space<vmem>>
      %dma_wait3A_113 = arith.constant 0 : i32
      %dma_wait3A_114 = arith.constant 0 : i32
      %dma_wait3A_115 = tpu.memref_slice %arg5[%arg0, %dma_wait3A_113, %dma_wait3A_114] : memref<2x10240x128xf32, #tpu.memory_space<hbm>> -> memref<1x10240x128xf32, #tpu.memory_space<hbm>>
      %dma_wait3A_116 = tpu.memref_squeeze %dma_wait3A_115 : memref<1x10240x128xf32, #tpu.memory_space<hbm>> -> memref<10240x128xf32, #tpu.memory_space<hbm>>
      %dma_wait3A_117 = arith.constant 0 : i32
      %dma_wait3A_118 = tpu.memref_slice %dma_wait3A_116[%add3A_60, %dma_wait3A_117] : memref<10240x128xf32, #tpu.memory_space<hbm>> -> memref<128x128xf32, #tpu.memory_space<hbm>>
      %dma_wait3A_119 = arith.constant 0 : i32
      %dma_wait3A_120 = arith.constant 0 : i32
      %dma_wait3A_121 = tpu.memref_slice %arg5[%arg0, %dma_wait3A_119, %dma_wait3A_120] : memref<2x10240x128xf32, #tpu.memory_space<hbm>> -> memref<1x10240x128xf32, #tpu.memory_space<hbm>>
      %dma_wait3A_122 = tpu.memref_squeeze %dma_wait3A_121 : memref<1x10240x128xf32, #tpu.memory_space<hbm>> -> memref<10240x128xf32, #tpu.memory_space<hbm>>
      %dma_wait3A_123 = arith.constant 0 : i32
      %dma_wait3A_124 = tpu.memref_slice %dma_wait3A_122[%add3A_60, %dma_wait3A_123] : memref<10240x128xf32, #tpu.memory_space<hbm>> -> memref<128x128xf32, #tpu.memory_space<hbm>>
      %dma_wait3A_125 = arith.constant 0 : i32
      %dma_wait3A_126 = arith.constant 0 : i32
      %dma_wait3A_127 = tpu.memref_slice %arg8[%run_scoped3A_61, %dma_wait3A_125, %dma_wait3A_126] : memref<2x128x128xf32, #tpu.memory_space<vmem>> -> memref<1x128x128xf32, #tpu.memory_space<vmem>>
      %dma_wait3A_128 = tpu.memref_squeeze %dma_wait3A_127 : memref<1x128x128xf32, #tpu.memory_space<vmem>> -> memref<128x128xf32, #tpu.memory_space<vmem>>
      %dma_wait3A_129 = arith.constant 0 : i32
      %dma_wait3A_130 = arith.constant 0 : i32
      %dma_wait3A_131 = tpu.memref_slice %dma_wait3A_128[%dma_wait3A_129, %dma_wait3A_130] : memref<128x128xf32, #tpu.memory_space<vmem>> -> memref<128x128xf32, #tpu.memory_space<vmem>>
      tpu.wait_dma2 semaphore(%run_scoped3A_80 : memref<!tpu.dma_semaphore, #tpu.memory_space<semaphore_mem>>) src(%dma_wait3A_131 : memref<128x128xf32, #tpu.memory_space<vmem>>) dst(%dma_wait3A_124 : memref<128x128xf32, #tpu.memory_space<hbm>>)
      tpu.yield
    }) : () -> ()
    %add3A_62 = arith.constant 256 : i32
    %add3A_63 = arith.addi %mul3A_6, %add3A_62 : i32
    %run_scoped3A_64 = arith.constant 0 : i32
    "tpu.region"() ({
      %run_scoped3A_80 = tpu.sem_alloc : memref<!tpu.dma_semaphore, #tpu.memory_space<semaphore_mem>>
      %dma_start3A_81 = arith.constant 0 : i32
      %dma_start3A_82 = arith.constant 0 : i32
      %dma_start3A_83 = tpu.memref_slice %arg8[%run_scoped3A_64, %dma_start3A_81, %dma_start3A_82] : memref<2x128x128xf32, #tpu.memory_space<vmem>> -> memref<1x128x128xf32, #tpu.memory_space<vmem>>
      %dma_start3A_84 = tpu.memref_squeeze %dma_start3A_83 : memref<1x128x128xf32, #tpu.memory_space<vmem>> -> memref<128x128xf32, #tpu.memory_space<vmem>>
      %dma_start3A_85 = arith.constant 0 : i32
      %dma_start3A_86 = arith.constant 0 : i32
      %dma_start3A_87 = tpu.memref_slice %dma_start3A_84[%dma_start3A_85, %dma_start3A_86] : memref<128x128xf32, #tpu.memory_space<vmem>> -> memref<128x128xf32, #tpu.memory_space<vmem>>
      %dma_start3A_88 = arith.constant 0 : i32
      %dma_start3A_89 = tpu.memref_slice %arg9[%add3A_63, %dma_start3A_88] : memref<10240x128xf32, #tpu.memory_space<vmem_shared>> -> memref<128x128xf32, #tpu.memory_space<vmem_shared>>
      %dma_start3A_90 = arith.constant 0 : i32
      %dma_start3A_91 = arith.constant 0 : i32
      %dma_start3A_92 = tpu.memref_slice %arg8[%run_scoped3A_64, %dma_start3A_90, %dma_start3A_91] : memref<2x128x128xf32, #tpu.memory_space<vmem>> -> memref<1x128x128xf32, #tpu.memory_space<vmem>>
      %dma_start3A_93 = tpu.memref_squeeze %dma_start3A_92 : memref<1x128x128xf32, #tpu.memory_space<vmem>> -> memref<128x128xf32, #tpu.memory_space<vmem>>
      %dma_start3A_94 = arith.constant 0 : i32
      %dma_start3A_95 = arith.constant 0 : i32
      %dma_start3A_96 = tpu.memref_slice %dma_start3A_93[%dma_start3A_94, %dma_start3A_95] : memref<128x128xf32, #tpu.memory_space<vmem>> -> memref<128x128xf32, #tpu.memory_space<vmem>>
      %dma_start3A_97 = arith.constant 0 : i32
      %dma_start3A_98 = tpu.memref_slice %arg9[%add3A_63, %dma_start3A_97] : memref<10240x128xf32, #tpu.memory_space<vmem_shared>> -> memref<128x128xf32, #tpu.memory_space<vmem_shared>>
      tpu.enqueue_dma source(%dma_start3A_98 : memref<128x128xf32, #tpu.memory_space<vmem_shared>>) target(%dma_start3A_96 : memref<128x128xf32, #tpu.memory_space<vmem>>) target_semaphore(%run_scoped3A_80 : memref<!tpu.dma_semaphore, #tpu.memory_space<semaphore_mem>>)
      %dma_wait3A = arith.constant 0 : i32
      %dma_wait3A_99 = arith.constant 0 : i32
      %dma_wait3A_100 = tpu.memref_slice %arg8[%run_scoped3A_64, %dma_wait3A, %dma_wait3A_99] : memref<2x128x128xf32, #tpu.memory_space<vmem>> -> memref<1x128x128xf32, #tpu.memory_space<vmem>>
      %dma_wait3A_101 = tpu.memref_squeeze %dma_wait3A_100 : memref<1x128x128xf32, #tpu.memory_space<vmem>> -> memref<128x128xf32, #tpu.memory_space<vmem>>
      %dma_wait3A_102 = arith.constant 0 : i32
      %dma_wait3A_103 = arith.constant 0 : i32
      %dma_wait3A_104 = tpu.memref_slice %dma_wait3A_101[%dma_wait3A_102, %dma_wait3A_103] : memref<128x128xf32, #tpu.memory_space<vmem>> -> memref<128x128xf32, #tpu.memory_space<vmem>>
      %dma_wait3A_105 = arith.constant 0 : i32
      %dma_wait3A_106 = tpu.memref_slice %arg9[%add3A_63, %dma_wait3A_105] : memref<10240x128xf32, #tpu.memory_space<vmem_shared>> -> memref<128x128xf32, #tpu.memory_space<vmem_shared>>
      %dma_wait3A_107 = arith.constant 0 : i32
      %dma_wait3A_108 = arith.constant 0 : i32
      %dma_wait3A_109 = tpu.memref_slice %arg8[%run_scoped3A_64, %dma_wait3A_107, %dma_wait3A_108] : memref<2x128x128xf32, #tpu.memory_space<vmem>> -> memref<1x128x128xf32, #tpu.memory_space<vmem>>
      %dma_wait3A_110 = tpu.memref_squeeze %dma_wait3A_109 : memref<1x128x128xf32, #tpu.memory_space<vmem>> -> memref<128x128xf32, #tpu.memory_space<vmem>>
      %dma_wait3A_111 = arith.constant 0 : i32
      %dma_wait3A_112 = arith.constant 0 : i32
      %dma_wait3A_113 = tpu.memref_slice %dma_wait3A_110[%dma_wait3A_111, %dma_wait3A_112] : memref<128x128xf32, #tpu.memory_space<vmem>> -> memref<128x128xf32, #tpu.memory_space<vmem>>
      %dma_wait3A_114 = arith.constant 0 : i32
      %dma_wait3A_115 = tpu.memref_slice %arg9[%add3A_63, %dma_wait3A_114] : memref<10240x128xf32, #tpu.memory_space<vmem_shared>> -> memref<128x128xf32, #tpu.memory_space<vmem_shared>>
      tpu.wait_dma2 semaphore(%run_scoped3A_80 : memref<!tpu.dma_semaphore, #tpu.memory_space<semaphore_mem>>) src(%dma_wait3A_115 : memref<128x128xf32, #tpu.memory_space<vmem_shared>>) dst(%dma_wait3A_113 : memref<128x128xf32, #tpu.memory_space<vmem>>)
      tpu.yield
    }) : () -> ()
    %add3A_65 = arith.constant 256 : i32
    %add3A_66 = arith.addi %mul3A_6, %add3A_65 : i32
    %run_scoped3A_67 = arith.constant 0 : i32
    "tpu.region"() ({
      %run_scoped3A_80 = tpu.sem_alloc : memref<!tpu.dma_semaphore, #tpu.memory_space<semaphore_mem>>
      %dma_start3A_81 = arith.constant 0 : i32
      %dma_start3A_82 = arith.constant 0 : i32
      %dma_start3A_83 = tpu.memref_slice %arg8[%run_scoped3A_67, %dma_start3A_81, %dma_start3A_82] : memref<2x128x128xf32, #tpu.memory_space<vmem>> -> memref<1x128x128xf32, #tpu.memory_space<vmem>>
      %dma_start3A_84 = tpu.memref_squeeze %dma_start3A_83 : memref<1x128x128xf32, #tpu.memory_space<vmem>> -> memref<128x128xf32, #tpu.memory_space<vmem>>
      %dma_start3A_85 = arith.constant 0 : i32
      %dma_start3A_86 = arith.constant 0 : i32
      %dma_start3A_87 = tpu.memref_slice %dma_start3A_84[%dma_start3A_85, %dma_start3A_86] : memref<128x128xf32, #tpu.memory_space<vmem>> -> memref<128x128xf32, #tpu.memory_space<vmem>>
      %dma_start3A_88 = arith.constant 0 : i32
      %dma_start3A_89 = arith.constant 0 : i32
      %dma_start3A_90 = tpu.memref_slice %arg5[%arg0, %dma_start3A_88, %dma_start3A_89] : memref<2x10240x128xf32, #tpu.memory_space<hbm>> -> memref<1x10240x128xf32, #tpu.memory_space<hbm>>
      %dma_start3A_91 = tpu.memref_squeeze %dma_start3A_90 : memref<1x10240x128xf32, #tpu.memory_space<hbm>> -> memref<10240x128xf32, #tpu.memory_space<hbm>>
      %dma_start3A_92 = arith.constant 0 : i32
      %dma_start3A_93 = tpu.memref_slice %dma_start3A_91[%add3A_66, %dma_start3A_92] : memref<10240x128xf32, #tpu.memory_space<hbm>> -> memref<128x128xf32, #tpu.memory_space<hbm>>
      %dma_start3A_94 = arith.constant 0 : i32
      %dma_start3A_95 = arith.constant 0 : i32
      %dma_start3A_96 = tpu.memref_slice %arg5[%arg0, %dma_start3A_94, %dma_start3A_95] : memref<2x10240x128xf32, #tpu.memory_space<hbm>> -> memref<1x10240x128xf32, #tpu.memory_space<hbm>>
      %dma_start3A_97 = tpu.memref_squeeze %dma_start3A_96 : memref<1x10240x128xf32, #tpu.memory_space<hbm>> -> memref<10240x128xf32, #tpu.memory_space<hbm>>
      %dma_start3A_98 = arith.constant 0 : i32
      %dma_start3A_99 = tpu.memref_slice %dma_start3A_97[%add3A_66, %dma_start3A_98] : memref<10240x128xf32, #tpu.memory_space<hbm>> -> memref<128x128xf32, #tpu.memory_space<hbm>>
      %dma_start3A_100 = arith.constant 0 : i32
      %dma_start3A_101 = arith.constant 0 : i32
      %dma_start3A_102 = tpu.memref_slice %arg8[%run_scoped3A_67, %dma_start3A_100, %dma_start3A_101] : memref<2x128x128xf32, #tpu.memory_space<vmem>> -> memref<1x128x128xf32, #tpu.memory_space<vmem>>
      %dma_start3A_103 = tpu.memref_squeeze %dma_start3A_102 : memref<1x128x128xf32, #tpu.memory_space<vmem>> -> memref<128x128xf32, #tpu.memory_space<vmem>>
      %dma_start3A_104 = arith.constant 0 : i32
      %dma_start3A_105 = arith.constant 0 : i32
      %dma_start3A_106 = tpu.memref_slice %dma_start3A_103[%dma_start3A_104, %dma_start3A_105] : memref<128x128xf32, #tpu.memory_space<vmem>> -> memref<128x128xf32, #tpu.memory_space<vmem>>
      tpu.enqueue_dma source(%dma_start3A_106 : memref<128x128xf32, #tpu.memory_space<vmem>>) target(%dma_start3A_99 : memref<128x128xf32, #tpu.memory_space<hbm>>) target_semaphore(%run_scoped3A_80 : memref<!tpu.dma_semaphore, #tpu.memory_space<semaphore_mem>>)
      %dma_wait3A = arith.constant 0 : i32
      %dma_wait3A_107 = arith.constant 0 : i32
      %dma_wait3A_108 = tpu.memref_slice %arg8[%run_scoped3A_67, %dma_wait3A, %dma_wait3A_107] : memref<2x128x128xf32, #tpu.memory_space<vmem>> -> memref<1x128x128xf32, #tpu.memory_space<vmem>>
      %dma_wait3A_109 = tpu.memref_squeeze %dma_wait3A_108 : memref<1x128x128xf32, #tpu.memory_space<vmem>> -> memref<128x128xf32, #tpu.memory_space<vmem>>
      %dma_wait3A_110 = arith.constant 0 : i32
      %dma_wait3A_111 = arith.constant 0 : i32
      %dma_wait3A_112 = tpu.memref_slice %dma_wait3A_109[%dma_wait3A_110, %dma_wait3A_111] : memref<128x128xf32, #tpu.memory_space<vmem>> -> memref<128x128xf32, #tpu.memory_space<vmem>>
      %dma_wait3A_113 = arith.constant 0 : i32
      %dma_wait3A_114 = arith.constant 0 : i32
      %dma_wait3A_115 = tpu.memref_slice %arg5[%arg0, %dma_wait3A_113, %dma_wait3A_114] : memref<2x10240x128xf32, #tpu.memory_space<hbm>> -> memref<1x10240x128xf32, #tpu.memory_space<hbm>>
      %dma_wait3A_116 = tpu.memref_squeeze %dma_wait3A_115 : memref<1x10240x128xf32, #tpu.memory_space<hbm>> -> memref<10240x128xf32, #tpu.memory_space<hbm>>
      %dma_wait3A_117 = arith.constant 0 : i32
      %dma_wait3A_118 = tpu.memref_slice %dma_wait3A_116[%add3A_66, %dma_wait3A_117] : memref<10240x128xf32, #tpu.memory_space<hbm>> -> memref<128x128xf32, #tpu.memory_space<hbm>>
      %dma_wait3A_119 = arith.constant 0 : i32
      %dma_wait3A_120 = arith.constant 0 : i32
      %dma_wait3A_121 = tpu.memref_slice %arg5[%arg0, %dma_wait3A_119, %dma_wait3A_120] : memref<2x10240x128xf32, #tpu.memory_space<hbm>> -> memref<1x10240x128xf32, #tpu.memory_space<hbm>>
      %dma_wait3A_122 = tpu.memref_squeeze %dma_wait3A_121 : memref<1x10240x128xf32, #tpu.memory_space<hbm>> -> memref<10240x128xf32, #tpu.memory_space<hbm>>
      %dma_wait3A_123 = arith.constant 0 : i32
      %dma_wait3A_124 = tpu.memref_slice %dma_wait3A_122[%add3A_66, %dma_wait3A_123] : memref<10240x128xf32, #tpu.memory_space<hbm>> -> memref<128x128xf32, #tpu.memory_space<hbm>>
      %dma_wait3A_125 = arith.constant 0 : i32
      %dma_wait3A_126 = arith.constant 0 : i32
      %dma_wait3A_127 = tpu.memref_slice %arg8[%run_scoped3A_67, %dma_wait3A_125, %dma_wait3A_126] : memref<2x128x128xf32, #tpu.memory_space<vmem>> -> memref<1x128x128xf32, #tpu.memory_space<vmem>>
      %dma_wait3A_128 = tpu.memref_squeeze %dma_wait3A_127 : memref<1x128x128xf32, #tpu.memory_space<vmem>> -> memref<128x128xf32, #tpu.memory_space<vmem>>
      %dma_wait3A_129 = arith.constant 0 : i32
      %dma_wait3A_130 = arith.constant 0 : i32
      %dma_wait3A_131 = tpu.memref_slice %dma_wait3A_128[%dma_wait3A_129, %dma_wait3A_130] : memref<128x128xf32, #tpu.memory_space<vmem>> -> memref<128x128xf32, #tpu.memory_space<vmem>>
      tpu.wait_dma2 semaphore(%run_scoped3A_80 : memref<!tpu.dma_semaphore, #tpu.memory_space<semaphore_mem>>) src(%dma_wait3A_131 : memref<128x128xf32, #tpu.memory_space<vmem>>) dst(%dma_wait3A_124 : memref<128x128xf32, #tpu.memory_space<hbm>>)
      tpu.yield
    }) : () -> ()
    %add3A_68 = arith.constant 384 : i32
    %add3A_69 = arith.addi %mul3A_6, %add3A_68 : i32
    %run_scoped3A_70 = arith.constant 0 : i32
    "tpu.region"() ({
      %run_scoped3A_80 = tpu.sem_alloc : memref<!tpu.dma_semaphore, #tpu.memory_space<semaphore_mem>>
      %dma_start3A_81 = arith.constant 0 : i32
      %dma_start3A_82 = arith.constant 0 : i32
      %dma_start3A_83 = tpu.memref_slice %arg8[%run_scoped3A_70, %dma_start3A_81, %dma_start3A_82] : memref<2x128x128xf32, #tpu.memory_space<vmem>> -> memref<1x128x128xf32, #tpu.memory_space<vmem>>
      %dma_start3A_84 = tpu.memref_squeeze %dma_start3A_83 : memref<1x128x128xf32, #tpu.memory_space<vmem>> -> memref<128x128xf32, #tpu.memory_space<vmem>>
      %dma_start3A_85 = arith.constant 0 : i32
      %dma_start3A_86 = arith.constant 0 : i32
      %dma_start3A_87 = tpu.memref_slice %dma_start3A_84[%dma_start3A_85, %dma_start3A_86] : memref<128x128xf32, #tpu.memory_space<vmem>> -> memref<128x128xf32, #tpu.memory_space<vmem>>
      %dma_start3A_88 = arith.constant 0 : i32
      %dma_start3A_89 = tpu.memref_slice %arg9[%add3A_69, %dma_start3A_88] : memref<10240x128xf32, #tpu.memory_space<vmem_shared>> -> memref<128x128xf32, #tpu.memory_space<vmem_shared>>
      %dma_start3A_90 = arith.constant 0 : i32
      %dma_start3A_91 = arith.constant 0 : i32
      %dma_start3A_92 = tpu.memref_slice %arg8[%run_scoped3A_70, %dma_start3A_90, %dma_start3A_91] : memref<2x128x128xf32, #tpu.memory_space<vmem>> -> memref<1x128x128xf32, #tpu.memory_space<vmem>>
      %dma_start3A_93 = tpu.memref_squeeze %dma_start3A_92 : memref<1x128x128xf32, #tpu.memory_space<vmem>> -> memref<128x128xf32, #tpu.memory_space<vmem>>
      %dma_start3A_94 = arith.constant 0 : i32
      %dma_start3A_95 = arith.constant 0 : i32
      %dma_start3A_96 = tpu.memref_slice %dma_start3A_93[%dma_start3A_94, %dma_start3A_95] : memref<128x128xf32, #tpu.memory_space<vmem>> -> memref<128x128xf32, #tpu.memory_space<vmem>>
      %dma_start3A_97 = arith.constant 0 : i32
      %dma_start3A_98 = tpu.memref_slice %arg9[%add3A_69, %dma_start3A_97] : memref<10240x128xf32, #tpu.memory_space<vmem_shared>> -> memref<128x128xf32, #tpu.memory_space<vmem_shared>>
      tpu.enqueue_dma source(%dma_start3A_98 : memref<128x128xf32, #tpu.memory_space<vmem_shared>>) target(%dma_start3A_96 : memref<128x128xf32, #tpu.memory_space<vmem>>) target_semaphore(%run_scoped3A_80 : memref<!tpu.dma_semaphore, #tpu.memory_space<semaphore_mem>>)
      %dma_wait3A = arith.constant 0 : i32
      %dma_wait3A_99 = arith.constant 0 : i32
      %dma_wait3A_100 = tpu.memref_slice %arg8[%run_scoped3A_70, %dma_wait3A, %dma_wait3A_99] : memref<2x128x128xf32, #tpu.memory_space<vmem>> -> memref<1x128x128xf32, #tpu.memory_space<vmem>>
      %dma_wait3A_101 = tpu.memref_squeeze %dma_wait3A_100 : memref<1x128x128xf32, #tpu.memory_space<vmem>> -> memref<128x128xf32, #tpu.memory_space<vmem>>
      %dma_wait3A_102 = arith.constant 0 : i32
      %dma_wait3A_103 = arith.constant 0 : i32
      %dma_wait3A_104 = tpu.memref_slice %dma_wait3A_101[%dma_wait3A_102, %dma_wait3A_103] : memref<128x128xf32, #tpu.memory_space<vmem>> -> memref<128x128xf32, #tpu.memory_space<vmem>>
      %dma_wait3A_105 = arith.constant 0 : i32
      %dma_wait3A_106 = tpu.memref_slice %arg9[%add3A_69, %dma_wait3A_105] : memref<10240x128xf32, #tpu.memory_space<vmem_shared>> -> memref<128x128xf32, #tpu.memory_space<vmem_shared>>
      %dma_wait3A_107 = arith.constant 0 : i32
      %dma_wait3A_108 = arith.constant 0 : i32
      %dma_wait3A_109 = tpu.memref_slice %arg8[%run_scoped3A_70, %dma_wait3A_107, %dma_wait3A_108] : memref<2x128x128xf32, #tpu.memory_space<vmem>> -> memref<1x128x128xf32, #tpu.memory_space<vmem>>
      %dma_wait3A_110 = tpu.memref_squeeze %dma_wait3A_109 : memref<1x128x128xf32, #tpu.memory_space<vmem>> -> memref<128x128xf32, #tpu.memory_space<vmem>>
      %dma_wait3A_111 = arith.constant 0 : i32
      %dma_wait3A_112 = arith.constant 0 : i32
      %dma_wait3A_113 = tpu.memref_slice %dma_wait3A_110[%dma_wait3A_111, %dma_wait3A_112] : memref<128x128xf32, #tpu.memory_space<vmem>> -> memref<128x128xf32, #tpu.memory_space<vmem>>
      %dma_wait3A_114 = arith.constant 0 : i32
      %dma_wait3A_115 = tpu.memref_slice %arg9[%add3A_69, %dma_wait3A_114] : memref<10240x128xf32, #tpu.memory_space<vmem_shared>> -> memref<128x128xf32, #tpu.memory_space<vmem_shared>>
      tpu.wait_dma2 semaphore(%run_scoped3A_80 : memref<!tpu.dma_semaphore, #tpu.memory_space<semaphore_mem>>) src(%dma_wait3A_115 : memref<128x128xf32, #tpu.memory_space<vmem_shared>>) dst(%dma_wait3A_113 : memref<128x128xf32, #tpu.memory_space<vmem>>)
      tpu.yield
    }) : () -> ()
    %add3A_71 = arith.constant 384 : i32
    %add3A_72 = arith.addi %mul3A_6, %add3A_71 : i32
    %run_scoped3A_73 = arith.constant 0 : i32
    "tpu.region"() ({
      %run_scoped3A_80 = tpu.sem_alloc : memref<!tpu.dma_semaphore, #tpu.memory_space<semaphore_mem>>
      %dma_start3A_81 = arith.constant 0 : i32
      %dma_start3A_82 = arith.constant 0 : i32
      %dma_start3A_83 = tpu.memref_slice %arg8[%run_scoped3A_73, %dma_start3A_81, %dma_start3A_82] : memref<2x128x128xf32, #tpu.memory_space<vmem>> -> memref<1x128x128xf32, #tpu.memory_space<vmem>>
      %dma_start3A_84 = tpu.memref_squeeze %dma_start3A_83 : memref<1x128x128xf32, #tpu.memory_space<vmem>> -> memref<128x128xf32, #tpu.memory_space<vmem>>
      %dma_start3A_85 = arith.constant 0 : i32
      %dma_start3A_86 = arith.constant 0 : i32
      %dma_start3A_87 = tpu.memref_slice %dma_start3A_84[%dma_start3A_85, %dma_start3A_86] : memref<128x128xf32, #tpu.memory_space<vmem>> -> memref<128x128xf32, #tpu.memory_space<vmem>>
      %dma_start3A_88 = arith.constant 0 : i32
      %dma_start3A_89 = arith.constant 0 : i32
      %dma_start3A_90 = tpu.memref_slice %arg5[%arg0, %dma_start3A_88, %dma_start3A_89] : memref<2x10240x128xf32, #tpu.memory_space<hbm>> -> memref<1x10240x128xf32, #tpu.memory_space<hbm>>
      %dma_start3A_91 = tpu.memref_squeeze %dma_start3A_90 : memref<1x10240x128xf32, #tpu.memory_space<hbm>> -> memref<10240x128xf32, #tpu.memory_space<hbm>>
      %dma_start3A_92 = arith.constant 0 : i32
      %dma_start3A_93 = tpu.memref_slice %dma_start3A_91[%add3A_72, %dma_start3A_92] : memref<10240x128xf32, #tpu.memory_space<hbm>> -> memref<128x128xf32, #tpu.memory_space<hbm>>
      %dma_start3A_94 = arith.constant 0 : i32
      %dma_start3A_95 = arith.constant 0 : i32
      %dma_start3A_96 = tpu.memref_slice %arg5[%arg0, %dma_start3A_94, %dma_start3A_95] : memref<2x10240x128xf32, #tpu.memory_space<hbm>> -> memref<1x10240x128xf32, #tpu.memory_space<hbm>>
      %dma_start3A_97 = tpu.memref_squeeze %dma_start3A_96 : memref<1x10240x128xf32, #tpu.memory_space<hbm>> -> memref<10240x128xf32, #tpu.memory_space<hbm>>
      %dma_start3A_98 = arith.constant 0 : i32
      %dma_start3A_99 = tpu.memref_slice %dma_start3A_97[%add3A_72, %dma_start3A_98] : memref<10240x128xf32, #tpu.memory_space<hbm>> -> memref<128x128xf32, #tpu.memory_space<hbm>>
      %dma_start3A_100 = arith.constant 0 : i32
      %dma_start3A_101 = arith.constant 0 : i32
      %dma_start3A_102 = tpu.memref_slice %arg8[%run_scoped3A_73, %dma_start3A_100, %dma_start3A_101] : memref<2x128x128xf32, #tpu.memory_space<vmem>> -> memref<1x128x128xf32, #tpu.memory_space<vmem>>
      %dma_start3A_103 = tpu.memref_squeeze %dma_start3A_102 : memref<1x128x128xf32, #tpu.memory_space<vmem>> -> memref<128x128xf32, #tpu.memory_space<vmem>>
      %dma_start3A_104 = arith.constant 0 : i32
      %dma_start3A_105 = arith.constant 0 : i32
      %dma_start3A_106 = tpu.memref_slice %dma_start3A_103[%dma_start3A_104, %dma_start3A_105] : memref<128x128xf32, #tpu.memory_space<vmem>> -> memref<128x128xf32, #tpu.memory_space<vmem>>
      tpu.enqueue_dma source(%dma_start3A_106 : memref<128x128xf32, #tpu.memory_space<vmem>>) target(%dma_start3A_99 : memref<128x128xf32, #tpu.memory_space<hbm>>) target_semaphore(%run_scoped3A_80 : memref<!tpu.dma_semaphore, #tpu.memory_space<semaphore_mem>>)
      %dma_wait3A = arith.constant 0 : i32
      %dma_wait3A_107 = arith.constant 0 : i32
      %dma_wait3A_108 = tpu.memref_slice %arg8[%run_scoped3A_73, %dma_wait3A, %dma_wait3A_107] : memref<2x128x128xf32, #tpu.memory_space<vmem>> -> memref<1x128x128xf32, #tpu.memory_space<vmem>>
      %dma_wait3A_109 = tpu.memref_squeeze %dma_wait3A_108 : memref<1x128x128xf32, #tpu.memory_space<vmem>> -> memref<128x128xf32, #tpu.memory_space<vmem>>
      %dma_wait3A_110 = arith.constant 0 : i32
      %dma_wait3A_111 = arith.constant 0 : i32
      %dma_wait3A_112 = tpu.memref_slice %dma_wait3A_109[%dma_wait3A_110, %dma_wait3A_111] : memref<128x128xf32, #tpu.memory_space<vmem>> -> memref<128x128xf32, #tpu.memory_space<vmem>>
      %dma_wait3A_113 = arith.constant 0 : i32
      %dma_wait3A_114 = arith.constant 0 : i32
      %dma_wait3A_115 = tpu.memref_slice %arg5[%arg0, %dma_wait3A_113, %dma_wait3A_114] : memref<2x10240x128xf32, #tpu.memory_space<hbm>> -> memref<1x10240x128xf32, #tpu.memory_space<hbm>>
      %dma_wait3A_116 = tpu.memref_squeeze %dma_wait3A_115 : memref<1x10240x128xf32, #tpu.memory_space<hbm>> -> memref<10240x128xf32, #tpu.memory_space<hbm>>
      %dma_wait3A_117 = arith.constant 0 : i32
      %dma_wait3A_118 = tpu.memref_slice %dma_wait3A_116[%add3A_72, %dma_wait3A_117] : memref<10240x128xf32, #tpu.memory_space<hbm>> -> memref<128x128xf32, #tpu.memory_space<hbm>>
      %dma_wait3A_119 = arith.constant 0 : i32
      %dma_wait3A_120 = arith.constant 0 : i32
      %dma_wait3A_121 = tpu.memref_slice %arg5[%arg0, %dma_wait3A_119, %dma_wait3A_120] : memref<2x10240x128xf32, #tpu.memory_space<hbm>> -> memref<1x10240x128xf32, #tpu.memory_space<hbm>>
      %dma_wait3A_122 = tpu.memref_squeeze %dma_wait3A_121 : memref<1x10240x128xf32, #tpu.memory_space<hbm>> -> memref<10240x128xf32, #tpu.memory_space<hbm>>
      %dma_wait3A_123 = arith.constant 0 : i32
      %dma_wait3A_124 = tpu.memref_slice %dma_wait3A_122[%add3A_72, %dma_wait3A_123] : memref<10240x128xf32, #tpu.memory_space<hbm>> -> memref<128x128xf32, #tpu.memory_space<hbm>>
      %dma_wait3A_125 = arith.constant 0 : i32
      %dma_wait3A_126 = arith.constant 0 : i32
      %dma_wait3A_127 = tpu.memref_slice %arg8[%run_scoped3A_73, %dma_wait3A_125, %dma_wait3A_126] : memref<2x128x128xf32, #tpu.memory_space<vmem>> -> memref<1x128x128xf32, #tpu.memory_space<vmem>>
      %dma_wait3A_128 = tpu.memref_squeeze %dma_wait3A_127 : memref<1x128x128xf32, #tpu.memory_space<vmem>> -> memref<128x128xf32, #tpu.memory_space<vmem>>
      %dma_wait3A_129 = arith.constant 0 : i32
      %dma_wait3A_130 = arith.constant 0 : i32
      %dma_wait3A_131 = tpu.memref_slice %dma_wait3A_128[%dma_wait3A_129, %dma_wait3A_130] : memref<128x128xf32, #tpu.memory_space<vmem>> -> memref<128x128xf32, #tpu.memory_space<vmem>>
      tpu.wait_dma2 semaphore(%run_scoped3A_80 : memref<!tpu.dma_semaphore, #tpu.memory_space<semaphore_mem>>) src(%dma_wait3A_131 : memref<128x128xf32, #tpu.memory_space<vmem>>) dst(%dma_wait3A_124 : memref<128x128xf32, #tpu.memory_space<hbm>>)
      tpu.yield
    }) : () -> ()
    %add3A_74 = arith.constant 512 : i32
    %add3A_75 = arith.addi %mul3A_6, %add3A_74 : i32
    %run_scoped3A_76 = arith.constant 0 : i32
    "tpu.region"() ({
      %run_scoped3A_80 = tpu.sem_alloc : memref<!tpu.dma_semaphore, #tpu.memory_space<semaphore_mem>>
      %dma_start3A_81 = arith.constant 0 : i32
      %dma_start3A_82 = arith.constant 0 : i32
      %dma_start3A_83 = tpu.memref_slice %arg8[%run_scoped3A_76, %dma_start3A_81, %dma_start3A_82] : memref<2x128x128xf32, #tpu.memory_space<vmem>> -> memref<1x128x128xf32, #tpu.memory_space<vmem>>
      %dma_start3A_84 = tpu.memref_squeeze %dma_start3A_83 : memref<1x128x128xf32, #tpu.memory_space<vmem>> -> memref<128x128xf32, #tpu.memory_space<vmem>>
      %dma_start3A_85 = arith.constant 0 : i32
      %dma_start3A_86 = arith.constant 0 : i32
      %dma_start3A_87 = tpu.memref_slice %dma_start3A_84[%dma_start3A_85, %dma_start3A_86] : memref<128x128xf32, #tpu.memory_space<vmem>> -> memref<128x128xf32, #tpu.memory_space<vmem>>
      %dma_start3A_88 = arith.constant 0 : i32
      %dma_start3A_89 = tpu.memref_slice %arg9[%add3A_75, %dma_start3A_88] : memref<10240x128xf32, #tpu.memory_space<vmem_shared>> -> memref<128x128xf32, #tpu.memory_space<vmem_shared>>
      %dma_start3A_90 = arith.constant 0 : i32
      %dma_start3A_91 = arith.constant 0 : i32
      %dma_start3A_92 = tpu.memref_slice %arg8[%run_scoped3A_76, %dma_start3A_90, %dma_start3A_91] : memref<2x128x128xf32, #tpu.memory_space<vmem>> -> memref<1x128x128xf32, #tpu.memory_space<vmem>>
      %dma_start3A_93 = tpu.memref_squeeze %dma_start3A_92 : memref<1x128x128xf32, #tpu.memory_space<vmem>> -> memref<128x128xf32, #tpu.memory_space<vmem>>
      %dma_start3A_94 = arith.constant 0 : i32
      %dma_start3A_95 = arith.constant 0 : i32
      %dma_start3A_96 = tpu.memref_slice %dma_start3A_93[%dma_start3A_94, %dma_start3A_95] : memref<128x128xf32, #tpu.memory_space<vmem>> -> memref<128x128xf32, #tpu.memory_space<vmem>>
      %dma_start3A_97 = arith.constant 0 : i32
      %dma_start3A_98 = tpu.memref_slice %arg9[%add3A_75, %dma_start3A_97] : memref<10240x128xf32, #tpu.memory_space<vmem_shared>> -> memref<128x128xf32, #tpu.memory_space<vmem_shared>>
      tpu.enqueue_dma source(%dma_start3A_98 : memref<128x128xf32, #tpu.memory_space<vmem_shared>>) target(%dma_start3A_96 : memref<128x128xf32, #tpu.memory_space<vmem>>) target_semaphore(%run_scoped3A_80 : memref<!tpu.dma_semaphore, #tpu.memory_space<semaphore_mem>>)
      %dma_wait3A = arith.constant 0 : i32
      %dma_wait3A_99 = arith.constant 0 : i32
      %dma_wait3A_100 = tpu.memref_slice %arg8[%run_scoped3A_76, %dma_wait3A, %dma_wait3A_99] : memref<2x128x128xf32, #tpu.memory_space<vmem>> -> memref<1x128x128xf32, #tpu.memory_space<vmem>>
      %dma_wait3A_101 = tpu.memref_squeeze %dma_wait3A_100 : memref<1x128x128xf32, #tpu.memory_space<vmem>> -> memref<128x128xf32, #tpu.memory_space<vmem>>
      %dma_wait3A_102 = arith.constant 0 : i32
      %dma_wait3A_103 = arith.constant 0 : i32
      %dma_wait3A_104 = tpu.memref_slice %dma_wait3A_101[%dma_wait3A_102, %dma_wait3A_103] : memref<128x128xf32, #tpu.memory_space<vmem>> -> memref<128x128xf32, #tpu.memory_space<vmem>>
      %dma_wait3A_105 = arith.constant 0 : i32
      %dma_wait3A_106 = tpu.memref_slice %arg9[%add3A_75, %dma_wait3A_105] : memref<10240x128xf32, #tpu.memory_space<vmem_shared>> -> memref<128x128xf32, #tpu.memory_space<vmem_shared>>
      %dma_wait3A_107 = arith.constant 0 : i32
      %dma_wait3A_108 = arith.constant 0 : i32
      %dma_wait3A_109 = tpu.memref_slice %arg8[%run_scoped3A_76, %dma_wait3A_107, %dma_wait3A_108] : memref<2x128x128xf32, #tpu.memory_space<vmem>> -> memref<1x128x128xf32, #tpu.memory_space<vmem>>
      %dma_wait3A_110 = tpu.memref_squeeze %dma_wait3A_109 : memref<1x128x128xf32, #tpu.memory_space<vmem>> -> memref<128x128xf32, #tpu.memory_space<vmem>>
      %dma_wait3A_111 = arith.constant 0 : i32
      %dma_wait3A_112 = arith.constant 0 : i32
      %dma_wait3A_113 = tpu.memref_slice %dma_wait3A_110[%dma_wait3A_111, %dma_wait3A_112] : memref<128x128xf32, #tpu.memory_space<vmem>> -> memref<128x128xf32, #tpu.memory_space<vmem>>
      %dma_wait3A_114 = arith.constant 0 : i32
      %dma_wait3A_115 = tpu.memref_slice %arg9[%add3A_75, %dma_wait3A_114] : memref<10240x128xf32, #tpu.memory_space<vmem_shared>> -> memref<128x128xf32, #tpu.memory_space<vmem_shared>>
      tpu.wait_dma2 semaphore(%run_scoped3A_80 : memref<!tpu.dma_semaphore, #tpu.memory_space<semaphore_mem>>) src(%dma_wait3A_115 : memref<128x128xf32, #tpu.memory_space<vmem_shared>>) dst(%dma_wait3A_113 : memref<128x128xf32, #tpu.memory_space<vmem>>)
      tpu.yield
    }) : () -> ()
    %add3A_77 = arith.constant 512 : i32
    %add3A_78 = arith.addi %mul3A_6, %add3A_77 : i32
    %run_scoped3A_79 = arith.constant 0 : i32
    "tpu.region"() ({
      %run_scoped3A_80 = tpu.sem_alloc : memref<!tpu.dma_semaphore, #tpu.memory_space<semaphore_mem>>
      %dma_start3A_81 = arith.constant 0 : i32
      %dma_start3A_82 = arith.constant 0 : i32
      %dma_start3A_83 = tpu.memref_slice %arg8[%run_scoped3A_79, %dma_start3A_81, %dma_start3A_82] : memref<2x128x128xf32, #tpu.memory_space<vmem>> -> memref<1x128x128xf32, #tpu.memory_space<vmem>>
      %dma_start3A_84 = tpu.memref_squeeze %dma_start3A_83 : memref<1x128x128xf32, #tpu.memory_space<vmem>> -> memref<128x128xf32, #tpu.memory_space<vmem>>
      %dma_start3A_85 = arith.constant 0 : i32
      %dma_start3A_86 = arith.constant 0 : i32
      %dma_start3A_87 = tpu.memref_slice %dma_start3A_84[%dma_start3A_85, %dma_start3A_86] : memref<128x128xf32, #tpu.memory_space<vmem>> -> memref<128x128xf32, #tpu.memory_space<vmem>>
      %dma_start3A_88 = arith.constant 0 : i32
      %dma_start3A_89 = arith.constant 0 : i32
      %dma_start3A_90 = tpu.memref_slice %arg5[%arg0, %dma_start3A_88, %dma_start3A_89] : memref<2x10240x128xf32, #tpu.memory_space<hbm>> -> memref<1x10240x128xf32, #tpu.memory_space<hbm>>
      %dma_start3A_91 = tpu.memref_squeeze %dma_start3A_90 : memref<1x10240x128xf32, #tpu.memory_space<hbm>> -> memref<10240x128xf32, #tpu.memory_space<hbm>>
      %dma_start3A_92 = arith.constant 0 : i32
      %dma_start3A_93 = tpu.memref_slice %dma_start3A_91[%add3A_78, %dma_start3A_92] : memref<10240x128xf32, #tpu.memory_space<hbm>> -> memref<128x128xf32, #tpu.memory_space<hbm>>
      %dma_start3A_94 = arith.constant 0 : i32
      %dma_start3A_95 = arith.constant 0 : i32
      %dma_start3A_96 = tpu.memref_slice %arg5[%arg0, %dma_start3A_94, %dma_start3A_95] : memref<2x10240x128xf32, #tpu.memory_space<hbm>> -> memref<1x10240x128xf32, #tpu.memory_space<hbm>>
      %dma_start3A_97 = tpu.memref_squeeze %dma_start3A_96 : memref<1x10240x128xf32, #tpu.memory_space<hbm>> -> memref<10240x128xf32, #tpu.memory_space<hbm>>
      %dma_start3A_98 = arith.constant 0 : i32
      %dma_start3A_99 = tpu.memref_slice %dma_start3A_97[%add3A_78, %dma_start3A_98] : memref<10240x128xf32, #tpu.memory_space<hbm>> -> memref<128x128xf32, #tpu.memory_space<hbm>>
      %dma_start3A_100 = arith.constant 0 : i32
      %dma_start3A_101 = arith.constant 0 : i32
      %dma_start3A_102 = tpu.memref_slice %arg8[%run_scoped3A_79, %dma_start3A_100, %dma_start3A_101] : memref<2x128x128xf32, #tpu.memory_space<vmem>> -> memref<1x128x128xf32, #tpu.memory_space<vmem>>
      %dma_start3A_103 = tpu.memref_squeeze %dma_start3A_102 : memref<1x128x128xf32, #tpu.memory_space<vmem>> -> memref<128x128xf32, #tpu.memory_space<vmem>>
      %dma_start3A_104 = arith.constant 0 : i32
      %dma_start3A_105 = arith.constant 0 : i32
      %dma_start3A_106 = tpu.memref_slice %dma_start3A_103[%dma_start3A_104, %dma_start3A_105] : memref<128x128xf32, #tpu.memory_space<vmem>> -> memref<128x128xf32, #tpu.memory_space<vmem>>
      tpu.enqueue_dma source(%dma_start3A_106 : memref<128x128xf32, #tpu.memory_space<vmem>>) target(%dma_start3A_99 : memref<128x128xf32, #tpu.memory_space<hbm>>) target_semaphore(%run_scoped3A_80 : memref<!tpu.dma_semaphore, #tpu.memory_space<semaphore_mem>>)
      %dma_wait3A = arith.constant 0 : i32
      %dma_wait3A_107 = arith.constant 0 : i32
      %dma_wait3A_108 = tpu.memref_slice %arg8[%run_scoped3A_79, %dma_wait3A, %dma_wait3A_107] : memref<2x128x128xf32, #tpu.memory_space<vmem>> -> memref<1x128x128xf32, #tpu.memory_space<vmem>>
      %dma_wait3A_109 = tpu.memref_squeeze %dma_wait3A_108 : memref<1x128x128xf32, #tpu.memory_space<vmem>> -> memref<128x128xf32, #tpu.memory_space<vmem>>
      %dma_wait3A_110 = arith.constant 0 : i32
      %dma_wait3A_111 = arith.constant 0 : i32
      %dma_wait3A_112 = tpu.memref_slice %dma_wait3A_109[%dma_wait3A_110, %dma_wait3A_111] : memref<128x128xf32, #tpu.memory_space<vmem>> -> memref<128x128xf32, #tpu.memory_space<vmem>>
      %dma_wait3A_113 = arith.constant 0 : i32
      %dma_wait3A_114 = arith.constant 0 : i32
      %dma_wait3A_115 = tpu.memref_slice %arg5[%arg0, %dma_wait3A_113, %dma_wait3A_114] : memref<2x10240x128xf32, #tpu.memory_space<hbm>> -> memref<1x10240x128xf32, #tpu.memory_space<hbm>>
      %dma_wait3A_116 = tpu.memref_squeeze %dma_wait3A_115 : memref<1x10240x128xf32, #tpu.memory_space<hbm>> -> memref<10240x128xf32, #tpu.memory_space<hbm>>
      %dma_wait3A_117 = arith.constant 0 : i32
      %dma_wait3A_118 = tpu.memref_slice %dma_wait3A_116[%add3A_78, %dma_wait3A_117] : memref<10240x128xf32, #tpu.memory_space<hbm>> -> memref<128x128xf32, #tpu.memory_space<hbm>>
      %dma_wait3A_119 = arith.constant 0 : i32
      %dma_wait3A_120 = arith.constant 0 : i32
      %dma_wait3A_121 = tpu.memref_slice %arg5[%arg0, %dma_wait3A_119, %dma_wait3A_120] : memref<2x10240x128xf32, #tpu.memory_space<hbm>> -> memref<1x10240x128xf32, #tpu.memory_space<hbm>>
      %dma_wait3A_122 = tpu.memref_squeeze %dma_wait3A_121 : memref<1x10240x128xf32, #tpu.memory_space<hbm>> -> memref<10240x128xf32, #tpu.memory_space<hbm>>
      %dma_wait3A_123 = arith.constant 0 : i32
      %dma_wait3A_124 = tpu.memref_slice %dma_wait3A_122[%add3A_78, %dma_wait3A_123] : memref<10240x128xf32, #tpu.memory_space<hbm>> -> memref<128x128xf32, #tpu.memory_space<hbm>>
      %dma_wait3A_125 = arith.constant 0 : i32
      %dma_wait3A_126 = arith.constant 0 : i32
      %dma_wait3A_127 = tpu.memref_slice %arg8[%run_scoped3A_79, %dma_wait3A_125, %dma_wait3A_126] : memref<2x128x128xf32, #tpu.memory_space<vmem>> -> memref<1x128x128xf32, #tpu.memory_space<vmem>>
      %dma_wait3A_128 = tpu.memref_squeeze %dma_wait3A_127 : memref<1x128x128xf32, #tpu.memory_space<vmem>> -> memref<128x128xf32, #tpu.memory_space<vmem>>
      %dma_wait3A_129 = arith.constant 0 : i32
      %dma_wait3A_130 = arith.constant 0 : i32
      %dma_wait3A_131 = tpu.memref_slice %dma_wait3A_128[%dma_wait3A_129, %dma_wait3A_130] : memref<128x128xf32, #tpu.memory_space<vmem>> -> memref<128x128xf32, #tpu.memory_space<vmem>>
      tpu.wait_dma2 semaphore(%run_scoped3A_80 : memref<!tpu.dma_semaphore, #tpu.memory_space<semaphore_mem>>) src(%dma_wait3A_131 : memref<128x128xf32, #tpu.memory_space<vmem>>) dst(%dma_wait3A_124 : memref<128x128xf32, #tpu.memory_space<hbm>>)
      tpu.yield
    }) : () -> ()
    return
  }
}

#map = affine_map<(d0, d1) -> (0, 0)>
#map1 = affine_map<(d0, d1) -> (0, 0, 0)>
module attributes {stable_mosaic.version = 14 : i64} {
  func.func @body(%arg0: i32, %arg1: i32, %arg2: memref<10000x128xf32, #tpu.memory_space<hbm>>, %arg3: memref<32x40x128xi32, #tpu.memory_space<hbm>>, %arg4: memref<32x40x128xi32, #tpu.memory_space<hbm>>, %arg5: memref<2x10240x128xf32, #tpu.memory_space<hbm>>, %arg6: memref<40x128xi32, #tpu.memory_space<vmem>>, %arg7: memref<40x128xi32, #tpu.memory_space<vmem>>, %arg8: memref<2x128x128xf32, #tpu.memory_space<vmem>>, %arg9: memref<10240x128xf32, #tpu.memory_space<vmem_shared>>, %arg10: memref<!tpu.dma_semaphore, #tpu.memory_space<semaphore_mem>>, %arg11: memref<!tpu.dma_semaphore, #tpu.memory_space<semaphore_mem>>) attributes {dimension_semantics = [#tpu.dimension_semantics<core_parallel>, #tpu.dimension_semantics<subcore_parallel>], iteration_bounds = array<i64: 2, 16>, scalar_prefetch = 0 : i64, scratch_operands = 6 : i64, tpu.core_type = #tpu.core_type<sc_vector_subcore>, window_params = [{transform_indices = #map}, {transform_indices = #map1}, {transform_indices = #map1}, {transform_indices = #map1}]} {
    %mul3A = arith.constant 16 : i32
    %mul3A_0 = arith.muli %arg0, %mul3A : i32
    %add3A = arith.addi %mul3A_0, %arg1 : i32
    "tpu.region"() ({
      %run_scoped3A_80 = tpu.sem_alloc : memref<!tpu.dma_semaphore, #tpu.memory_space<semaphore_mem>>
      %dma_start3A_81 = arith.constant 0 : i32
      %dma_start3A_82 = arith.constant 0 : i32
      %dma_start3A_83 = tpu.memref_slice %arg3[%add3A, %dma_start3A_81, %dma_start3A_82] : memref<32x40x128xi32, #tpu.memory_space<hbm>> -> memref<1x40x128xi32, #tpu.memory_space<hbm>>
      %dma_start3A_84 = tpu.memref_squeeze %dma_start3A_83 : memref<1x40x128xi32, #tpu.memory_space<hbm>> -> memref<40x128xi32, #tpu.memory_space<hbm>>
      %dma_start3A_85 = arith.constant 0 : i32
      %dma_start3A_86 = arith.constant 0 : i32
      %dma_start3A_87 = tpu.memref_slice %arg3[%add3A, %dma_start3A_85, %dma_start3A_86] : memref<32x40x128xi32, #tpu.memory_space<hbm>> -> memref<1x40x128xi32, #tpu.memory_space<hbm>>
      %dma_start3A_88 = tpu.memref_squeeze %dma_start3A_87 : memref<1x40x128xi32, #tpu.memory_space<hbm>> -> memref<40x128xi32, #tpu.memory_space<hbm>>
      tpu.enqueue_dma source(%dma_start3A_88 : memref<40x128xi32, #tpu.memory_space<hbm>>) target(%arg6 : memref<40x128xi32, #tpu.memory_space<vmem>>) target_semaphore(%run_scoped3A_80 : memref<!tpu.dma_semaphore, #tpu.memory_space<semaphore_mem>>)
      %dma_wait3A = arith.constant 0 : i32
      %dma_wait3A_89 = arith.constant 0 : i32
      %dma_wait3A_90 = tpu.memref_slice %arg3[%add3A, %dma_wait3A, %dma_wait3A_89] : memref<32x40x128xi32, #tpu.memory_space<hbm>> -> memref<1x40x128xi32, #tpu.memory_space<hbm>>
      %dma_wait3A_91 = tpu.memref_squeeze %dma_wait3A_90 : memref<1x40x128xi32, #tpu.memory_space<hbm>> -> memref<40x128xi32, #tpu.memory_space<hbm>>
      %dma_wait3A_92 = arith.constant 0 : i32
      %dma_wait3A_93 = arith.constant 0 : i32
      %dma_wait3A_94 = tpu.memref_slice %arg3[%add3A, %dma_wait3A_92, %dma_wait3A_93] : memref<32x40x128xi32, #tpu.memory_space<hbm>> -> memref<1x40x128xi32, #tpu.memory_space<hbm>>
      %dma_wait3A_95 = tpu.memref_squeeze %dma_wait3A_94 : memref<1x40x128xi32, #tpu.memory_space<hbm>> -> memref<40x128xi32, #tpu.memory_space<hbm>>
      tpu.wait_dma2 semaphore(%run_scoped3A_80 : memref<!tpu.dma_semaphore, #tpu.memory_space<semaphore_mem>>) src(%dma_wait3A_95 : memref<40x128xi32, #tpu.memory_space<hbm>>) dst(%arg6 : memref<40x128xi32, #tpu.memory_space<vmem>>)
      tpu.yield
    }) : () -> ()
    "tpu.region"() ({
      %run_scoped3A_80 = tpu.sem_alloc : memref<!tpu.dma_semaphore, #tpu.memory_space<semaphore_mem>>
      %dma_start3A_81 = arith.constant 0 : i32
      %dma_start3A_82 = arith.constant 0 : i32
      %dma_start3A_83 = tpu.memref_slice %arg4[%add3A, %dma_start3A_81, %dma_start3A_82] : memref<32x40x128xi32, #tpu.memory_space<hbm>> -> memref<1x40x128xi32, #tpu.memory_space<hbm>>
      %dma_start3A_84 = tpu.memref_squeeze %dma_start3A_83 : memref<1x40x128xi32, #tpu.memory_space<hbm>> -> memref<40x128xi32, #tpu.memory_space<hbm>>
      %dma_start3A_85 = arith.constant 0 : i32
      %dma_start3A_86 = arith.constant 0 : i32
      %dma_start3A_87 = tpu.memref_slice %arg4[%add3A, %dma_start3A_85, %dma_start3A_86] : memref<32x40x128xi32, #tpu.memory_space<hbm>> -> memref<1x40x128xi32, #tpu.memory_space<hbm>>
      %dma_start3A_88 = tpu.memref_squeeze %dma_start3A_87 : memref<1x40x128xi32, #tpu.memory_space<hbm>> -> memref<40x128xi32, #tpu.memory_space<hbm>>
      tpu.enqueue_dma source(%dma_start3A_88 : memref<40x128xi32, #tpu.memory_space<hbm>>) target(%arg7 : memref<40x128xi32, #tpu.memory_space<vmem>>) target_semaphore(%run_scoped3A_80 : memref<!tpu.dma_semaphore, #tpu.memory_space<semaphore_mem>>)
      %dma_wait3A = arith.constant 0 : i32
      %dma_wait3A_89 = arith.constant 0 : i32
      %dma_wait3A_90 = tpu.memref_slice %arg4[%add3A, %dma_wait3A, %dma_wait3A_89] : memref<32x40x128xi32, #tpu.memory_space<hbm>> -> memref<1x40x128xi32, #tpu.memory_space<hbm>>
      %dma_wait3A_91 = tpu.memref_squeeze %dma_wait3A_90 : memref<1x40x128xi32, #tpu.memory_space<hbm>> -> memref<40x128xi32, #tpu.memory_space<hbm>>
      %dma_wait3A_92 = arith.constant 0 : i32
      %dma_wait3A_93 = arith.constant 0 : i32
      %dma_wait3A_94 = tpu.memref_slice %arg4[%add3A, %dma_wait3A_92, %dma_wait3A_93] : memref<32x40x128xi32, #tpu.memory_space<hbm>> -> memref<1x40x128xi32, #tpu.memory_space<hbm>>
      %dma_wait3A_95 = tpu.memref_squeeze %dma_wait3A_94 : memref<1x40x128xi32, #tpu.memory_space<hbm>> -> memref<40x128xi32, #tpu.memory_space<hbm>>
      tpu.wait_dma2 semaphore(%run_scoped3A_80 : memref<!tpu.dma_semaphore, #tpu.memory_space<semaphore_mem>>) src(%dma_wait3A_95 : memref<40x128xi32, #tpu.memory_space<hbm>>) dst(%arg7 : memref<40x128xi32, #tpu.memory_space<vmem>>)
      tpu.yield
    }) : () -> ()
    %scan3A = arith.constant 0 : i32
    %scan3A_1 = arith.constant 128 : i32
    %scan3A_2 = arith.addi %scan3A, %scan3A_1 : i32
    %scan3A_3 = arith.constant 1 : i32
    scf.for %scan3A_80 = %scan3A to %scan3A_2 step %scan3A_3  : i32 {
      %mul3A_81 = arith.constant 1 : i32
      %mul3A_82 = arith.muli %scan3A_80, %mul3A_81 : i32
      %add3A_83 = arith.constant 0 : i32
      %add3A_84 = arith.addi %add3A_83, %mul3A_82 : i32
      %broadcast_in_dim3A = arith.constant 0.000000e+00 : f32
      %broadcast_in_dim3A_85 = vector.broadcast %broadcast_in_dim3A : f32 to vector<16xf32>
      %swap3A = arith.constant 0 : i32
      %swap3A_86 = arith.index_cast %swap3A : i32 to index
      %swap3A_87 = arith.index_cast %add3A_84 : i32 to index
      %swap3A_88 = arith.constant 0 : index
      %swap3A_89 = tpu.vector_load %arg8[%swap3A_86, %swap3A_87, %swap3A_88] {strides = array<i32>} : memref<2x128x128xf32, #tpu.memory_space<vmem>>, vector<1x1x16xf32>,
      %swap3A_90 = vector.shape_cast %swap3A_89 : vector<1x1x16xf32> to vector<16xf32>
      %swap3A_91 = vector.shape_cast %broadcast_in_dim3A_85 : vector<16xf32> to vector<1x1x16xf32>
      tpu.vector_store %arg8[%swap3A_86, %swap3A_87, %swap3A_88], %swap3A_91 {strides = array<i32>} : memref<2x128x128xf32, #tpu.memory_space<vmem>>, vector<1x1x16xf32>,
      %broadcast_in_dim3A_92 = arith.constant 0.000000e+00 : f32
      %broadcast_in_dim3A_93 = vector.broadcast %broadcast_in_dim3A_92 : f32 to vector<16xf32>
      %swap3A_94 = arith.constant 0 : i32
      %swap3A_95 = arith.index_cast %swap3A_94 : i32 to index
      %swap3A_96 = arith.index_cast %add3A_84 : i32 to index
      %swap3A_97 = arith.constant 16 : index
      %swap3A_98 = tpu.vector_load %arg8[%swap3A_95, %swap3A_96, %swap3A_97] {strides = array<i32>} : memref<2x128x128xf32, #tpu.memory_space<vmem>>, vector<1x1x16xf32>,
      %swap3A_99 = vector.shape_cast %swap3A_98 : vector<1x1x16xf32> to vector<16xf32>
      %swap3A_100 = vector.shape_cast %broadcast_in_dim3A_93 : vector<16xf32> to vector<1x1x16xf32>
      tpu.vector_store %arg8[%swap3A_95, %swap3A_96, %swap3A_97], %swap3A_100 {strides = array<i32>} : memref<2x128x128xf32, #tpu.memory_space<vmem>>, vector<1x1x16xf32>,
      %broadcast_in_dim3A_101 = arith.constant 0.000000e+00 : f32
      %broadcast_in_dim3A_102 = vector.broadcast %broadcast_in_dim3A_101 : f32 to vector<16xf32>
      %swap3A_103 = arith.constant 0 : i32
      %swap3A_104 = arith.index_cast %swap3A_103 : i32 to index
      %swap3A_105 = arith.index_cast %add3A_84 : i32 to index
      %swap3A_106 = arith.constant 32 : index
      %swap3A_107 = tpu.vector_load %arg8[%swap3A_104, %swap3A_105, %swap3A_106] {strides = array<i32>} : memref<2x128x128xf32, #tpu.memory_space<vmem>>, vector<1x1x16xf32>,
      %swap3A_108 = vector.shape_cast %swap3A_107 : vector<1x1x16xf32> to vector<16xf32>
      %swap3A_109 = vector.shape_cast %broadcast_in_dim3A_102 : vector<16xf32> to vector<1x1x16xf32>
      tpu.vector_store %arg8[%swap3A_104, %swap3A_105, %swap3A_106], %swap3A_109 {strides = array<i32>} : memref<2x128x128xf32, #tpu.memory_space<vmem>>, vector<1x1x16xf32>,
      %broadcast_in_dim3A_110 = arith.constant 0.000000e+00 : f32
      %broadcast_in_dim3A_111 = vector.broadcast %broadcast_in_dim3A_110 : f32 to vector<16xf32>
      %swap3A_112 = arith.constant 0 : i32
      %swap3A_113 = arith.index_cast %swap3A_112 : i32 to index
      %swap3A_114 = arith.index_cast %add3A_84 : i32 to index
      %swap3A_115 = arith.constant 48 : index
      %swap3A_116 = tpu.vector_load %arg8[%swap3A_113, %swap3A_114, %swap3A_115] {strides = array<i32>} : memref<2x128x128xf32, #tpu.memory_space<vmem>>, vector<1x1x16xf32>,
      %swap3A_117 = vector.shape_cast %swap3A_116 : vector<1x1x16xf32> to vector<16xf32>
      %swap3A_118 = vector.shape_cast %broadcast_in_dim3A_111 : vector<16xf32> to vector<1x1x16xf32>
      tpu.vector_store %arg8[%swap3A_113, %swap3A_114, %swap3A_115], %swap3A_118 {strides = array<i32>} : memref<2x128x128xf32, #tpu.memory_space<vmem>>, vector<1x1x16xf32>,
      %broadcast_in_dim3A_119 = arith.constant 0.000000e+00 : f32
      %broadcast_in_dim3A_120 = vector.broadcast %broadcast_in_dim3A_119 : f32 to vector<16xf32>
      %swap3A_121 = arith.constant 0 : i32
      %swap3A_122 = arith.index_cast %swap3A_121 : i32 to index
      %swap3A_123 = arith.index_cast %add3A_84 : i32 to index
      %swap3A_124 = arith.constant 64 : index
      %swap3A_125 = tpu.vector_load %arg8[%swap3A_122, %swap3A_123, %swap3A_124] {strides = array<i32>} : memref<2x128x128xf32, #tpu.memory_space<vmem>>, vector<1x1x16xf32>,
      %swap3A_126 = vector.shape_cast %swap3A_125 : vector<1x1x16xf32> to vector<16xf32>
      %swap3A_127 = vector.shape_cast %broadcast_in_dim3A_120 : vector<16xf32> to vector<1x1x16xf32>
      tpu.vector_store %arg8[%swap3A_122, %swap3A_123, %swap3A_124], %swap3A_127 {strides = array<i32>} : memref<2x128x128xf32, #tpu.memory_space<vmem>>, vector<1x1x16xf32>,
      %broadcast_in_dim3A_128 = arith.constant 0.000000e+00 : f32
      %broadcast_in_dim3A_129 = vector.broadcast %broadcast_in_dim3A_128 : f32 to vector<16xf32>
      %swap3A_130 = arith.constant 0 : i32
      %swap3A_131 = arith.index_cast %swap3A_130 : i32 to index
      %swap3A_132 = arith.index_cast %add3A_84 : i32 to index
      %swap3A_133 = arith.constant 80 : index
      %swap3A_134 = tpu.vector_load %arg8[%swap3A_131, %swap3A_132, %swap3A_133] {strides = array<i32>} : memref<2x128x128xf32, #tpu.memory_space<vmem>>, vector<1x1x16xf32>,
      %swap3A_135 = vector.shape_cast %swap3A_134 : vector<1x1x16xf32> to vector<16xf32>
      %swap3A_136 = vector.shape_cast %broadcast_in_dim3A_129 : vector<16xf32> to vector<1x1x16xf32>
      tpu.vector_store %arg8[%swap3A_131, %swap3A_132, %swap3A_133], %swap3A_136 {strides = array<i32>} : memref<2x128x128xf32, #tpu.memory_space<vmem>>, vector<1x1x16xf32>,
      %broadcast_in_dim3A_137 = arith.constant 0.000000e+00 : f32
      %broadcast_in_dim3A_138 = vector.broadcast %broadcast_in_dim3A_137 : f32 to vector<16xf32>
      %swap3A_139 = arith.constant 0 : i32
      %swap3A_140 = arith.index_cast %swap3A_139 : i32 to index
      %swap3A_141 = arith.index_cast %add3A_84 : i32 to index
      %swap3A_142 = arith.constant 96 : index
      %swap3A_143 = tpu.vector_load %arg8[%swap3A_140, %swap3A_141, %swap3A_142] {strides = array<i32>} : memref<2x128x128xf32, #tpu.memory_space<vmem>>, vector<1x1x16xf32>,
      %swap3A_144 = vector.shape_cast %swap3A_143 : vector<1x1x16xf32> to vector<16xf32>
      %swap3A_145 = vector.shape_cast %broadcast_in_dim3A_138 : vector<16xf32> to vector<1x1x16xf32>
      tpu.vector_store %arg8[%swap3A_140, %swap3A_141, %swap3A_142], %swap3A_145 {strides = array<i32>} : memref<2x128x128xf32, #tpu.memory_space<vmem>>, vector<1x1x16xf32>,
      %broadcast_in_dim3A_146 = arith.constant 0.000000e+00 : f32
      %broadcast_in_dim3A_147 = vector.broadcast %broadcast_in_dim3A_146 : f32 to vector<16xf32>
      %swap3A_148 = arith.constant 0 : i32
      %swap3A_149 = arith.index_cast %swap3A_148 : i32 to index
      %swap3A_150 = arith.index_cast %add3A_84 : i32 to index
      %swap3A_151 = arith.constant 112 : index
      %swap3A_152 = tpu.vector_load %arg8[%swap3A_149, %swap3A_150, %swap3A_151] {strides = array<i32>} : memref<2x128x128xf32, #tpu.memory_space<vmem>>, vector<1x1x16xf32>,
      %swap3A_153 = vector.shape_cast %swap3A_152 : vector<1x1x16xf32> to vector<16xf32>
      %swap3A_154 = vector.shape_cast %broadcast_in_dim3A_147 : vector<16xf32> to vector<1x1x16xf32>
      tpu.vector_store %arg8[%swap3A_149, %swap3A_150, %swap3A_151], %swap3A_154 {strides = array<i32>} : memref<2x128x128xf32, #tpu.memory_space<vmem>>, vector<1x1x16xf32>,
    }
    %scan3A_4 = arith.constant 128 : i32
    %mul3A_5 = arith.constant 640 : i32
    %mul3A_6 = arith.muli %arg1, %mul3A_5 : i32
    %add3A_7 = arith.constant 0 : i32
    %add3A_8 = arith.addi %mul3A_6, %add3A_7 : i32
    %run_scoped3A = arith.constant 0 : i32
    "tpu.region"() ({
      %run_scoped3A_80 = tpu.sem_alloc : memref<!tpu.dma_semaphore, #tpu.memory_space<semaphore_mem>>
      %dma_start3A_81 = arith.constant 0 : i32
      %dma_start3A_82 = arith.constant 0 : i32
      %dma_start3A_83 = tpu.memref_slice %arg8[%run_scoped3A, %dma_start3A_81, %dma_start3A_82] : memref<2x128x128xf32, #tpu.memory_space<vmem>> -> memref<1x128x128xf32, #tpu.memory_space<vmem>>
      %dma_start3A_84 = tpu.memref_squeeze %dma_start3A_83 : memref<1x128x128xf32, #tpu.memory_space<vmem>> -> memref<128x128xf32, #tpu.memory_space<vmem>>
      %dma_start3A_85 = arith.constant 0 : i32
      %dma_start3A_86 = arith.constant 0 : i32
      %dma_start3A_87 = tpu.memref_slice %dma_start3A_84[%dma_start3A_85, %dma_start3A_86] : memref<128x128xf32, #tpu.memory_space<vmem>> -> memref<128x128xf32, #tpu.memory_space<vmem>>
      %dma_start3A_88 = arith.constant 0 : i32
      %dma_start3A_89 = tpu.memref_slice %arg9[%add3A_8, %dma_start3A_88] : memref<10240x128xf32, #tpu.memory_space<vmem_shared>> -> memref<128x128xf32, #tpu.memory_space<vmem_shared>>
      %dma_start3A_90 = arith.constant 0 : i32
      %dma_start3A_91 = tpu.memref_slice %arg9[%add3A_8, %dma_start3A_90] : memref<10240x128xf32, #tpu.memory_space<vmem_shared>> -> memref<128x128xf32, #tpu.memory_space<vmem_shared>>
      %dma_start3A_92 = arith.constant 0 : i32
      %dma_start3A_93 = arith.constant 0 : i32
      %dma_start3A_94 = tpu.memref_slice %arg8[%run_scoped3A, %dma_start3A_92, %dma_start3A_93] : memref<2x128x128xf32, #tpu.memory_space<vmem>> -> memref<1x128x128xf32, #tpu.memory_space<vmem>>
      %dma_start3A_95 = tpu.memref_squeeze %dma_start3A_94 : memref<1x128x128xf32, #tpu.memory_space<vmem>> -> memref<128x128xf32, #tpu.memory_space<vmem>>
      %dma_start3A_96 = arith.constant 0 : i32
      %dma_start3A_97 = arith.constant 0 : i32
      %dma_start3A_98 = tpu.memref_slice %dma_start3A_95[%dma_start3A_96, %dma_start3A_97] : memref<128x128xf32, #tpu.memory_space<vmem>> -> memref<128x128xf32, #tpu.memory_space<vmem>>
      tpu.enqueue_dma source(%dma_start3A_98 : memref<128x128xf32, #tpu.memory_space<vmem>>) target(%dma_start3A_91 : memref<128x128xf32, #tpu.memory_space<vmem_shared>>) target_semaphore(%run_scoped3A_80 : memref<!tpu.dma_semaphore, #tpu.memory_space<semaphore_mem>>)
      %dma_wait3A = arith.constant 0 : i32
      %dma_wait3A_99 = arith.constant 0 : i32
      %dma_wait3A_100 = tpu.memref_slice %arg8[%run_scoped3A, %dma_wait3A, %dma_wait3A_99] : memref<2x128x128xf32, #tpu.memory_space<vmem>> -> memref<1x128x128xf32, #tpu.memory_space<vmem>>
      %dma_wait3A_101 = tpu.memref_squeeze %dma_wait3A_100 : memref<1x128x128xf32, #tpu.memory_space<vmem>> -> memref<128x128xf32, #tpu.memory_space<vmem>>
      %dma_wait3A_102 = arith.constant 0 : i32
      %dma_wait3A_103 = arith.constant 0 : i32
      %dma_wait3A_104 = tpu.memref_slice %dma_wait3A_101[%dma_wait3A_102, %dma_wait3A_103] : memref<128x128xf32, #tpu.memory_space<vmem>> -> memref<128x128xf32, #tpu.memory_space<vmem>>
      %dma_wait3A_105 = arith.constant 0 : i32
      %dma_wait3A_106 = tpu.memref_slice %arg9[%add3A_8, %dma_wait3A_105] : memref<10240x128xf32, #tpu.memory_space<vmem_shared>> -> memref<128x128xf32, #tpu.memory_space<vmem_shared>>
      %dma_wait3A_107 = arith.constant 0 : i32
      %dma_wait3A_108 = tpu.memref_slice %arg9[%add3A_8, %dma_wait3A_107] : memref<10240x128xf32, #tpu.memory_space<vmem_shared>> -> memref<128x128xf32, #tpu.memory_space<vmem_shared>>
      %dma_wait3A_109 = arith.constant 0 : i32
      %dma_wait3A_110 = arith.constant 0 : i32
      %dma_wait3A_111 = tpu.memref_slice %arg8[%run_scoped3A, %dma_wait3A_109, %dma_wait3A_110] : memref<2x128x128xf32, #tpu.memory_space<vmem>> -> memref<1x128x128xf32, #tpu.memory_space<vmem>>
      %dma_wait3A_112 = tpu.memref_squeeze %dma_wait3A_111 : memref<1x128x128xf32, #tpu.memory_space<vmem>> -> memref<128x128xf32, #tpu.memory_space<vmem>>
      %dma_wait3A_113 = arith.constant 0 : i32
      %dma_wait3A_114 = arith.constant 0 : i32
      %dma_wait3A_115 = tpu.memref_slice %dma_wait3A_112[%dma_wait3A_113, %dma_wait3A_114] : memref<128x128xf32, #tpu.memory_space<vmem>> -> memref<128x128xf32, #tpu.memory_space<vmem>>
      tpu.wait_dma2 semaphore(%run_scoped3A_80 : memref<!tpu.dma_semaphore, #tpu.memory_space<semaphore_mem>>) src(%dma_wait3A_115 : memref<128x128xf32, #tpu.memory_space<vmem>>) dst(%dma_wait3A_108 : memref<128x128xf32, #tpu.memory_space<vmem_shared>>)
      tpu.yield
    }) : () -> ()
    %add3A_9 = arith.constant 128 : i32
    %add3A_10 = arith.addi %mul3A_6, %add3A_9 : i32
    %run_scoped3A_11 = arith.constant 0 : i32
    "tpu.region"() ({
      %run_scoped3A_80 = tpu.sem_alloc : memref<!tpu.dma_semaphore, #tpu.memory_space<semaphore_mem>>
      %dma_start3A_81 = arith.constant 0 : i32
      %dma_start3A_82 = arith.constant 0 : i32
      %dma_start3A_83 = tpu.memref_slice %arg8[%run_scoped3A_11, %dma_start3A_81, %dma_start3A_82] : memref<2x128x128xf32, #tpu.memory_space<vmem>> -> memref<1x128x128xf32, #tpu.memory_space<vmem>>
      %dma_start3A_84 = tpu.memref_squeeze %dma_start3A_83 : memref<1x128x128xf32, #tpu.memory_space<vmem>> -> memref<128x128xf32, #tpu.memory_space<vmem>>
      %dma_start3A_85 = arith.constant 0 : i32
      %dma_start3A_86 = arith.constant 0 : i32
      %dma_start3A_87 = tpu.memref_slice %dma_start3A_84[%dma_start3A_85, %dma_start3A_86] : memref<128x128xf32, #tpu.memory_space<vmem>> -> memref<128x128xf32, #tpu.memory_space<vmem>>
      %dma_start3A_88 = arith.constant 0 : i32
      %dma_start3A_89 = tpu.memref_slice %arg9[%add3A_10, %dma_start3A_88] : memref<10240x128xf32, #tpu.memory_space<vmem_shared>> -> memref<128x128xf32, #tpu.memory_space<vmem_shared>>
      %dma_start3A_90 = arith.constant 0 : i32
      %dma_start3A_91 = tpu.memref_slice %arg9[%add3A_10, %dma_start3A_90] : memref<10240x128xf32, #tpu.memory_space<vmem_shared>> -> memref<128x128xf32, #tpu.memory_space<vmem_shared>>
      %dma_start3A_92 = arith.constant 0 : i32
      %dma_start3A_93 = arith.constant 0 : i32
      %dma_start3A_94 = tpu.memref_slice %arg8[%run_scoped3A_11, %dma_start3A_92, %dma_start3A_93] : memref<2x128x128xf32, #tpu.memory_space<vmem>> -> memref<1x128x128xf32, #tpu.memory_space<vmem>>
      %dma_start3A_95 = tpu.memref_squeeze %dma_start3A_94 : memref<1x128x128xf32, #tpu.memory_space<vmem>> -> memref<128x128xf32, #tpu.memory_space<vmem>>
      %dma_start3A_96 = arith.constant 0 : i32
      %dma_start3A_97 = arith.constant 0 : i32
      %dma_start3A_98 = tpu.memref_slice %dma_start3A_95[%dma_start3A_96, %dma_start3A_97] : memref<128x128xf32, #tpu.memory_space<vmem>> -> memref<128x128xf32, #tpu.memory_space<vmem>>
      tpu.enqueue_dma source(%dma_start3A_98 : memref<128x128xf32, #tpu.memory_space<vmem>>) target(%dma_start3A_91 : memref<128x128xf32, #tpu.memory_space<vmem_shared>>) target_semaphore(%run_scoped3A_80 : memref<!tpu.dma_semaphore, #tpu.memory_space<semaphore_mem>>)
      %dma_wait3A = arith.constant 0 : i32
      %dma_wait3A_99 = arith.constant 0 : i32
      %dma_wait3A_100 = tpu.memref_slice %arg8[%run_scoped3A_11, %dma_wait3A, %dma_wait3A_99] : memref<2x128x128xf32, #tpu.memory_space<vmem>> -> memref<1x128x128xf32, #tpu.memory_space<vmem>>
      %dma_wait3A_101 = tpu.memref_squeeze %dma_wait3A_100 : memref<1x128x128xf32, #tpu.memory_space<vmem>> -> memref<128x128xf32, #tpu.memory_space<vmem>>
      %dma_wait3A_102 = arith.constant 0 : i32
      %dma_wait3A_103 = arith.constant 0 : i32
      %dma_wait3A_104 = tpu.memref_slice %dma_wait3A_101[%dma_wait3A_102, %dma_wait3A_103] : memref<128x128xf32, #tpu.memory_space<vmem>> -> memref<128x128xf32, #tpu.memory_space<vmem>>
      %dma_wait3A_105 = arith.constant 0 : i32
      %dma_wait3A_106 = tpu.memref_slice %arg9[%add3A_10, %dma_wait3A_105] : memref<10240x128xf32, #tpu.memory_space<vmem_shared>> -> memref<128x128xf32, #tpu.memory_space<vmem_shared>>
      %dma_wait3A_107 = arith.constant 0 : i32
      %dma_wait3A_108 = tpu.memref_slice %arg9[%add3A_10, %dma_wait3A_107] : memref<10240x128xf32, #tpu.memory_space<vmem_shared>> -> memref<128x128xf32, #tpu.memory_space<vmem_shared>>
      %dma_wait3A_109 = arith.constant 0 : i32
      %dma_wait3A_110 = arith.constant 0 : i32
      %dma_wait3A_111 = tpu.memref_slice %arg8[%run_scoped3A_11, %dma_wait3A_109, %dma_wait3A_110] : memref<2x128x128xf32, #tpu.memory_space<vmem>> -> memref<1x128x128xf32, #tpu.memory_space<vmem>>
      %dma_wait3A_112 = tpu.memref_squeeze %dma_wait3A_111 : memref<1x128x128xf32, #tpu.memory_space<vmem>> -> memref<128x128xf32, #tpu.memory_space<vmem>>
      %dma_wait3A_113 = arith.constant 0 : i32
      %dma_wait3A_114 = arith.constant 0 : i32
      %dma_wait3A_115 = tpu.memref_slice %dma_wait3A_112[%dma_wait3A_113, %dma_wait3A_114] : memref<128x128xf32, #tpu.memory_space<vmem>> -> memref<128x128xf32, #tpu.memory_space<vmem>>
      tpu.wait_dma2 semaphore(%run_scoped3A_80 : memref<!tpu.dma_semaphore, #tpu.memory_space<semaphore_mem>>) src(%dma_wait3A_115 : memref<128x128xf32, #tpu.memory_space<vmem>>) dst(%dma_wait3A_108 : memref<128x128xf32, #tpu.memory_space<vmem_shared>>)
      tpu.yield
    }) : () -> ()
    %add3A_12 = arith.constant 256 : i32
    %add3A_13 = arith.addi %mul3A_6, %add3A_12 : i32
    %run_scoped3A_14 = arith.constant 0 : i32
    "tpu.region"() ({
      %run_scoped3A_80 = tpu.sem_alloc : memref<!tpu.dma_semaphore, #tpu.memory_space<semaphore_mem>>
      %dma_start3A_81 = arith.constant 0 : i32
      %dma_start3A_82 = arith.constant 0 : i32
      %dma_start3A_83 = tpu.memref_slice %arg8[%run_scoped3A_14, %dma_start3A_81, %dma_start3A_82] : memref<2x128x128xf32, #tpu.memory_space<vmem>> -> memref<1x128x128xf32, #tpu.memory_space<vmem>>
      %dma_start3A_84 = tpu.memref_squeeze %dma_start3A_83 : memref<1x128x128xf32, #tpu.memory_space<vmem>> -> memref<128x128xf32, #tpu.memory_space<vmem>>
      %dma_start3A_85 = arith.constant 0 : i32
      %dma_start3A_86 = arith.constant 0 : i32
      %dma_start3A_87 = tpu.memref_slice %dma_start3A_84[%dma_start3A_85, %dma_start3A_86] : memref<128x128xf32, #tpu.memory_space<vmem>> -> memref<128x128xf32, #tpu.memory_space<vmem>>
      %dma_start3A_88 = arith.constant 0 : i32
      %dma_start3A_89 = tpu.memref_slice %arg9[%add3A_13, %dma_start3A_88] : memref<10240x128xf32, #tpu.memory_space<vmem_shared>> -> memref<128x128xf32, #tpu.memory_space<vmem_shared>>
      %dma_start3A_90 = arith.constant 0 : i32
      %dma_start3A_91 = tpu.memref_slice %arg9[%add3A_13, %dma_start3A_90] : memref<10240x128xf32, #tpu.memory_space<vmem_shared>> -> memref<128x128xf32, #tpu.memory_space<vmem_shared>>
      %dma_start3A_92 = arith.constant 0 : i32
      %dma_start3A_93 = arith.constant 0 : i32
      %dma_start3A_94 = tpu.memref_slice %arg8[%run_scoped3A_14, %dma_start3A_92, %dma_start3A_93] : memref<2x128x128xf32, #tpu.memory_space<vmem>> -> memref<1x128x128xf32, #tpu.memory_space<vmem>>
      %dma_start3A_95 = tpu.memref_squeeze %dma_start3A_94 : memref<1x128x128xf32, #tpu.memory_space<vmem>> -> memref<128x128xf32, #tpu.memory_space<vmem>>
      %dma_start3A_96 = arith.constant 0 : i32
      %dma_start3A_97 = arith.constant 0 : i32
      %dma_start3A_98 = tpu.memref_slice %dma_start3A_95[%dma_start3A_96, %dma_start3A_97] : memref<128x128xf32, #tpu.memory_space<vmem>> -> memref<128x128xf32, #tpu.memory_space<vmem>>
      tpu.enqueue_dma source(%dma_start3A_98 : memref<128x128xf32, #tpu.memory_space<vmem>>) target(%dma_start3A_91 : memref<128x128xf32, #tpu.memory_space<vmem_shared>>) target_semaphore(%run_scoped3A_80 : memref<!tpu.dma_semaphore, #tpu.memory_space<semaphore_mem>>)
      %dma_wait3A = arith.constant 0 : i32
      %dma_wait3A_99 = arith.constant 0 : i32
      %dma_wait3A_100 = tpu.memref_slice %arg8[%run_scoped3A_14, %dma_wait3A, %dma_wait3A_99] : memref<2x128x128xf32, #tpu.memory_space<vmem>> -> memref<1x128x128xf32, #tpu.memory_space<vmem>>
      %dma_wait3A_101 = tpu.memref_squeeze %dma_wait3A_100 : memref<1x128x128xf32, #tpu.memory_space<vmem>> -> memref<128x128xf32, #tpu.memory_space<vmem>>
      %dma_wait3A_102 = arith.constant 0 : i32
      %dma_wait3A_103 = arith.constant 0 : i32
      %dma_wait3A_104 = tpu.memref_slice %dma_wait3A_101[%dma_wait3A_102, %dma_wait3A_103] : memref<128x128xf32, #tpu.memory_space<vmem>> -> memref<128x128xf32, #tpu.memory_space<vmem>>
      %dma_wait3A_105 = arith.constant 0 : i32
      %dma_wait3A_106 = tpu.memref_slice %arg9[%add3A_13, %dma_wait3A_105] : memref<10240x128xf32, #tpu.memory_space<vmem_shared>> -> memref<128x128xf32, #tpu.memory_space<vmem_shared>>
      %dma_wait3A_107 = arith.constant 0 : i32
      %dma_wait3A_108 = tpu.memref_slice %arg9[%add3A_13, %dma_wait3A_107] : memref<10240x128xf32, #tpu.memory_space<vmem_shared>> -> memref<128x128xf32, #tpu.memory_space<vmem_shared>>
      %dma_wait3A_109 = arith.constant 0 : i32
      %dma_wait3A_110 = arith.constant 0 : i32
      %dma_wait3A_111 = tpu.memref_slice %arg8[%run_scoped3A_14, %dma_wait3A_109, %dma_wait3A_110] : memref<2x128x128xf32, #tpu.memory_space<vmem>> -> memref<1x128x128xf32, #tpu.memory_space<vmem>>
      %dma_wait3A_112 = tpu.memref_squeeze %dma_wait3A_111 : memref<1x128x128xf32, #tpu.memory_space<vmem>> -> memref<128x128xf32, #tpu.memory_space<vmem>>
      %dma_wait3A_113 = arith.constant 0 : i32
      %dma_wait3A_114 = arith.constant 0 : i32
      %dma_wait3A_115 = tpu.memref_slice %dma_wait3A_112[%dma_wait3A_113, %dma_wait3A_114] : memref<128x128xf32, #tpu.memory_space<vmem>> -> memref<128x128xf32, #tpu.memory_space<vmem>>
      tpu.wait_dma2 semaphore(%run_scoped3A_80 : memref<!tpu.dma_semaphore, #tpu.memory_space<semaphore_mem>>) src(%dma_wait3A_115 : memref<128x128xf32, #tpu.memory_space<vmem>>) dst(%dma_wait3A_108 : memref<128x128xf32, #tpu.memory_space<vmem_shared>>)
      tpu.yield
    }) : () -> ()
    %add3A_15 = arith.constant 384 : i32
    %add3A_16 = arith.addi %mul3A_6, %add3A_15 : i32
    %run_scoped3A_17 = arith.constant 0 : i32
    "tpu.region"() ({
      %run_scoped3A_80 = tpu.sem_alloc : memref<!tpu.dma_semaphore, #tpu.memory_space<semaphore_mem>>
      %dma_start3A_81 = arith.constant 0 : i32
      %dma_start3A_82 = arith.constant 0 : i32
      %dma_start3A_83 = tpu.memref_slice %arg8[%run_scoped3A_17, %dma_start3A_81, %dma_start3A_82] : memref<2x128x128xf32, #tpu.memory_space<vmem>> -> memref<1x128x128xf32, #tpu.memory_space<vmem>>
      %dma_start3A_84 = tpu.memref_squeeze %dma_start3A_83 : memref<1x128x128xf32, #tpu.memory_space<vmem>> -> memref<128x128xf32, #tpu.memory_space<vmem>>
      %dma_start3A_85 = arith.constant 0 : i32
      %dma_start3A_86 = arith.constant 0 : i32
      %dma_start3A_87 = tpu.memref_slice %dma_start3A_84[%dma_start3A_85, %dma_start3A_86] : memref<128x128xf32, #tpu.memory_space<vmem>> -> memref<128x128xf32, #tpu.memory_space<vmem>>
      %dma_start3A_88 = arith.constant 0 : i32
      %dma_start3A_89 = tpu.memref_slice %arg9[%add3A_16, %dma_start3A_88] : memref<10240x128xf32, #tpu.memory_space<vmem_shared>> -> memref<128x128xf32, #tpu.memory_space<vmem_shared>>
      %dma_start3A_90 = arith.constant 0 : i32
      %dma_start3A_91 = tpu.memref_slice %arg9[%add3A_16, %dma_start3A_90] : memref<10240x128xf32, #tpu.memory_space<vmem_shared>> -> memref<128x128xf32, #tpu.memory_space<vmem_shared>>
      %dma_start3A_92 = arith.constant 0 : i32
      %dma_start3A_93 = arith.constant 0 : i32
      %dma_start3A_94 = tpu.memref_slice %arg8[%run_scoped3A_17, %dma_start3A_92, %dma_start3A_93] : memref<2x128x128xf32, #tpu.memory_space<vmem>> -> memref<1x128x128xf32, #tpu.memory_space<vmem>>
      %dma_start3A_95 = tpu.memref_squeeze %dma_start3A_94 : memref<1x128x128xf32, #tpu.memory_space<vmem>> -> memref<128x128xf32, #tpu.memory_space<vmem>>
      %dma_start3A_96 = arith.constant 0 : i32
      %dma_start3A_97 = arith.constant 0 : i32
      %dma_start3A_98 = tpu.memref_slice %dma_start3A_95[%dma_start3A_96, %dma_start3A_97] : memref<128x128xf32, #tpu.memory_space<vmem>> -> memref<128x128xf32, #tpu.memory_space<vmem>>
      tpu.enqueue_dma source(%dma_start3A_98 : memref<128x128xf32, #tpu.memory_space<vmem>>) target(%dma_start3A_91 : memref<128x128xf32, #tpu.memory_space<vmem_shared>>) target_semaphore(%run_scoped3A_80 : memref<!tpu.dma_semaphore, #tpu.memory_space<semaphore_mem>>)
      %dma_wait3A = arith.constant 0 : i32
      %dma_wait3A_99 = arith.constant 0 : i32
      %dma_wait3A_100 = tpu.memref_slice %arg8[%run_scoped3A_17, %dma_wait3A, %dma_wait3A_99] : memref<2x128x128xf32, #tpu.memory_space<vmem>> -> memref<1x128x128xf32, #tpu.memory_space<vmem>>
      %dma_wait3A_101 = tpu.memref_squeeze %dma_wait3A_100 : memref<1x128x128xf32, #tpu.memory_space<vmem>> -> memref<128x128xf32, #tpu.memory_space<vmem>>
      %dma_wait3A_102 = arith.constant 0 : i32
      %dma_wait3A_103 = arith.constant 0 : i32
      %dma_wait3A_104 = tpu.memref_slice %dma_wait3A_101[%dma_wait3A_102, %dma_wait3A_103] : memref<128x128xf32, #tpu.memory_space<vmem>> -> memref<128x128xf32, #tpu.memory_space<vmem>>
      %dma_wait3A_105 = arith.constant 0 : i32
      %dma_wait3A_106 = tpu.memref_slice %arg9[%add3A_16, %dma_wait3A_105] : memref<10240x128xf32, #tpu.memory_space<vmem_shared>> -> memref<128x128xf32, #tpu.memory_space<vmem_shared>>
      %dma_wait3A_107 = arith.constant 0 : i32
      %dma_wait3A_108 = tpu.memref_slice %arg9[%add3A_16, %dma_wait3A_107] : memref<10240x128xf32, #tpu.memory_space<vmem_shared>> -> memref<128x128xf32, #tpu.memory_space<vmem_shared>>
      %dma_wait3A_109 = arith.constant 0 : i32
      %dma_wait3A_110 = arith.constant 0 : i32
      %dma_wait3A_111 = tpu.memref_slice %arg8[%run_scoped3A_17, %dma_wait3A_109, %dma_wait3A_110] : memref<2x128x128xf32, #tpu.memory_space<vmem>> -> memref<1x128x128xf32, #tpu.memory_space<vmem>>
      %dma_wait3A_112 = tpu.memref_squeeze %dma_wait3A_111 : memref<1x128x128xf32, #tpu.memory_space<vmem>> -> memref<128x128xf32, #tpu.memory_space<vmem>>
      %dma_wait3A_113 = arith.constant 0 : i32
      %dma_wait3A_114 = arith.constant 0 : i32
      %dma_wait3A_115 = tpu.memref_slice %dma_wait3A_112[%dma_wait3A_113, %dma_wait3A_114] : memref<128x128xf32, #tpu.memory_space<vmem>> -> memref<128x128xf32, #tpu.memory_space<vmem>>
      tpu.wait_dma2 semaphore(%run_scoped3A_80 : memref<!tpu.dma_semaphore, #tpu.memory_space<semaphore_mem>>) src(%dma_wait3A_115 : memref<128x128xf32, #tpu.memory_space<vmem>>) dst(%dma_wait3A_108 : memref<128x128xf32, #tpu.memory_space<vmem_shared>>)
      tpu.yield
    }) : () -> ()
    %add3A_18 = arith.constant 512 : i32
    %add3A_19 = arith.addi %mul3A_6, %add3A_18 : i32
    %run_scoped3A_20 = arith.constant 0 : i32
    "tpu.region"() ({
      %run_scoped3A_80 = tpu.sem_alloc : memref<!tpu.dma_semaphore, #tpu.memory_space<semaphore_mem>>
      %dma_start3A_81 = arith.constant 0 : i32
      %dma_start3A_82 = arith.constant 0 : i32
      %dma_start3A_83 = tpu.memref_slice %arg8[%run_scoped3A_20, %dma_start3A_81, %dma_start3A_82] : memref<2x128x128xf32, #tpu.memory_space<vmem>> -> memref<1x128x128xf32, #tpu.memory_space<vmem>>
      %dma_start3A_84 = tpu.memref_squeeze %dma_start3A_83 : memref<1x128x128xf32, #tpu.memory_space<vmem>> -> memref<128x128xf32, #tpu.memory_space<vmem>>
      %dma_start3A_85 = arith.constant 0 : i32
      %dma_start3A_86 = arith.constant 0 : i32
      %dma_start3A_87 = tpu.memref_slice %dma_start3A_84[%dma_start3A_85, %dma_start3A_86] : memref<128x128xf32, #tpu.memory_space<vmem>> -> memref<128x128xf32, #tpu.memory_space<vmem>>
      %dma_start3A_88 = arith.constant 0 : i32
      %dma_start3A_89 = tpu.memref_slice %arg9[%add3A_19, %dma_start3A_88] : memref<10240x128xf32, #tpu.memory_space<vmem_shared>> -> memref<128x128xf32, #tpu.memory_space<vmem_shared>>
      %dma_start3A_90 = arith.constant 0 : i32
      %dma_start3A_91 = tpu.memref_slice %arg9[%add3A_19, %dma_start3A_90] : memref<10240x128xf32, #tpu.memory_space<vmem_shared>> -> memref<128x128xf32, #tpu.memory_space<vmem_shared>>
      %dma_start3A_92 = arith.constant 0 : i32
      %dma_start3A_93 = arith.constant 0 : i32
      %dma_start3A_94 = tpu.memref_slice %arg8[%run_scoped3A_20, %dma_start3A_92, %dma_start3A_93] : memref<2x128x128xf32, #tpu.memory_space<vmem>> -> memref<1x128x128xf32, #tpu.memory_space<vmem>>
      %dma_start3A_95 = tpu.memref_squeeze %dma_start3A_94 : memref<1x128x128xf32, #tpu.memory_space<vmem>> -> memref<128x128xf32, #tpu.memory_space<vmem>>
      %dma_start3A_96 = arith.constant 0 : i32
      %dma_start3A_97 = arith.constant 0 : i32
      %dma_start3A_98 = tpu.memref_slice %dma_start3A_95[%dma_start3A_96, %dma_start3A_97] : memref<128x128xf32, #tpu.memory_space<vmem>> -> memref<128x128xf32, #tpu.memory_space<vmem>>
      tpu.enqueue_dma source(%dma_start3A_98 : memref<128x128xf32, #tpu.memory_space<vmem>>) target(%dma_start3A_91 : memref<128x128xf32, #tpu.memory_space<vmem_shared>>) target_semaphore(%run_scoped3A_80 : memref<!tpu.dma_semaphore, #tpu.memory_space<semaphore_mem>>)
      %dma_wait3A = arith.constant 0 : i32
      %dma_wait3A_99 = arith.constant 0 : i32
      %dma_wait3A_100 = tpu.memref_slice %arg8[%run_scoped3A_20, %dma_wait3A, %dma_wait3A_99] : memref<2x128x128xf32, #tpu.memory_space<vmem>> -> memref<1x128x128xf32, #tpu.memory_space<vmem>>
      %dma_wait3A_101 = tpu.memref_squeeze %dma_wait3A_100 : memref<1x128x128xf32, #tpu.memory_space<vmem>> -> memref<128x128xf32, #tpu.memory_space<vmem>>
      %dma_wait3A_102 = arith.constant 0 : i32
      %dma_wait3A_103 = arith.constant 0 : i32
      %dma_wait3A_104 = tpu.memref_slice %dma_wait3A_101[%dma_wait3A_102, %dma_wait3A_103] : memref<128x128xf32, #tpu.memory_space<vmem>> -> memref<128x128xf32, #tpu.memory_space<vmem>>
      %dma_wait3A_105 = arith.constant 0 : i32
      %dma_wait3A_106 = tpu.memref_slice %arg9[%add3A_19, %dma_wait3A_105] : memref<10240x128xf32, #tpu.memory_space<vmem_shared>> -> memref<128x128xf32, #tpu.memory_space<vmem_shared>>
      %dma_wait3A_107 = arith.constant 0 : i32
      %dma_wait3A_108 = tpu.memref_slice %arg9[%add3A_19, %dma_wait3A_107] : memref<10240x128xf32, #tpu.memory_space<vmem_shared>> -> memref<128x128xf32, #tpu.memory_space<vmem_shared>>
      %dma_wait3A_109 = arith.constant 0 : i32
      %dma_wait3A_110 = arith.constant 0 : i32
      %dma_wait3A_111 = tpu.memref_slice %arg8[%run_scoped3A_20, %dma_wait3A_109, %dma_wait3A_110] : memref<2x128x128xf32, #tpu.memory_space<vmem>> -> memref<1x128x128xf32, #tpu.memory_space<vmem>>
      %dma_wait3A_112 = tpu.memref_squeeze %dma_wait3A_111 : memref<1x128x128xf32, #tpu.memory_space<vmem>> -> memref<128x128xf32, #tpu.memory_space<vmem>>
      %dma_wait3A_113 = arith.constant 0 : i32
      %dma_wait3A_114 = arith.constant 0 : i32
      %dma_wait3A_115 = tpu.memref_slice %dma_wait3A_112[%dma_wait3A_113, %dma_wait3A_114] : memref<128x128xf32, #tpu.memory_space<vmem>> -> memref<128x128xf32, #tpu.memory_space<vmem>>
      tpu.wait_dma2 semaphore(%run_scoped3A_80 : memref<!tpu.dma_semaphore, #tpu.memory_space<semaphore_mem>>) src(%dma_wait3A_115 : memref<128x128xf32, #tpu.memory_space<vmem>>) dst(%dma_wait3A_108 : memref<128x128xf32, #tpu.memory_space<vmem_shared>>)
      tpu.yield
    }) : () -> ()
    %barrier3A = arith.constant 0 : index
    tpu.barrier barrier_id(%barrier3A)
    %dma_start3A = arith.constant 0 : i32
    %dma_start3A_21 = arith.constant 0 : i32
    %dma_start3A_22 = arith.constant 0 : i32
    %dma_start3A_23 = arith.constant 0 : i32
    %dma_start3A_24 = tpu.memref_slice %arg8[%dma_start3A_21, %dma_start3A_22, %dma_start3A_23] : memref<2x128x128xf32, #tpu.memory_space<vmem>> -> memref<1x128x128xf32, #tpu.memory_space<vmem>>
    %dma_start3A_25 = tpu.memref_squeeze %dma_start3A_24 : memref<1x128x128xf32, #tpu.memory_space<vmem>> -> memref<128x128xf32, #tpu.memory_space<vmem>>
    %dma_start3A_26 = arith.constant 0 : i32
    %dma_start3A_27 = tpu.memref_slice %arg6[%dma_start3A, %dma_start3A_26] : memref<40x128xi32, #tpu.memory_space<vmem>> -> memref<1x128xi32, #tpu.memory_space<vmem>>
    %dma_start3A_28 = tpu.memref_squeeze %dma_start3A_27 : memref<1x128xi32, #tpu.memory_space<vmem>> -> memref<128xi32, #tpu.memory_space<vmem>>
    %dma_start3A_29 = arith.constant 0 : i32
    %dma_start3A_30 = arith.constant 0 : i32
    %dma_start3A_31 = tpu.memref_slice %arg2[%dma_start3A_29, %dma_start3A_30] : memref<10000x128xf32, #tpu.memory_space<hbm>> -> memref<10000x128xf32, #tpu.memory_space<hbm>>
    tpu.enqueue_indirect_dma source(%dma_start3A_31 : memref<10000x128xf32, #tpu.memory_space<hbm>>) target(%dma_start3A_25 : memref<128x128xf32, #tpu.memory_space<vmem>>) offsets(%dma_start3A_28 : memref<128xi32, #tpu.memory_space<vmem>>) semaphore(%arg10 : memref<!tpu.dma_semaphore, #tpu.memory_space<semaphore_mem>>)
    %dma_start3A_32 = arith.constant 1 : i32
    %dma_start3A_33 = arith.constant 1 : i32
    %dma_start3A_34 = arith.constant 0 : i32
    %dma_start3A_35 = arith.constant 0 : i32
    %dma_start3A_36 = tpu.memref_slice %arg8[%dma_start3A_33, %dma_start3A_34, %dma_start3A_35] : memref<2x128x128xf32, #tpu.memory_space<vmem>> -> memref<1x128x128xf32, #tpu.memory_space<vmem>>
    %dma_start3A_37 = tpu.memref_squeeze %dma_start3A_36 : memref<1x128x128xf32, #tpu.memory_space<vmem>> -> memref<128x128xf32, #tpu.memory_space<vmem>>
    %dma_start3A_38 = arith.constant 0 : i32
    %dma_start3A_39 = tpu.memref_slice %arg6[%dma_start3A_32, %dma_start3A_38] : memref<40x128xi32, #tpu.memory_space<vmem>> -> memref<1x128xi32, #tpu.memory_space<vmem>>
    %dma_start3A_40 = tpu.memref_squeeze %dma_start3A_39 : memref<1x128xi32, #tpu.memory_space<vmem>> -> memref<128xi32, #tpu.memory_space<vmem>>
    %dma_start3A_41 = arith.constant 0 : i32
    %dma_start3A_42 = arith.constant 0 : i32
    %dma_start3A_43 = tpu.memref_slice %arg2[%dma_start3A_41, %dma_start3A_42] : memref<10000x128xf32, #tpu.memory_space<hbm>> -> memref<10000x128xf32, #tpu.memory_space<hbm>>
    tpu.enqueue_indirect_dma source(%dma_start3A_43 : memref<10000x128xf32, #tpu.memory_space<hbm>>) target(%dma_start3A_37 : memref<128x128xf32, #tpu.memory_space<vmem>>) offsets(%dma_start3A_40 : memref<128xi32, #tpu.memory_space<vmem>>) semaphore(%arg11 : memref<!tpu.dma_semaphore, #tpu.memory_space<semaphore_mem>>)
    %scan3A_44 = arith.constant 0 : i32
    %scan3A_45 = arith.constant 20 : i32
    %scan3A_46 = arith.addi %scan3A_44, %scan3A_45 : i32
    %scan3A_47 = arith.constant 1 : i32
    scf.for %scan3A_80 = %scan3A_44 to %scan3A_46 step %scan3A_47  : i32 {
      %mul3A_81 = arith.constant 2 : i32
      %mul3A_82 = arith.muli %scan3A_80, %mul3A_81 : i32
      %add3A_83 = arith.constant 0 : i32
      %add3A_84 = arith.addi %add3A_83, %mul3A_82 : i32
      %dma_wait3A = arith.constant 0 : i32
      %dma_wait3A_85 = arith.constant 0 : i32
      %dma_wait3A_86 = arith.constant 0 : i32
      %dma_wait3A_87 = tpu.memref_slice %arg8[%dma_wait3A, %dma_wait3A_85, %dma_wait3A_86] : memref<2x128x128xf32, #tpu.memory_space<vmem>> -> memref<1x128x128xf32, #tpu.memory_space<vmem>>
      %dma_wait3A_88 = tpu.memref_squeeze %dma_wait3A_87 : memref<1x128x128xf32, #tpu.memory_space<vmem>> -> memref<128x128xf32, #tpu.memory_space<vmem>>
      %dma_wait3A_89 = arith.constant 0 : i32
      %dma_wait3A_90 = tpu.memref_slice %arg6[%add3A_84, %dma_wait3A_89] : memref<40x128xi32, #tpu.memory_space<vmem>> -> memref<1x128xi32, #tpu.memory_space<vmem>>
      %dma_wait3A_91 = tpu.memref_squeeze %dma_wait3A_90 : memref<1x128xi32, #tpu.memory_space<vmem>> -> memref<128xi32, #tpu.memory_space<vmem>>
      %dma_wait3A_92 = arith.constant 0 : i32
      %dma_wait3A_93 = arith.constant 0 : i32
      %dma_wait3A_94 = tpu.memref_slice %arg2[%dma_wait3A_92, %dma_wait3A_93] : memref<10000x128xf32, #tpu.memory_space<hbm>> -> memref<10000x128xf32, #tpu.memory_space<hbm>>
      tpu.wait_indirect_dma semaphore(%arg10 : memref<!tpu.dma_semaphore, #tpu.memory_space<semaphore_mem>>) src(%dma_wait3A_94 : memref<10000x128xf32, #tpu.memory_space<hbm>>) dst(%dma_wait3A_88 : memref<128x128xf32, #tpu.memory_space<vmem>>)
      %run_scoped3A_95 = arith.constant 0 : i32
      "tpu.region"() ({
        %run_scoped3A_123 = tpu.sem_alloc : memref<!tpu.dma_semaphore, #tpu.memory_space<semaphore_mem>>
        %dma_start3A_124 = arith.constant 0 : i32
        %dma_start3A_125 = arith.constant 0 : i32
        %dma_start3A_126 = tpu.memref_slice %arg8[%run_scoped3A_95, %dma_start3A_124, %dma_start3A_125] : memref<2x128x128xf32, #tpu.memory_space<vmem>> -> memref<1x128x128xf32, #tpu.memory_space<vmem>>
        %dma_start3A_127 = tpu.memref_squeeze %dma_start3A_126 : memref<1x128x128xf32, #tpu.memory_space<vmem>> -> memref<128x128xf32, #tpu.memory_space<vmem>>
        %dma_start3A_128 = arith.constant 0 : i32
        %dma_start3A_129 = tpu.memref_slice %arg7[%add3A_84, %dma_start3A_128] : memref<40x128xi32, #tpu.memory_space<vmem>> -> memref<1x128xi32, #tpu.memory_space<vmem>>
        %dma_start3A_130 = tpu.memref_squeeze %dma_start3A_129 : memref<1x128xi32, #tpu.memory_space<vmem>> -> memref<128xi32, #tpu.memory_space<vmem>>
        %dma_start3A_131 = arith.constant 0 : i32
        %dma_start3A_132 = arith.constant 0 : i32
        %dma_start3A_133 = tpu.memref_slice %arg9[%dma_start3A_131, %dma_start3A_132] : memref<10240x128xf32, #tpu.memory_space<vmem_shared>> -> memref<10240x128xf32, #tpu.memory_space<vmem_shared>>
        tpu.enqueue_indirect_dma source(%dma_start3A_127 : memref<128x128xf32, #tpu.memory_space<vmem>>) target(%dma_start3A_133 : memref<10240x128xf32, #tpu.memory_space<vmem_shared>>) offsets(%dma_start3A_130 : memref<128xi32, #tpu.memory_space<vmem>>) semaphore(%run_scoped3A_123 : memref<!tpu.dma_semaphore, #tpu.memory_space<semaphore_mem>>) {add = true}
        %dma_wait3A_134 = arith.constant 0 : i32
        %dma_wait3A_135 = arith.constant 0 : i32
        %dma_wait3A_136 = tpu.memref_slice %arg8[%run_scoped3A_95, %dma_wait3A_134, %dma_wait3A_135] : memref<2x128x128xf32, #tpu.memory_space<vmem>> -> memref<1x128x128xf32, #tpu.memory_space<vmem>>
        %dma_wait3A_137 = tpu.memref_squeeze %dma_wait3A_136 : memref<1x128x128xf32, #tpu.memory_space<vmem>> -> memref<128x128xf32, #tpu.memory_space<vmem>>
        %dma_wait3A_138 = arith.constant 0 : i32
        %dma_wait3A_139 = tpu.memref_slice %arg7[%add3A_84, %dma_wait3A_138] : memref<40x128xi32, #tpu.memory_space<vmem>> -> memref<1x128xi32, #tpu.memory_space<vmem>>
        %dma_wait3A_140 = tpu.memref_squeeze %dma_wait3A_139 : memref<1x128xi32, #tpu.memory_space<vmem>> -> memref<128xi32, #tpu.memory_space<vmem>>
        %dma_wait3A_141 = arith.constant 0 : i32
        %dma_wait3A_142 = arith.constant 0 : i32
        %dma_wait3A_143 = tpu.memref_slice %arg9[%dma_wait3A_141, %dma_wait3A_142] : memref<10240x128xf32, #tpu.memory_space<vmem_shared>> -> memref<10240x128xf32, #tpu.memory_space<vmem_shared>>
        tpu.wait_indirect_dma semaphore(%run_scoped3A_123 : memref<!tpu.dma_semaphore, #tpu.memory_space<semaphore_mem>>) src(%dma_wait3A_137 : memref<128x128xf32, #tpu.memory_space<vmem>>) dst(%dma_wait3A_143 : memref<10240x128xf32, #tpu.memory_space<vmem_shared>>)
        tpu.yield
      }) : () -> ()
      %add3A_96 = arith.constant 2 : i32
      %add3A_97 = arith.addi %add3A_84, %add3A_96 : i32
      %lt3A = arith.constant 40 : i32
      %lt3A_98 = arith.cmpi slt, %add3A_97, %lt3A : i32
      %convert_element_type3A = arith.extui %lt3A_98 : i1 to i32
      %cond3A = arith.constant 0 : i32
      %cond3A_99 = arith.cmpi ne, %convert_element_type3A, %cond3A : i32
      scf.if %cond3A_99 {
        %add3A_123 = arith.constant 2 : i32
        %add3A_124 = arith.addi %add3A_84, %add3A_123 : i32
        %dma_start3A_125 = arith.constant 0 : i32
        %dma_start3A_126 = arith.constant 0 : i32
        %dma_start3A_127 = arith.constant 0 : i32
        %dma_start3A_128 = tpu.memref_slice %arg8[%dma_start3A_125, %dma_start3A_126, %dma_start3A_127] : memref<2x128x128xf32, #tpu.memory_space<vmem>> -> memref<1x128x128xf32, #tpu.memory_space<vmem>>
        %dma_start3A_129 = tpu.memref_squeeze %dma_start3A_128 : memref<1x128x128xf32, #tpu.memory_space<vmem>> -> memref<128x128xf32, #tpu.memory_space<vmem>>
        %dma_start3A_130 = arith.constant 0 : i32
        %dma_start3A_131 = tpu.memref_slice %arg6[%add3A_124, %dma_start3A_130] : memref<40x128xi32, #tpu.memory_space<vmem>> -> memref<1x128xi32, #tpu.memory_space<vmem>>
        %dma_start3A_132 = tpu.memref_squeeze %dma_start3A_131 : memref<1x128xi32, #tpu.memory_space<vmem>> -> memref<128xi32, #tpu.memory_space<vmem>>
        %dma_start3A_133 = arith.constant 0 : i32
        %dma_start3A_134 = arith.constant 0 : i32
        %dma_start3A_135 = tpu.memref_slice %arg2[%dma_start3A_133, %dma_start3A_134] : memref<10000x128xf32, #tpu.memory_space<hbm>> -> memref<10000x128xf32, #tpu.memory_space<hbm>>
        tpu.enqueue_indirect_dma source(%dma_start3A_135 : memref<10000x128xf32, #tpu.memory_space<hbm>>) target(%dma_start3A_129 : memref<128x128xf32, #tpu.memory_space<vmem>>) offsets(%dma_start3A_132 : memref<128xi32, #tpu.memory_space<vmem>>) semaphore(%arg10 : memref<!tpu.dma_semaphore, #tpu.memory_space<semaphore_mem>>)
      } else {
      }
      %add3A_100 = arith.constant 1 : i32
      %add3A_101 = arith.addi %add3A_84, %add3A_100 : i32
      %dma_wait3A_102 = arith.constant 1 : i32
      %dma_wait3A_103 = arith.constant 0 : i32
      %dma_wait3A_104 = arith.constant 0 : i32
      %dma_wait3A_105 = tpu.memref_slice %arg8[%dma_wait3A_102, %dma_wait3A_103, %dma_wait3A_104] : memref<2x128x128xf32, #tpu.memory_space<vmem>> -> memref<1x128x128xf32, #tpu.memory_space<vmem>>
      %dma_wait3A_106 = tpu.memref_squeeze %dma_wait3A_105 : memref<1x128x128xf32, #tpu.memory_space<vmem>> -> memref<128x128xf32, #tpu.memory_space<vmem>>
      %dma_wait3A_107 = arith.constant 0 : i32
      %dma_wait3A_108 = tpu.memref_slice %arg6[%add3A_101, %dma_wait3A_107] : memref<40x128xi32, #tpu.memory_space<vmem>> -> memref<1x128xi32, #tpu.memory_space<vmem>>
      %dma_wait3A_109 = tpu.memref_squeeze %dma_wait3A_108 : memref<1x128xi32, #tpu.memory_space<vmem>> -> memref<128xi32, #tpu.memory_space<vmem>>
      %dma_wait3A_110 = arith.constant 0 : i32
      %dma_wait3A_111 = arith.constant 0 : i32
      %dma_wait3A_112 = tpu.memref_slice %arg2[%dma_wait3A_110, %dma_wait3A_111] : memref<10000x128xf32, #tpu.memory_space<hbm>> -> memref<10000x128xf32, #tpu.memory_space<hbm>>
      tpu.wait_indirect_dma semaphore(%arg11 : memref<!tpu.dma_semaphore, #tpu.memory_space<semaphore_mem>>) src(%dma_wait3A_112 : memref<10000x128xf32, #tpu.memory_space<hbm>>) dst(%dma_wait3A_106 : memref<128x128xf32, #tpu.memory_space<vmem>>)
      %add3A_113 = arith.constant 1 : i32
      %add3A_114 = arith.addi %add3A_84, %add3A_113 : i32
      %run_scoped3A_115 = arith.constant 1 : i32
      "tpu.region"() ({
        %run_scoped3A_123 = tpu.sem_alloc : memref<!tpu.dma_semaphore, #tpu.memory_space<semaphore_mem>>
        %dma_start3A_124 = arith.constant 0 : i32
        %dma_start3A_125 = arith.constant 0 : i32
        %dma_start3A_126 = tpu.memref_slice %arg8[%run_scoped3A_115, %dma_start3A_124, %dma_start3A_125] : memref<2x128x128xf32, #tpu.memory_space<vmem>> -> memref<1x128x128xf32, #tpu.memory_space<vmem>>
        %dma_start3A_127 = tpu.memref_squeeze %dma_start3A_126 : memref<1x128x128xf32, #tpu.memory_space<vmem>> -> memref<128x128xf32, #tpu.memory_space<vmem>>
        %dma_start3A_128 = arith.constant 0 : i32
        %dma_start3A_129 = tpu.memref_slice %arg7[%add3A_114, %dma_start3A_128] : memref<40x128xi32, #tpu.memory_space<vmem>> -> memref<1x128xi32, #tpu.memory_space<vmem>>
        %dma_start3A_130 = tpu.memref_squeeze %dma_start3A_129 : memref<1x128xi32, #tpu.memory_space<vmem>> -> memref<128xi32, #tpu.memory_space<vmem>>
        %dma_start3A_131 = arith.constant 0 : i32
        %dma_start3A_132 = arith.constant 0 : i32
        %dma_start3A_133 = tpu.memref_slice %arg9[%dma_start3A_131, %dma_start3A_132] : memref<10240x128xf32, #tpu.memory_space<vmem_shared>> -> memref<10240x128xf32, #tpu.memory_space<vmem_shared>>
        tpu.enqueue_indirect_dma source(%dma_start3A_127 : memref<128x128xf32, #tpu.memory_space<vmem>>) target(%dma_start3A_133 : memref<10240x128xf32, #tpu.memory_space<vmem_shared>>) offsets(%dma_start3A_130 : memref<128xi32, #tpu.memory_space<vmem>>) semaphore(%run_scoped3A_123 : memref<!tpu.dma_semaphore, #tpu.memory_space<semaphore_mem>>) {add = true}
        %dma_wait3A_134 = arith.constant 0 : i32
        %dma_wait3A_135 = arith.constant 0 : i32
        %dma_wait3A_136 = tpu.memref_slice %arg8[%run_scoped3A_115, %dma_wait3A_134, %dma_wait3A_135] : memref<2x128x128xf32, #tpu.memory_space<vmem>> -> memref<1x128x128xf32, #tpu.memory_space<vmem>>
        %dma_wait3A_137 = tpu.memref_squeeze %dma_wait3A_136 : memref<1x128x128xf32, #tpu.memory_space<vmem>> -> memref<128x128xf32, #tpu.memory_space<vmem>>
        %dma_wait3A_138 = arith.constant 0 : i32
        %dma_wait3A_139 = tpu.memref_slice %arg7[%add3A_114, %dma_wait3A_138] : memref<40x128xi32, #tpu.memory_space<vmem>> -> memref<1x128xi32, #tpu.memory_space<vmem>>
        %dma_wait3A_140 = tpu.memref_squeeze %dma_wait3A_139 : memref<1x128xi32, #tpu.memory_space<vmem>> -> memref<128xi32, #tpu.memory_space<vmem>>
        %dma_wait3A_141 = arith.constant 0 : i32
        %dma_wait3A_142 = arith.constant 0 : i32
        %dma_wait3A_143 = tpu.memref_slice %arg9[%dma_wait3A_141, %dma_wait3A_142] : memref<10240x128xf32, #tpu.memory_space<vmem_shared>> -> memref<10240x128xf32, #tpu.memory_space<vmem_shared>>
        tpu.wait_indirect_dma semaphore(%run_scoped3A_123 : memref<!tpu.dma_semaphore, #tpu.memory_space<semaphore_mem>>) src(%dma_wait3A_137 : memref<128x128xf32, #tpu.memory_space<vmem>>) dst(%dma_wait3A_143 : memref<10240x128xf32, #tpu.memory_space<vmem_shared>>)
        tpu.yield
      }) : () -> ()
      %add3A_116 = arith.constant 3 : i32
      %add3A_117 = arith.addi %add3A_84, %add3A_116 : i32
      %lt3A_118 = arith.constant 40 : i32
      %lt3A_119 = arith.cmpi slt, %add3A_117, %lt3A_118 : i32
      %convert_element_type3A_120 = arith.extui %lt3A_119 : i1 to i32
      %cond3A_121 = arith.constant 0 : i32
      %cond3A_122 = arith.cmpi ne, %convert_element_type3A_120, %cond3A_121 : i32
      scf.if %cond3A_122 {
        %add3A_123 = arith.constant 3 : i32
        %add3A_124 = arith.addi %add3A_84, %add3A_123 : i32
        %dma_start3A_125 = arith.constant 1 : i32
        %dma_start3A_126 = arith.constant 0 : i32
        %dma_start3A_127 = arith.constant 0 : i32
        %dma_start3A_128 = tpu.memref_slice %arg8[%dma_start3A_125, %dma_start3A_126, %dma_start3A_127] : memref<2x128x128xf32, #tpu.memory_space<vmem>> -> memref<1x128x128xf32, #tpu.memory_space<vmem>>
        %dma_start3A_129 = tpu.memref_squeeze %dma_start3A_128 : memref<1x128x128xf32, #tpu.memory_space<vmem>> -> memref<128x128xf32, #tpu.memory_space<vmem>>
        %dma_start3A_130 = arith.constant 0 : i32
        %dma_start3A_131 = tpu.memref_slice %arg6[%add3A_124, %dma_start3A_130] : memref<40x128xi32, #tpu.memory_space<vmem>> -> memref<1x128xi32, #tpu.memory_space<vmem>>
        %dma_start3A_132 = tpu.memref_squeeze %dma_start3A_131 : memref<1x128xi32, #tpu.memory_space<vmem>> -> memref<128xi32, #tpu.memory_space<vmem>>
        %dma_start3A_133 = arith.constant 0 : i32
        %dma_start3A_134 = arith.constant 0 : i32
        %dma_start3A_135 = tpu.memref_slice %arg2[%dma_start3A_133, %dma_start3A_134] : memref<10000x128xf32, #tpu.memory_space<hbm>> -> memref<10000x128xf32, #tpu.memory_space<hbm>>
        tpu.enqueue_indirect_dma source(%dma_start3A_135 : memref<10000x128xf32, #tpu.memory_space<hbm>>) target(%dma_start3A_129 : memref<128x128xf32, #tpu.memory_space<vmem>>) offsets(%dma_start3A_132 : memref<128xi32, #tpu.memory_space<vmem>>) semaphore(%arg11 : memref<!tpu.dma_semaphore, #tpu.memory_space<semaphore_mem>>)
      } else {
      }
    }
    %scan3A_48 = arith.constant 20 : i32
    %barrier3A_49 = arith.constant 0 : index
    tpu.barrier barrier_id(%barrier3A_49)
    %add3A_50 = arith.constant 0 : i32
    %add3A_51 = arith.addi %mul3A_6, %add3A_50 : i32
    %run_scoped3A_52 = arith.constant 0 : i32
    "tpu.region"() ({
      %run_scoped3A_80 = tpu.sem_alloc : memref<!tpu.dma_semaphore, #tpu.memory_space<semaphore_mem>>
      %dma_start3A_81 = arith.constant 0 : i32
      %dma_start3A_82 = arith.constant 0 : i32
      %dma_start3A_83 = tpu.memref_slice %arg8[%run_scoped3A_52, %dma_start3A_81, %dma_start3A_82] : memref<2x128x128xf32, #tpu.memory_space<vmem>> -> memref<1x128x128xf32, #tpu.memory_space<vmem>>
      %dma_start3A_84 = tpu.memref_squeeze %dma_start3A_83 : memref<1x128x128xf32, #tpu.memory_space<vmem>> -> memref<128x128xf32, #tpu.memory_space<vmem>>
      %dma_start3A_85 = arith.constant 0 : i32
      %dma_start3A_86 = arith.constant 0 : i32
      %dma_start3A_87 = tpu.memref_slice %dma_start3A_84[%dma_start3A_85, %dma_start3A_86] : memref<128x128xf32, #tpu.memory_space<vmem>> -> memref<128x128xf32, #tpu.memory_space<vmem>>
      %dma_start3A_88 = arith.constant 0 : i32
      %dma_start3A_89 = tpu.memref_slice %arg9[%add3A_51, %dma_start3A_88] : memref<10240x128xf32, #tpu.memory_space<vmem_shared>> -> memref<128x128xf32, #tpu.memory_space<vmem_shared>>
      %dma_start3A_90 = arith.constant 0 : i32
      %dma_start3A_91 = arith.constant 0 : i32
      %dma_start3A_92 = tpu.memref_slice %arg8[%run_scoped3A_52, %dma_start3A_90, %dma_start3A_91] : memref<2x128x128xf32, #tpu.memory_space<vmem>> -> memref<1x128x128xf32, #tpu.memory_space<vmem>>
      %dma_start3A_93 = tpu.memref_squeeze %dma_start3A_92 : memref<1x128x128xf32, #tpu.memory_space<vmem>> -> memref<128x128xf32, #tpu.memory_space<vmem>>
      %dma_start3A_94 = arith.constant 0 : i32
      %dma_start3A_95 = arith.constant 0 : i32
      %dma_start3A_96 = tpu.memref_slice %dma_start3A_93[%dma_start3A_94, %dma_start3A_95] : memref<128x128xf32, #tpu.memory_space<vmem>> -> memref<128x128xf32, #tpu.memory_space<vmem>>
      %dma_start3A_97 = arith.constant 0 : i32
      %dma_start3A_98 = tpu.memref_slice %arg9[%add3A_51, %dma_start3A_97] : memref<10240x128xf32, #tpu.memory_space<vmem_shared>> -> memref<128x128xf32, #tpu.memory_space<vmem_shared>>
      tpu.enqueue_dma source(%dma_start3A_98 : memref<128x128xf32, #tpu.memory_space<vmem_shared>>) target(%dma_start3A_96 : memref<128x128xf32, #tpu.memory_space<vmem>>) target_semaphore(%run_scoped3A_80 : memref<!tpu.dma_semaphore, #tpu.memory_space<semaphore_mem>>)
      %dma_wait3A = arith.constant 0 : i32
      %dma_wait3A_99 = arith.constant 0 : i32
      %dma_wait3A_100 = tpu.memref_slice %arg8[%run_scoped3A_52, %dma_wait3A, %dma_wait3A_99] : memref<2x128x128xf32, #tpu.memory_space<vmem>> -> memref<1x128x128xf32, #tpu.memory_space<vmem>>
      %dma_wait3A_101 = tpu.memref_squeeze %dma_wait3A_100 : memref<1x128x128xf32, #tpu.memory_space<vmem>> -> memref<128x128xf32, #tpu.memory_space<vmem>>
      %dma_wait3A_102 = arith.constant 0 : i32
      %dma_wait3A_103 = arith.constant 0 : i32
      %dma_wait3A_104 = tpu.memref_slice %dma_wait3A_101[%dma_wait3A_102, %dma_wait3A_103] : memref<128x128xf32, #tpu.memory_space<vmem>> -> memref<128x128xf32, #tpu.memory_space<vmem>>
      %dma_wait3A_105 = arith.constant 0 : i32
      %dma_wait3A_106 = tpu.memref_slice %arg9[%add3A_51, %dma_wait3A_105] : memref<10240x128xf32, #tpu.memory_space<vmem_shared>> -> memref<128x128xf32, #tpu.memory_space<vmem_shared>>
      %dma_wait3A_107 = arith.constant 0 : i32
      %dma_wait3A_108 = arith.constant 0 : i32
      %dma_wait3A_109 = tpu.memref_slice %arg8[%run_scoped3A_52, %dma_wait3A_107, %dma_wait3A_108] : memref<2x128x128xf32, #tpu.memory_space<vmem>> -> memref<1x128x128xf32, #tpu.memory_space<vmem>>
      %dma_wait3A_110 = tpu.memref_squeeze %dma_wait3A_109 : memref<1x128x128xf32, #tpu.memory_space<vmem>> -> memref<128x128xf32, #tpu.memory_space<vmem>>
      %dma_wait3A_111 = arith.constant 0 : i32
      %dma_wait3A_112 = arith.constant 0 : i32
      %dma_wait3A_113 = tpu.memref_slice %dma_wait3A_110[%dma_wait3A_111, %dma_wait3A_112] : memref<128x128xf32, #tpu.memory_space<vmem>> -> memref<128x128xf32, #tpu.memory_space<vmem>>
      %dma_wait3A_114 = arith.constant 0 : i32
      %dma_wait3A_115 = tpu.memref_slice %arg9[%add3A_51, %dma_wait3A_114] : memref<10240x128xf32, #tpu.memory_space<vmem_shared>> -> memref<128x128xf32, #tpu.memory_space<vmem_shared>>
      tpu.wait_dma2 semaphore(%run_scoped3A_80 : memref<!tpu.dma_semaphore, #tpu.memory_space<semaphore_mem>>) src(%dma_wait3A_115 : memref<128x128xf32, #tpu.memory_space<vmem_shared>>) dst(%dma_wait3A_113 : memref<128x128xf32, #tpu.memory_space<vmem>>)
      tpu.yield
    }) : () -> ()
    %add3A_53 = arith.constant 0 : i32
    %add3A_54 = arith.addi %mul3A_6, %add3A_53 : i32
    %run_scoped3A_55 = arith.constant 0 : i32
    "tpu.region"() ({
      %run_scoped3A_80 = tpu.sem_alloc : memref<!tpu.dma_semaphore, #tpu.memory_space<semaphore_mem>>
      %dma_start3A_81 = arith.constant 0 : i32
      %dma_start3A_82 = arith.constant 0 : i32
      %dma_start3A_83 = tpu.memref_slice %arg8[%run_scoped3A_55, %dma_start3A_81, %dma_start3A_82] : memref<2x128x128xf32, #tpu.memory_space<vmem>> -> memref<1x128x128xf32, #tpu.memory_space<vmem>>
      %dma_start3A_84 = tpu.memref_squeeze %dma_start3A_83 : memref<1x128x128xf32, #tpu.memory_space<vmem>> -> memref<128x128xf32, #tpu.memory_space<vmem>>
      %dma_start3A_85 = arith.constant 0 : i32
      %dma_start3A_86 = arith.constant 0 : i32
      %dma_start3A_87 = tpu.memref_slice %dma_start3A_84[%dma_start3A_85, %dma_start3A_86] : memref<128x128xf32, #tpu.memory_space<vmem>> -> memref<128x128xf32, #tpu.memory_space<vmem>>
      %dma_start3A_88 = arith.constant 0 : i32
      %dma_start3A_89 = arith.constant 0 : i32
      %dma_start3A_90 = tpu.memref_slice %arg5[%arg0, %dma_start3A_88, %dma_start3A_89] : memref<2x10240x128xf32, #tpu.memory_space<hbm>> -> memref<1x10240x128xf32, #tpu.memory_space<hbm>>
      %dma_start3A_91 = tpu.memref_squeeze %dma_start3A_90 : memref<1x10240x128xf32, #tpu.memory_space<hbm>> -> memref<10240x128xf32, #tpu.memory_space<hbm>>
      %dma_start3A_92 = arith.constant 0 : i32
      %dma_start3A_93 = tpu.memref_slice %dma_start3A_91[%add3A_54, %dma_start3A_92] : memref<10240x128xf32, #tpu.memory_space<hbm>> -> memref<128x128xf32, #tpu.memory_space<hbm>>
      %dma_start3A_94 = arith.constant 0 : i32
      %dma_start3A_95 = arith.constant 0 : i32
      %dma_start3A_96 = tpu.memref_slice %arg5[%arg0, %dma_start3A_94, %dma_start3A_95] : memref<2x10240x128xf32, #tpu.memory_space<hbm>> -> memref<1x10240x128xf32, #tpu.memory_space<hbm>>
      %dma_start3A_97 = tpu.memref_squeeze %dma_start3A_96 : memref<1x10240x128xf32, #tpu.memory_space<hbm>> -> memref<10240x128xf32, #tpu.memory_space<hbm>>
      %dma_start3A_98 = arith.constant 0 : i32
      %dma_start3A_99 = tpu.memref_slice %dma_start3A_97[%add3A_54, %dma_start3A_98] : memref<10240x128xf32, #tpu.memory_space<hbm>> -> memref<128x128xf32, #tpu.memory_space<hbm>>
      %dma_start3A_100 = arith.constant 0 : i32
      %dma_start3A_101 = arith.constant 0 : i32
      %dma_start3A_102 = tpu.memref_slice %arg8[%run_scoped3A_55, %dma_start3A_100, %dma_start3A_101] : memref<2x128x128xf32, #tpu.memory_space<vmem>> -> memref<1x128x128xf32, #tpu.memory_space<vmem>>
      %dma_start3A_103 = tpu.memref_squeeze %dma_start3A_102 : memref<1x128x128xf32, #tpu.memory_space<vmem>> -> memref<128x128xf32, #tpu.memory_space<vmem>>
      %dma_start3A_104 = arith.constant 0 : i32
      %dma_start3A_105 = arith.constant 0 : i32
      %dma_start3A_106 = tpu.memref_slice %dma_start3A_103[%dma_start3A_104, %dma_start3A_105] : memref<128x128xf32, #tpu.memory_space<vmem>> -> memref<128x128xf32, #tpu.memory_space<vmem>>
      tpu.enqueue_dma source(%dma_start3A_106 : memref<128x128xf32, #tpu.memory_space<vmem>>) target(%dma_start3A_99 : memref<128x128xf32, #tpu.memory_space<hbm>>) target_semaphore(%run_scoped3A_80 : memref<!tpu.dma_semaphore, #tpu.memory_space<semaphore_mem>>)
      %dma_wait3A = arith.constant 0 : i32
      %dma_wait3A_107 = arith.constant 0 : i32
      %dma_wait3A_108 = tpu.memref_slice %arg8[%run_scoped3A_55, %dma_wait3A, %dma_wait3A_107] : memref<2x128x128xf32, #tpu.memory_space<vmem>> -> memref<1x128x128xf32, #tpu.memory_space<vmem>>
      %dma_wait3A_109 = tpu.memref_squeeze %dma_wait3A_108 : memref<1x128x128xf32, #tpu.memory_space<vmem>> -> memref<128x128xf32, #tpu.memory_space<vmem>>
      %dma_wait3A_110 = arith.constant 0 : i32
      %dma_wait3A_111 = arith.constant 0 : i32
      %dma_wait3A_112 = tpu.memref_slice %dma_wait3A_109[%dma_wait3A_110, %dma_wait3A_111] : memref<128x128xf32, #tpu.memory_space<vmem>> -> memref<128x128xf32, #tpu.memory_space<vmem>>
      %dma_wait3A_113 = arith.constant 0 : i32
      %dma_wait3A_114 = arith.constant 0 : i32
      %dma_wait3A_115 = tpu.memref_slice %arg5[%arg0, %dma_wait3A_113, %dma_wait3A_114] : memref<2x10240x128xf32, #tpu.memory_space<hbm>> -> memref<1x10240x128xf32, #tpu.memory_space<hbm>>
      %dma_wait3A_116 = tpu.memref_squeeze %dma_wait3A_115 : memref<1x10240x128xf32, #tpu.memory_space<hbm>> -> memref<10240x128xf32, #tpu.memory_space<hbm>>
      %dma_wait3A_117 = arith.constant 0 : i32
      %dma_wait3A_118 = tpu.memref_slice %dma_wait3A_116[%add3A_54, %dma_wait3A_117] : memref<10240x128xf32, #tpu.memory_space<hbm>> -> memref<128x128xf32, #tpu.memory_space<hbm>>
      %dma_wait3A_119 = arith.constant 0 : i32
      %dma_wait3A_120 = arith.constant 0 : i32
      %dma_wait3A_121 = tpu.memref_slice %arg5[%arg0, %dma_wait3A_119, %dma_wait3A_120] : memref<2x10240x128xf32, #tpu.memory_space<hbm>> -> memref<1x10240x128xf32, #tpu.memory_space<hbm>>
      %dma_wait3A_122 = tpu.memref_squeeze %dma_wait3A_121 : memref<1x10240x128xf32, #tpu.memory_space<hbm>> -> memref<10240x128xf32, #tpu.memory_space<hbm>>
      %dma_wait3A_123 = arith.constant 0 : i32
      %dma_wait3A_124 = tpu.memref_slice %dma_wait3A_122[%add3A_54, %dma_wait3A_123] : memref<10240x128xf32, #tpu.memory_space<hbm>> -> memref<128x128xf32, #tpu.memory_space<hbm>>
      %dma_wait3A_125 = arith.constant 0 : i32
      %dma_wait3A_126 = arith.constant 0 : i32
      %dma_wait3A_127 = tpu.memref_slice %arg8[%run_scoped3A_55, %dma_wait3A_125, %dma_wait3A_126] : memref<2x128x128xf32, #tpu.memory_space<vmem>> -> memref<1x128x128xf32, #tpu.memory_space<vmem>>
      %dma_wait3A_128 = tpu.memref_squeeze %dma_wait3A_127 : memref<1x128x128xf32, #tpu.memory_space<vmem>> -> memref<128x128xf32, #tpu.memory_space<vmem>>
      %dma_wait3A_129 = arith.constant 0 : i32
      %dma_wait3A_130 = arith.constant 0 : i32
      %dma_wait3A_131 = tpu.memref_slice %dma_wait3A_128[%dma_wait3A_129, %dma_wait3A_130] : memref<128x128xf32, #tpu.memory_space<vmem>> -> memref<128x128xf32, #tpu.memory_space<vmem>>
      tpu.wait_dma2 semaphore(%run_scoped3A_80 : memref<!tpu.dma_semaphore, #tpu.memory_space<semaphore_mem>>) src(%dma_wait3A_131 : memref<128x128xf32, #tpu.memory_space<vmem>>) dst(%dma_wait3A_124 : memref<128x128xf32, #tpu.memory_space<hbm>>)
      tpu.yield
    }) : () -> ()
    %add3A_56 = arith.constant 128 : i32
    %add3A_57 = arith.addi %mul3A_6, %add3A_56 : i32
    %run_scoped3A_58 = arith.constant 0 : i32
    "tpu.region"() ({
      %run_scoped3A_80 = tpu.sem_alloc : memref<!tpu.dma_semaphore, #tpu.memory_space<semaphore_mem>>
      %dma_start3A_81 = arith.constant 0 : i32
      %dma_start3A_82 = arith.constant 0 : i32
      %dma_start3A_83 = tpu.memref_slice %arg8[%run_scoped3A_58, %dma_start3A_81, %dma_start3A_82] : memref<2x128x128xf32, #tpu.memory_space<vmem>> -> memref<1x128x128xf32, #tpu.memory_space<vmem>>
      %dma_start3A_84 = tpu.memref_squeeze %dma_start3A_83 : memref<1x128x128xf32, #tpu.memory_space<vmem>> -> memref<128x128xf32, #tpu.memory_space<vmem>>
      %dma_start3A_85 = arith.constant 0 : i32
      %dma_start3A_86 = arith.constant 0 : i32
      %dma_start3A_87 = tpu.memref_slice %dma_start3A_84[%dma_start3A_85, %dma_start3A_86] : memref<128x128xf32, #tpu.memory_space<vmem>> -> memref<128x128xf32, #tpu.memory_space<vmem>>
      %dma_start3A_88 = arith.constant 0 : i32
      %dma_start3A_89 = tpu.memref_slice %arg9[%add3A_57, %dma_start3A_88] : memref<10240x128xf32, #tpu.memory_space<vmem_shared>> -> memref<128x128xf32, #tpu.memory_space<vmem_shared>>
      %dma_start3A_90 = arith.constant 0 : i32
      %dma_start3A_91 = arith.constant 0 : i32
      %dma_start3A_92 = tpu.memref_slice %arg8[%run_scoped3A_58, %dma_start3A_90, %dma_start3A_91] : memref<2x128x128xf32, #tpu.memory_space<vmem>> -> memref<1x128x128xf32, #tpu.memory_space<vmem>>
      %dma_start3A_93 = tpu.memref_squeeze %dma_start3A_92 : memref<1x128x128xf32, #tpu.memory_space<vmem>> -> memref<128x128xf32, #tpu.memory_space<vmem>>
      %dma_start3A_94 = arith.constant 0 : i32
      %dma_start3A_95 = arith.constant 0 : i32
      %dma_start3A_96 = tpu.memref_slice %dma_start3A_93[%dma_start3A_94, %dma_start3A_95] : memref<128x128xf32, #tpu.memory_space<vmem>> -> memref<128x128xf32, #tpu.memory_space<vmem>>
      %dma_start3A_97 = arith.constant 0 : i32
      %dma_start3A_98 = tpu.memref_slice %arg9[%add3A_57, %dma_start3A_97] : memref<10240x128xf32, #tpu.memory_space<vmem_shared>> -> memref<128x128xf32, #tpu.memory_space<vmem_shared>>
      tpu.enqueue_dma source(%dma_start3A_98 : memref<128x128xf32, #tpu.memory_space<vmem_shared>>) target(%dma_start3A_96 : memref<128x128xf32, #tpu.memory_space<vmem>>) target_semaphore(%run_scoped3A_80 : memref<!tpu.dma_semaphore, #tpu.memory_space<semaphore_mem>>)
      %dma_wait3A = arith.constant 0 : i32
      %dma_wait3A_99 = arith.constant 0 : i32
      %dma_wait3A_100 = tpu.memref_slice %arg8[%run_scoped3A_58, %dma_wait3A, %dma_wait3A_99] : memref<2x128x128xf32, #tpu.memory_space<vmem>> -> memref<1x128x128xf32, #tpu.memory_space<vmem>>
      %dma_wait3A_101 = tpu.memref_squeeze %dma_wait3A_100 : memref<1x128x128xf32, #tpu.memory_space<vmem>> -> memref<128x128xf32, #tpu.memory_space<vmem>>
      %dma_wait3A_102 = arith.constant 0 : i32
      %dma_wait3A_103 = arith.constant 0 : i32
      %dma_wait3A_104 = tpu.memref_slice %dma_wait3A_101[%dma_wait3A_102, %dma_wait3A_103] : memref<128x128xf32, #tpu.memory_space<vmem>> -> memref<128x128xf32, #tpu.memory_space<vmem>>
      %dma_wait3A_105 = arith.constant 0 : i32
      %dma_wait3A_106 = tpu.memref_slice %arg9[%add3A_57, %dma_wait3A_105] : memref<10240x128xf32, #tpu.memory_space<vmem_shared>> -> memref<128x128xf32, #tpu.memory_space<vmem_shared>>
      %dma_wait3A_107 = arith.constant 0 : i32
      %dma_wait3A_108 = arith.constant 0 : i32
      %dma_wait3A_109 = tpu.memref_slice %arg8[%run_scoped3A_58, %dma_wait3A_107, %dma_wait3A_108] : memref<2x128x128xf32, #tpu.memory_space<vmem>> -> memref<1x128x128xf32, #tpu.memory_space<vmem>>
      %dma_wait3A_110 = tpu.memref_squeeze %dma_wait3A_109 : memref<1x128x128xf32, #tpu.memory_space<vmem>> -> memref<128x128xf32, #tpu.memory_space<vmem>>
      %dma_wait3A_111 = arith.constant 0 : i32
      %dma_wait3A_112 = arith.constant 0 : i32
      %dma_wait3A_113 = tpu.memref_slice %dma_wait3A_110[%dma_wait3A_111, %dma_wait3A_112] : memref<128x128xf32, #tpu.memory_space<vmem>> -> memref<128x128xf32, #tpu.memory_space<vmem>>
      %dma_wait3A_114 = arith.constant 0 : i32
      %dma_wait3A_115 = tpu.memref_slice %arg9[%add3A_57, %dma_wait3A_114] : memref<10240x128xf32, #tpu.memory_space<vmem_shared>> -> memref<128x128xf32, #tpu.memory_space<vmem_shared>>
      tpu.wait_dma2 semaphore(%run_scoped3A_80 : memref<!tpu.dma_semaphore, #tpu.memory_space<semaphore_mem>>) src(%dma_wait3A_115 : memref<128x128xf32, #tpu.memory_space<vmem_shared>>) dst(%dma_wait3A_113 : memref<128x128xf32, #tpu.memory_space<vmem>>)
      tpu.yield
    }) : () -> ()
    %add3A_59 = arith.constant 128 : i32
    %add3A_60 = arith.addi %mul3A_6, %add3A_59 : i32
    %run_scoped3A_61 = arith.constant 0 : i32
    "tpu.region"() ({
      %run_scoped3A_80 = tpu.sem_alloc : memref<!tpu.dma_semaphore, #tpu.memory_space<semaphore_mem>>
      %dma_start3A_81 = arith.constant 0 : i32
      %dma_start3A_82 = arith.constant 0 : i32
      %dma_start3A_83 = tpu.memref_slice %arg8[%run_scoped3A_61, %dma_start3A_81, %dma_start3A_82] : memref<2x128x128xf32, #tpu.memory_space<vmem>> -> memref<1x128x128xf32, #tpu.memory_space<vmem>>
      %dma_start3A_84 = tpu.memref_squeeze %dma_start3A_83 : memref<1x128x128xf32, #tpu.memory_space<vmem>> -> memref<128x128xf32, #tpu.memory_space<vmem>>
      %dma_start3A_85 = arith.constant 0 : i32
      %dma_start3A_86 = arith.constant 0 : i32
      %dma_start3A_87 = tpu.memref_slice %dma_start3A_84[%dma_start3A_85, %dma_start3A_86] : memref<128x128xf32, #tpu.memory_space<vmem>> -> memref<128x128xf32, #tpu.memory_space<vmem>>
      %dma_start3A_88 = arith.constant 0 : i32
      %dma_start3A_89 = arith.constant 0 : i32
      %dma_start3A_90 = tpu.memref_slice %arg5[%arg0, %dma_start3A_88, %dma_start3A_89] : memref<2x10240x128xf32, #tpu.memory_space<hbm>> -> memref<1x10240x128xf32, #tpu.memory_space<hbm>>
      %dma_start3A_91 = tpu.memref_squeeze %dma_start3A_90 : memref<1x10240x128xf32, #tpu.memory_space<hbm>> -> memref<10240x128xf32, #tpu.memory_space<hbm>>
      %dma_start3A_92 = arith.constant 0 : i32
      %dma_start3A_93 = tpu.memref_slice %dma_start3A_91[%add3A_60, %dma_start3A_92] : memref<10240x128xf32, #tpu.memory_space<hbm>> -> memref<128x128xf32, #tpu.memory_space<hbm>>
      %dma_start3A_94 = arith.constant 0 : i32
      %dma_start3A_95 = arith.constant 0 : i32
      %dma_start3A_96 = tpu.memref_slice %arg5[%arg0, %dma_start3A_94, %dma_start3A_95] : memref<2x10240x128xf32, #tpu.memory_space<hbm>> -> memref<1x10240x128xf32, #tpu.memory_space<hbm>>
      %dma_start3A_97 = tpu.memref_squeeze %dma_start3A_96 : memref<1x10240x128xf32, #tpu.memory_space<hbm>> -> memref<10240x128xf32, #tpu.memory_space<hbm>>
      %dma_start3A_98 = arith.constant 0 : i32
      %dma_start3A_99 = tpu.memref_slice %dma_start3A_97[%add3A_60, %dma_start3A_98] : memref<10240x128xf32, #tpu.memory_space<hbm>> -> memref<128x128xf32, #tpu.memory_space<hbm>>
      %dma_start3A_100 = arith.constant 0 : i32
      %dma_start3A_101 = arith.constant 0 : i32
      %dma_start3A_102 = tpu.memref_slice %arg8[%run_scoped3A_61, %dma_start3A_100, %dma_start3A_101] : memref<2x128x128xf32, #tpu.memory_space<vmem>> -> memref<1x128x128xf32, #tpu.memory_space<vmem>>
      %dma_start3A_103 = tpu.memref_squeeze %dma_start3A_102 : memref<1x128x128xf32, #tpu.memory_space<vmem>> -> memref<128x128xf32, #tpu.memory_space<vmem>>
      %dma_start3A_104 = arith.constant 0 : i32
      %dma_start3A_105 = arith.constant 0 : i32
      %dma_start3A_106 = tpu.memref_slice %dma_start3A_103[%dma_start3A_104, %dma_start3A_105] : memref<128x128xf32, #tpu.memory_space<vmem>> -> memref<128x128xf32, #tpu.memory_space<vmem>>
      tpu.enqueue_dma source(%dma_start3A_106 : memref<128x128xf32, #tpu.memory_space<vmem>>) target(%dma_start3A_99 : memref<128x128xf32, #tpu.memory_space<hbm>>) target_semaphore(%run_scoped3A_80 : memref<!tpu.dma_semaphore, #tpu.memory_space<semaphore_mem>>)
      %dma_wait3A = arith.constant 0 : i32
      %dma_wait3A_107 = arith.constant 0 : i32
      %dma_wait3A_108 = tpu.memref_slice %arg8[%run_scoped3A_61, %dma_wait3A, %dma_wait3A_107] : memref<2x128x128xf32, #tpu.memory_space<vmem>> -> memref<1x128x128xf32, #tpu.memory_space<vmem>>
      %dma_wait3A_109 = tpu.memref_squeeze %dma_wait3A_108 : memref<1x128x128xf32, #tpu.memory_space<vmem>> -> memref<128x128xf32, #tpu.memory_space<vmem>>
      %dma_wait3A_110 = arith.constant 0 : i32
      %dma_wait3A_111 = arith.constant 0 : i32
      %dma_wait3A_112 = tpu.memref_slice %dma_wait3A_109[%dma_wait3A_110, %dma_wait3A_111] : memref<128x128xf32, #tpu.memory_space<vmem>> -> memref<128x128xf32, #tpu.memory_space<vmem>>
      %dma_wait3A_113 = arith.constant 0 : i32
      %dma_wait3A_114 = arith.constant 0 : i32
      %dma_wait3A_115 = tpu.memref_slice %arg5[%arg0, %dma_wait3A_113, %dma_wait3A_114] : memref<2x10240x128xf32, #tpu.memory_space<hbm>> -> memref<1x10240x128xf32, #tpu.memory_space<hbm>>
      %dma_wait3A_116 = tpu.memref_squeeze %dma_wait3A_115 : memref<1x10240x128xf32, #tpu.memory_space<hbm>> -> memref<10240x128xf32, #tpu.memory_space<hbm>>
      %dma_wait3A_117 = arith.constant 0 : i32
      %dma_wait3A_118 = tpu.memref_slice %dma_wait3A_116[%add3A_60, %dma_wait3A_117] : memref<10240x128xf32, #tpu.memory_space<hbm>> -> memref<128x128xf32, #tpu.memory_space<hbm>>
      %dma_wait3A_119 = arith.constant 0 : i32
      %dma_wait3A_120 = arith.constant 0 : i32
      %dma_wait3A_121 = tpu.memref_slice %arg5[%arg0, %dma_wait3A_119, %dma_wait3A_120] : memref<2x10240x128xf32, #tpu.memory_space<hbm>> -> memref<1x10240x128xf32, #tpu.memory_space<hbm>>
      %dma_wait3A_122 = tpu.memref_squeeze %dma_wait3A_121 : memref<1x10240x128xf32, #tpu.memory_space<hbm>> -> memref<10240x128xf32, #tpu.memory_space<hbm>>
      %dma_wait3A_123 = arith.constant 0 : i32
      %dma_wait3A_124 = tpu.memref_slice %dma_wait3A_122[%add3A_60, %dma_wait3A_123] : memref<10240x128xf32, #tpu.memory_space<hbm>> -> memref<128x128xf32, #tpu.memory_space<hbm>>
      %dma_wait3A_125 = arith.constant 0 : i32
      %dma_wait3A_126 = arith.constant 0 : i32
      %dma_wait3A_127 = tpu.memref_slice %arg8[%run_scoped3A_61, %dma_wait3A_125, %dma_wait3A_126] : memref<2x128x128xf32, #tpu.memory_space<vmem>> -> memref<1x128x128xf32, #tpu.memory_space<vmem>>
      %dma_wait3A_128 = tpu.memref_squeeze %dma_wait3A_127 : memref<1x128x128xf32, #tpu.memory_space<vmem>> -> memref<128x128xf32, #tpu.memory_space<vmem>>
      %dma_wait3A_129 = arith.constant 0 : i32
      %dma_wait3A_130 = arith.constant 0 : i32
      %dma_wait3A_131 = tpu.memref_slice %dma_wait3A_128[%dma_wait3A_129, %dma_wait3A_130] : memref<128x128xf32, #tpu.memory_space<vmem>> -> memref<128x128xf32, #tpu.memory_space<vmem>>
      tpu.wait_dma2 semaphore(%run_scoped3A_80 : memref<!tpu.dma_semaphore, #tpu.memory_space<semaphore_mem>>) src(%dma_wait3A_131 : memref<128x128xf32, #tpu.memory_space<vmem>>) dst(%dma_wait3A_124 : memref<128x128xf32, #tpu.memory_space<hbm>>)
      tpu.yield
    }) : () -> ()
    %add3A_62 = arith.constant 256 : i32
    %add3A_63 = arith.addi %mul3A_6, %add3A_62 : i32
    %run_scoped3A_64 = arith.constant 0 : i32
    "tpu.region"() ({
      %run_scoped3A_80 = tpu.sem_alloc : memref<!tpu.dma_semaphore, #tpu.memory_space<semaphore_mem>>
      %dma_start3A_81 = arith.constant 0 : i32
      %dma_start3A_82 = arith.constant 0 : i32
      %dma_start3A_83 = tpu.memref_slice %arg8[%run_scoped3A_64, %dma_start3A_81, %dma_start3A_82] : memref<2x128x128xf32, #tpu.memory_space<vmem>> -> memref<1x128x128xf32, #tpu.memory_space<vmem>>
      %dma_start3A_84 = tpu.memref_squeeze %dma_start3A_83 : memref<1x128x128xf32, #tpu.memory_space<vmem>> -> memref<128x128xf32, #tpu.memory_space<vmem>>
      %dma_start3A_85 = arith.constant 0 : i32
      %dma_start3A_86 = arith.constant 0 : i32
      %dma_start3A_87 = tpu.memref_slice %dma_start3A_84[%dma_start3A_85, %dma_start3A_86] : memref<128x128xf32, #tpu.memory_space<vmem>> -> memref<128x128xf32, #tpu.memory_space<vmem>>
      %dma_start3A_88 = arith.constant 0 : i32
      %dma_start3A_89 = tpu.memref_slice %arg9[%add3A_63, %dma_start3A_88] : memref<10240x128xf32, #tpu.memory_space<vmem_shared>> -> memref<128x128xf32, #tpu.memory_space<vmem_shared>>
      %dma_start3A_90 = arith.constant 0 : i32
      %dma_start3A_91 = arith.constant 0 : i32
      %dma_start3A_92 = tpu.memref_slice %arg8[%run_scoped3A_64, %dma_start3A_90, %dma_start3A_91] : memref<2x128x128xf32, #tpu.memory_space<vmem>> -> memref<1x128x128xf32, #tpu.memory_space<vmem>>
      %dma_start3A_93 = tpu.memref_squeeze %dma_start3A_92 : memref<1x128x128xf32, #tpu.memory_space<vmem>> -> memref<128x128xf32, #tpu.memory_space<vmem>>
      %dma_start3A_94 = arith.constant 0 : i32
      %dma_start3A_95 = arith.constant 0 : i32
      %dma_start3A_96 = tpu.memref_slice %dma_start3A_93[%dma_start3A_94, %dma_start3A_95] : memref<128x128xf32, #tpu.memory_space<vmem>> -> memref<128x128xf32, #tpu.memory_space<vmem>>
      %dma_start3A_97 = arith.constant 0 : i32
      %dma_start3A_98 = tpu.memref_slice %arg9[%add3A_63, %dma_start3A_97] : memref<10240x128xf32, #tpu.memory_space<vmem_shared>> -> memref<128x128xf32, #tpu.memory_space<vmem_shared>>
      tpu.enqueue_dma source(%dma_start3A_98 : memref<128x128xf32, #tpu.memory_space<vmem_shared>>) target(%dma_start3A_96 : memref<128x128xf32, #tpu.memory_space<vmem>>) target_semaphore(%run_scoped3A_80 : memref<!tpu.dma_semaphore, #tpu.memory_space<semaphore_mem>>)
      %dma_wait3A = arith.constant 0 : i32
      %dma_wait3A_99 = arith.constant 0 : i32
      %dma_wait3A_100 = tpu.memref_slice %arg8[%run_scoped3A_64, %dma_wait3A, %dma_wait3A_99] : memref<2x128x128xf32, #tpu.memory_space<vmem>> -> memref<1x128x128xf32, #tpu.memory_space<vmem>>
      %dma_wait3A_101 = tpu.memref_squeeze %dma_wait3A_100 : memref<1x128x128xf32, #tpu.memory_space<vmem>> -> memref<128x128xf32, #tpu.memory_space<vmem>>
      %dma_wait3A_102 = arith.constant 0 : i32
      %dma_wait3A_103 = arith.constant 0 : i32
      %dma_wait3A_104 = tpu.memref_slice %dma_wait3A_101[%dma_wait3A_102, %dma_wait3A_103] : memref<128x128xf32, #tpu.memory_space<vmem>> -> memref<128x128xf32, #tpu.memory_space<vmem>>
      %dma_wait3A_105 = arith.constant 0 : i32
      %dma_wait3A_106 = tpu.memref_slice %arg9[%add3A_63, %dma_wait3A_105] : memref<10240x128xf32, #tpu.memory_space<vmem_shared>> -> memref<128x128xf32, #tpu.memory_space<vmem_shared>>
      %dma_wait3A_107 = arith.constant 0 : i32
      %dma_wait3A_108 = arith.constant 0 : i32
      %dma_wait3A_109 = tpu.memref_slice %arg8[%run_scoped3A_64, %dma_wait3A_107, %dma_wait3A_108] : memref<2x128x128xf32, #tpu.memory_space<vmem>> -> memref<1x128x128xf32, #tpu.memory_space<vmem>>
      %dma_wait3A_110 = tpu.memref_squeeze %dma_wait3A_109 : memref<1x128x128xf32, #tpu.memory_space<vmem>> -> memref<128x128xf32, #tpu.memory_space<vmem>>
      %dma_wait3A_111 = arith.constant 0 : i32
      %dma_wait3A_112 = arith.constant 0 : i32
      %dma_wait3A_113 = tpu.memref_slice %dma_wait3A_110[%dma_wait3A_111, %dma_wait3A_112] : memref<128x128xf32, #tpu.memory_space<vmem>> -> memref<128x128xf32, #tpu.memory_space<vmem>>
      %dma_wait3A_114 = arith.constant 0 : i32
      %dma_wait3A_115 = tpu.memref_slice %arg9[%add3A_63, %dma_wait3A_114] : memref<10240x128xf32, #tpu.memory_space<vmem_shared>> -> memref<128x128xf32, #tpu.memory_space<vmem_shared>>
      tpu.wait_dma2 semaphore(%run_scoped3A_80 : memref<!tpu.dma_semaphore, #tpu.memory_space<semaphore_mem>>) src(%dma_wait3A_115 : memref<128x128xf32, #tpu.memory_space<vmem_shared>>) dst(%dma_wait3A_113 : memref<128x128xf32, #tpu.memory_space<vmem>>)
      tpu.yield
    }) : () -> ()
    %add3A_65 = arith.constant 256 : i32
    %add3A_66 = arith.addi %mul3A_6, %add3A_65 : i32
    %run_scoped3A_67 = arith.constant 0 : i32
    "tpu.region"() ({
      %run_scoped3A_80 = tpu.sem_alloc : memref<!tpu.dma_semaphore, #tpu.memory_space<semaphore_mem>>
      %dma_start3A_81 = arith.constant 0 : i32
      %dma_start3A_82 = arith.constant 0 : i32
      %dma_start3A_83 = tpu.memref_slice %arg8[%run_scoped3A_67, %dma_start3A_81, %dma_start3A_82] : memref<2x128x128xf32, #tpu.memory_space<vmem>> -> memref<1x128x128xf32, #tpu.memory_space<vmem>>
      %dma_start3A_84 = tpu.memref_squeeze %dma_start3A_83 : memref<1x128x128xf32, #tpu.memory_space<vmem>> -> memref<128x128xf32, #tpu.memory_space<vmem>>
      %dma_start3A_85 = arith.constant 0 : i32
      %dma_start3A_86 = arith.constant 0 : i32
      %dma_start3A_87 = tpu.memref_slice %dma_start3A_84[%dma_start3A_85, %dma_start3A_86] : memref<128x128xf32, #tpu.memory_space<vmem>> -> memref<128x128xf32, #tpu.memory_space<vmem>>
      %dma_start3A_88 = arith.constant 0 : i32
      %dma_start3A_89 = arith.constant 0 : i32
      %dma_start3A_90 = tpu.memref_slice %arg5[%arg0, %dma_start3A_88, %dma_start3A_89] : memref<2x10240x128xf32, #tpu.memory_space<hbm>> -> memref<1x10240x128xf32, #tpu.memory_space<hbm>>
      %dma_start3A_91 = tpu.memref_squeeze %dma_start3A_90 : memref<1x10240x128xf32, #tpu.memory_space<hbm>> -> memref<10240x128xf32, #tpu.memory_space<hbm>>
      %dma_start3A_92 = arith.constant 0 : i32
      %dma_start3A_93 = tpu.memref_slice %dma_start3A_91[%add3A_66, %dma_start3A_92] : memref<10240x128xf32, #tpu.memory_space<hbm>> -> memref<128x128xf32, #tpu.memory_space<hbm>>
      %dma_start3A_94 = arith.constant 0 : i32
      %dma_start3A_95 = arith.constant 0 : i32
      %dma_start3A_96 = tpu.memref_slice %arg5[%arg0, %dma_start3A_94, %dma_start3A_95] : memref<2x10240x128xf32, #tpu.memory_space<hbm>> -> memref<1x10240x128xf32, #tpu.memory_space<hbm>>
      %dma_start3A_97 = tpu.memref_squeeze %dma_start3A_96 : memref<1x10240x128xf32, #tpu.memory_space<hbm>> -> memref<10240x128xf32, #tpu.memory_space<hbm>>
      %dma_start3A_98 = arith.constant 0 : i32
      %dma_start3A_99 = tpu.memref_slice %dma_start3A_97[%add3A_66, %dma_start3A_98] : memref<10240x128xf32, #tpu.memory_space<hbm>> -> memref<128x128xf32, #tpu.memory_space<hbm>>
      %dma_start3A_100 = arith.constant 0 : i32
      %dma_start3A_101 = arith.constant 0 : i32
      %dma_start3A_102 = tpu.memref_slice %arg8[%run_scoped3A_67, %dma_start3A_100, %dma_start3A_101] : memref<2x128x128xf32, #tpu.memory_space<vmem>> -> memref<1x128x128xf32, #tpu.memory_space<vmem>>
      %dma_start3A_103 = tpu.memref_squeeze %dma_start3A_102 : memref<1x128x128xf32, #tpu.memory_space<vmem>> -> memref<128x128xf32, #tpu.memory_space<vmem>>
      %dma_start3A_104 = arith.constant 0 : i32
      %dma_start3A_105 = arith.constant 0 : i32
      %dma_start3A_106 = tpu.memref_slice %dma_start3A_103[%dma_start3A_104, %dma_start3A_105] : memref<128x128xf32, #tpu.memory_space<vmem>> -> memref<128x128xf32, #tpu.memory_space<vmem>>
      tpu.enqueue_dma source(%dma_start3A_106 : memref<128x128xf32, #tpu.memory_space<vmem>>) target(%dma_start3A_99 : memref<128x128xf32, #tpu.memory_space<hbm>>) target_semaphore(%run_scoped3A_80 : memref<!tpu.dma_semaphore, #tpu.memory_space<semaphore_mem>>)
      %dma_wait3A = arith.constant 0 : i32
      %dma_wait3A_107 = arith.constant 0 : i32
      %dma_wait3A_108 = tpu.memref_slice %arg8[%run_scoped3A_67, %dma_wait3A, %dma_wait3A_107] : memref<2x128x128xf32, #tpu.memory_space<vmem>> -> memref<1x128x128xf32, #tpu.memory_space<vmem>>
      %dma_wait3A_109 = tpu.memref_squeeze %dma_wait3A_108 : memref<1x128x128xf32, #tpu.memory_space<vmem>> -> memref<128x128xf32, #tpu.memory_space<vmem>>
      %dma_wait3A_110 = arith.constant 0 : i32
      %dma_wait3A_111 = arith.constant 0 : i32
      %dma_wait3A_112 = tpu.memref_slice %dma_wait3A_109[%dma_wait3A_110, %dma_wait3A_111] : memref<128x128xf32, #tpu.memory_space<vmem>> -> memref<128x128xf32, #tpu.memory_space<vmem>>
      %dma_wait3A_113 = arith.constant 0 : i32
      %dma_wait3A_114 = arith.constant 0 : i32
      %dma_wait3A_115 = tpu.memref_slice %arg5[%arg0, %dma_wait3A_113, %dma_wait3A_114] : memref<2x10240x128xf32, #tpu.memory_space<hbm>> -> memref<1x10240x128xf32, #tpu.memory_space<hbm>>
      %dma_wait3A_116 = tpu.memref_squeeze %dma_wait3A_115 : memref<1x10240x128xf32, #tpu.memory_space<hbm>> -> memref<10240x128xf32, #tpu.memory_space<hbm>>
      %dma_wait3A_117 = arith.constant 0 : i32
      %dma_wait3A_118 = tpu.memref_slice %dma_wait3A_116[%add3A_66, %dma_wait3A_117] : memref<10240x128xf32, #tpu.memory_space<hbm>> -> memref<128x128xf32, #tpu.memory_space<hbm>>
      %dma_wait3A_119 = arith.constant 0 : i32
      %dma_wait3A_120 = arith.constant 0 : i32
      %dma_wait3A_121 = tpu.memref_slice %arg5[%arg0, %dma_wait3A_119, %dma_wait3A_120] : memref<2x10240x128xf32, #tpu.memory_space<hbm>> -> memref<1x10240x128xf32, #tpu.memory_space<hbm>>
      %dma_wait3A_122 = tpu.memref_squeeze %dma_wait3A_121 : memref<1x10240x128xf32, #tpu.memory_space<hbm>> -> memref<10240x128xf32, #tpu.memory_space<hbm>>
      %dma_wait3A_123 = arith.constant 0 : i32
      %dma_wait3A_124 = tpu.memref_slice %dma_wait3A_122[%add3A_66, %dma_wait3A_123] : memref<10240x128xf32, #tpu.memory_space<hbm>> -> memref<128x128xf32, #tpu.memory_space<hbm>>
      %dma_wait3A_125 = arith.constant 0 : i32
      %dma_wait3A_126 = arith.constant 0 : i32
      %dma_wait3A_127 = tpu.memref_slice %arg8[%run_scoped3A_67, %dma_wait3A_125, %dma_wait3A_126] : memref<2x128x128xf32, #tpu.memory_space<vmem>> -> memref<1x128x128xf32, #tpu.memory_space<vmem>>
      %dma_wait3A_128 = tpu.memref_squeeze %dma_wait3A_127 : memref<1x128x128xf32, #tpu.memory_space<vmem>> -> memref<128x128xf32, #tpu.memory_space<vmem>>
      %dma_wait3A_129 = arith.constant 0 : i32
      %dma_wait3A_130 = arith.constant 0 : i32
      %dma_wait3A_131 = tpu.memref_slice %dma_wait3A_128[%dma_wait3A_129, %dma_wait3A_130] : memref<128x128xf32, #tpu.memory_space<vmem>> -> memref<128x128xf32, #tpu.memory_space<vmem>>
      tpu.wait_dma2 semaphore(%run_scoped3A_80 : memref<!tpu.dma_semaphore, #tpu.memory_space<semaphore_mem>>) src(%dma_wait3A_131 : memref<128x128xf32, #tpu.memory_space<vmem>>) dst(%dma_wait3A_124 : memref<128x128xf32, #tpu.memory_space<hbm>>)
      tpu.yield
    }) : () -> ()
    %add3A_68 = arith.constant 384 : i32
    %add3A_69 = arith.addi %mul3A_6, %add3A_68 : i32
    %run_scoped3A_70 = arith.constant 0 : i32
    "tpu.region"() ({
      %run_scoped3A_80 = tpu.sem_alloc : memref<!tpu.dma_semaphore, #tpu.memory_space<semaphore_mem>>
      %dma_start3A_81 = arith.constant 0 : i32
      %dma_start3A_82 = arith.constant 0 : i32
      %dma_start3A_83 = tpu.memref_slice %arg8[%run_scoped3A_70, %dma_start3A_81, %dma_start3A_82] : memref<2x128x128xf32, #tpu.memory_space<vmem>> -> memref<1x128x128xf32, #tpu.memory_space<vmem>>
      %dma_start3A_84 = tpu.memref_squeeze %dma_start3A_83 : memref<1x128x128xf32, #tpu.memory_space<vmem>> -> memref<128x128xf32, #tpu.memory_space<vmem>>
      %dma_start3A_85 = arith.constant 0 : i32
      %dma_start3A_86 = arith.constant 0 : i32
      %dma_start3A_87 = tpu.memref_slice %dma_start3A_84[%dma_start3A_85, %dma_start3A_86] : memref<128x128xf32, #tpu.memory_space<vmem>> -> memref<128x128xf32, #tpu.memory_space<vmem>>
      %dma_start3A_88 = arith.constant 0 : i32
      %dma_start3A_89 = tpu.memref_slice %arg9[%add3A_69, %dma_start3A_88] : memref<10240x128xf32, #tpu.memory_space<vmem_shared>> -> memref<128x128xf32, #tpu.memory_space<vmem_shared>>
      %dma_start3A_90 = arith.constant 0 : i32
      %dma_start3A_91 = arith.constant 0 : i32
      %dma_start3A_92 = tpu.memref_slice %arg8[%run_scoped3A_70, %dma_start3A_90, %dma_start3A_91] : memref<2x128x128xf32, #tpu.memory_space<vmem>> -> memref<1x128x128xf32, #tpu.memory_space<vmem>>
      %dma_start3A_93 = tpu.memref_squeeze %dma_start3A_92 : memref<1x128x128xf32, #tpu.memory_space<vmem>> -> memref<128x128xf32, #tpu.memory_space<vmem>>
      %dma_start3A_94 = arith.constant 0 : i32
      %dma_start3A_95 = arith.constant 0 : i32
      %dma_start3A_96 = tpu.memref_slice %dma_start3A_93[%dma_start3A_94, %dma_start3A_95] : memref<128x128xf32, #tpu.memory_space<vmem>> -> memref<128x128xf32, #tpu.memory_space<vmem>>
      %dma_start3A_97 = arith.constant 0 : i32
      %dma_start3A_98 = tpu.memref_slice %arg9[%add3A_69, %dma_start3A_97] : memref<10240x128xf32, #tpu.memory_space<vmem_shared>> -> memref<128x128xf32, #tpu.memory_space<vmem_shared>>
      tpu.enqueue_dma source(%dma_start3A_98 : memref<128x128xf32, #tpu.memory_space<vmem_shared>>) target(%dma_start3A_96 : memref<128x128xf32, #tpu.memory_space<vmem>>) target_semaphore(%run_scoped3A_80 : memref<!tpu.dma_semaphore, #tpu.memory_space<semaphore_mem>>)
      %dma_wait3A = arith.constant 0 : i32
      %dma_wait3A_99 = arith.constant 0 : i32
      %dma_wait3A_100 = tpu.memref_slice %arg8[%run_scoped3A_70, %dma_wait3A, %dma_wait3A_99] : memref<2x128x128xf32, #tpu.memory_space<vmem>> -> memref<1x128x128xf32, #tpu.memory_space<vmem>>
      %dma_wait3A_101 = tpu.memref_squeeze %dma_wait3A_100 : memref<1x128x128xf32, #tpu.memory_space<vmem>> -> memref<128x128xf32, #tpu.memory_space<vmem>>
      %dma_wait3A_102 = arith.constant 0 : i32
      %dma_wait3A_103 = arith.constant 0 : i32
      %dma_wait3A_104 = tpu.memref_slice %dma_wait3A_101[%dma_wait3A_102, %dma_wait3A_103] : memref<128x128xf32, #tpu.memory_space<vmem>> -> memref<128x128xf32, #tpu.memory_space<vmem>>
      %dma_wait3A_105 = arith.constant 0 : i32
      %dma_wait3A_106 = tpu.memref_slice %arg9[%add3A_69, %dma_wait3A_105] : memref<10240x128xf32, #tpu.memory_space<vmem_shared>> -> memref<128x128xf32, #tpu.memory_space<vmem_shared>>
      %dma_wait3A_107 = arith.constant 0 : i32
      %dma_wait3A_108 = arith.constant 0 : i32
      %dma_wait3A_109 = tpu.memref_slice %arg8[%run_scoped3A_70, %dma_wait3A_107, %dma_wait3A_108] : memref<2x128x128xf32, #tpu.memory_space<vmem>> -> memref<1x128x128xf32, #tpu.memory_space<vmem>>
      %dma_wait3A_110 = tpu.memref_squeeze %dma_wait3A_109 : memref<1x128x128xf32, #tpu.memory_space<vmem>> -> memref<128x128xf32, #tpu.memory_space<vmem>>
      %dma_wait3A_111 = arith.constant 0 : i32
      %dma_wait3A_112 = arith.constant 0 : i32
      %dma_wait3A_113 = tpu.memref_slice %dma_wait3A_110[%dma_wait3A_111, %dma_wait3A_112] : memref<128x128xf32, #tpu.memory_space<vmem>> -> memref<128x128xf32, #tpu.memory_space<vmem>>
      %dma_wait3A_114 = arith.constant 0 : i32
      %dma_wait3A_115 = tpu.memref_slice %arg9[%add3A_69, %dma_wait3A_114] : memref<10240x128xf32, #tpu.memory_space<vmem_shared>> -> memref<128x128xf32, #tpu.memory_space<vmem_shared>>
      tpu.wait_dma2 semaphore(%run_scoped3A_80 : memref<!tpu.dma_semaphore, #tpu.memory_space<semaphore_mem>>) src(%dma_wait3A_115 : memref<128x128xf32, #tpu.memory_space<vmem_shared>>) dst(%dma_wait3A_113 : memref<128x128xf32, #tpu.memory_space<vmem>>)
      tpu.yield
    }) : () -> ()
    %add3A_71 = arith.constant 384 : i32
    %add3A_72 = arith.addi %mul3A_6, %add3A_71 : i32
    %run_scoped3A_73 = arith.constant 0 : i32
    "tpu.region"() ({
      %run_scoped3A_80 = tpu.sem_alloc : memref<!tpu.dma_semaphore, #tpu.memory_space<semaphore_mem>>
      %dma_start3A_81 = arith.constant 0 : i32
      %dma_start3A_82 = arith.constant 0 : i32
      %dma_start3A_83 = tpu.memref_slice %arg8[%run_scoped3A_73, %dma_start3A_81, %dma_start3A_82] : memref<2x128x128xf32, #tpu.memory_space<vmem>> -> memref<1x128x128xf32, #tpu.memory_space<vmem>>
      %dma_start3A_84 = tpu.memref_squeeze %dma_start3A_83 : memref<1x128x128xf32, #tpu.memory_space<vmem>> -> memref<128x128xf32, #tpu.memory_space<vmem>>
      %dma_start3A_85 = arith.constant 0 : i32
      %dma_start3A_86 = arith.constant 0 : i32
      %dma_start3A_87 = tpu.memref_slice %dma_start3A_84[%dma_start3A_85, %dma_start3A_86] : memref<128x128xf32, #tpu.memory_space<vmem>> -> memref<128x128xf32, #tpu.memory_space<vmem>>
      %dma_start3A_88 = arith.constant 0 : i32
      %dma_start3A_89 = arith.constant 0 : i32
      %dma_start3A_90 = tpu.memref_slice %arg5[%arg0, %dma_start3A_88, %dma_start3A_89] : memref<2x10240x128xf32, #tpu.memory_space<hbm>> -> memref<1x10240x128xf32, #tpu.memory_space<hbm>>
      %dma_start3A_91 = tpu.memref_squeeze %dma_start3A_90 : memref<1x10240x128xf32, #tpu.memory_space<hbm>> -> memref<10240x128xf32, #tpu.memory_space<hbm>>
      %dma_start3A_92 = arith.constant 0 : i32
      %dma_start3A_93 = tpu.memref_slice %dma_start3A_91[%add3A_72, %dma_start3A_92] : memref<10240x128xf32, #tpu.memory_space<hbm>> -> memref<128x128xf32, #tpu.memory_space<hbm>>
      %dma_start3A_94 = arith.constant 0 : i32
      %dma_start3A_95 = arith.constant 0 : i32
      %dma_start3A_96 = tpu.memref_slice %arg5[%arg0, %dma_start3A_94, %dma_start3A_95] : memref<2x10240x128xf32, #tpu.memory_space<hbm>> -> memref<1x10240x128xf32, #tpu.memory_space<hbm>>
      %dma_start3A_97 = tpu.memref_squeeze %dma_start3A_96 : memref<1x10240x128xf32, #tpu.memory_space<hbm>> -> memref<10240x128xf32, #tpu.memory_space<hbm>>
      %dma_start3A_98 = arith.constant 0 : i32
      %dma_start3A_99 = tpu.memref_slice %dma_start3A_97[%add3A_72, %dma_start3A_98] : memref<10240x128xf32, #tpu.memory_space<hbm>> -> memref<128x128xf32, #tpu.memory_space<hbm>>
      %dma_start3A_100 = arith.constant 0 : i32
      %dma_start3A_101 = arith.constant 0 : i32
      %dma_start3A_102 = tpu.memref_slice %arg8[%run_scoped3A_73, %dma_start3A_100, %dma_start3A_101] : memref<2x128x128xf32, #tpu.memory_space<vmem>> -> memref<1x128x128xf32, #tpu.memory_space<vmem>>
      %dma_start3A_103 = tpu.memref_squeeze %dma_start3A_102 : memref<1x128x128xf32, #tpu.memory_space<vmem>> -> memref<128x128xf32, #tpu.memory_space<vmem>>
      %dma_start3A_104 = arith.constant 0 : i32
      %dma_start3A_105 = arith.constant 0 : i32
      %dma_start3A_106 = tpu.memref_slice %dma_start3A_103[%dma_start3A_104, %dma_start3A_105] : memref<128x128xf32, #tpu.memory_space<vmem>> -> memref<128x128xf32, #tpu.memory_space<vmem>>
      tpu.enqueue_dma source(%dma_start3A_106 : memref<128x128xf32, #tpu.memory_space<vmem>>) target(%dma_start3A_99 : memref<128x128xf32, #tpu.memory_space<hbm>>) target_semaphore(%run_scoped3A_80 : memref<!tpu.dma_semaphore, #tpu.memory_space<semaphore_mem>>)
      %dma_wait3A = arith.constant 0 : i32
      %dma_wait3A_107 = arith.constant 0 : i32
      %dma_wait3A_108 = tpu.memref_slice %arg8[%run_scoped3A_73, %dma_wait3A, %dma_wait3A_107] : memref<2x128x128xf32, #tpu.memory_space<vmem>> -> memref<1x128x128xf32, #tpu.memory_space<vmem>>
      %dma_wait3A_109 = tpu.memref_squeeze %dma_wait3A_108 : memref<1x128x128xf32, #tpu.memory_space<vmem>> -> memref<128x128xf32, #tpu.memory_space<vmem>>
      %dma_wait3A_110 = arith.constant 0 : i32
      %dma_wait3A_111 = arith.constant 0 : i32
      %dma_wait3A_112 = tpu.memref_slice %dma_wait3A_109[%dma_wait3A_110, %dma_wait3A_111] : memref<128x128xf32, #tpu.memory_space<vmem>> -> memref<128x128xf32, #tpu.memory_space<vmem>>
      %dma_wait3A_113 = arith.constant 0 : i32
      %dma_wait3A_114 = arith.constant 0 : i32
      %dma_wait3A_115 = tpu.memref_slice %arg5[%arg0, %dma_wait3A_113, %dma_wait3A_114] : memref<2x10240x128xf32, #tpu.memory_space<hbm>> -> memref<1x10240x128xf32, #tpu.memory_space<hbm>>
      %dma_wait3A_116 = tpu.memref_squeeze %dma_wait3A_115 : memref<1x10240x128xf32, #tpu.memory_space<hbm>> -> memref<10240x128xf32, #tpu.memory_space<hbm>>
      %dma_wait3A_117 = arith.constant 0 : i32
      %dma_wait3A_118 = tpu.memref_slice %dma_wait3A_116[%add3A_72, %dma_wait3A_117] : memref<10240x128xf32, #tpu.memory_space<hbm>> -> memref<128x128xf32, #tpu.memory_space<hbm>>
      %dma_wait3A_119 = arith.constant 0 : i32
      %dma_wait3A_120 = arith.constant 0 : i32
      %dma_wait3A_121 = tpu.memref_slice %arg5[%arg0, %dma_wait3A_119, %dma_wait3A_120] : memref<2x10240x128xf32, #tpu.memory_space<hbm>> -> memref<1x10240x128xf32, #tpu.memory_space<hbm>>
      %dma_wait3A_122 = tpu.memref_squeeze %dma_wait3A_121 : memref<1x10240x128xf32, #tpu.memory_space<hbm>> -> memref<10240x128xf32, #tpu.memory_space<hbm>>
      %dma_wait3A_123 = arith.constant 0 : i32
      %dma_wait3A_124 = tpu.memref_slice %dma_wait3A_122[%add3A_72, %dma_wait3A_123] : memref<10240x128xf32, #tpu.memory_space<hbm>> -> memref<128x128xf32, #tpu.memory_space<hbm>>
      %dma_wait3A_125 = arith.constant 0 : i32
      %dma_wait3A_126 = arith.constant 0 : i32
      %dma_wait3A_127 = tpu.memref_slice %arg8[%run_scoped3A_73, %dma_wait3A_125, %dma_wait3A_126] : memref<2x128x128xf32, #tpu.memory_space<vmem>> -> memref<1x128x128xf32, #tpu.memory_space<vmem>>
      %dma_wait3A_128 = tpu.memref_squeeze %dma_wait3A_127 : memref<1x128x128xf32, #tpu.memory_space<vmem>> -> memref<128x128xf32, #tpu.memory_space<vmem>>
      %dma_wait3A_129 = arith.constant 0 : i32
      %dma_wait3A_130 = arith.constant 0 : i32
      %dma_wait3A_131 = tpu.memref_slice %dma_wait3A_128[%dma_wait3A_129, %dma_wait3A_130] : memref<128x128xf32, #tpu.memory_space<vmem>> -> memref<128x128xf32, #tpu.memory_space<vmem>>
      tpu.wait_dma2 semaphore(%run_scoped3A_80 : memref<!tpu.dma_semaphore, #tpu.memory_space<semaphore_mem>>) src(%dma_wait3A_131 : memref<128x128xf32, #tpu.memory_space<vmem>>) dst(%dma_wait3A_124 : memref<128x128xf32, #tpu.memory_space<hbm>>)
      tpu.yield
    }) : () -> ()
    %add3A_74 = arith.constant 512 : i32
    %add3A_75 = arith.addi %mul3A_6, %add3A_74 : i32
    %run_scoped3A_76 = arith.constant 0 : i32
    "tpu.region"() ({
      %run_scoped3A_80 = tpu.sem_alloc : memref<!tpu.dma_semaphore, #tpu.memory_space<semaphore_mem>>
      %dma_start3A_81 = arith.constant 0 : i32
      %dma_start3A_82 = arith.constant 0 : i32
      %dma_start3A_83 = tpu.memref_slice %arg8[%run_scoped3A_76, %dma_start3A_81, %dma_start3A_82] : memref<2x128x128xf32, #tpu.memory_space<vmem>> -> memref<1x128x128xf32, #tpu.memory_space<vmem>>
      %dma_start3A_84 = tpu.memref_squeeze %dma_start3A_83 : memref<1x128x128xf32, #tpu.memory_space<vmem>> -> memref<128x128xf32, #tpu.memory_space<vmem>>
      %dma_start3A_85 = arith.constant 0 : i32
      %dma_start3A_86 = arith.constant 0 : i32
      %dma_start3A_87 = tpu.memref_slice %dma_start3A_84[%dma_start3A_85, %dma_start3A_86] : memref<128x128xf32, #tpu.memory_space<vmem>> -> memref<128x128xf32, #tpu.memory_space<vmem>>
      %dma_start3A_88 = arith.constant 0 : i32
      %dma_start3A_89 = tpu.memref_slice %arg9[%add3A_75, %dma_start3A_88] : memref<10240x128xf32, #tpu.memory_space<vmem_shared>> -> memref<128x128xf32, #tpu.memory_space<vmem_shared>>
      %dma_start3A_90 = arith.constant 0 : i32
      %dma_start3A_91 = arith.constant 0 : i32
      %dma_start3A_92 = tpu.memref_slice %arg8[%run_scoped3A_76, %dma_start3A_90, %dma_start3A_91] : memref<2x128x128xf32, #tpu.memory_space<vmem>> -> memref<1x128x128xf32, #tpu.memory_space<vmem>>
      %dma_start3A_93 = tpu.memref_squeeze %dma_start3A_92 : memref<1x128x128xf32, #tpu.memory_space<vmem>> -> memref<128x128xf32, #tpu.memory_space<vmem>>
      %dma_start3A_94 = arith.constant 0 : i32
      %dma_start3A_95 = arith.constant 0 : i32
      %dma_start3A_96 = tpu.memref_slice %dma_start3A_93[%dma_start3A_94, %dma_start3A_95] : memref<128x128xf32, #tpu.memory_space<vmem>> -> memref<128x128xf32, #tpu.memory_space<vmem>>
      %dma_start3A_97 = arith.constant 0 : i32
      %dma_start3A_98 = tpu.memref_slice %arg9[%add3A_75, %dma_start3A_97] : memref<10240x128xf32, #tpu.memory_space<vmem_shared>> -> memref<128x128xf32, #tpu.memory_space<vmem_shared>>
      tpu.enqueue_dma source(%dma_start3A_98 : memref<128x128xf32, #tpu.memory_space<vmem_shared>>) target(%dma_start3A_96 : memref<128x128xf32, #tpu.memory_space<vmem>>) target_semaphore(%run_scoped3A_80 : memref<!tpu.dma_semaphore, #tpu.memory_space<semaphore_mem>>)
      %dma_wait3A = arith.constant 0 : i32
      %dma_wait3A_99 = arith.constant 0 : i32
      %dma_wait3A_100 = tpu.memref_slice %arg8[%run_scoped3A_76, %dma_wait3A, %dma_wait3A_99] : memref<2x128x128xf32, #tpu.memory_space<vmem>> -> memref<1x128x128xf32, #tpu.memory_space<vmem>>
      %dma_wait3A_101 = tpu.memref_squeeze %dma_wait3A_100 : memref<1x128x128xf32, #tpu.memory_space<vmem>> -> memref<128x128xf32, #tpu.memory_space<vmem>>
      %dma_wait3A_102 = arith.constant 0 : i32
      %dma_wait3A_103 = arith.constant 0 : i32
      %dma_wait3A_104 = tpu.memref_slice %dma_wait3A_101[%dma_wait3A_102, %dma_wait3A_103] : memref<128x128xf32, #tpu.memory_space<vmem>> -> memref<128x128xf32, #tpu.memory_space<vmem>>
      %dma_wait3A_105 = arith.constant 0 : i32
      %dma_wait3A_106 = tpu.memref_slice %arg9[%add3A_75, %dma_wait3A_105] : memref<10240x128xf32, #tpu.memory_space<vmem_shared>> -> memref<128x128xf32, #tpu.memory_space<vmem_shared>>
      %dma_wait3A_107 = arith.constant 0 : i32
      %dma_wait3A_108 = arith.constant 0 : i32
      %dma_wait3A_109 = tpu.memref_slice %arg8[%run_scoped3A_76, %dma_wait3A_107, %dma_wait3A_108] : memref<2x128x128xf32, #tpu.memory_space<vmem>> -> memref<1x128x128xf32, #tpu.memory_space<vmem>>
      %dma_wait3A_110 = tpu.memref_squeeze %dma_wait3A_109 : memref<1x128x128xf32, #tpu.memory_space<vmem>> -> memref<128x128xf32, #tpu.memory_space<vmem>>
      %dma_wait3A_111 = arith.constant 0 : i32
      %dma_wait3A_112 = arith.constant 0 : i32
      %dma_wait3A_113 = tpu.memref_slice %dma_wait3A_110[%dma_wait3A_111, %dma_wait3A_112] : memref<128x128xf32, #tpu.memory_space<vmem>> -> memref<128x128xf32, #tpu.memory_space<vmem>>
      %dma_wait3A_114 = arith.constant 0 : i32
      %dma_wait3A_115 = tpu.memref_slice %arg9[%add3A_75, %dma_wait3A_114] : memref<10240x128xf32, #tpu.memory_space<vmem_shared>> -> memref<128x128xf32, #tpu.memory_space<vmem_shared>>
      tpu.wait_dma2 semaphore(%run_scoped3A_80 : memref<!tpu.dma_semaphore, #tpu.memory_space<semaphore_mem>>) src(%dma_wait3A_115 : memref<128x128xf32, #tpu.memory_space<vmem_shared>>) dst(%dma_wait3A_113 : memref<128x128xf32, #tpu.memory_space<vmem>>)
      tpu.yield
    }) : () -> ()
    %add3A_77 = arith.constant 512 : i32
    %add3A_78 = arith.addi %mul3A_6, %add3A_77 : i32
    %run_scoped3A_79 = arith.constant 0 : i32
    "tpu.region"() ({
      %run_scoped3A_80 = tpu.sem_alloc : memref<!tpu.dma_semaphore, #tpu.memory_space<semaphore_mem>>
      %dma_start3A_81 = arith.constant 0 : i32
      %dma_start3A_82 = arith.constant 0 : i32
      %dma_start3A_83 = tpu.memref_slice %arg8[%run_scoped3A_79, %dma_start3A_81, %dma_start3A_82] : memref<2x128x128xf32, #tpu.memory_space<vmem>> -> memref<1x128x128xf32, #tpu.memory_space<vmem>>
      %dma_start3A_84 = tpu.memref_squeeze %dma_start3A_83 : memref<1x128x128xf32, #tpu.memory_space<vmem>> -> memref<128x128xf32, #tpu.memory_space<vmem>>
      %dma_start3A_85 = arith.constant 0 : i32
      %dma_start3A_86 = arith.constant 0 : i32
      %dma_start3A_87 = tpu.memref_slice %dma_start3A_84[%dma_start3A_85, %dma_start3A_86] : memref<128x128xf32, #tpu.memory_space<vmem>> -> memref<128x128xf32, #tpu.memory_space<vmem>>
      %dma_start3A_88 = arith.constant 0 : i32
      %dma_start3A_89 = arith.constant 0 : i32
      %dma_start3A_90 = tpu.memref_slice %arg5[%arg0, %dma_start3A_88, %dma_start3A_89] : memref<2x10240x128xf32, #tpu.memory_space<hbm>> -> memref<1x10240x128xf32, #tpu.memory_space<hbm>>
      %dma_start3A_91 = tpu.memref_squeeze %dma_start3A_90 : memref<1x10240x128xf32, #tpu.memory_space<hbm>> -> memref<10240x128xf32, #tpu.memory_space<hbm>>
      %dma_start3A_92 = arith.constant 0 : i32
      %dma_start3A_93 = tpu.memref_slice %dma_start3A_91[%add3A_78, %dma_start3A_92] : memref<10240x128xf32, #tpu.memory_space<hbm>> -> memref<128x128xf32, #tpu.memory_space<hbm>>
      %dma_start3A_94 = arith.constant 0 : i32
      %dma_start3A_95 = arith.constant 0 : i32
      %dma_start3A_96 = tpu.memref_slice %arg5[%arg0, %dma_start3A_94, %dma_start3A_95] : memref<2x10240x128xf32, #tpu.memory_space<hbm>> -> memref<1x10240x128xf32, #tpu.memory_space<hbm>>
      %dma_start3A_97 = tpu.memref_squeeze %dma_start3A_96 : memref<1x10240x128xf32, #tpu.memory_space<hbm>> -> memref<10240x128xf32, #tpu.memory_space<hbm>>
      %dma_start3A_98 = arith.constant 0 : i32
      %dma_start3A_99 = tpu.memref_slice %dma_start3A_97[%add3A_78, %dma_start3A_98] : memref<10240x128xf32, #tpu.memory_space<hbm>> -> memref<128x128xf32, #tpu.memory_space<hbm>>
      %dma_start3A_100 = arith.constant 0 : i32
      %dma_start3A_101 = arith.constant 0 : i32
      %dma_start3A_102 = tpu.memref_slice %arg8[%run_scoped3A_79, %dma_start3A_100, %dma_start3A_101] : memref<2x128x128xf32, #tpu.memory_space<vmem>> -> memref<1x128x128xf32, #tpu.memory_space<vmem>>
      %dma_start3A_103 = tpu.memref_squeeze %dma_start3A_102 : memref<1x128x128xf32, #tpu.memory_space<vmem>> -> memref<128x128xf32, #tpu.memory_space<vmem>>
      %dma_start3A_104 = arith.constant 0 : i32
      %dma_start3A_105 = arith.constant 0 : i32
      %dma_start3A_106 = tpu.memref_slice %dma_start3A_103[%dma_start3A_104, %dma_start3A_105] : memref<128x128xf32, #tpu.memory_space<vmem>> -> memref<128x128xf32, #tpu.memory_space<vmem>>
      tpu.enqueue_dma source(%dma_start3A_106 : memref<128x128xf32, #tpu.memory_space<vmem>>) target(%dma_start3A_99 : memref<128x128xf32, #tpu.memory_space<hbm>>) target_semaphore(%run_scoped3A_80 : memref<!tpu.dma_semaphore, #tpu.memory_space<semaphore_mem>>)
      %dma_wait3A = arith.constant 0 : i32
      %dma_wait3A_107 = arith.constant 0 : i32
      %dma_wait3A_108 = tpu.memref_slice %arg8[%run_scoped3A_79, %dma_wait3A, %dma_wait3A_107] : memref<2x128x128xf32, #tpu.memory_space<vmem>> -> memref<1x128x128xf32, #tpu.memory_space<vmem>>
      %dma_wait3A_109 = tpu.memref_squeeze %dma_wait3A_108 : memref<1x128x128xf32, #tpu.memory_space<vmem>> -> memref<128x128xf32, #tpu.memory_space<vmem>>
      %dma_wait3A_110 = arith.constant 0 : i32
      %dma_wait3A_111 = arith.constant 0 : i32
      %dma_wait3A_112 = tpu.memref_slice %dma_wait3A_109[%dma_wait3A_110, %dma_wait3A_111] : memref<128x128xf32, #tpu.memory_space<vmem>> -> memref<128x128xf32, #tpu.memory_space<vmem>>
      %dma_wait3A_113 = arith.constant 0 : i32
      %dma_wait3A_114 = arith.constant 0 : i32
      %dma_wait3A_115 = tpu.memref_slice %arg5[%arg0, %dma_wait3A_113, %dma_wait3A_114] : memref<2x10240x128xf32, #tpu.memory_space<hbm>> -> memref<1x10240x128xf32, #tpu.memory_space<hbm>>
      %dma_wait3A_116 = tpu.memref_squeeze %dma_wait3A_115 : memref<1x10240x128xf32, #tpu.memory_space<hbm>> -> memref<10240x128xf32, #tpu.memory_space<hbm>>
      %dma_wait3A_117 = arith.constant 0 : i32
      %dma_wait3A_118 = tpu.memref_slice %dma_wait3A_116[%add3A_78, %dma_wait3A_117] : memref<10240x128xf32, #tpu.memory_space<hbm>> -> memref<128x128xf32, #tpu.memory_space<hbm>>
      %dma_wait3A_119 = arith.constant 0 : i32
      %dma_wait3A_120 = arith.constant 0 : i32
      %dma_wait3A_121 = tpu.memref_slice %arg5[%arg0, %dma_wait3A_119, %dma_wait3A_120] : memref<2x10240x128xf32, #tpu.memory_space<hbm>> -> memref<1x10240x128xf32, #tpu.memory_space<hbm>>
      %dma_wait3A_122 = tpu.memref_squeeze %dma_wait3A_121 : memref<1x10240x128xf32, #tpu.memory_space<hbm>> -> memref<10240x128xf32, #tpu.memory_space<hbm>>
      %dma_wait3A_123 = arith.constant 0 : i32
      %dma_wait3A_124 = tpu.memref_slice %dma_wait3A_122[%add3A_78, %dma_wait3A_123] : memref<10240x128xf32, #tpu.memory_space<hbm>> -> memref<128x128xf32, #tpu.memory_space<hbm>>
      %dma_wait3A_125 = arith.constant 0 : i32
      %dma_wait3A_126 = arith.constant 0 : i32
      %dma_wait3A_127 = tpu.memref_slice %arg8[%run_scoped3A_79, %dma_wait3A_125, %dma_wait3A_126] : memref<2x128x128xf32, #tpu.memory_space<vmem>> -> memref<1x128x128xf32, #tpu.memory_space<vmem>>
      %dma_wait3A_128 = tpu.memref_squeeze %dma_wait3A_127 : memref<1x128x128xf32, #tpu.memory_space<vmem>> -> memref<128x128xf32, #tpu.memory_space<vmem>>
      %dma_wait3A_129 = arith.constant 0 : i32
      %dma_wait3A_130 = arith.constant 0 : i32
      %dma_wait3A_131 = tpu.memref_slice %dma_wait3A_128[%dma_wait3A_129, %dma_wait3A_130] : memref<128x128xf32, #tpu.memory_space<vmem>> -> memref<128x128xf32, #tpu.memory_space<vmem>>
      tpu.wait_dma2 semaphore(%run_scoped3A_80 : memref<!tpu.dma_semaphore, #tpu.memory_space<semaphore_mem>>) src(%dma_wait3A_131 : memref<128x128xf32, #tpu.memory_space<vmem>>) dst(%dma_wait3A_124 : memref<128x128xf32, #tpu.memory_space<hbm>>)
      tpu.yield
    }) : () -> ()
    return
  }
}

module attributes {stable_mosaic.version = 14 : i64} {
  func.func @body(%arg0: i32, %arg1: memref<1000x256xf32, #tpu.memory_space<vmem>>, %arg2: memref<256x128xf32, #tpu.memory_space<vmem>>, %arg3: memref<2x1000x1xf32, #tpu.memory_space<vmem>>, %arg4: memref<1000x128xf32, #tpu.memory_space<vmem>>, %arg5: memref<1000x1xf32, #tpu.memory_space<vmem>>) attributes {dimension_semantics = [#tpu.dimension_semantics<arbitrary>], iteration_bounds = array<i64: 10>, scalar_prefetch = 0 : i64, scratch_operands = 0 : i64, tpu.core_type = #tpu.core_type<tc>, window_params = [{transform_indices = @transform_0, window_bounds = array<i64: 1000, 256>}, {pipeline_mode = #tpu.pipeline_mode<synchronous>, transform_indices = @transform_1, window_bounds = array<i64: 256, 128>}, {transform_indices = @transform_2, window_bounds = array<i64: 2, 1000, 1>}, {transform_indices = @transform_3, window_bounds = array<i64: 1000, 128>}, {transform_indices = @transform_4, window_bounds = array<i64: 1000, 1>}]} {
    %get3A = arith.constant 0 : index
    %get3A_0 = arith.constant 0 : index
    %get3A_1 = arith.constant 0 : index
    %get3A_2 = vector.load %arg3[%get3A, %get3A_0, %get3A_1] : memref<2x1000x1xf32, #tpu.memory_space<vmem>>, vector<1x1000x1xf32>
    %get3A_3 = vector.shape_cast %get3A_2 : vector<1x1000x1xf32> to vector<1000x1xf32>
    %get3A_4 = arith.constant 1 : index
    %get3A_5 = arith.constant 0 : index
    %get3A_6 = arith.constant 0 : index
    %get3A_7 = vector.load %arg3[%get3A_4, %get3A_5, %get3A_6] : memref<2x1000x1xf32, #tpu.memory_space<vmem>>, vector<1x1000x1xf32>
    %get3A_8 = vector.shape_cast %get3A_7 : vector<1x1000x1xf32> to vector<1000x1xf32>
    %add3A = arith.addf %get3A_3, %get3A_8 : vector<1000x1xf32>
    %add3A_9 = arith.constant 1.000000e+00 : f32
    %add3A_10 = vector.broadcast %add3A_9 : f32 to vector<1000x1xf32>
    %add3A_11 = arith.addf %add3A, %add3A_10 : vector<1000x1xf32>
    %max3A = arith.constant 1.000000e+00 : f32
    %max3A_12 = vector.broadcast %max3A : f32 to vector<1000x1xf32>
    %max3A_13 = arith.maximumf %add3A_11, %max3A_12 : vector<1000x1xf32>
    %rsqrt3A = math.rsqrt %max3A_13 : vector<1000x1xf32>
    %get3A_14 = arith.constant 0 : index
    %get3A_15 = arith.constant 0 : index
    %get3A_16 = vector.load %arg1[%get3A_14, %get3A_15] : memref<1000x256xf32, #tpu.memory_space<vmem>>, vector<1000x256xf32>
    %get3A_17 = arith.constant 0 : index
    %get3A_18 = arith.constant 0 : index
    %get3A_19 = vector.load %arg2[%get3A_17, %get3A_18] : memref<256x128xf32, #tpu.memory_space<vmem>>, vector<256x128xf32>
    %dot_general3A = arith.constant dense<0.000000e+00> : vector<1000x128xf32>
    %dot_general3A_20 = tpu.matmul %get3A_16, %get3A_19, %dot_general3A {dimension_numbers = #tpu.dot_dimension_numbers<[1], [0], [0], [1], [0, 0, 1, 1], [], []>, transpose_lhs_hint = false} : vector<1000x256xf32>, vector<256x128xf32>, vector<1000x128xf32> -> vector<1000x128xf32>
    %mul3A = vector.broadcast %rsqrt3A : vector<1000x1xf32> to vector<1000x128xf32>
    %mul3A_21 = arith.mulf %dot_general3A_20, %mul3A : vector<1000x128xf32>
    %swap3A = arith.constant 0 : index
    %swap3A_22 = arith.constant 0 : index
    %swap3A_23 = vector.load %arg4[%swap3A, %swap3A_22] : memref<1000x128xf32, #tpu.memory_space<vmem>>, vector<1000x128xf32>
    tpu.vector_store %arg4[%swap3A, %swap3A_22], %mul3A_21 {strides = array<i32>} : memref<1000x128xf32, #tpu.memory_space<vmem>>, vector<1000x128xf32>,
    %swap3A_24 = arith.constant 0 : index
    %swap3A_25 = arith.constant 0 : index
    %swap3A_26 = vector.load %arg5[%swap3A_24, %swap3A_25] : memref<1000x1xf32, #tpu.memory_space<vmem>>, vector<1000x1xf32>
    tpu.vector_store %arg5[%swap3A_24, %swap3A_25], %rsqrt3A {strides = array<i32>} : memref<1000x1xf32, #tpu.memory_space<vmem>>, vector<1000x1xf32>,
    return
  }
  func.func @transform_0(%arg0: i32) -> (i32, i32) {
    %c0_i32 = arith.constant 0 : i32
    %c0_i32_0 = arith.constant 0 : i32
    return %arg0, %c0_i32 : i32, i32
  }
  func.func @transform_1(%arg0: i32) -> (i32, i32) {
    %c0_i32 = arith.constant 0 : i32
    %c0_i32_0 = arith.constant 0 : i32
    %c0_i32_1 = arith.constant 0 : i32
    return %c0_i32, %c0_i32_0 : i32, i32
  }
  func.func @transform_2(%arg0: i32) -> (i32, i32, i32) {
    %c0_i32 = arith.constant 0 : i32
    %c0_i32_0 = arith.constant 0 : i32
    %c0_i32_1 = arith.constant 0 : i32
    return %c0_i32, %arg0, %c0_i32_0 : i32, i32, i32
  }
  func.func @transform_3(%arg0: i32) -> (i32, i32) {
    %c0_i32 = arith.constant 0 : i32
    %c0_i32_0 = arith.constant 0 : i32
    return %arg0, %c0_i32 : i32, i32
  }
  func.func @transform_4(%arg0: i32) -> (i32, i32) {
    %c0_i32 = arith.constant 0 : i32
    %c0_i32_0 = arith.constant 0 : i32
    return %arg0, %c0_i32 : i32, i32
  }
}

module attributes {stable_mosaic.version = 14 : i64} {
  func.func @body(%arg0: i32, %arg1: memref<2x1000x128xf32, #tpu.memory_space<vmem>>, %arg2: memref<1000x128xf32, #tpu.memory_space<vmem>>, %arg3: memref<1000x1xf32, #tpu.memory_space<vmem>>, %arg4: memref<1x128xf32, #tpu.memory_space<vmem>>, %arg5: memref<1000x128xf32, #tpu.memory_space<vmem>>) attributes {dimension_semantics = [#tpu.dimension_semantics<arbitrary>], iteration_bounds = array<i64: 10>, scalar_prefetch = 0 : i64, scratch_operands = 0 : i64, tpu.core_type = #tpu.core_type<tc>, window_params = [{transform_indices = @transform_0, window_bounds = array<i64: 2, 1000, 128>}, {transform_indices = @transform_1, window_bounds = array<i64: 1000, 128>}, {transform_indices = @transform_2, window_bounds = array<i64: 1000, 1>}, {pipeline_mode = #tpu.pipeline_mode<synchronous>, transform_indices = @transform_3, window_bounds = array<i64: 1, 128>}, {transform_indices = @transform_4, window_bounds = array<i64: 1000, 128>}]} {
    %get3A = arith.constant 0 : index
    %get3A_0 = arith.constant 0 : index
    %get3A_1 = arith.constant 0 : index
    %get3A_2 = vector.load %arg1[%get3A, %get3A_0, %get3A_1] : memref<2x1000x128xf32, #tpu.memory_space<vmem>>, vector<1x1000x128xf32>
    %get3A_3 = vector.shape_cast %get3A_2 : vector<1x1000x128xf32> to vector<1000x128xf32>
    %get3A_4 = arith.constant 1 : index
    %get3A_5 = arith.constant 0 : index
    %get3A_6 = arith.constant 0 : index
    %get3A_7 = vector.load %arg1[%get3A_4, %get3A_5, %get3A_6] : memref<2x1000x128xf32, #tpu.memory_space<vmem>>, vector<1x1000x128xf32>
    %get3A_8 = vector.shape_cast %get3A_7 : vector<1x1000x128xf32> to vector<1000x128xf32>
    %add3A = arith.addf %get3A_3, %get3A_8 : vector<1000x128xf32>
    %get3A_9 = arith.constant 0 : index
    %get3A_10 = arith.constant 0 : index
    %get3A_11 = vector.load %arg2[%get3A_9, %get3A_10] : memref<1000x128xf32, #tpu.memory_space<vmem>>, vector<1000x128xf32>
    %add3A_12 = arith.addf %add3A, %get3A_11 : vector<1000x128xf32>
    %get3A_13 = arith.constant 0 : index
    %get3A_14 = arith.constant 0 : index
    %get3A_15 = vector.load %arg3[%get3A_13, %get3A_14] : memref<1000x1xf32, #tpu.memory_space<vmem>>, vector<1000x1xf32>
    %mul3A = vector.broadcast %get3A_15 : vector<1000x1xf32> to vector<1000x128xf32>
    %mul3A_16 = arith.mulf %add3A_12, %mul3A : vector<1000x128xf32>
    %get3A_17 = arith.constant 0 : index
    %get3A_18 = arith.constant 0 : index
    %get3A_19 = vector.load %arg4[%get3A_17, %get3A_18] : memref<1x128xf32, #tpu.memory_space<vmem>>, vector<1x128xf32>
    %add3A_20 = vector.broadcast %get3A_19 : vector<1x128xf32> to vector<1000x128xf32>
    %add3A_21 = arith.addf %mul3A_16, %add3A_20 : vector<1000x128xf32>
    %max3A = arith.constant 0.000000e+00 : f32
    %max3A_22 = vector.broadcast %max3A : f32 to vector<1000x128xf32>
    %max3A_23 = arith.maximumf %add3A_21, %max3A_22 : vector<1000x128xf32>
    %get3A_24 = arith.constant 0 : index
    %get3A_25 = arith.constant 0 : index
    %get3A_26 = vector.load %arg3[%get3A_24, %get3A_25] : memref<1000x1xf32, #tpu.memory_space<vmem>>, vector<1000x1xf32>
    %mul3A_27 = vector.broadcast %get3A_26 : vector<1000x1xf32> to vector<1000x128xf32>
    %mul3A_28 = arith.mulf %max3A_23, %mul3A_27 : vector<1000x128xf32>
    %swap3A = arith.constant 0 : index
    %swap3A_29 = arith.constant 0 : index
    %swap3A_30 = vector.load %arg5[%swap3A, %swap3A_29] : memref<1000x128xf32, #tpu.memory_space<vmem>>, vector<1000x128xf32>
    tpu.vector_store %arg5[%swap3A, %swap3A_29], %mul3A_28 {strides = array<i32>} : memref<1000x128xf32, #tpu.memory_space<vmem>>, vector<1000x128xf32>,
    return
  }
  func.func @transform_0(%arg0: i32) -> (i32, i32, i32) {
    %c0_i32 = arith.constant 0 : i32
    %c0_i32_0 = arith.constant 0 : i32
    %c0_i32_1 = arith.constant 0 : i32
    return %c0_i32, %arg0, %c0_i32_0 : i32, i32, i32
  }
  func.func @transform_1(%arg0: i32) -> (i32, i32) {
    %c0_i32 = arith.constant 0 : i32
    %c0_i32_0 = arith.constant 0 : i32
    return %arg0, %c0_i32 : i32, i32
  }
  func.func @transform_2(%arg0: i32) -> (i32, i32) {
    %c0_i32 = arith.constant 0 : i32
    %c0_i32_0 = arith.constant 0 : i32
    return %arg0, %c0_i32 : i32, i32
  }
  func.func @transform_3(%arg0: i32) -> (i32, i32) {
    %c0_i32 = arith.constant 0 : i32
    %c0_i32_0 = arith.constant 0 : i32
    %c0_i32_1 = arith.constant 0 : i32
    return %c0_i32, %c0_i32_0 : i32, i32
  }
  func.func @transform_4(%arg0: i32) -> (i32, i32) {
    %c0_i32 = arith.constant 0 : i32
    %c0_i32_0 = arith.constant 0 : i32
    return %arg0, %c0_i32 : i32, i32
  }
}

module attributes {stable_mosaic.version = 14 : i64} {
  func.func @body(%arg0: i32, %arg1: memref<2x1000x128xf32, #tpu.memory_space<vmem>>, %arg2: memref<1000x128xf32, #tpu.memory_space<vmem>>, %arg3: memref<1000x1xf32, #tpu.memory_space<vmem>>, %arg4: memref<128x32xf32, #tpu.memory_space<vmem>>, %arg5: memref<1x32xf32, #tpu.memory_space<vmem>>, %arg6: memref<1000x32xf32, #tpu.memory_space<vmem>>) attributes {dimension_semantics = [#tpu.dimension_semantics<arbitrary>], iteration_bounds = array<i64: 10>, scalar_prefetch = 0 : i64, scratch_operands = 0 : i64, tpu.core_type = #tpu.core_type<tc>, window_params = [{transform_indices = @transform_0, window_bounds = array<i64: 2, 1000, 128>}, {transform_indices = @transform_1, window_bounds = array<i64: 1000, 128>}, {transform_indices = @transform_2, window_bounds = array<i64: 1000, 1>}, {pipeline_mode = #tpu.pipeline_mode<synchronous>, transform_indices = @transform_3, window_bounds = array<i64: 128, 32>}, {pipeline_mode = #tpu.pipeline_mode<synchronous>, transform_indices = @transform_4, window_bounds = array<i64: 1, 32>}, {transform_indices = @transform_5, window_bounds = array<i64: 1000, 32>}]} {
    %get3A = arith.constant 0 : index
    %get3A_0 = arith.constant 0 : index
    %get3A_1 = arith.constant 0 : index
    %get3A_2 = vector.load %arg1[%get3A, %get3A_0, %get3A_1] : memref<2x1000x128xf32, #tpu.memory_space<vmem>>, vector<1x1000x128xf32>
    %get3A_3 = vector.shape_cast %get3A_2 : vector<1x1000x128xf32> to vector<1000x128xf32>
    %get3A_4 = arith.constant 1 : index
    %get3A_5 = arith.constant 0 : index
    %get3A_6 = arith.constant 0 : index
    %get3A_7 = vector.load %arg1[%get3A_4, %get3A_5, %get3A_6] : memref<2x1000x128xf32, #tpu.memory_space<vmem>>, vector<1x1000x128xf32>
    %get3A_8 = vector.shape_cast %get3A_7 : vector<1x1000x128xf32> to vector<1000x128xf32>
    %add3A = arith.addf %get3A_3, %get3A_8 : vector<1000x128xf32>
    %get3A_9 = arith.constant 0 : index
    %get3A_10 = arith.constant 0 : index
    %get3A_11 = vector.load %arg2[%get3A_9, %get3A_10] : memref<1000x128xf32, #tpu.memory_space<vmem>>, vector<1000x128xf32>
    %add3A_12 = arith.addf %add3A, %get3A_11 : vector<1000x128xf32>
    %get3A_13 = arith.constant 0 : index
    %get3A_14 = arith.constant 0 : index
    %get3A_15 = vector.load %arg3[%get3A_13, %get3A_14] : memref<1000x1xf32, #tpu.memory_space<vmem>>, vector<1000x1xf32>
    %mul3A = vector.broadcast %get3A_15 : vector<1000x1xf32> to vector<1000x128xf32>
    %mul3A_16 = arith.mulf %add3A_12, %mul3A : vector<1000x128xf32>
    %get3A_17 = arith.constant 0 : index
    %get3A_18 = arith.constant 0 : index
    %get3A_19 = vector.load %arg4[%get3A_17, %get3A_18] : memref<128x32xf32, #tpu.memory_space<vmem>>, vector<128x32xf32>
    %dot_general3A = arith.constant dense<0.000000e+00> : vector<1000x32xf32>
    %dot_general3A_20 = tpu.matmul %mul3A_16, %get3A_19, %dot_general3A {dimension_numbers = #tpu.dot_dimension_numbers<[1], [0], [0], [1], [0, 0, 1, 1], [], []>, transpose_lhs_hint = false} : vector<1000x128xf32>, vector<128x32xf32>, vector<1000x32xf32> -> vector<1000x32xf32>
    %get3A_21 = arith.constant 0 : index
    %get3A_22 = arith.constant 0 : index
    %get3A_23 = vector.load %arg5[%get3A_21, %get3A_22] : memref<1x32xf32, #tpu.memory_space<vmem>>, vector<1x32xf32>
    %add3A_24 = vector.broadcast %get3A_23 : vector<1x32xf32> to vector<1000x32xf32>
    %add3A_25 = arith.addf %dot_general3A_20, %add3A_24 : vector<1000x32xf32>
    %reduce_max3A = arith.constant dense<0xFF800000> : vector<1000xf32>
    %reduce_max3A_26 = vector.multi_reduction <maximumf>, %add3A_25, %reduce_max3A [1] : vector<1000x32xf32> to vector<1000xf32>
    %broadcast_in_dim3A = vector.shape_cast %reduce_max3A_26 : vector<1000xf32> to vector<1000x1xf32>
    %sub3A = vector.broadcast %broadcast_in_dim3A : vector<1000x1xf32> to vector<1000x32xf32>
    %sub3A_27 = arith.subf %add3A_25, %sub3A : vector<1000x32xf32>
    %exp3A = math.exp %sub3A_27 : vector<1000x32xf32>
    %reduce_sum3A = arith.constant dense<0.000000e+00> : vector<1000xf32>
    %reduce_sum3A_28 = vector.multi_reduction <add>, %exp3A, %reduce_sum3A [1] : vector<1000x32xf32> to vector<1000xf32>
    %broadcast_in_dim3A_29 = vector.shape_cast %reduce_sum3A_28 : vector<1000xf32> to vector<1000x1xf32>
    %log3A = math.log %broadcast_in_dim3A_29 : vector<1000x1xf32>
    %sub3A_30 = vector.broadcast %log3A : vector<1000x1xf32> to vector<1000x32xf32>
    %sub3A_31 = arith.subf %sub3A_27, %sub3A_30 : vector<1000x32xf32>
    %swap3A = arith.constant 0 : index
    %swap3A_32 = arith.constant 0 : index
    %swap3A_33 = vector.load %arg6[%swap3A, %swap3A_32] : memref<1000x32xf32, #tpu.memory_space<vmem>>, vector<1000x32xf32>
    tpu.vector_store %arg6[%swap3A, %swap3A_32], %sub3A_31 {strides = array<i32>} : memref<1000x32xf32, #tpu.memory_space<vmem>>, vector<1000x32xf32>,
    return
  }
  func.func @transform_0(%arg0: i32) -> (i32, i32, i32) {
    %c0_i32 = arith.constant 0 : i32
    %c0_i32_0 = arith.constant 0 : i32
    %c0_i32_1 = arith.constant 0 : i32
    return %c0_i32, %arg0, %c0_i32_0 : i32, i32, i32
  }
  func.func @transform_1(%arg0: i32) -> (i32, i32) {
    %c0_i32 = arith.constant 0 : i32
    %c0_i32_0 = arith.constant 0 : i32
    return %arg0, %c0_i32 : i32, i32
  }
  func.func @transform_2(%arg0: i32) -> (i32, i32) {
    %c0_i32 = arith.constant 0 : i32
    %c0_i32_0 = arith.constant 0 : i32
    return %arg0, %c0_i32 : i32, i32
  }
  func.func @transform_3(%arg0: i32) -> (i32, i32) {
    %c0_i32 = arith.constant 0 : i32
    %c0_i32_0 = arith.constant 0 : i32
    %c0_i32_1 = arith.constant 0 : i32
    return %c0_i32, %c0_i32_0 : i32, i32
  }
  func.func @transform_4(%arg0: i32) -> (i32, i32) {
    %c0_i32 = arith.constant 0 : i32
    %c0_i32_0 = arith.constant 0 : i32
    %c0_i32_1 = arith.constant 0 : i32
    return %c0_i32, %c0_i32_0 : i32, i32
  }
  func.func @transform_5(%arg0: i32) -> (i32, i32) {
    %c0_i32 = arith.constant 0 : i32
    %c0_i32_0 = arith.constant 0 : i32
    return %arg0, %c0_i32 : i32, i32
  }
}

</mosaic_0001>

<sc_bundles>
// kernel: kernel.11.cloned.1.call-start
scs
__scs_entry_jumppad:
0x0: {  	(pc) =	sbr.rel $0x88, $3  }
0x1: {  	(tag) =	ssettag $0x0;
	lr =	simm.s32 $0x1  }
0x2: {  	[smem:$0x3F9B] =	sst lr;
	_ =	strace $0xD0000000  }
0x3: {  	_ = 	snop  }
0x4: {  	_ = 	snop  }
0x5: {  	_ = 	snop  }
0x6: {  	_ = 	snop  }
0x7: {  	_ = 	snop  }
__scs_overlays_trampoline_lowered:
0x8: {  	[smem:$0x3FAA] =	sst s0  }
0x9: {  	[smem:$0x3FAB] =	sst s1  }
0xa: {  	[smem:$0x3FAC] =	sst s2  }
0xb: {  	[smem:$0x3FAD] =	sst s3  }
0xc: {  	[smem:$0x3FAE] =	sst s4  }
0xd: {  	[smem:$0x3FAF] =	sst s5  }
0xe: {  	[smem:$0x3FB0] =	sst s6  }
0xf: {  	[smem:$0x3FB1] =	sst s7  }
0x10: {  	[smem:$0x3FB2] =	sst s8  }
0x11: {  	[smem:$0x3FB3] =	sst s9;
	s0 =	simm.s32 @!p0 $0x0  }
0x12: {  	s1 =	sld [smem:$0x3F99];
	s0 =	simm.s32 @p0 $0x1  }
0x13: {  	[smem:$0x3FB4] =	sst s0;
	s0 =	simm.s32 @!p1 $0x0  }
0x14: {  	s2 =	sld [smem:$0x3F98];
	s0 =	simm.s32 @p1 $0x1  }
0x15: {  	[smem:$0x3FB5] =	sst s0;
	s0 =	simm.s32 @!p2 $0x0  }
0x16: {  	s3 =	sld [smem:$0x3FDB];
	s0 =	simm.s32 @p2 $0x1  }
0x17: {  	s4 =	simm.s32 $0x1BF5;
	[smem:$0x3FB7] =	sst s0  }
0x18: {  	s0 =	sld [smem:$0x3F9A];
	_ =	swait.ge [sflag:s4], $0x0  }
0x19: {  	s7 =	sld [smem:$0x3F9B]  }
0x1a: {  	s8 =	sadd.s32 $0xFFFFE003, lr  }
0x1b: {  	s9 =	sadd.s32 $0xFFFFFEF7, lr;
	s5 =	simm.s32 $0xFFFFFFFF;
	p2 =	slt.u32 s8, $0xFFFFF086  }
0x1c: {  	p1 =	slt.u32 s9, $0xF7A;
	s5 =	simm.s32 @!p2 $0x0  }
0x1d: {  	s5 =	simm.s32 @p1 $0x1;
	p0 =	seq.s32 s7, s2  }
0x1e: {  	s7 =	smul.u32 @!p0 $0xF7A, s2;
	p2 =	seq.s32 @!p0 s5, $0x0  }
0x1f: {  	s9 =	smul.u32 $0xF7A, s1;
	s8 =	simm.s32 @!p0 $0x1BF5;
	p2 =	por !p2, p0  }
0x20: {  	[sflag:s8] =	ssyncset.s32 @!p0 $0xFFFFF086;
	s6 =	sadd.s32 @!p0 s3, s7;
	s7 =	simm.s32 @!p0 $0x108  }
0x21: {  	s3 =	sadd.s32 s3, s9;
	s6 =	sadd.s32 @!p0 $0x88, s6;
	s7 =	simm.s32 @p2 $0x1082  }
0x22: {  	[simem:s7], [sflag:s8] =	dma.local @!p0 [hbm:s6], $0xF7A  }
0x23: {  	s9 =	sor.u32 $0xD0000000, s2;
	s6 =	simm.s32 $0x108;
	_ =	swait.ge @!p0 [sflag:s8], $0x0  }
0x24: {  	s3 =	sadd.s32 $0x88, s3;
	s6 =	simm.s32 @!p1 $0x1082;
	[sflag:s4] =	ssyncset.s32 $0xFFFFF086  }
0x25: {  	[simem:s6], [sflag:s4] =	dma.local [hbm:s3], $0xF7A  }
0x26: {  	[smem:$0x3F9B] =	sst s1;
	(tag) =	ssettag s2;
	_ =	strace s9  }
0x27: {  	s1 =	sld [smem:$0x3FAB]  }
0x28: {  	s2 =	sld [smem:$0x3FAC]  }
0x29: {  	s4 =	sld [smem:$0x3FAE]  }
0x2a: {  	p0 =	seq.s32 s5, $0x0;
	s5 =	sld [smem:$0x3FAF]  }
0x2b: {  	s6 =	sld [smem:$0x3FB0]  }
0x2c: {  	s7 =	sld [smem:$0x3FB1]  }
0x2d: {  	s3 =	simm.s32 $0x108;
	s8 =	sld [smem:$0x3FB2]  }
0x2e: {  	s3 =	simm.s32 @!p0 $0x1082;
	s9 =	sld [smem:$0x3FB3]  }
0x2f: {  	lr =	sadd.s32 s0, s3;
	s0 =	sld [smem:$0x3FAA]  }
0x30: {  	s3 =	sld [smem:$0x3FAD]  }
0x31: {  	[smem:$0x3FB6] =	sst s10  }
0x32: {  	s10 =	sld [smem:$0x3FB4];
	_ =	sdelay $0x3  }
0x33: {  	p0 =	seq.s32 s10, $0x1;
	s10 =	sld [smem:$0x3FB6];
	_ =	sdelay $0x3  }
0x34: {  	[smem:$0x3FB6] =	sst s10  }
0x35: {  	s10 =	sld [smem:$0x3FB5];
	_ =	sdelay $0x3  }
0x36: {  	p1 =	seq.s32 s10, $0x1;
	s10 =	sld [smem:$0x3FB6];
	_ =	sdelay $0x3  }
0x37: {  	[smem:$0x3FB6] =	sst s10  }
0x38: {  	s10 =	sld [smem:$0x3FB7]  }
0x39: {  	_ = 	snop;
	(pc) =	sbr.ind lr, $3  }
0x3a: {  	_ = 	snop  }
0x3b: {  	_ = 	snop  }
0x3c: {  	p2 =	seq.s32 s10, $0x1;
	s10 =	sld [smem:$0x3FB6]  }
0x3d: {  	_ =	shalt  }
0x3e: {  	_ =	shalt  }
0x3f: {  	_ =	shalt  }
0x40: {  	_ =	shalt  }
0x41: {  	_ =	shalt  }
0x42: {  	_ =	shalt  }
0x43: {  	_ =	shalt  }
0x44: {  	_ =	shalt  }
0x45: {  	_ =	shalt  }
0x46: {  	_ =	shalt  }
0x47: {  	_ =	shalt  }
0x48: {  	_ =	shalt  }
0x49: {  	_ =	shalt  }
0x4a: {  	_ =	shalt  }
0x4b: {  	_ =	shalt  }
0x4c: {  	_ =	shalt  }
0x4d: {  	_ =	shalt  }
0x4e: {  	_ =	shalt  }
0x4f: {  	_ =	shalt  }
0x50: {  	_ =	shalt  }
0x51: {  	_ =	shalt  }
0x52: {  	_ =	shalt  }
0x53: {  	_ =	shalt  }
0x54: {  	_ =	shalt  }
0x55: {  	_ =	shalt  }
0x56: {  	_ =	shalt  }
0x57: {  	_ =	shalt  }
0x58: {  	_ =	shalt  }
0x59: {  	_ =	shalt  }
0x5a: {  	_ =	shalt  }
0x5b: {  	_ =	shalt  }
0x5c: {  	_ =	shalt  }
0x5d: {  	_ =	shalt  }
0x5e: {  	_ =	shalt  }
0x5f: {  	_ =	shalt  }
0x60: {  	_ =	shalt  }
0x61: {  	_ =	shalt  }
0x62: {  	_ =	shalt  }
0x63: {  	_ =	shalt  }
0x64: {  	_ =	shalt  }
0x65: {  	_ =	shalt  }
0x66: {  	_ =	shalt  }
0x67: {  	_ =	shalt  }
0x68: {  	_ =	shalt  }
0x69: {  	_ =	shalt  }
0x6a: {  	_ =	shalt  }
0x6b: {  	_ =	shalt  }
0x6c: {  	_ =	shalt  }
0x6d: {  	_ =	shalt  }
0x6e: {  	_ =	shalt  }
0x6f: {  	_ =	shalt  }
0x70: {  	_ =	shalt  }
0x71: {  	_ =	shalt  }
0x72: {  	_ =	shalt  }
0x73: {  	_ =	shalt  }
0x74: {  	_ =	shalt  }
0x75: {  	_ =	shalt  }
0x76: {  	_ =	shalt  }
0x77: {  	_ =	shalt  }
0x78: {  	_ =	shalt  }
0x79: {  	_ =	shalt  }
0x7a: {  	_ =	shalt  }
0x7b: {  	_ =	shalt  }
0x7c: {  	_ =	shalt  }
0x7d: {  	_ =	shalt  }
0x7e: {  	_ =	shalt  }
0x7f: {  	_ =	shalt  }
0x80: {  	_ =	shalt  }
0x81: {  	_ =	shalt  }
0x82: {  	_ =	shalt  }
0x83: {  	_ =	shalt  }
0x84: {  	_ =	shalt  }
0x85: {  	_ =	shalt  }
0x86: {  	_ =	shalt  }
0x87: {  	_ =	shalt  }
.Lfunc_end0:
.L_simem_size_0:
called_computation.1_lowered:
.L_overlay_start_0:
0x88: {  	s2 =	sld [smem:$0x3FD9]  }
0x89: {  	s3 =	sld [smem:$0x3FFE];
	_ =	sdelay $0x1  }
0x8a: {  	s1 =	srdreg.scid  }
0x8b: {  	s0 =	sand.u32 $0x1, s1  }
0x8c: {  	s17 =	sshll.u32 s0, $0xA;
	s2 =	sadd.s32 s3, s2  }
0x8d: {  	s2 =	sadd.s32 s2, s17  }
0x8e: {  	[smem:$0x3FC2] =	sst s2  }
0x8f: {  	_ = 	snop  }
0x90: {  	s2 =	sld [smem:$0x3FD0];
	(tm) =	ssettm $0x1  }
0x91: {  	s18 =	sld [smem:$0x3FFB];
	_ =	sdelay $0x3  }
0x92: {  	_ =	strace s18  }
0x93: {  	s3 =	sld [smem:$0x3FFC];
	_ =	sdelay $0x3  }
0x94: {  	_ =	strace s3  }
0x95: {  	s3 =	sld [smem:$0x3FFD];
	_ =	sdelay $0x3  }
0x96: {  	_ =	strace s3  }
0x97: {  	_ =	strace $0x8FFFFFFF  }
0x98: {  	s19 =	sld [smem:$0x3FDB];
	_ =	sdelay $0x1  }
0x99: {  	s4 =	simm.s32 $_scs_section_size  }
0x9a: {  	s5 =	simm.s32 $_size__tile_overlayer_lowered;
	s6 =	simm.s32 $_tile_overlayer_lowered  }
0x9b: {  	s22 =	simm.s32 $0x1BFF;
	s21 =	sshll.u32 s6, $0x1;
	s3 =	sadd.s32 s4, s19  }
0x9c: {  	s7 =	simm.s32 $0x0;
	s20 =	sshll.u32 s5, $0x1;
	s5 =	sadd.s32 s21, s3  }
0x9d: {  	[timem:s7], [sflag:s22] =	dma.local [hbm:s5], s20  }
0x9e: {  	_ =	swait.ge [sflag:s22], s20  }
0x9f: {  	s4 =	ssub.s32 $0x0, s20;
	[sflag:s22] =	ssyncset.done $0x0  }
0xa0: {  	[sflag:s22] =	ssyncadd.s32 s4;
	_ =	sdelay $0x1  }
0xa1: {  	s23 =	simm.s32 $0x1B8B  }
0xa2: {  	_ =	swait.ge [sflag:s23], $0x1  }
0xa3: {  	[sflag:s23] =	ssyncset.done $0x0  }
0xa4: {  	s25 =	simm.s32 $0x1B8E;
	s24 =	sld [smem:$0x3FFE];
	[sflag:s23] =	ssyncadd.s32 $0xFFFFFFFF  }
0xa5: {  	s26 =	simm.s32 $execute0_lowered;
	[smem:$0x3FD2] =	sst s25  }
0xa6: {  	s5 =	sshll.u32 s26, $0x1;
	_ =	strace $0x80000049;
	[dreg:$0x1] =	wrdreg $0xFFFFFFFF  }
0xa7: {  	s28 =	simm.s32 $_size_execute0_lowered;
	s3 =	sadd.s32 s3, s5;
	[dreg:$0x0] =	wrdreg $0x0  }
0xa8: {  	s5 =	sshll.u32 s28, $0x1;
	[dreg:$0x2] =	wrdreg s3  }
0xa9: {  	[dreg:$0x3] =	wrdreg s5  }
0xaa: {  	[dreg:$0x4] =	wrdreg $0xC0  }
0xab: {  	_ =	task [dreg:s7], $0x5FFFF  }
0xac: {  	[dreg:$0x1] =	wrdreg $0xFFFFFFFF  }
0xad: {  	[dreg:$0x0] =	wrdreg $0x60  }
0xae: {  	[dreg:$0x2] =	wrdreg s24  }
0xaf: {  	[dreg:$0x3] =	wrdreg s2  }
0xb0: {  	[dreg:$0x4] =	wrdreg $0xA8000  }
0xb1: {  	[dreg:$0x5] =	wrdreg $0x9  }
0xb2: {  	_ =	task.clear_ibuf [dreg:s7], $0x6FFFF;
	_ =	strace $0x90000049  }
0xb3: {  	s29 =	simm.s32 $0x9;
	_ =	strace $0x8000004B  }
0xb4: {  	_ =	swait.ge [sflag:s29], $0x1  }
0xb5: {  	[sflag:s29] =	ssyncadd.s32 $0xFFFFFFFF  }
0xb6: {  	_ =	strace $0x9000004B  }
0xb7: {  	_ =	sfence  }
0xb8: {  	s30 =	sld [smem:$0x0];
	_ =	sdelay $0x2  }
0xb9: {  	s31 =	sshll.u32 s1, $0xD;
	s1 =	sshrl.u32 s1, $0x2  }
0xba: {  	s3 =	sand.u32 $0x4000, s31;
	s1 =	sadd.s32 s1, s30  }
0xbb: {  	s0 =	sor.u32 s3, s0;
	s1 =	sshll.u32 s1, $0x11  }
0xbc: {  	s0 =	sor.u32 s1, s0  }
0xbd: {  	s0 =	sadd.s32 $0x8F2B, s0  }
0xbe: {  	[sflag:s0] =	ssyncadd.remote.s32 $0x1  }
0xbf: {  	_ =	sfence.sel $0xFFFF  }
0xc0: {  	[dreg:$0x0] =	wrdreg $0xFFFFFFFF;
	(pc) =	sbr.abs _section_cstart, $3  }
0xc1: {  	[dreg:$0x1] =	wrdreg $0xFFFFFFFF  }
0xc2: {  	_ =	task.clear_ibuf [dreg:s7], $0x2FFFF;
	_ =	strace $0x9FFFFFFF  }
0xc3: {  	(tm) =	ssettm $0x7FFFFFFF  }
tec
execute0_lowered:
.L_overlay_start_1:
0x0: {  	(tag) =	ssettag $0x1  }
0x1: {  	s5 =	rddreg [dreg:$0x0]  }
0x2: {  	s0 =	srdreg.scid;
	s6 =	rddreg [dreg:$0x1]  }
0x3: {  	s2 =	rddreg [dreg:$0x2];
	s1 =	stileid.u32;
	s3 =	simm.s32 $0x0  }
0x4: {  	s18 =	simm.s32 $0x1;
	s19 =	simm.s32 $0x2;
	s11 =	smul.u32 $0x280, s1  }
0x5: {  	s7 =	sand.u32 $0x1, s0;
	s0 =	rddreg [dreg:$0x3];
	s25 =	smul.u32 $0x50000, s1  }
0x6: {  	s28 =	simm.s32 $0x0;
	[smem:$0x7FF] =	sst s3;
	s20 =	smul.u32 $0x2800, s1  }
0x7: {  	s4 =	sshll.u32 s7, $0x4;
	s9 =	smul.u32 $0x28000, s7;
	s7 =	ssub.s32 $0x2, s7  }
0x8: {  	_ =	strace $0x8000004A;
	s4 =	sor.u32 s1, s4;
	s24 =	sshrl.u32 s7, $0x1  }
0x9: {  	s14 =	sadd.s32 $0x80, s11;
	s26 =	sshrl.u32 s25, $0x2;
	s15 =	sadd.s32 $0x100, s11  }
0xa: {  	s16 =	sadd.s32 $0x180, s11;
	s17 =	sadd.s32 $0x200, s11;
	s8 =	smul.u32 $0x280, s4  }
0xb: {  	s4 =	sadd.s32 $0x7600, s5;
	s12 =	sadd.s32 s9, s5;
	s13 =	ssub.s32 s7, s24  }
0xc: {  	s29 =	sshll.u32 s14, $0x7;
	s7 =	sadd.s32 s26, s2;
	s30 =	sshll.u32 s15, $0x7  }
0xd: {  	s31 =	sshll.u32 s16, $0x7;
	s11 =	sshll.u32 s17, $0x7;
	s21 =	sshll.u32 s14, $0x4  }
0xe: {  	s22 =	sshll.u32 s15, $0x4;
	s23 =	sshll.u32 s16, $0x4;
	s25 =	sshll.u32 s17, $0x4  }
0xf: {  	s14 =	simm.s32 $0x1400;
	s15 =	simm.s32 $0x2800;
	s16 =	simm.s32 $0x80  }
0x10: {  	s17 =	simm.s32 $0x6800;
	s26 =	simm.s32 $0x2780;
	s9 =	sadd.s32 s30, s2  }
0x11: {  	s11 =	sadd.s32 s11, s2;
	s24 =	sadd.s32 $0x2E800, s12;
	s12 =	smax.u32 s13, $0x1  }
0x12: {  	s13 =	simm.s32 $0x3;
	s10 =	sadd.s32 s8, s5;
	s6 =	sadd.s32 s6, s8  }
0x13: {  	s8 =	sadd.s32 s29, s2;
	s20 =	sadd.s32 s20, s24;
	s21 =	sadd.s32 s21, s24  }
0x14: {  	s22 =	sadd.s32 s22, s24;
	s23 =	sadd.s32 s23, s24;
	s24 =	sadd.s32 s25, s24  }
0x15: {  	v0 =	vimm.f32 $0.0e+00;
	s25 =	simm.s32 $0x2700;
	s5 =	sadd.s32 $0x2600, s10;
	s10 =	sadd.s32 s31, s2  }
.LBB2_1:
0x16: {  	[tilespmem:s3], [sflag:$0x3] =	stream.linear.gather [hbm4b:s5+s3], $0x1400, $0x38;
	[tilespmem:$0x1E800] =	vst v63  }
0x17: {  	_ =	swait.ge [sflag:s13], $0x1400  }
0x18: {  	[sflag:s13] =	ssyncset.done $0x0  }
0x19: {  	[sflag:s13] =	ssyncadd.s32 $0xFFFFEC00  }
0x1a: {  	[tilespmem:s14], [sflag:$0x3] =	stream.linear.gather [hbm4b:s6+s3], $0x1400, $0x38;
	[tilespmem:$0x1E800] =	vst v63  }
0x1b: {  	_ =	swait.ge [sflag:s13], $0x1400  }
0x1c: {  	[sflag:s13] =	ssyncset.done $0x0  }
0x1d: {  	s29 =	simm.s32 $0x0;
	s30 =	simm.s32 $0x200;
	[sflag:s13] =	ssyncadd.s32 $0xFFFFEC00  }
.LBB2_2:
0x1e: {  	p0 =	sne.s32 s30, $0xFE00;
	[tilespmem:s29+$0x2870] =	vst v0  }
0x1f: {  	[tilespmem:s29+$0x2800] =	vst v0  }
0x20: {  	[tilespmem:s29+$0x2810] =	vst v0  }
.Ltmp0:
0x21: {  	[tilespmem:s29+$0x2820] =	vst v0;
	(pc) =	sbr.rel @p0 .LBB2_2-.Ltmp0, $4  }
0x22: {  	[tilespmem:s29+$0x2830] =	vst v0  }
0x23: {  	[tilespmem:s29+$0x2840] =	vst v0  }
0x24: {  	[tilespmem:s29+$0x2850] =	vst v0  }
0x25: {  	[tilespmem:s29+$0x2860] =	vst v0;
	s29 =	sshra.s32 s30, $0x2;
	s30 =	sadd.s32 $0x200, s30  }
0x26: {  	[tilespmem:s29+$0x2870] =	vst v0  }
0x27: {  	[tilespmem:s29+$0x2800] =	vst v0  }
0x28: {  	[tilespmem:s29+$0x2810] =	vst v0  }
0x29: {  	[tilespmem:s29+$0x2820] =	vst v0  }
0x2a: {  	[tilespmem:s29+$0x2830] =	vst v0  }
0x2b: {  	[tilespmem:s29+$0x2840] =	vst v0  }
0x2c: {  	[tilespmem:s29+$0x2850] =	vst v0  }
0x2d: {  	[tilespmem:s29+$0x2860] =	vst v0  }
0x2e: {  	[spmem:s7] =	stream.linear.scatter [tilespmem:s15], [sflag:$0x3], $0x4000, $0x38;
	[tilespmem:$0x1E800] =	vst v63  }
0x2f: {  	_ =	swait.ge [sflag:s13], $0x4000  }
0x30: {  	[sflag:s13] =	ssyncset.done $0x0  }
0x31: {  	[sflag:s13] =	ssyncadd.s32 $0xFFFFC000  }
0x32: {  	[spmem:s8] =	stream.linear.scatter [tilespmem:s15], [sflag:$0x3], $0x4000, $0x38;
	[tilespmem:$0x1E800] =	vst v63  }
0x33: {  	_ =	swait.ge [sflag:s13], $0x4000  }
0x34: {  	[sflag:s13] =	ssyncset.done $0x0  }
0x35: {  	[sflag:s13] =	ssyncadd.s32 $0xFFFFC000  }
0x36: {  	[spmem:s9] =	stream.linear.scatter [tilespmem:s15], [sflag:$0x3], $0x4000, $0x38;
	[tilespmem:$0x1E800] =	vst v63  }
0x37: {  	_ =	swait.ge [sflag:s13], $0x4000  }
0x38: {  	[sflag:s13] =	ssyncset.done $0x0  }
0x39: {  	[sflag:s13] =	ssyncadd.s32 $0xFFFFC000  }
0x3a: {  	[spmem:s10] =	stream.linear.scatter [tilespmem:s15], [sflag:$0x3], $0x4000, $0x38;
	[tilespmem:$0x1E800] =	vst v63  }
0x3b: {  	_ =	swait.ge [sflag:s13], $0x4000  }
0x3c: {  	[sflag:s13] =	ssyncset.done $0x0  }
0x3d: {  	[sflag:s13] =	ssyncadd.s32 $0xFFFFC000  }
0x3e: {  	[spmem:s11] =	stream.linear.scatter [tilespmem:s15], [sflag:$0x3], $0x4000, $0x38;
	[tilespmem:$0x1E800] =	vst v63  }
0x3f: {  	_ =	swait.ge [sflag:s13], $0x4000  }
0x40: {  	[sflag:s13] =	ssyncset.done $0x0  }
0x41: {  	[sflag:s13] =	ssyncadd.s32 $0xFFFFC000  }
0x42: {  	s29 =	simm.s32 $0x0;
	[bflag:$0x0] =	sbarrier.arrive $0xFFFF  }
0x43: {  	[tilespmem:s15], [sflag:$0x1] =	stream.indirect.gather [hbm4b:s4+s16], $0x80, s29, s16, $0xb8;
	[tilespmem:$0x1E800] =	vst v63  }
0x44: {  	_ = 	snop  }
0x45: {  	[tilespmem:s17], [sflag:$0x2] =	stream.indirect.gather [hbm4b:s4+s16], $0x80, s16, s16, $0xb8;
	[tilespmem:$0x1E800] =	vst v63  }
0x46: {  	_ =	swait.ge [sflag:s18], $0x4000  }
0x47: {  	[sflag:s18] =	ssyncset.done $0x0  }
0x48: {  	s29 =	simm.s32 $0x1400;
	[sflag:s18] =	ssyncadd.s32 $0xFFFFC000  }
0x49: {  	[spmem:s2] =	stream.indirect.scatter.add.f32 [tilespmem:s15], [sflag:$0x3], $0x80, s29, s16, $0xb8;
	[tilespmem:$0x1E800] =	vst v63  }
0x4a: {  	_ =	swait.ge [sflag:s13], $0x4000  }
0x4b: {  	[sflag:s13] =	ssyncset.done $0x0  }
0x4c: {  	s29 =	simm.s32 $0x100;
	[sflag:s13] =	ssyncadd.s32 $0xFFFFC000  }
0x4d: {  	[tilespmem:s15], [sflag:$0x1] =	stream.indirect.gather [hbm4b:s4+s16], $0x80, s29, s16, $0xb8;
	[tilespmem:$0x1E800] =	vst v63  }
0x4e: {  	_ =	swait.ge [sflag:s19], $0x4000  }
0x4f: {  	[sflag:s19] =	ssyncset.done $0x0  }
0x50: {  	s29 =	simm.s32 $0x1480;
	[sflag:s19] =	ssyncadd.s32 $0xFFFFC000  }
0x51: {  	[spmem:s2] =	stream.indirect.scatter.add.f32 [tilespmem:s17], [sflag:$0x3], $0x80, s29, s16, $0xb8;
	[tilespmem:$0x1E800] =	vst v63  }
0x52: {  	_ =	swait.ge [sflag:s13], $0x4000  }
0x53: {  	[sflag:s13] =	ssyncset.done $0x0  }
0x54: {  	s30 =	simm.s32 $0x180;
	s29 =	simm.s32 $0x400;
	[sflag:s13] =	ssyncadd.s32 $0xFFFFC000  }
.LBB2_4:
0x55: {  	[tilespmem:s17], [sflag:$0x2] =	stream.indirect.gather [hbm4b:s4+s16], $0x80, s30, s16, $0xb8;
	[tilespmem:$0x1E800] =	vst v63  }
0x56: {  	s30 =	smov.u32 s29  }
0x57: {  	p0 =	sne.s32 s29, $0x4800;
	s29 =	sadd.s32 $0x400, s29;
	_ =	swait.ge [sflag:s18], $0x4000  }
0x58: {  	s30 =	sshra.s32 s30, $0x2;
	[sflag:s18] =	ssyncset.done $0x0  }
0x59: {  	s31 =	sadd.s32 $0x1400, s30;
	[sflag:s18] =	ssyncadd.s32 $0xFFFFC000  }
0x5a: {  	[spmem:s2] =	stream.indirect.scatter.add.f32 [tilespmem:s15], [sflag:$0x3], $0x80, s31, s16, $0xb8;
	[tilespmem:$0x1E800] =	vst v63  }
0x5b: {  	_ =	swait.ge [sflag:s13], $0x4000  }
0x5c: {  	[sflag:s13] =	ssyncset.done $0x0  }
0x5d: {  	s31 =	sadd.s32 $0x100, s30;
	[sflag:s13] =	ssyncadd.s32 $0xFFFFC000  }
0x5e: {  	[tilespmem:s15], [sflag:$0x1] =	stream.indirect.gather [hbm4b:s4+s16], $0x80, s31, s16, $0xb8;
	[tilespmem:$0x1E800] =	vst v63  }
0x5f: {  	_ =	swait.ge [sflag:s19], $0x4000  }
0x60: {  	[sflag:s19] =	ssyncset.done $0x0  }
.Ltmp1:
0x61: {  	s31 =	sadd.s32 $0x1480, s30;
	[sflag:s19] =	ssyncadd.s32 $0xFFFFC000;
	(pc) =	sbr.rel @p0 .LBB2_4-.Ltmp1, $4  }
0x62: {  	[spmem:s2] =	stream.indirect.scatter.add.f32 [tilespmem:s17], [sflag:$0x3], $0x80, s31, s16, $0xb8;
	[tilespmem:$0x1E800] =	vst v63  }
0x63: {  	_ =	swait.ge [sflag:s13], $0x4000  }
0x64: {  	[sflag:s13] =	ssyncset.done $0x0  }
0x65: {  	s30 =	sadd.s32 $0x180, s30;
	[sflag:s13] =	ssyncadd.s32 $0xFFFFC000  }
0x66: {  	[tilespmem:s17], [sflag:$0x2] =	stream.indirect.gather [hbm4b:s4+s16], $0x80, s30, s16, $0xb8;
	[tilespmem:$0x1E800] =	vst v63  }
0x67: {  	_ =	swait.ge [sflag:s18], $0x4000  }
0x68: {  	[sflag:s18] =	ssyncset.done $0x0  }
0x69: {  	[sflag:s18] =	ssyncadd.s32 $0xFFFFC000  }
0x6a: {  	[spmem:s2] =	stream.indirect.scatter.add.f32 [tilespmem:s15], [sflag:$0x3], $0x80, s25, s16, $0xb8;
	[tilespmem:$0x1E800] =	vst v63  }
0x6b: {  	_ =	swait.ge [sflag:s13], $0x4000  }
0x6c: {  	[sflag:s13] =	ssyncset.done $0x0  }
0x6d: {  	[sflag:s13] =	ssyncadd.s32 $0xFFFFC000  }
0x6e: {  	_ =	swait.ge [sflag:s19], $0x4000  }
0x6f: {  	[sflag:s19] =	ssyncset.done $0x0  }
0x70: {  	[sflag:s19] =	ssyncadd.s32 $0xFFFFC000  }
0x71: {  	[spmem:s2] =	stream.indirect.scatter.add.f32 [tilespmem:s17], [sflag:$0x3], $0x80, s26, s16, $0xb8;
	[tilespmem:$0x1E800] =	vst v63  }
0x72: {  	_ =	swait.ge [sflag:s13], $0x4000  }
0x73: {  	[sflag:s13] =	ssyncset.done $0x0  }
0x74: {  	[sflag:s13] =	ssyncadd.s32 $0xFFFFC000  }
0x75: {  	[bflag:$0x0] =	sbarrier.arrive $0xFFFF  }
0x76: {  	[tilespmem:s15], [sflag:$0x3] =	stream.linear.gather [spmem:s7], $0x4000, $0x38;
	[tilespmem:$0x1E800] =	vst v63  }
0x77: {  	_ =	swait.ge [sflag:s13], $0x4000  }
0x78: {  	[sflag:s13] =	ssyncset.done $0x0  }
0x79: {  	[sflag:s13] =	ssyncadd.s32 $0xFFFFC000  }
0x7a: {  	[hbm4b:s20+s3] =	stream.linear.scatter [tilespmem:s15], [sflag:$0x3], $0x4000, $0x38;
	[tilespmem:$0x1E800] =	vst v63  }
0x7b: {  	_ =	swait.ge [sflag:s13], $0x4000  }
0x7c: {  	[sflag:s13] =	ssyncset.done $0x0  }
0x7d: {  	[sflag:s13] =	ssyncadd.s32 $0xFFFFC000  }
0x7e: {  	[tilespmem:s15], [sflag:$0x3] =	stream.linear.gather [spmem:s8], $0x4000, $0x38;
	[tilespmem:$0x1E800] =	vst v63  }
0x7f: {  	_ =	swait.ge [sflag:s13], $0x4000  }
0x80: {  	[sflag:s13] =	ssyncset.done $0x0  }
0x81: {  	[sflag:s13] =	ssyncadd.s32 $0xFFFFC000  }
0x82: {  	[hbm4b:s21+s3] =	stream.linear.scatter [tilespmem:s15], [sflag:$0x3], $0x4000, $0x38;
	[tilespmem:$0x1E800] =	vst v63  }
0x83: {  	_ =	swait.ge [sflag:s13], $0x4000  }
0x84: {  	[sflag:s13] =	ssyncset.done $0x0  }
0x85: {  	[sflag:s13] =	ssyncadd.s32 $0xFFFFC000  }
0x86: {  	[tilespmem:s15], [sflag:$0x3] =	stream.linear.gather [spmem:s9], $0x4000, $0x38;
	[tilespmem:$0x1E800] =	vst v63  }
0x87: {  	_ =	swait.ge [sflag:s13], $0x4000  }
0x88: {  	[sflag:s13] =	ssyncset.done $0x0  }
0x89: {  	[sflag:s13] =	ssyncadd.s32 $0xFFFFC000  }
0x8a: {  	[hbm4b:s22+s3] =	stream.linear.scatter [tilespmem:s15], [sflag:$0x3], $0x4000, $0x38;
	[tilespmem:$0x1E800] =	vst v63  }
0x8b: {  	_ =	swait.ge [sflag:s13], $0x4000  }
0x8c: {  	[sflag:s13] =	ssyncset.done $0x0  }
0x8d: {  	[sflag:s13] =	ssyncadd.s32 $0xFFFFC000  }
0x8e: {  	[tilespmem:s15], [sflag:$0x3] =	stream.linear.gather [spmem:s10], $0x4000, $0x38;
	[tilespmem:$0x1E800] =	vst v63  }
0x8f: {  	_ =	swait.ge [sflag:s13], $0x4000  }
0x90: {  	[sflag:s13] =	ssyncset.done $0x0  }
0x91: {  	[sflag:s13] =	ssyncadd.s32 $0xFFFFC000  }
0x92: {  	[hbm4b:s23+s3] =	stream.linear.scatter [tilespmem:s15], [sflag:$0x3], $0x4000, $0x38;
	[tilespmem:$0x1E800] =	vst v63  }
0x93: {  	_ =	swait.ge [sflag:s13], $0x4000  }
0x94: {  	[sflag:s13] =	ssyncset.done $0x0  }
0x95: {  	[sflag:s13] =	ssyncadd.s32 $0xFFFFC000  }
0x96: {  	[tilespmem:s15], [sflag:$0x3] =	stream.linear.gather [spmem:s11], $0x4000, $0x38;
	[tilespmem:$0x1E800] =	vst v63  }
0x97: {  	s28 =	sadd.s32 $0x1, s28;
	_ =	swait.ge [sflag:s13], $0x4000  }
0x98: {  	p0 =	sne.s32 s28, s12;
	[sflag:s13] =	ssyncset.done $0x0  }
.Ltmp2:
0x99: {  	[sflag:s13] =	ssyncadd.s32 $0xFFFFC000;
	(pc) =	sbr.rel @p0 .LBB2_1-.Ltmp2, $4  }
0x9a: {  	[hbm4b:s24+s3] =	stream.linear.scatter [tilespmem:s15], [sflag:$0x3], $0x4000, $0x38;
	[tilespmem:$0x1E800] =	vst v63  }
0x9b: {  	_ =	swait.ge [sflag:s13], $0x4000  }
0x9c: {  	[sflag:s13] =	ssyncset.done $0x0  }
0x9d: {  	[sflag:s13] =	ssyncadd.s32 $0xFFFFC000  }
0x9e: {  	_ =	sfence.sel $0x180000  }
0x9f: {  	[bflag:$0x0] =	sbarrier.arrive $0xFFFF  }
0xa0: {  	p0 =	sne.s32 s1, $0x0;
	_ =	strace $0x9000004A  }
0xa1: {  	s0 =	sadd.s32 @!p0 $0x100000, s0;
	[bflag:$0x2] =	sbarrier.arrive $0xFFFF  }
0xa2: {  	[sflag:s0] =	ssyncadd.tile.s32 @!p0 $0x1;
	_ =	shalt  }
.Lfunc_end2:
_tile_overlayer_lowered:
.L_overlay_start_2:
0xa3: {  	(tag) =	ssettag $0x2  }
0xa4: {  	s0 =	rddreg [dreg:$0x0];
	s2 =	stileid.u32  }
0xa5: {  	s1 =	rddreg [dreg:$0x1];
	p0 =	sne.s32 s2, $0x0  }
0xa6: {  	s3 =	rddreg [dreg:$0x2];
	[bflag:$0x3] =	sbarrier.arrive $0xFFFF;
	s2 =	simm.s32 @!p0 $0x1C03  }
0xa7: {  	[timem:s3], [sflag:s2] =	dma.local @!p0 [hbm:s0], s1  }
0xa8: {  	s0 =	simm.s32 @!p0 $0x3  }
0xa9: {  	_ =	swait.ge @!p0 [sflag:s0], s1  }
0xaa: {  	s1 =	ssub.s32 @!p0 $0x0, s1;
	[sflag:s0] =	ssyncset.done @!p0 $0x0  }
0xab: {  	[sflag:s0] =	ssyncadd.s32 @!p0 s1  }
0xac: {  	[bflag:$0x3] =	sbarrier.arrive $0xFFFF  }
0xad: {  	_ =	shalt  }

// kernel: kernel.14.cloned.1.call-start
scs
__scs_entry_jumppad:
0x0: {  	(pc) =	sbr.rel $0x88, $3  }
0x1: {  	(tag) =	ssettag $0x0;
	lr =	simm.s32 $0x1  }
0x2: {  	[smem:$0x3F9B] =	sst lr;
	_ =	strace $0xD0000000  }
0x3: {  	_ = 	snop  }
0x4: {  	_ = 	snop  }
0x5: {  	_ = 	snop  }
0x6: {  	_ = 	snop  }
0x7: {  	_ = 	snop  }
__scs_overlays_trampoline_lowered:
0x8: {  	[smem:$0x3FAA] =	sst s0  }
0x9: {  	[smem:$0x3FAB] =	sst s1  }
0xa: {  	[smem:$0x3FAC] =	sst s2  }
0xb: {  	[smem:$0x3FAD] =	sst s3  }
0xc: {  	[smem:$0x3FAE] =	sst s4  }
0xd: {  	[smem:$0x3FAF] =	sst s5  }
0xe: {  	[smem:$0x3FB0] =	sst s6  }
0xf: {  	[smem:$0x3FB1] =	sst s7  }
0x10: {  	[smem:$0x3FB2] =	sst s8  }
0x11: {  	[smem:$0x3FB3] =	sst s9;
	s0 =	simm.s32 @!p0 $0x0  }
0x12: {  	s1 =	sld [smem:$0x3F99];
	s0 =	simm.s32 @p0 $0x1  }
0x13: {  	[smem:$0x3FB4] =	sst s0;
	s0 =	simm.s32 @!p1 $0x0  }
0x14: {  	s2 =	sld [smem:$0x3F98];
	s0 =	simm.s32 @p1 $0x1  }
0x15: {  	[smem:$0x3FB5] =	sst s0;
	s0 =	simm.s32 @!p2 $0x0  }
0x16: {  	s3 =	sld [smem:$0x3FDB];
	s0 =	simm.s32 @p2 $0x1  }
0x17: {  	s4 =	simm.s32 $0x1BF5;
	[smem:$0x3FB7] =	sst s0  }
0x18: {  	s0 =	sld [smem:$0x3F9A];
	_ =	swait.ge [sflag:s4], $0x0  }
0x19: {  	s7 =	sld [smem:$0x3F9B]  }
0x1a: {  	s8 =	sadd.s32 $0xFFFFE003, lr  }
0x1b: {  	s9 =	sadd.s32 $0xFFFFFEF7, lr;
	s5 =	simm.s32 $0xFFFFFFFF;
	p2 =	slt.u32 s8, $0xFFFFF086  }
0x1c: {  	p1 =	slt.u32 s9, $0xF7A;
	s5 =	simm.s32 @!p2 $0x0  }
0x1d: {  	s5 =	simm.s32 @p1 $0x1;
	p0 =	seq.s32 s7, s2  }
0x1e: {  	s7 =	smul.u32 @!p0 $0xF7A, s2;
	p2 =	seq.s32 @!p0 s5, $0x0  }
0x1f: {  	s9 =	smul.u32 $0xF7A, s1;
	s8 =	simm.s32 @!p0 $0x1BF5;
	p2 =	por !p2, p0  }
0x20: {  	[sflag:s8] =	ssyncset.s32 @!p0 $0xFFFFF086;
	s6 =	sadd.s32 @!p0 s3, s7;
	s7 =	simm.s32 @!p0 $0x108  }
0x21: {  	s3 =	sadd.s32 s3, s9;
	s6 =	sadd.s32 @!p0 $0x88, s6;
	s7 =	simm.s32 @p2 $0x1082  }
0x22: {  	[simem:s7], [sflag:s8] =	dma.local @!p0 [hbm:s6], $0xF7A  }
0x23: {  	s9 =	sor.u32 $0xD0000000, s2;
	s6 =	simm.s32 $0x108;
	_ =	swait.ge @!p0 [sflag:s8], $0x0  }
0x24: {  	s3 =	sadd.s32 $0x88, s3;
	s6 =	simm.s32 @!p1 $0x1082;
	[sflag:s4] =	ssyncset.s32 $0xFFFFF086  }
0x25: {  	[simem:s6], [sflag:s4] =	dma.local [hbm:s3], $0xF7A  }
0x26: {  	[smem:$0x3F9B] =	sst s1;
	(tag) =	ssettag s2;
	_ =	strace s9  }
0x27: {  	s1 =	sld [smem:$0x3FAB]  }
0x28: {  	s2 =	sld [smem:$0x3FAC]  }
0x29: {  	s4 =	sld [smem:$0x3FAE]  }
0x2a: {  	p0 =	seq.s32 s5, $0x0;
	s5 =	sld [smem:$0x3FAF]  }
0x2b: {  	s6 =	sld [smem:$0x3FB0]  }
0x2c: {  	s7 =	sld [smem:$0x3FB1]  }
0x2d: {  	s3 =	simm.s32 $0x108;
	s8 =	sld [smem:$0x3FB2]  }
0x2e: {  	s3 =	simm.s32 @!p0 $0x1082;
	s9 =	sld [smem:$0x3FB3]  }
0x2f: {  	lr =	sadd.s32 s0, s3;
	s0 =	sld [smem:$0x3FAA]  }
0x30: {  	s3 =	sld [smem:$0x3FAD]  }
0x31: {  	[smem:$0x3FB6] =	sst s10  }
0x32: {  	s10 =	sld [smem:$0x3FB4];
	_ =	sdelay $0x3  }
0x33: {  	p0 =	seq.s32 s10, $0x1;
	s10 =	sld [smem:$0x3FB6];
	_ =	sdelay $0x3  }
0x34: {  	[smem:$0x3FB6] =	sst s10  }
0x35: {  	s10 =	sld [smem:$0x3FB5];
	_ =	sdelay $0x3  }
0x36: {  	p1 =	seq.s32 s10, $0x1;
	s10 =	sld [smem:$0x3FB6];
	_ =	sdelay $0x3  }
0x37: {  	[smem:$0x3FB6] =	sst s10  }
0x38: {  	s10 =	sld [smem:$0x3FB7]  }
0x39: {  	_ = 	snop;
	(pc) =	sbr.ind lr, $3  }
0x3a: {  	_ = 	snop  }
0x3b: {  	_ = 	snop  }
0x3c: {  	p2 =	seq.s32 s10, $0x1;
	s10 =	sld [smem:$0x3FB6]  }
0x3d: {  	_ =	shalt  }
0x3e: {  	_ =	shalt  }
0x3f: {  	_ =	shalt  }
0x40: {  	_ =	shalt  }
0x41: {  	_ =	shalt  }
0x42: {  	_ =	shalt  }
0x43: {  	_ =	shalt  }
0x44: {  	_ =	shalt  }
0x45: {  	_ =	shalt  }
0x46: {  	_ =	shalt  }
0x47: {  	_ =	shalt  }
0x48: {  	_ =	shalt  }
0x49: {  	_ =	shalt  }
0x4a: {  	_ =	shalt  }
0x4b: {  	_ =	shalt  }
0x4c: {  	_ =	shalt  }
0x4d: {  	_ =	shalt  }
0x4e: {  	_ =	shalt  }
0x4f: {  	_ =	shalt  }
0x50: {  	_ =	shalt  }
0x51: {  	_ =	shalt  }
0x52: {  	_ =	shalt  }
0x53: {  	_ =	shalt  }
0x54: {  	_ =	shalt  }
0x55: {  	_ =	shalt  }
0x56: {  	_ =	shalt  }
0x57: {  	_ =	shalt  }
0x58: {  	_ =	shalt  }
0x59: {  	_ =	shalt  }
0x5a: {  	_ =	shalt  }
0x5b: {  	_ =	shalt  }
0x5c: {  	_ =	shalt  }
0x5d: {  	_ =	shalt  }
0x5e: {  	_ =	shalt  }
0x5f: {  	_ =	shalt  }
0x60: {  	_ =	shalt  }
0x61: {  	_ =	shalt  }
0x62: {  	_ =	shalt  }
0x63: {  	_ =	shalt  }
0x64: {  	_ =	shalt  }
0x65: {  	_ =	shalt  }
0x66: {  	_ =	shalt  }
0x67: {  	_ =	shalt  }
0x68: {  	_ =	shalt  }
0x69: {  	_ =	shalt  }
0x6a: {  	_ =	shalt  }
0x6b: {  	_ =	shalt  }
0x6c: {  	_ =	shalt  }
0x6d: {  	_ =	shalt  }
0x6e: {  	_ =	shalt  }
0x6f: {  	_ =	shalt  }
0x70: {  	_ =	shalt  }
0x71: {  	_ =	shalt  }
0x72: {  	_ =	shalt  }
0x73: {  	_ =	shalt  }
0x74: {  	_ =	shalt  }
0x75: {  	_ =	shalt  }
0x76: {  	_ =	shalt  }
0x77: {  	_ =	shalt  }
0x78: {  	_ =	shalt  }
0x79: {  	_ =	shalt  }
0x7a: {  	_ =	shalt  }
0x7b: {  	_ =	shalt  }
0x7c: {  	_ =	shalt  }
0x7d: {  	_ =	shalt  }
0x7e: {  	_ =	shalt  }
0x7f: {  	_ =	shalt  }
0x80: {  	_ =	shalt  }
0x81: {  	_ =	shalt  }
0x82: {  	_ =	shalt  }
0x83: {  	_ =	shalt  }
0x84: {  	_ =	shalt  }
0x85: {  	_ =	shalt  }
0x86: {  	_ =	shalt  }
0x87: {  	_ =	shalt  }
.Lfunc_end0:
.L_simem_size_0:
called_computation.2_lowered:
.L_overlay_start_0:
0x88: {  	s2 =	sld [smem:$0x3FD9]  }
0x89: {  	s3 =	sld [smem:$0x3FFE];
	_ =	sdelay $0x1  }
0x8a: {  	s1 =	srdreg.scid  }
0x8b: {  	s0 =	sand.u32 $0x1, s1  }
0x8c: {  	s17 =	sshll.u32 s0, $0xA;
	s2 =	sadd.s32 s3, s2  }
0x8d: {  	s2 =	sadd.s32 s2, s17  }
0x8e: {  	[smem:$0x3FC2] =	sst s2  }
0x8f: {  	_ = 	snop  }
0x90: {  	s2 =	sld [smem:$0x3FD0];
	(tm) =	ssettm $0x1  }
0x91: {  	s18 =	sld [smem:$0x3FFB];
	_ =	sdelay $0x3  }
0x92: {  	_ =	strace s18  }
0x93: {  	s3 =	sld [smem:$0x3FFC];
	_ =	sdelay $0x3  }
0x94: {  	_ =	strace s3  }
0x95: {  	s3 =	sld [smem:$0x3FFD];
	_ =	sdelay $0x3  }
0x96: {  	_ =	strace s3  }
0x97: {  	_ =	strace $0x8FFFFFFF  }
0x98: {  	s19 =	sld [smem:$0x3FDB];
	_ =	sdelay $0x1  }
0x99: {  	s4 =	simm.s32 $_scs_section_size  }
0x9a: {  	s5 =	simm.s32 $_size__tile_overlayer_lowered;
	s6 =	simm.s32 $_tile_overlayer_lowered  }
0x9b: {  	s22 =	simm.s32 $0x1BFF;
	s21 =	sshll.u32 s6, $0x1;
	s3 =	sadd.s32 s4, s19  }
0x9c: {  	s7 =	simm.s32 $0x0;
	s20 =	sshll.u32 s5, $0x1;
	s5 =	sadd.s32 s21, s3  }
0x9d: {  	[timem:s7], [sflag:s22] =	dma.local [hbm:s5], s20  }
0x9e: {  	_ =	swait.ge [sflag:s22], s20  }
0x9f: {  	s4 =	ssub.s32 $0x0, s20;
	[sflag:s22] =	ssyncset.done $0x0  }
0xa0: {  	[sflag:s22] =	ssyncadd.s32 s4;
	_ =	sdelay $0x1  }
0xa1: {  	s23 =	simm.s32 $0x1B8B  }
0xa2: {  	_ =	swait.ge [sflag:s23], $0x1  }
0xa3: {  	[sflag:s23] =	ssyncset.done $0x0  }
0xa4: {  	s25 =	simm.s32 $0x1B8E;
	s24 =	sld [smem:$0x3FFE];
	[sflag:s23] =	ssyncadd.s32 $0xFFFFFFFF  }
0xa5: {  	s26 =	simm.s32 $execute0_lowered;
	[smem:$0x3FD2] =	sst s25  }
0xa6: {  	s5 =	sshll.u32 s26, $0x1;
	_ =	strace $0x8000004C;
	[dreg:$0x1] =	wrdreg $0xFFFFFFFF  }
0xa7: {  	s28 =	simm.s32 $_size_execute0_lowered;
	s3 =	sadd.s32 s3, s5;
	[dreg:$0x0] =	wrdreg $0x0  }
0xa8: {  	s5 =	sshll.u32 s28, $0x1;
	[dreg:$0x2] =	wrdreg s3  }
0xa9: {  	[dreg:$0x3] =	wrdreg s5  }
0xaa: {  	[dreg:$0x4] =	wrdreg $0xC0  }
0xab: {  	_ =	task [dreg:s7], $0x5FFFF  }
0xac: {  	[dreg:$0x1] =	wrdreg $0xFFFFFFFF  }
0xad: {  	[dreg:$0x0] =	wrdreg $0x60  }
0xae: {  	[dreg:$0x2] =	wrdreg s24  }
0xaf: {  	[dreg:$0x3] =	wrdreg s2  }
0xb0: {  	[dreg:$0x4] =	wrdreg $0xA8000  }
0xb1: {  	[dreg:$0x5] =	wrdreg $0x9  }
0xb2: {  	_ =	task.clear_ibuf [dreg:s7], $0x6FFFF;
	_ =	strace $0x9000004C  }
0xb3: {  	s29 =	simm.s32 $0x9;
	_ =	strace $0x8000004E  }
0xb4: {  	_ =	swait.ge [sflag:s29], $0x1  }
0xb5: {  	[sflag:s29] =	ssyncadd.s32 $0xFFFFFFFF  }
0xb6: {  	_ =	strace $0x9000004E  }
0xb7: {  	_ =	sfence  }
0xb8: {  	s30 =	sld [smem:$0x0];
	_ =	sdelay $0x2  }
0xb9: {  	s31 =	sshll.u32 s1, $0xD;
	s1 =	sshrl.u32 s1, $0x2  }
0xba: {  	s3 =	sand.u32 $0x4000, s31;
	s1 =	sadd.s32 s1, s30  }
0xbb: {  	s0 =	sor.u32 s3, s0;
	s1 =	sshll.u32 s1, $0x11  }
0xbc: {  	s0 =	sor.u32 s1, s0  }
0xbd: {  	s0 =	sadd.s32 $0x8F2B, s0  }
0xbe: {  	[sflag:s0] =	ssyncadd.remote.s32 $0x1  }
0xbf: {  	_ =	sfence.sel $0xFFFF  }
0xc0: {  	[dreg:$0x0] =	wrdreg $0xFFFFFFFF;
	(pc) =	sbr.abs _section_cstart, $3  }
0xc1: {  	[dreg:$0x1] =	wrdreg $0xFFFFFFFF  }
0xc2: {  	_ =	task.clear_ibuf [dreg:s7], $0x2FFFF;
	_ =	strace $0x9FFFFFFF  }
0xc3: {  	(tm) =	ssettm $0x7FFFFFFF  }
tec
execute0_lowered:
.L_overlay_start_1:
0x0: {  	(tag) =	ssettag $0x1  }
0x1: {  	s5 =	rddreg [dreg:$0x0]  }
0x2: {  	s0 =	srdreg.scid;
	s6 =	rddreg [dreg:$0x1]  }
0x3: {  	s2 =	rddreg [dreg:$0x2];
	s1 =	stileid.u32;
	s3 =	simm.s32 $0x0  }
0x4: {  	s18 =	simm.s32 $0x1;
	s19 =	simm.s32 $0x2;
	s11 =	smul.u32 $0x280, s1  }
0x5: {  	s7 =	sand.u32 $0x1, s0;
	s0 =	rddreg [dreg:$0x3];
	s25 =	smul.u32 $0x50000, s1  }
0x6: {  	s28 =	simm.s32 $0x0;
	[smem:$0x7FF] =	sst s3;
	s20 =	smul.u32 $0x2800, s1  }
0x7: {  	s4 =	sshll.u32 s7, $0x4;
	s9 =	smul.u32 $0x28000, s7;
	s7 =	ssub.s32 $0x2, s7  }
0x8: {  	_ =	strace $0x8000004D;
	s4 =	sor.u32 s1, s4;
	s24 =	sshrl.u32 s7, $0x1  }
0x9: {  	s14 =	sadd.s32 $0x80, s11;
	s26 =	sshrl.u32 s25, $0x2;
	s15 =	sadd.s32 $0x100, s11  }
0xa: {  	s16 =	sadd.s32 $0x180, s11;
	s17 =	sadd.s32 $0x200, s11;
	s8 =	smul.u32 $0x280, s4  }
0xb: {  	s4 =	sadd.s32 $0x7600, s5;
	s12 =	sadd.s32 s9, s5;
	s13 =	ssub.s32 s7, s24  }
0xc: {  	s29 =	sshll.u32 s14, $0x7;
	s7 =	sadd.s32 s26, s2;
	s30 =	sshll.u32 s15, $0x7  }
0xd: {  	s31 =	sshll.u32 s16, $0x7;
	s11 =	sshll.u32 s17, $0x7;
	s21 =	sshll.u32 s14, $0x4  }
0xe: {  	s22 =	sshll.u32 s15, $0x4;
	s23 =	sshll.u32 s16, $0x4;
	s25 =	sshll.u32 s17, $0x4  }
0xf: {  	s14 =	simm.s32 $0x1400;
	s15 =	simm.s32 $0x2800;
	s16 =	simm.s32 $0x80  }
0x10: {  	s17 =	simm.s32 $0x6800;
	s26 =	simm.s32 $0x2780;
	s9 =	sadd.s32 s30, s2  }
0x11: {  	s11 =	sadd.s32 s11, s2;
	s24 =	sadd.s32 $0x2E800, s12;
	s12 =	smax.u32 s13, $0x1  }
0x12: {  	s13 =	simm.s32 $0x3;
	s10 =	sadd.s32 s8, s5;
	s6 =	sadd.s32 s6, s8  }
0x13: {  	s8 =	sadd.s32 s29, s2;
	s20 =	sadd.s32 s20, s24;
	s21 =	sadd.s32 s21, s24  }
0x14: {  	s22 =	sadd.s32 s22, s24;
	s23 =	sadd.s32 s23, s24;
	s24 =	sadd.s32 s25, s24  }
0x15: {  	v0 =	vimm.f32 $0.0e+00;
	s25 =	simm.s32 $0x2700;
	s5 =	sadd.s32 $0x2600, s10;
	s10 =	sadd.s32 s31, s2  }
.LBB2_1:
0x16: {  	[tilespmem:s3], [sflag:$0x3] =	stream.linear.gather [hbm4b:s5+s3], $0x1400, $0x38;
	[tilespmem:$0x1E800] =	vst v63  }
0x17: {  	_ =	swait.ge [sflag:s13], $0x1400  }
0x18: {  	[sflag:s13] =	ssyncset.done $0x0  }
0x19: {  	[sflag:s13] =	ssyncadd.s32 $0xFFFFEC00  }
0x1a: {  	[tilespmem:s14], [sflag:$0x3] =	stream.linear.gather [hbm4b:s6+s3], $0x1400, $0x38;
	[tilespmem:$0x1E800] =	vst v63  }
0x1b: {  	_ =	swait.ge [sflag:s13], $0x1400  }
0x1c: {  	[sflag:s13] =	ssyncset.done $0x0  }
0x1d: {  	s29 =	simm.s32 $0x0;
	s30 =	simm.s32 $0x200;
	[sflag:s13] =	ssyncadd.s32 $0xFFFFEC00  }
.LBB2_2:
0x1e: {  	p0 =	sne.s32 s30, $0xFE00;
	[tilespmem:s29+$0x2870] =	vst v0  }
0x1f: {  	[tilespmem:s29+$0x2800] =	vst v0  }
0x20: {  	[tilespmem:s29+$0x2810] =	vst v0  }
.Ltmp0:
0x21: {  	[tilespmem:s29+$0x2820] =	vst v0;
	(pc) =	sbr.rel @p0 .LBB2_2-.Ltmp0, $4  }
0x22: {  	[tilespmem:s29+$0x2830] =	vst v0  }
0x23: {  	[tilespmem:s29+$0x2840] =	vst v0  }
0x24: {  	[tilespmem:s29+$0x2850] =	vst v0  }
0x25: {  	[tilespmem:s29+$0x2860] =	vst v0;
	s29 =	sshra.s32 s30, $0x2;
	s30 =	sadd.s32 $0x200, s30  }
0x26: {  	[tilespmem:s29+$0x2870] =	vst v0  }
0x27: {  	[tilespmem:s29+$0x2800] =	vst v0  }
0x28: {  	[tilespmem:s29+$0x2810] =	vst v0  }
0x29: {  	[tilespmem:s29+$0x2820] =	vst v0  }
0x2a: {  	[tilespmem:s29+$0x2830] =	vst v0  }
0x2b: {  	[tilespmem:s29+$0x2840] =	vst v0  }
0x2c: {  	[tilespmem:s29+$0x2850] =	vst v0  }
0x2d: {  	[tilespmem:s29+$0x2860] =	vst v0  }
0x2e: {  	[spmem:s7] =	stream.linear.scatter [tilespmem:s15], [sflag:$0x3], $0x4000, $0x38;
	[tilespmem:$0x1E800] =	vst v63  }
0x2f: {  	_ =	swait.ge [sflag:s13], $0x4000  }
0x30: {  	[sflag:s13] =	ssyncset.done $0x0  }
0x31: {  	[sflag:s13] =	ssyncadd.s32 $0xFFFFC000  }
0x32: {  	[spmem:s8] =	stream.linear.scatter [tilespmem:s15], [sflag:$0x3], $0x4000, $0x38;
	[tilespmem:$0x1E800] =	vst v63  }
0x33: {  	_ =	swait.ge [sflag:s13], $0x4000  }
0x34: {  	[sflag:s13] =	ssyncset.done $0x0  }
0x35: {  	[sflag:s13] =	ssyncadd.s32 $0xFFFFC000  }
0x36: {  	[spmem:s9] =	stream.linear.scatter [tilespmem:s15], [sflag:$0x3], $0x4000, $0x38;
	[tilespmem:$0x1E800] =	vst v63  }
0x37: {  	_ =	swait.ge [sflag:s13], $0x4000  }
0x38: {  	[sflag:s13] =	ssyncset.done $0x0  }
0x39: {  	[sflag:s13] =	ssyncadd.s32 $0xFFFFC000  }
0x3a: {  	[spmem:s10] =	stream.linear.scatter [tilespmem:s15], [sflag:$0x3], $0x4000, $0x38;
	[tilespmem:$0x1E800] =	vst v63  }
0x3b: {  	_ =	swait.ge [sflag:s13], $0x4000  }
0x3c: {  	[sflag:s13] =	ssyncset.done $0x0  }
0x3d: {  	[sflag:s13] =	ssyncadd.s32 $0xFFFFC000  }
0x3e: {  	[spmem:s11] =	stream.linear.scatter [tilespmem:s15], [sflag:$0x3], $0x4000, $0x38;
	[tilespmem:$0x1E800] =	vst v63  }
0x3f: {  	_ =	swait.ge [sflag:s13], $0x4000  }
0x40: {  	[sflag:s13] =	ssyncset.done $0x0  }
0x41: {  	[sflag:s13] =	ssyncadd.s32 $0xFFFFC000  }
0x42: {  	s29 =	simm.s32 $0x0;
	[bflag:$0x0] =	sbarrier.arrive $0xFFFF  }
0x43: {  	[tilespmem:s15], [sflag:$0x1] =	stream.indirect.gather [hbm4b:s4+s16], $0x80, s29, s16, $0xb8;
	[tilespmem:$0x1E800] =	vst v63  }
0x44: {  	_ = 	snop  }
0x45: {  	[tilespmem:s17], [sflag:$0x2] =	stream.indirect.gather [hbm4b:s4+s16], $0x80, s16, s16, $0xb8;
	[tilespmem:$0x1E800] =	vst v63  }
0x46: {  	_ =	swait.ge [sflag:s18], $0x4000  }
0x47: {  	[sflag:s18] =	ssyncset.done $0x0  }
0x48: {  	s29 =	simm.s32 $0x1400;
	[sflag:s18] =	ssyncadd.s32 $0xFFFFC000  }
0x49: {  	[spmem:s2] =	stream.indirect.scatter.add.f32 [tilespmem:s15], [sflag:$0x3], $0x80, s29, s16, $0xb8;
	[tilespmem:$0x1E800] =	vst v63  }
0x4a: {  	_ =	swait.ge [sflag:s13], $0x4000  }
0x4b: {  	[sflag:s13] =	ssyncset.done $0x0  }
0x4c: {  	s29 =	simm.s32 $0x100;
	[sflag:s13] =	ssyncadd.s32 $0xFFFFC000  }
0x4d: {  	[tilespmem:s15], [sflag:$0x1] =	stream.indirect.gather [hbm4b:s4+s16], $0x80, s29, s16, $0xb8;
	[tilespmem:$0x1E800] =	vst v63  }
0x4e: {  	_ =	swait.ge [sflag:s19], $0x4000  }
0x4f: {  	[sflag:s19] =	ssyncset.done $0x0  }
0x50: {  	s29 =	simm.s32 $0x1480;
	[sflag:s19] =	ssyncadd.s32 $0xFFFFC000  }
0x51: {  	[spmem:s2] =	stream.indirect.scatter.add.f32 [tilespmem:s17], [sflag:$0x3], $0x80, s29, s16, $0xb8;
	[tilespmem:$0x1E800] =	vst v63  }
0x52: {  	_ =	swait.ge [sflag:s13], $0x4000  }
0x53: {  	[sflag:s13] =	ssyncset.done $0x0  }
0x54: {  	s30 =	simm.s32 $0x180;
	s29 =	simm.s32 $0x400;
	[sflag:s13] =	ssyncadd.s32 $0xFFFFC000  }
.LBB2_4:
0x55: {  	[tilespmem:s17], [sflag:$0x2] =	stream.indirect.gather [hbm4b:s4+s16], $0x80, s30, s16, $0xb8;
	[tilespmem:$0x1E800] =	vst v63  }
0x56: {  	s30 =	smov.u32 s29  }
0x57: {  	p0 =	sne.s32 s29, $0x4800;
	s29 =	sadd.s32 $0x400, s29;
	_ =	swait.ge [sflag:s18], $0x4000  }
0x58: {  	s30 =	sshra.s32 s30, $0x2;
	[sflag:s18] =	ssyncset.done $0x0  }
0x59: {  	s31 =	sadd.s32 $0x1400, s30;
	[sflag:s18] =	ssyncadd.s32 $0xFFFFC000  }
0x5a: {  	[spmem:s2] =	stream.indirect.scatter.add.f32 [tilespmem:s15], [sflag:$0x3], $0x80, s31, s16, $0xb8;
	[tilespmem:$0x1E800] =	vst v63  }
0x5b: {  	_ =	swait.ge [sflag:s13], $0x4000  }
0x5c: {  	[sflag:s13] =	ssyncset.done $0x0  }
0x5d: {  	s31 =	sadd.s32 $0x100, s30;
	[sflag:s13] =	ssyncadd.s32 $0xFFFFC000  }
0x5e: {  	[tilespmem:s15], [sflag:$0x1] =	stream.indirect.gather [hbm4b:s4+s16], $0x80, s31, s16, $0xb8;
	[tilespmem:$0x1E800] =	vst v63  }
0x5f: {  	_ =	swait.ge [sflag:s19], $0x4000  }
0x60: {  	[sflag:s19] =	ssyncset.done $0x0  }
.Ltmp1:
0x61: {  	s31 =	sadd.s32 $0x1480, s30;
	[sflag:s19] =	ssyncadd.s32 $0xFFFFC000;
	(pc) =	sbr.rel @p0 .LBB2_4-.Ltmp1, $4  }
0x62: {  	[spmem:s2] =	stream.indirect.scatter.add.f32 [tilespmem:s17], [sflag:$0x3], $0x80, s31, s16, $0xb8;
	[tilespmem:$0x1E800] =	vst v63  }
0x63: {  	_ =	swait.ge [sflag:s13], $0x4000  }
0x64: {  	[sflag:s13] =	ssyncset.done $0x0  }
0x65: {  	s30 =	sadd.s32 $0x180, s30;
	[sflag:s13] =	ssyncadd.s32 $0xFFFFC000  }
0x66: {  	[tilespmem:s17], [sflag:$0x2] =	stream.indirect.gather [hbm4b:s4+s16], $0x80, s30, s16, $0xb8;
	[tilespmem:$0x1E800] =	vst v63  }
0x67: {  	_ =	swait.ge [sflag:s18], $0x4000  }
0x68: {  	[sflag:s18] =	ssyncset.done $0x0  }
0x69: {  	[sflag:s18] =	ssyncadd.s32 $0xFFFFC000  }
0x6a: {  	[spmem:s2] =	stream.indirect.scatter.add.f32 [tilespmem:s15], [sflag:$0x3], $0x80, s25, s16, $0xb8;
	[tilespmem:$0x1E800] =	vst v63  }
0x6b: {  	_ =	swait.ge [sflag:s13], $0x4000  }
0x6c: {  	[sflag:s13] =	ssyncset.done $0x0  }
0x6d: {  	[sflag:s13] =	ssyncadd.s32 $0xFFFFC000  }
0x6e: {  	_ =	swait.ge [sflag:s19], $0x4000  }
0x6f: {  	[sflag:s19] =	ssyncset.done $0x0  }
0x70: {  	[sflag:s19] =	ssyncadd.s32 $0xFFFFC000  }
0x71: {  	[spmem:s2] =	stream.indirect.scatter.add.f32 [tilespmem:s17], [sflag:$0x3], $0x80, s26, s16, $0xb8;
	[tilespmem:$0x1E800] =	vst v63  }
0x72: {  	_ =	swait.ge [sflag:s13], $0x4000  }
0x73: {  	[sflag:s13] =	ssyncset.done $0x0  }
0x74: {  	[sflag:s13] =	ssyncadd.s32 $0xFFFFC000  }
0x75: {  	[bflag:$0x0] =	sbarrier.arrive $0xFFFF  }
0x76: {  	[tilespmem:s15], [sflag:$0x3] =	stream.linear.gather [spmem:s7], $0x4000, $0x38;
	[tilespmem:$0x1E800] =	vst v63  }
0x77: {  	_ =	swait.ge [sflag:s13], $0x4000  }
0x78: {  	[sflag:s13] =	ssyncset.done $0x0  }
0x79: {  	[sflag:s13] =	ssyncadd.s32 $0xFFFFC000  }
0x7a: {  	[hbm4b:s20+s3] =	stream.linear.scatter [tilespmem:s15], [sflag:$0x3], $0x4000, $0x38;
	[tilespmem:$0x1E800] =	vst v63  }
0x7b: {  	_ =	swait.ge [sflag:s13], $0x4000  }
0x7c: {  	[sflag:s13] =	ssyncset.done $0x0  }
0x7d: {  	[sflag:s13] =	ssyncadd.s32 $0xFFFFC000  }
0x7e: {  	[tilespmem:s15], [sflag:$0x3] =	stream.linear.gather [spmem:s8], $0x4000, $0x38;
	[tilespmem:$0x1E800] =	vst v63  }
0x7f: {  	_ =	swait.ge [sflag:s13], $0x4000  }
0x80: {  	[sflag:s13] =	ssyncset.done $0x0  }
0x81: {  	[sflag:s13] =	ssyncadd.s32 $0xFFFFC000  }
0x82: {  	[hbm4b:s21+s3] =	stream.linear.scatter [tilespmem:s15], [sflag:$0x3], $0x4000, $0x38;
	[tilespmem:$0x1E800] =	vst v63  }
0x83: {  	_ =	swait.ge [sflag:s13], $0x4000  }
0x84: {  	[sflag:s13] =	ssyncset.done $0x0  }
0x85: {  	[sflag:s13] =	ssyncadd.s32 $0xFFFFC000  }
0x86: {  	[tilespmem:s15], [sflag:$0x3] =	stream.linear.gather [spmem:s9], $0x4000, $0x38;
	[tilespmem:$0x1E800] =	vst v63  }
0x87: {  	_ =	swait.ge [sflag:s13], $0x4000  }
0x88: {  	[sflag:s13] =	ssyncset.done $0x0  }
0x89: {  	[sflag:s13] =	ssyncadd.s32 $0xFFFFC000  }
0x8a: {  	[hbm4b:s22+s3] =	stream.linear.scatter [tilespmem:s15], [sflag:$0x3], $0x4000, $0x38;
	[tilespmem:$0x1E800] =	vst v63  }
0x8b: {  	_ =	swait.ge [sflag:s13], $0x4000  }
0x8c: {  	[sflag:s13] =	ssyncset.done $0x0  }
0x8d: {  	[sflag:s13] =	ssyncadd.s32 $0xFFFFC000  }
0x8e: {  	[tilespmem:s15], [sflag:$0x3] =	stream.linear.gather [spmem:s10], $0x4000, $0x38;
	[tilespmem:$0x1E800] =	vst v63  }
0x8f: {  	_ =	swait.ge [sflag:s13], $0x4000  }
0x90: {  	[sflag:s13] =	ssyncset.done $0x0  }
0x91: {  	[sflag:s13] =	ssyncadd.s32 $0xFFFFC000  }
0x92: {  	[hbm4b:s23+s3] =	stream.linear.scatter [tilespmem:s15], [sflag:$0x3], $0x4000, $0x38;
	[tilespmem:$0x1E800] =	vst v63  }
0x93: {  	_ =	swait.ge [sflag:s13], $0x4000  }
0x94: {  	[sflag:s13] =	ssyncset.done $0x0  }
0x95: {  	[sflag:s13] =	ssyncadd.s32 $0xFFFFC000  }
0x96: {  	[tilespmem:s15], [sflag:$0x3] =	stream.linear.gather [spmem:s11], $0x4000, $0x38;
	[tilespmem:$0x1E800] =	vst v63  }
0x97: {  	s28 =	sadd.s32 $0x1, s28;
	_ =	swait.ge [sflag:s13], $0x4000  }
0x98: {  	p0 =	sne.s32 s28, s12;
	[sflag:s13] =	ssyncset.done $0x0  }
.Ltmp2:
0x99: {  	[sflag:s13] =	ssyncadd.s32 $0xFFFFC000;
	(pc) =	sbr.rel @p0 .LBB2_1-.Ltmp2, $4  }
0x9a: {  	[hbm4b:s24+s3] =	stream.linear.scatter [tilespmem:s15], [sflag:$0x3], $0x4000, $0x38;
	[tilespmem:$0x1E800] =	vst v63  }
0x9b: {  	_ =	swait.ge [sflag:s13], $0x4000  }
0x9c: {  	[sflag:s13] =	ssyncset.done $0x0  }
0x9d: {  	[sflag:s13] =	ssyncadd.s32 $0xFFFFC000  }
0x9e: {  	_ =	sfence.sel $0x180000  }
0x9f: {  	[bflag:$0x0] =	sbarrier.arrive $0xFFFF  }
0xa0: {  	p0 =	sne.s32 s1, $0x0;
	_ =	strace $0x9000004D  }
0xa1: {  	s0 =	sadd.s32 @!p0 $0x100000, s0;
	[bflag:$0x2] =	sbarrier.arrive $0xFFFF  }
0xa2: {  	[sflag:s0] =	ssyncadd.tile.s32 @!p0 $0x1;
	_ =	shalt  }
.Lfunc_end2:
_tile_overlayer_lowered:
.L_overlay_start_2:
0xa3: {  	(tag) =	ssettag $0x2  }
0xa4: {  	s0 =	rddreg [dreg:$0x0];
	s2 =	stileid.u32  }
0xa5: {  	s1 =	rddreg [dreg:$0x1];
	p0 =	sne.s32 s2, $0x0  }
0xa6: {  	s3 =	rddreg [dreg:$0x2];
	[bflag:$0x3] =	sbarrier.arrive $0xFFFF;
	s2 =	simm.s32 @!p0 $0x1C03  }
0xa7: {  	[timem:s3], [sflag:s2] =	dma.local @!p0 [hbm:s0], s1  }
0xa8: {  	s0 =	simm.s32 @!p0 $0x3  }
0xa9: {  	_ =	swait.ge @!p0 [sflag:s0], s1  }
0xaa: {  	s1 =	ssub.s32 @!p0 $0x0, s1;
	[sflag:s0] =	ssyncset.done @!p0 $0x0  }
0xab: {  	[sflag:s0] =	ssyncadd.s32 @!p0 s1  }
0xac: {  	[bflag:$0x3] =	sbarrier.arrive $0xFFFF  }
0xad: {  	_ =	shalt  }

// kernel: kernel.8.cloned.1.call-start
scs
__scs_entry_jumppad:
0x0: {  	(pc) =	sbr.rel $0x88, $3  }
0x1: {  	(tag) =	ssettag $0x0;
	lr =	simm.s32 $0x1  }
0x2: {  	[smem:$0x3F9B] =	sst lr;
	_ =	strace $0xD0000000  }
0x3: {  	_ = 	snop  }
0x4: {  	_ = 	snop  }
0x5: {  	_ = 	snop  }
0x6: {  	_ = 	snop  }
0x7: {  	_ = 	snop  }
__scs_overlays_trampoline_lowered:
0x8: {  	[smem:$0x3FAA] =	sst s0  }
0x9: {  	[smem:$0x3FAB] =	sst s1  }
0xa: {  	[smem:$0x3FAC] =	sst s2  }
0xb: {  	[smem:$0x3FAD] =	sst s3  }
0xc: {  	[smem:$0x3FAE] =	sst s4  }
0xd: {  	[smem:$0x3FAF] =	sst s5  }
0xe: {  	[smem:$0x3FB0] =	sst s6  }
0xf: {  	[smem:$0x3FB1] =	sst s7  }
0x10: {  	[smem:$0x3FB2] =	sst s8  }
0x11: {  	[smem:$0x3FB3] =	sst s9;
	s0 =	simm.s32 @!p0 $0x0  }
0x12: {  	s1 =	sld [smem:$0x3F99];
	s0 =	simm.s32 @p0 $0x1  }
0x13: {  	[smem:$0x3FB4] =	sst s0;
	s0 =	simm.s32 @!p1 $0x0  }
0x14: {  	s2 =	sld [smem:$0x3F98];
	s0 =	simm.s32 @p1 $0x1  }
0x15: {  	[smem:$0x3FB5] =	sst s0;
	s0 =	simm.s32 @!p2 $0x0  }
0x16: {  	s3 =	sld [smem:$0x3FDB];
	s0 =	simm.s32 @p2 $0x1  }
0x17: {  	s4 =	simm.s32 $0x1BF5;
	[smem:$0x3FB7] =	sst s0  }
0x18: {  	s0 =	sld [smem:$0x3F9A];
	_ =	swait.ge [sflag:s4], $0x0  }
0x19: {  	s7 =	sld [smem:$0x3F9B]  }
0x1a: {  	s8 =	sadd.s32 $0xFFFFE003, lr  }
0x1b: {  	s9 =	sadd.s32 $0xFFFFFEF7, lr;
	s5 =	simm.s32 $0xFFFFFFFF;
	p2 =	slt.u32 s8, $0xFFFFF086  }
0x1c: {  	p1 =	slt.u32 s9, $0xF7A;
	s5 =	simm.s32 @!p2 $0x0  }
0x1d: {  	s5 =	simm.s32 @p1 $0x1;
	p0 =	seq.s32 s7, s2  }
0x1e: {  	s7 =	smul.u32 @!p0 $0xF7A, s2;
	p2 =	seq.s32 @!p0 s5, $0x0  }
0x1f: {  	s9 =	smul.u32 $0xF7A, s1;
	s8 =	simm.s32 @!p0 $0x1BF5;
	p2 =	por !p2, p0  }
0x20: {  	[sflag:s8] =	ssyncset.s32 @!p0 $0xFFFFF086;
	s6 =	sadd.s32 @!p0 s3, s7;
	s7 =	simm.s32 @!p0 $0x108  }
0x21: {  	s3 =	sadd.s32 s3, s9;
	s6 =	sadd.s32 @!p0 $0x88, s6;
	s7 =	simm.s32 @p2 $0x1082  }
0x22: {  	[simem:s7], [sflag:s8] =	dma.local @!p0 [hbm:s6], $0xF7A  }
0x23: {  	s9 =	sor.u32 $0xD0000000, s2;
	s6 =	simm.s32 $0x108;
	_ =	swait.ge @!p0 [sflag:s8], $0x0  }
0x24: {  	s3 =	sadd.s32 $0x88, s3;
	s6 =	simm.s32 @!p1 $0x1082;
	[sflag:s4] =	ssyncset.s32 $0xFFFFF086  }
0x25: {  	[simem:s6], [sflag:s4] =	dma.local [hbm:s3], $0xF7A  }
0x26: {  	[smem:$0x3F9B] =	sst s1;
	(tag) =	ssettag s2;
	_ =	strace s9  }
0x27: {  	s1 =	sld [smem:$0x3FAB]  }
0x28: {  	s2 =	sld [smem:$0x3FAC]  }
0x29: {  	s4 =	sld [smem:$0x3FAE]  }
0x2a: {  	p0 =	seq.s32 s5, $0x0;
	s5 =	sld [smem:$0x3FAF]  }
0x2b: {  	s6 =	sld [smem:$0x3FB0]  }
0x2c: {  	s7 =	sld [smem:$0x3FB1]  }
0x2d: {  	s3 =	simm.s32 $0x108;
	s8 =	sld [smem:$0x3FB2]  }
0x2e: {  	s3 =	simm.s32 @!p0 $0x1082;
	s9 =	sld [smem:$0x3FB3]  }
0x2f: {  	lr =	sadd.s32 s0, s3;
	s0 =	sld [smem:$0x3FAA]  }
0x30: {  	s3 =	sld [smem:$0x3FAD]  }
0x31: {  	[smem:$0x3FB6] =	sst s10  }
0x32: {  	s10 =	sld [smem:$0x3FB4];
	_ =	sdelay $0x3  }
0x33: {  	p0 =	seq.s32 s10, $0x1;
	s10 =	sld [smem:$0x3FB6];
	_ =	sdelay $0x3  }
0x34: {  	[smem:$0x3FB6] =	sst s10  }
0x35: {  	s10 =	sld [smem:$0x3FB5];
	_ =	sdelay $0x3  }
0x36: {  	p1 =	seq.s32 s10, $0x1;
	s10 =	sld [smem:$0x3FB6];
	_ =	sdelay $0x3  }
0x37: {  	[smem:$0x3FB6] =	sst s10  }
0x38: {  	s10 =	sld [smem:$0x3FB7]  }
0x39: {  	_ = 	snop;
	(pc) =	sbr.ind lr, $3  }
0x3a: {  	_ = 	snop  }
0x3b: {  	_ = 	snop  }
0x3c: {  	p2 =	seq.s32 s10, $0x1;
	s10 =	sld [smem:$0x3FB6]  }
0x3d: {  	_ =	shalt  }
0x3e: {  	_ =	shalt  }
0x3f: {  	_ =	shalt  }
0x40: {  	_ =	shalt  }
0x41: {  	_ =	shalt  }
0x42: {  	_ =	shalt  }
0x43: {  	_ =	shalt  }
0x44: {  	_ =	shalt  }
0x45: {  	_ =	shalt  }
0x46: {  	_ =	shalt  }
0x47: {  	_ =	shalt  }
0x48: {  	_ =	shalt  }
0x49: {  	_ =	shalt  }
0x4a: {  	_ =	shalt  }
0x4b: {  	_ =	shalt  }
0x4c: {  	_ =	shalt  }
0x4d: {  	_ =	shalt  }
0x4e: {  	_ =	shalt  }
0x4f: {  	_ =	shalt  }
0x50: {  	_ =	shalt  }
0x51: {  	_ =	shalt  }
0x52: {  	_ =	shalt  }
0x53: {  	_ =	shalt  }
0x54: {  	_ =	shalt  }
0x55: {  	_ =	shalt  }
0x56: {  	_ =	shalt  }
0x57: {  	_ =	shalt  }
0x58: {  	_ =	shalt  }
0x59: {  	_ =	shalt  }
0x5a: {  	_ =	shalt  }
0x5b: {  	_ =	shalt  }
0x5c: {  	_ =	shalt  }
0x5d: {  	_ =	shalt  }
0x5e: {  	_ =	shalt  }
0x5f: {  	_ =	shalt  }
0x60: {  	_ =	shalt  }
0x61: {  	_ =	shalt  }
0x62: {  	_ =	shalt  }
0x63: {  	_ =	shalt  }
0x64: {  	_ =	shalt  }
0x65: {  	_ =	shalt  }
0x66: {  	_ =	shalt  }
0x67: {  	_ =	shalt  }
0x68: {  	_ =	shalt  }
0x69: {  	_ =	shalt  }
0x6a: {  	_ =	shalt  }
0x6b: {  	_ =	shalt  }
0x6c: {  	_ =	shalt  }
0x6d: {  	_ =	shalt  }
0x6e: {  	_ =	shalt  }
0x6f: {  	_ =	shalt  }
0x70: {  	_ =	shalt  }
0x71: {  	_ =	shalt  }
0x72: {  	_ =	shalt  }
0x73: {  	_ =	shalt  }
0x74: {  	_ =	shalt  }
0x75: {  	_ =	shalt  }
0x76: {  	_ =	shalt  }
0x77: {  	_ =	shalt  }
0x78: {  	_ =	shalt  }
0x79: {  	_ =	shalt  }
0x7a: {  	_ =	shalt  }
0x7b: {  	_ =	shalt  }
0x7c: {  	_ =	shalt  }
0x7d: {  	_ =	shalt  }
0x7e: {  	_ =	shalt  }
0x7f: {  	_ =	shalt  }
0x80: {  	_ =	shalt  }
0x81: {  	_ =	shalt  }
0x82: {  	_ =	shalt  }
0x83: {  	_ =	shalt  }
0x84: {  	_ =	shalt  }
0x85: {  	_ =	shalt  }
0x86: {  	_ =	shalt  }
0x87: {  	_ =	shalt  }
.Lfunc_end0:
.L_simem_size_0:
called_computation_lowered:
.L_overlay_start_0:
0x88: {  	s2 =	sld [smem:$0x3FD9]  }
0x89: {  	s3 =	sld [smem:$0x3FFE];
	_ =	sdelay $0x1  }
0x8a: {  	s1 =	srdreg.scid  }
0x8b: {  	s0 =	sand.u32 $0x1, s1  }
0x8c: {  	s17 =	sshll.u32 s0, $0xA;
	s2 =	sadd.s32 s3, s2  }
0x8d: {  	s2 =	sadd.s32 s2, s17  }
0x8e: {  	[smem:$0x3FC2] =	sst s2  }
0x8f: {  	_ = 	snop  }
0x90: {  	s2 =	sld [smem:$0x3FD0];
	(tm) =	ssettm $0x1  }
0x91: {  	s18 =	sld [smem:$0x3FFB];
	_ =	sdelay $0x3  }
0x92: {  	_ =	strace s18  }
0x93: {  	s3 =	sld [smem:$0x3FFC];
	_ =	sdelay $0x3  }
0x94: {  	_ =	strace s3  }
0x95: {  	s3 =	sld [smem:$0x3FFD];
	_ =	sdelay $0x3  }
0x96: {  	_ =	strace s3  }
0x97: {  	_ =	strace $0x8FFFFFFF  }
0x98: {  	s19 =	sld [smem:$0x3FDB];
	_ =	sdelay $0x1  }
0x99: {  	s4 =	simm.s32 $_scs_section_size  }
0x9a: {  	s5 =	simm.s32 $_size__tile_overlayer_lowered;
	s6 =	simm.s32 $_tile_overlayer_lowered  }
0x9b: {  	s22 =	simm.s32 $0x1BFF;
	s21 =	sshll.u32 s6, $0x1;
	s3 =	sadd.s32 s4, s19  }
0x9c: {  	s7 =	simm.s32 $0x0;
	s20 =	sshll.u32 s5, $0x1;
	s5 =	sadd.s32 s21, s3  }
0x9d: {  	[timem:s7], [sflag:s22] =	dma.local [hbm:s5], s20  }
0x9e: {  	_ =	swait.ge [sflag:s22], s20  }
0x9f: {  	s4 =	ssub.s32 $0x0, s20;
	[sflag:s22] =	ssyncset.done $0x0  }
0xa0: {  	[sflag:s22] =	ssyncadd.s32 s4;
	_ =	sdelay $0x1  }
0xa1: {  	s23 =	simm.s32 $0x1B8B  }
0xa2: {  	_ =	swait.ge [sflag:s23], $0x1  }
0xa3: {  	[sflag:s23] =	ssyncset.done $0x0  }
0xa4: {  	s25 =	simm.s32 $0x1B8E;
	s24 =	sld [smem:$0x3FFE];
	[sflag:s23] =	ssyncadd.s32 $0xFFFFFFFF  }
0xa5: {  	s26 =	simm.s32 $execute0_lowered;
	[smem:$0x3FD2] =	sst s25  }
0xa6: {  	s5 =	sshll.u32 s26, $0x1;
	_ =	strace $0x80000046;
	[dreg:$0x1] =	wrdreg $0xFFFFFFFF  }
0xa7: {  	s28 =	simm.s32 $_size_execute0_lowered;
	s3 =	sadd.s32 s3, s5;
	[dreg:$0x0] =	wrdreg $0x0  }
0xa8: {  	s5 =	sshll.u32 s28, $0x1;
	[dreg:$0x2] =	wrdreg s3  }
0xa9: {  	[dreg:$0x3] =	wrdreg s5  }
0xaa: {  	[dreg:$0x4] =	wrdreg $0xC0  }
0xab: {  	_ =	task [dreg:s7], $0x5FFFF  }
0xac: {  	[dreg:$0x1] =	wrdreg $0xFFFFFFFF  }
0xad: {  	[dreg:$0x0] =	wrdreg $0x60  }
0xae: {  	[dreg:$0x2] =	wrdreg s2  }
0xaf: {  	[dreg:$0x3] =	wrdreg s24  }
0xb0: {  	[dreg:$0x4] =	wrdreg $0x15800  }
0xb1: {  	[dreg:$0x5] =	wrdreg $0x9  }
0xb2: {  	_ =	task.clear_ibuf [dreg:s7], $0x6FFFF;
	_ =	strace $0x90000046  }
0xb3: {  	s29 =	simm.s32 $0x9;
	_ =	strace $0x80000048  }
0xb4: {  	_ =	swait.ge [sflag:s29], $0x1  }
0xb5: {  	[sflag:s29] =	ssyncadd.s32 $0xFFFFFFFF  }
0xb6: {  	_ =	strace $0x90000048  }
0xb7: {  	_ =	sfence  }
0xb8: {  	s30 =	sld [smem:$0x0];
	_ =	sdelay $0x2  }
0xb9: {  	s31 =	sshll.u32 s1, $0xD;
	s1 =	sshrl.u32 s1, $0x2  }
0xba: {  	s3 =	sand.u32 $0x4000, s31;
	s1 =	sadd.s32 s1, s30  }
0xbb: {  	s0 =	sor.u32 s3, s0;
	s1 =	sshll.u32 s1, $0x11  }
0xbc: {  	s0 =	sor.u32 s1, s0  }
0xbd: {  	s0 =	sadd.s32 $0x8F2B, s0  }
0xbe: {  	[sflag:s0] =	ssyncadd.remote.s32 $0x1  }
0xbf: {  	_ =	sfence.sel $0xFFFF  }
0xc0: {  	[dreg:$0x0] =	wrdreg $0xFFFFFFFF;
	(pc) =	sbr.abs _section_cstart, $3  }
0xc1: {  	[dreg:$0x1] =	wrdreg $0xFFFFFFFF  }
0xc2: {  	_ =	task.clear_ibuf [dreg:s7], $0x2FFFF;
	_ =	strace $0x9FFFFFFF  }
0xc3: {  	(tm) =	ssettm $0x7FFFFFFF  }
tec
execute0_lowered:
.L_overlay_start_1:
0x0: {  	(tag) =	ssettag $0x1  }
0x1: {  	s4 =	rddreg [dreg:$0x0]  }
0x2: {  	s5 =	rddreg [dreg:$0x1]  }
0x3: {  	s1 =	rddreg [dreg:$0x2];
	s2 =	srdreg.scid  }
0x4: {  	s0 =	rddreg [dreg:$0x3];
	s3 =	simm.s32 $0x0;
	s6 =	sand.u32 $0x1, s2  }
0x5: {  	[smem:$0x7FF] =	sst s3;
	s2 =	stileid.u32;
	s7 =	sshll.u32 s6, $0x4  }
0x6: {  	s6 =	ssub.s32 $0x2, s6;
	s9 =	smul.u32 $0x280, s2;
	_ =	strace $0x80000047  }
0x7: {  	s16 =	smul.u32 $0xA0, s2;
	s8 =	sor.u32 s2, s7;
	s10 =	sshrl.u32 s6, $0x1  }
0x8: {  	s11 =	sadd.s32 s7, s5;
	s8 =	smul.u32 $0x280, s8;
	s10 =	ssub.s32 s6, s10  }
0x9: {  	s12 =	sadd.s32 $0x80, s9;
	s5 =	sadd.s32 s9, s1;
	s13 =	sadd.s32 $0x100, s9  }
0xa: {  	s14 =	sadd.s32 $0x180, s9;
	s15 =	sadd.s32 $0x200, s9;
	s20 =	sadd.s32 $0x7600, s11  }
0xb: {  	s11 =	simm.s32 $0x1;
	s6 =	sadd.s32 s12, s1;
	s7 =	sadd.s32 s13, s1  }
0xc: {  	s9 =	sadd.s32 s15, s1;
	s17 =	sshrl.u32 s12, $0x2;
	s18 =	sshrl.u32 s13, $0x2  }
0xd: {  	s19 =	sshrl.u32 s14, $0x2;
	s21 =	sshrl.u32 s15, $0x2;
	s10 =	smax.u32 s10, $0x1  }
0xe: {  	s12 =	simm.s32 $0x1480;
	s13 =	simm.s32 $0x80;
	s15 =	simm.s32 $0x1500  }
0xf: {  	s16 =	sadd.s32 s16, s20;
	s4 =	sadd.s32 s4, s8;
	s8 =	sadd.s32 s14, s1  }
0x10: {  	s14 =	simm.s32 $0x1400;
	s17 =	sadd.s32 s17, s20;
	s18 =	sadd.s32 s18, s20  }
0x11: {  	v0 =	vimm.f32 $1.000000000e+00;
	v1 =	vimm.f32 $0.0e+00;
	s19 =	sadd.s32 s19, s20;
	s20 =	sadd.s32 s21, s20;
	s21 =	simm.s32 $0x0  }
.LBB2_1:
0x12: {  	[tilespmem:s3], [sflag:$0x1] =	stream.linear.gather [hbm4b:s4+s3], $0x1400, $0x38;
	[tilespmem:$0x1800] =	vst v63  }
0x13: {  	_ =	swait.ge [sflag:s11], $0x1400  }
0x14: {  	[sflag:s11] =	ssyncset.done $0x0  }
0x15: {  	[sflag:s11] =	ssyncadd.s32 $0xFFFFEC00  }
0x16: {  	[tilespmem:$0x1400] =	vst v0  }
0x17: {  	[tilespmem:$0x1480] =	vst v1  }
0x18: {  	[tilespmem:$0x1410] =	vst v0  }
0x19: {  	[tilespmem:$0x1490] =	vst v1  }
0x1a: {  	[tilespmem:$0x1420] =	vst v0  }
0x1b: {  	[tilespmem:$0x14A0] =	vst v1  }
0x1c: {  	[tilespmem:$0x1430] =	vst v0  }
0x1d: {  	[tilespmem:$0x14B0] =	vst v1  }
0x1e: {  	[tilespmem:$0x1440] =	vst v0  }
0x1f: {  	[tilespmem:$0x14C0] =	vst v1  }
0x20: {  	[tilespmem:$0x1450] =	vst v0  }
0x21: {  	[tilespmem:$0x14D0] =	vst v1  }
0x22: {  	[tilespmem:$0x1460] =	vst v0  }
0x23: {  	[tilespmem:$0x14E0] =	vst v1  }
0x24: {  	[tilespmem:$0x1470] =	vst v0  }
0x25: {  	[tilespmem:$0x14F0] =	vst v1  }
0x26: {  	[spmem:s5] =	stream.linear.scatter [tilespmem:s12], [sflag:$0x1], $0x80, $0x38;
	[tilespmem:$0x1800] =	vst v63  }
0x27: {  	_ =	swait.ge [sflag:s11], $0x80  }
0x28: {  	[sflag:s11] =	ssyncset.done $0x0  }
0x29: {  	[sflag:s11] =	ssyncadd.s32 $0xFFFFFF80  }
0x2a: {  	[spmem:s6] =	stream.linear.scatter [tilespmem:s12], [sflag:$0x1], $0x80, $0x38;
	[tilespmem:$0x1800] =	vst v63  }
0x2b: {  	_ =	swait.ge [sflag:s11], $0x80  }
0x2c: {  	[sflag:s11] =	ssyncset.done $0x0  }
0x2d: {  	[sflag:s11] =	ssyncadd.s32 $0xFFFFFF80  }
0x2e: {  	[spmem:s7] =	stream.linear.scatter [tilespmem:s12], [sflag:$0x1], $0x80, $0x38;
	[tilespmem:$0x1800] =	vst v63  }
0x2f: {  	_ =	swait.ge [sflag:s11], $0x80  }
0x30: {  	[sflag:s11] =	ssyncset.done $0x0  }
0x31: {  	[sflag:s11] =	ssyncadd.s32 $0xFFFFFF80  }
0x32: {  	[spmem:s8] =	stream.linear.scatter [tilespmem:s12], [sflag:$0x1], $0x80, $0x38;
	[tilespmem:$0x1800] =	vst v63  }
0x33: {  	_ =	swait.ge [sflag:s11], $0x80  }
0x34: {  	[sflag:s11] =	ssyncset.done $0x0  }
0x35: {  	[sflag:s11] =	ssyncadd.s32 $0xFFFFFF80  }
0x36: {  	[spmem:s9] =	stream.linear.scatter [tilespmem:s12], [sflag:$0x1], $0x80, $0x38;
	[tilespmem:$0x1800] =	vst v63  }
0x37: {  	_ =	swait.ge [sflag:s11], $0x80  }
0x38: {  	[sflag:s11] =	ssyncset.done $0x0  }
0x39: {  	[sflag:s11] =	ssyncadd.s32 $0xFFFFFF80  }
0x3a: {  	s22 =	simm.s32 $0x0;
	[bflag:$0x0] =	sbarrier.arrive $0xFFFF  }
0x3b: {  	[spmem:s1] =	stream.indirect.scatter.add.f32 [tilespmem:s14], [sflag:$0x1], $0x1, s22, s13, $0xb8;
	[tilespmem:$0x1800] =	vst v63  }
0x3c: {  	_ =	swait.ge [sflag:s11], $0x80  }
0x3d: {  	s22 =	simm.s32 $0x200;
	[sflag:s11] =	ssyncset.done $0x0  }
.LBB2_2:
0x3e: {  	s23 =	sshra.s32 s22, $0x2;
	[sflag:s11] =	ssyncadd.s32 $0xFFFFFF80;
	p0 =	sne.s32 s22, $0x4E00  }
0x3f: {  	[spmem:s1] =	stream.indirect.scatter.add.f32 [tilespmem:s14], [sflag:$0x1], $0x1, s23, s13, $0xb8;
	[tilespmem:$0x1800] =	vst v63  }
.Ltmp0:
0x40: {  	_ = 	snop;
	(pc) =	sbr.rel @p0 .LBB2_2-.Ltmp0, $4  }
0x41: {  	_ = 	snop  }
0x42: {  	s22 =	sadd.s32 $0x200, s22  }
0x43: {  	_ =	swait.ge [sflag:s11], $0x80  }
0x44: {  	[sflag:s11] =	ssyncset.done $0x0  }
0x45: {  	[sflag:s11] =	ssyncadd.s32 $0xFFFFFF80  }
0x46: {  	[bflag:$0x0] =	sbarrier.arrive $0xFFFF  }
0x47: {  	[tilespmem:s15], [sflag:$0x1] =	stream.linear.gather [spmem:s5], $0x80, $0x38;
	[tilespmem:$0x1800] =	vst v63  }
0x48: {  	_ =	swait.ge [sflag:s11], $0x80  }
0x49: {  	[sflag:s11] =	ssyncset.done $0x0  }
0x4a: {  	[sflag:s11] =	ssyncadd.s32 $0xFFFFFF80  }
0x4b: {  	[hbm4b:s16+s3] =	stream.linear.scatter [tilespmem:s15], [sflag:$0x1], $0x80, $0x38;
	[tilespmem:$0x1800] =	vst v63  }
0x4c: {  	_ =	swait.ge [sflag:s11], $0x80  }
0x4d: {  	[sflag:s11] =	ssyncset.done $0x0  }
0x4e: {  	[sflag:s11] =	ssyncadd.s32 $0xFFFFFF80  }
0x4f: {  	[tilespmem:s15], [sflag:$0x1] =	stream.linear.gather [spmem:s6], $0x80, $0x38;
	[tilespmem:$0x1800] =	vst v63  }
0x50: {  	_ =	swait.ge [sflag:s11], $0x80  }
0x51: {  	[sflag:s11] =	ssyncset.done $0x0  }
0x52: {  	[sflag:s11] =	ssyncadd.s32 $0xFFFFFF80  }
0x53: {  	[hbm4b:s17+s3] =	stream.linear.scatter [tilespmem:s15], [sflag:$0x1], $0x80, $0x38;
	[tilespmem:$0x1800] =	vst v63  }
0x54: {  	_ =	swait.ge [sflag:s11], $0x80  }
0x55: {  	[sflag:s11] =	ssyncset.done $0x0  }
0x56: {  	[sflag:s11] =	ssyncadd.s32 $0xFFFFFF80  }
0x57: {  	[tilespmem:s15], [sflag:$0x1] =	stream.linear.gather [spmem:s7], $0x80, $0x38;
	[tilespmem:$0x1800] =	vst v63  }
0x58: {  	_ =	swait.ge [sflag:s11], $0x80  }
0x59: {  	[sflag:s11] =	ssyncset.done $0x0  }
0x5a: {  	[sflag:s11] =	ssyncadd.s32 $0xFFFFFF80  }
0x5b: {  	[hbm4b:s18+s3] =	stream.linear.scatter [tilespmem:s15], [sflag:$0x1], $0x80, $0x38;
	[tilespmem:$0x1800] =	vst v63  }
0x5c: {  	_ =	swait.ge [sflag:s11], $0x80  }
0x5d: {  	[sflag:s11] =	ssyncset.done $0x0  }
0x5e: {  	[sflag:s11] =	ssyncadd.s32 $0xFFFFFF80  }
0x5f: {  	[tilespmem:s15], [sflag:$0x1] =	stream.linear.gather [spmem:s8], $0x80, $0x38;
	[tilespmem:$0x1800] =	vst v63  }
0x60: {  	_ =	swait.ge [sflag:s11], $0x80  }
0x61: {  	[sflag:s11] =	ssyncset.done $0x0  }
0x62: {  	[sflag:s11] =	ssyncadd.s32 $0xFFFFFF80  }
0x63: {  	[hbm4b:s19+s3] =	stream.linear.scatter [tilespmem:s15], [sflag:$0x1], $0x80, $0x38;
	[tilespmem:$0x1800] =	vst v63  }
0x64: {  	_ =	swait.ge [sflag:s11], $0x80  }
0x65: {  	[sflag:s11] =	ssyncset.done $0x0  }
0x66: {  	[sflag:s11] =	ssyncadd.s32 $0xFFFFFF80  }
0x67: {  	[tilespmem:s15], [sflag:$0x1] =	stream.linear.gather [spmem:s9], $0x80, $0x38;
	[tilespmem:$0x1800] =	vst v63  }
0x68: {  	s21 =	sadd.s32 $0x1, s21;
	_ =	swait.ge [sflag:s11], $0x80  }
0x69: {  	p0 =	sne.s32 s21, s10;
	[sflag:s11] =	ssyncset.done $0x0  }
.Ltmp1:
0x6a: {  	[sflag:s11] =	ssyncadd.s32 $0xFFFFFF80;
	(pc) =	sbr.rel @p0 .LBB2_1-.Ltmp1, $4  }
0x6b: {  	[hbm4b:s20+s3] =	stream.linear.scatter [tilespmem:s15], [sflag:$0x1], $0x80, $0x38;
	[tilespmem:$0x1800] =	vst v63  }
0x6c: {  	_ =	swait.ge [sflag:s11], $0x80  }
0x6d: {  	[sflag:s11] =	ssyncset.done $0x0  }
0x6e: {  	[sflag:s11] =	ssyncadd.s32 $0xFFFFFF80  }
0x6f: {  	_ =	sfence.sel $0x180000  }
0x70: {  	[bflag:$0x0] =	sbarrier.arrive $0xFFFF  }
0x71: {  	p0 =	sne.s32 s2, $0x0;
	_ =	strace $0x90000047  }
0x72: {  	s0 =	sadd.s32 @!p0 $0x100000, s0;
	[bflag:$0x2] =	sbarrier.arrive $0xFFFF  }
0x73: {  	[sflag:s0] =	ssyncadd.tile.s32 @!p0 $0x1;
	_ =	shalt  }
.Lfunc_end2:
_tile_overlayer_lowered:
.L_overlay_start_2:
0x74: {  	(tag) =	ssettag $0x2  }
0x75: {  	s0 =	rddreg [dreg:$0x0];
	s2 =	stileid.u32  }
0x76: {  	s1 =	rddreg [dreg:$0x1];
	p0 =	sne.s32 s2, $0x0  }
0x77: {  	s3 =	rddreg [dreg:$0x2];
	[bflag:$0x3] =	sbarrier.arrive $0xFFFF;
	s2 =	simm.s32 @!p0 $0x1C01  }
0x78: {  	[timem:s3], [sflag:s2] =	dma.local @!p0 [hbm:s0], s1  }
0x79: {  	s0 =	simm.s32 @!p0 $0x1  }
0x7a: {  	_ =	swait.ge @!p0 [sflag:s0], s1  }
0x7b: {  	s1 =	ssub.s32 @!p0 $0x0, s1;
	[sflag:s0] =	ssyncset.done @!p0 $0x0  }
0x7c: {  	[sflag:s0] =	ssyncadd.s32 @!p0 s1  }
0x7d: {  	[bflag:$0x3] =	sbarrier.arrive $0xFFFF  }
0x7e: {  	_ =	shalt  }

</sc_bundles>
